<compile_context>
chip_gen: v7x
topology: tpu7x:2x2x1
jax: 0.10.2.dev20260603
libtpu: 0.0.44.dev20260713+nightly
codegen_flags: <defaults>
</compile_context>

<pallas_src>
import functools

import jax
import jax.numpy as jnp
from jax import lax
from jax.experimental import pallas as pl
from jax.experimental.pallas import tpu as pltpu
from jax.experimental.pallas import tpu_sc as plsc

N = 10000
E = 160000
H = 256
G = 16
C = 5
F_IN = 5

N_PAD = 10240
ROWS_PER_TILE = N_PAD // 16
E_PAD = 163840
CHUNK = 128
J_EDGE = 40
CHUNK_C = 112
J_COL = 84
GRP_COL = 6
CHUNK_COL = 120
E_PAD_C = 161280
BLK = 512
N_BLKS = N_PAD // BLK

_MESH = dict(core_axis_name="c", subcore_axis_name="s", num_cores=2,
             num_subcores=16)
_PREC = lax.Precision.DEFAULT



def _fill_rows(ref, nrows, width, value):
    per_row = width // 16

    def body(i, _):
        r = i // per_row
        k = i % per_row
        ref[r, pl.ds(k * 16, 16)] = jnp.full((16,), value, jnp.float32)
        return 0

    lax.fori_loop(0, nrows * per_row, body, 0)


def _deg_body(dst_hbm, degp_hbm, acc, idx_v, ones_v, zbuf, buf, ssem):
    c = lax.axis_index("c")
    s = lax.axis_index("s")
    w = c * 16 + s
    _fill_rows(ones_v, CHUNK, 16, 1.0)
    _fill_rows(zbuf, CHUNK, 16, 0.0)
    base = s * ROWS_PER_TILE
    for k in range(ROWS_PER_TILE // CHUNK):
        pltpu.sync_copy(zbuf, acc.at[pl.ds(base + k * CHUNK, CHUNK)])
    plsc.subcore_barrier()
    pltpu.sync_copy(dst_hbm.at[w], idx_v)

    def body(j, _):
        pltpu.async_copy(ones_v, acc.at[idx_v.at[j]], ssem, add=True)

        @pl.when(j >= 8)
        def _():
            pltpu.make_async_copy(ones_v, acc.at[idx_v.at[j]], ssem).wait()
        return 0

    lax.fori_loop(0, J_EDGE, body, 0)

    def drain(j, _):
        pltpu.make_async_copy(ones_v, acc.at[idx_v.at[j]], ssem).wait()
        return 0

    lax.fori_loop(0, 8, drain, 0)
    plsc.subcore_barrier()
    for k in range(ROWS_PER_TILE // CHUNK):
        sl = pl.ds(base + k * CHUNK, CHUNK)
        pltpu.sync_copy(acc.at[sl], buf)
        pltpu.sync_copy(buf, degp_hbm.at[c].at[sl])


def _deg(dst_blocks):
    f = pl.kernel(
        _deg_body,
        out_type=jax.ShapeDtypeStruct((2, N_PAD, 16), jnp.float32),
        mesh=plsc.VectorSubcoreMesh(**_MESH),
        compiler_params=pltpu.CompilerParams(use_tc_tiling_on_sc=False),
        scratch_types=[
            pltpu.VMEM_SHARED((N_PAD, 16), jnp.float32),
            pltpu.VMEM((J_EDGE, CHUNK), jnp.int32),
            pltpu.VMEM((CHUNK, 16), jnp.float32),
            pltpu.VMEM((CHUNK, 16), jnp.float32),
            pltpu.VMEM((CHUNK, 16), jnp.float32),
            pltpu.SemaphoreType.DMA,
        ],
    )
    return f(dst_blocks)


J_EDGE_C = 42
GRP_E = 6


def _make_mp_async_body(width, jt, grp, edge_split, nbuf, chunk):
    ngrp = jt // grp
    assert jt % grp == 0 and grp % nbuf == 0

    def body(g_hbm, src_hbm, dst_hbm, out_hbm, acc, src_v, dst_v,
             rows, gsems, ssems):
        c = lax.axis_index("c")
        s = lax.axis_index("s")
        tile = c * 16 + s if edge_split else s
        g_c = g_hbm if edge_split else g_hbm.at[c]
        base = s * ROWS_PER_TILE
        sl_all = pl.ds(base, ROWS_PER_TILE)

        if edge_split:
            @pl.when(c == 0)
            def _():
                pltpu.sync_copy(g_c.at[sl_all], acc.at[sl_all])

            @pl.when(c == 1)
            def _():
                _fill_rows(rows[0], chunk, width, 0.0)
                nfull = ROWS_PER_TILE // chunk
                rem = ROWS_PER_TILE - nfull * chunk
                for k in range(nfull):
                    pltpu.sync_copy(
                        rows[0], acc.at[pl.ds(base + k * chunk, chunk)])
                if rem:
                    pltpu.sync_copy(
                        rows[0].at[pl.ds(0, rem)],
                        acc.at[pl.ds(base + nfull * chunk, rem)])
        else:
            pltpu.sync_copy(g_c.at[sl_all], acc.at[sl_all])
        plsc.subcore_barrier()

        def load_grp(grp_i, slot):
            gsl = pl.ds(grp_i * grp, grp)
            osl = pl.ds(slot * grp, grp)
            pltpu.sync_copy(src_hbm.at[tile].at[gsl], src_v.at[osl])
            pltpu.sync_copy(dst_hbm.at[tile].at[gsl], dst_v.at[osl])

        def start_gather(row, b):
            pltpu.async_copy(g_c.at[src_v.at[row]], rows[b], gsems[b])

        def wait_gather(row, b):
            pltpu.make_async_copy(g_c.at[src_v.at[row]], rows[b],
                                  gsems[b]).wait()

        def start_scatter(row, b):
            pltpu.async_copy(rows[b], acc.at[dst_v.at[row]], ssems[b],
                             add=True)

        def wait_scatter(row, b):
            pltpu.make_async_copy(rows[b], acc.at[dst_v.at[row]],
                                  ssems[b]).wait()

        load_grp(0, 0)
        start_gather(0, 0)
        start_gather(1, 1)

        def grp_body(g, _):
            slot = g % 2
            nslot = (g + 1) % 2

            @pl.when(g >= 1)
            def _():
                for d in range(nbuf - 2):
                    wait_scatter(slot * grp, (grp - (nbuf - 2) + d) % nbuf)

            @pl.when(g <= ngrp - 2)
            def _():
                load_grp(g + 1, nslot)

            for j in range(grp):
                b = j % nbuf
                row = slot * grp + j
                wait_gather(row, b)
                start_scatter(row, b)
                nb = (j + 2) % nbuf
                if j + 2 < grp:
                    if j >= nbuf - 2:
                        wait_scatter(row, nb)
                    start_gather(slot * grp + j + 2, nb)
                else:
                    @pl.when(g <= ngrp - 2)
                    def _(j=j, nb=nb, row=row):
                        wait_scatter(row, nb)
                        start_gather(nslot * grp + (j + 2 - grp), nb)
            return 0

        lax.fori_loop(0, ngrp, grp_body, 0)
        last = ((ngrp - 1) % 2) * grp
        for j in range(grp - nbuf, grp):
            wait_scatter(last + j, j % nbuf)

        plsc.subcore_barrier()
        pltpu.sync_copy(acc.at[sl_all], out_hbm.at[c].at[sl_all])

    return body


def _mp_call(width, jt, grp, edge_split, nbuf, chunk):
    return pl.kernel(
        _make_mp_async_body(width, jt, grp, edge_split, nbuf, chunk),
        out_type=jax.ShapeDtypeStruct((2, N_PAD, width), jnp.float32),
        mesh=plsc.VectorSubcoreMesh(**_MESH),
        compiler_params=pltpu.CompilerParams(use_tc_tiling_on_sc=False),
        scratch_types=[
            pltpu.VMEM_SHARED((N_PAD, width), jnp.float32),
            pltpu.VMEM((2 * grp, chunk), jnp.int32),
            pltpu.VMEM((2 * grp, chunk), jnp.int32),
            [pltpu.VMEM((chunk, width), jnp.float32) for _ in range(nbuf)],
            [pltpu.SemaphoreType.DMA for _ in range(nbuf)],
            [pltpu.SemaphoreType.DMA for _ in range(nbuf)],
        ],
    )


def _mp_edge(g, src_blocks, dst_blocks):
    return _mp_call(16, J_EDGE_C, GRP_E, True, 3, CHUNK_COL)(
        g, src_blocks, dst_blocks)


def _mp_col(g, src_blocks, dst_blocks):
    return _mp_call(128, J_COL, GRP_COL, False, 3, CHUNK_COL)(
        g, src_blocks, dst_blocks)



def _pre_body(degp_ref, x_ref, dinv_ref, g0_ref):
    p = degp_ref[...]
    deg = 1.0 + p[0, :, 0:1] + p[1, :, 0:1]
    dinv = lax.rsqrt(deg)
    dinv_ref[...] = dinv
    g0_ref[...] = x_ref[...] * dinv


def _pre(degp, x_pad):
    return pl.pallas_call(
        _pre_body,
        grid=(N_BLKS,),
        in_specs=[
            pl.BlockSpec((2, BLK, 16), lambda i: (0, i, 0)),
            pl.BlockSpec((BLK, 16), lambda i: (i, 0)),
        ],
        out_specs=[
            pl.BlockSpec((BLK, 1), lambda i: (i, 0)),
            pl.BlockSpec((BLK, 16), lambda i: (i, 0)),
        ],
        out_shape=[
            jax.ShapeDtypeStruct((N_PAD, 1), jnp.float32),
            jax.ShapeDtypeStruct((N_PAD, 16), jnp.float32),
        ],
    )(degp, x_pad)


def _make_layer_body(first):
    def body(t_ref, dinv_ref, w_ref, b_ref, g_ref):
        p = t_ref[...]
        t = (p[0] + p[1]) if first else jnp.concatenate([p[0], p[1]], axis=1)
        dinv = dinv_ref[...]
        a = t * dinv
        h = jnp.dot(a, w_ref[...], preferred_element_type=jnp.float32,
                    precision=_PREC) + b_ref[...]
        g = jnp.maximum(h, 0.0) * dinv
        g_ref[0, :, :] = g[:, :128]
        g_ref[1, :, :] = g[:, 128:]

    return body


def _layer(t, dinv, w, b, first):
    kin = w.shape[0]
    return pl.pallas_call(
        _make_layer_body(first),
        grid=(N_BLKS,),
        in_specs=[
            pl.BlockSpec((2, BLK, kin if first else 128),
                         lambda i: (0, i, 0)),
            pl.BlockSpec((BLK, 1), lambda i: (i, 0)),
            pl.BlockSpec(w.shape, lambda i: (0, 0)),
            pl.BlockSpec((1, H), lambda i: (0, 0)),
        ],
        out_specs=pl.BlockSpec((2, BLK, 128), lambda i: (0, i, 0)),
        out_shape=jax.ShapeDtypeStruct((2, N_PAD, 128), jnp.float32),
    )(t, dinv, w, b)


def _final_body(t_ref, dinv_ref, w_ref, b_ref, batch_ref, wc1_ref, bc1_ref,
                wc2_ref, bc2_ref, out_ref, sum_s, max_s, cnt_s):
    i = pl.program_id(0)

    @pl.when(i == 0)
    def _():
        sum_s[...] = jnp.zeros_like(sum_s)
        cnt_s[...] = jnp.zeros_like(cnt_s)
        max_s[...] = jnp.full_like(max_s, -jnp.inf)

    p = t_ref[...]
    t = jnp.concatenate([p[0], p[1]], axis=1)
    h = jnp.dot(t * dinv_ref[...], w_ref[...],
                preferred_element_type=jnp.float32, precision=_PREC)
    h = jnp.maximum(h + b_ref[...], 0.0)
    b = batch_ref[...]
    onehot = (b == lax.broadcasted_iota(jnp.int32, (1, G), 1)).astype(
        jnp.float32)
    sum_s[...] += lax.dot_general(onehot, h, (((0,), (0,)), ((), ())),
                                  preferred_element_type=jnp.float32,
                                  precision=_PREC)
    cnt_s[...] += lax.dot_general(onehot, jnp.ones((BLK, 1), jnp.float32),
                                  (((0,), (0,)), ((), ())),
                                  preferred_element_type=jnp.float32,
                                  precision=_PREC)
    def upd_max(g, _):
        col = jnp.max(jnp.where(b == g, h, -jnp.inf), axis=0, keepdims=True)
        max_s[pl.ds(g, 1), :] = jnp.maximum(max_s[pl.ds(g, 1), :], col)
        return 0

    lax.fori_loop(b[0, 0], jnp.minimum(b[BLK - 1, 0], G - 1) + 1, upd_max, 0)

    @pl.when(i == N_BLKS - 1)
    def _():
        mean = sum_s[...] / jnp.maximum(cnt_s[...], 1.0)
        mx = max_s[...]
        mx = jnp.where(jnp.isfinite(mx), mx, 0.0)
        pooled = jnp.concatenate([mean, mx], axis=1)
        hid = jnp.dot(pooled, wc1_ref[...], preferred_element_type=jnp.float32,
                      precision=_PREC) + bc1_ref[...]
        hid = jnp.maximum(hid, 0.0)
        out_ref[...] = jnp.dot(hid, wc2_ref[...],
                               preferred_element_type=jnp.float32,
                               precision=_PREC) + bc2_ref[...]


def _final(t3, dinv, w3, b3, batch_pad, wc1, bc1, wc2p, bc2p):
    return pl.pallas_call(
        _final_body,
        grid=(N_BLKS,),
        in_specs=[
            pl.BlockSpec((2, BLK, 128), lambda i: (0, i, 0)),
            pl.BlockSpec((BLK, 1), lambda i: (i, 0)),
            pl.BlockSpec((H, H), lambda i: (0, 0)),
            pl.BlockSpec((1, H), lambda i: (0, 0)),
            pl.BlockSpec((BLK, 1), lambda i: (i, 0)),
            pl.BlockSpec((2 * H, H), lambda i: (0, 0)),
            pl.BlockSpec((1, H), lambda i: (0, 0)),
            pl.BlockSpec((H, 128), lambda i: (0, 0)),
            pl.BlockSpec((1, 128), lambda i: (0, 0)),
        ],
        out_specs=pl.BlockSpec((G, 128), lambda i: (0, 0)),
        out_shape=jax.ShapeDtypeStruct((G, 128), jnp.float32),
        scratch_shapes=[
            pltpu.VMEM((G, H), jnp.float32),
            pltpu.VMEM((G, H), jnp.float32),
            pltpu.VMEM((G, 1), jnp.float32),
        ],
    )(t3, dinv, w3, b3, batch_pad, wc1, bc1, wc2p, bc2p)



@jax.jit
def kernel(x, edge_index, batch, W1, b1, W2, b2, W3, b3, Wc1, bc1, Wc2, bc2):
    src = edge_index[0]
    dst = edge_index[1]
    pad = jnp.full((E_PAD - E,), N, jnp.int32)
    srcp = jnp.concatenate([src, pad])
    dstp = jnp.concatenate([dst, pad])
    dst_deg = dstp.reshape(32, J_EDGE, CHUNK)
    pad_c = jnp.full((E_PAD_C - E,), N, jnp.int32)
    srcp_c = jnp.concatenate([src, pad_c])
    dstp_c = jnp.concatenate([dst, pad_c])
    src_e = srcp_c.reshape(32, J_EDGE_C, CHUNK_COL)
    dst_e = dstp_c.reshape(32, J_EDGE_C, CHUNK_COL)
    src_c = srcp_c.reshape(16, J_COL, CHUNK_COL)
    dst_c = dstp_c.reshape(16, J_COL, CHUNK_COL)

    x_pad = jnp.zeros((N_PAD, 16), jnp.float32).at[:N, :F_IN].set(x)
    batch_pad = jnp.full((N_PAD, 1), G, jnp.int32).at[:N, 0].set(batch)
    W1p = jnp.zeros((16, H), jnp.float32).at[:F_IN].set(W1)
    Wc2p = jnp.zeros((H, 128), jnp.float32).at[:, :C].set(Wc2)
    bc2p = jnp.zeros((1, 128), jnp.float32).at[0, :C].set(bc2)

    degp = _deg(dst_deg)
    dinv, g0 = _pre(degp, x_pad)
    t1 = _mp_edge(g0, src_e, dst_e)
    g1 = _layer(t1, dinv, W1p, b1.reshape(1, H), first=True)
    t2 = _mp_col(g1, src_c, dst_c)
    g2 = _layer(t2, dinv, W2, b2.reshape(1, H), first=False)
    t3 = _mp_col(g2, src_c, dst_c)
    out = _final(t3, dinv, W3, b3.reshape(1, H), batch_pad,
                 Wc1, bc1.reshape(1, H), Wc2p, bc2p)
    return out[:, :C]

# --- scband reference (transcript-rebuilt; emitter-appended) ---
"""Pipeline reference for scband-lightweight-gnn-13623636263494 (READ-ONLY COPY).

The authoritative reference and input builder live on the scoring server;
editing this copy changes nothing except your own understanding.
"""

import jax, jax.numpy as jnp
import numpy as np

N = 10000
E = 160000
H = 256
G = 16
C = 5
F_IN = 5


def gcn_conv(x, edge_index, W, b):
    src = edge_index[0]
    dst = edge_index[1]
    loop = jnp.arange(N, dtype=src.dtype)
    src2 = jnp.concatenate([src, loop])
    dst2 = jnp.concatenate([dst, loop])
    h = x @ W
    deg = jax.ops.segment_sum(jnp.ones(src2.shape[0], dtype=h.dtype), dst2, num_segments=N)
    dinv = jnp.where(deg > 0, jax.lax.rsqrt(deg), 0.0)
    norm = dinv[src2] * dinv[dst2]
    msg = h[src2] * norm[:, None]
    out = jax.ops.segment_sum(msg, dst2, num_segments=N)
    return out + b


def setup_inputs(seed: int = 0):
    key = jax.random.key(seed)
    ks = jax.random.split(key, 14)
    x = jax.random.normal(ks[0], (N, F_IN), dtype=jnp.float32)
    edge_index = jax.random.randint(ks[1], (2, E), 0, N, dtype=jnp.int32)
    batch = jnp.sort(jax.random.randint(ks[2], (N,), 0, G, dtype=jnp.int32))
    W1 = jax.random.normal(ks[3], (F_IN, H), dtype=jnp.float32) / np.sqrt(F_IN)
    b1 = jnp.zeros((H,), dtype=jnp.float32)
    W2 = jax.random.normal(ks[4], (H, H), dtype=jnp.float32) / np.sqrt(H)
    b2 = jnp.zeros((H,), dtype=jnp.float32)
    W3 = jax.random.normal(ks[5], (H, H), dtype=jnp.float32) / np.sqrt(H)
    b3 = jnp.zeros((H,), dtype=jnp.float32)
    Wc1 = jax.random.normal(ks[6], (2 * H, H), dtype=jnp.float32) / np.sqrt(2 * H)
    bc1 = jnp.zeros((H,), dtype=jnp.float32)
    Wc2 = jax.random.normal(ks[7], (H, C), dtype=jnp.float32) / np.sqrt(H)
    bc2 = jnp.zeros((C,), dtype=jnp.float32)
    return {"x": x, "edge_index": edge_index, "batch": batch,
            "W1": W1, "b1": b1, "W2": W2, "b2": b2, "W3": W3, "b3": b3,
            "Wc1": Wc1, "bc1": bc1, "Wc2": Wc2, "bc2": bc2}


def reference(x, edge_index, batch, W1, b1, W2, b2, W3, b3, Wc1, bc1, Wc2, bc2):
    h = jax.nn.relu(gcn_conv(x, edge_index, W1, b1))
    h = jax.nn.relu(gcn_conv(h, edge_index, W2, b2))
    h = jax.nn.relu(gcn_conv(h, edge_index, W3, b3))
    ones = jnp.ones((N,), dtype=h.dtype)
    cnt = jax.ops.segment_sum(ones, batch, num_segments=G)
    x_mean = jax.ops.segment_sum(h, batch, num_segments=G) / jnp.clip(cnt, 1.0)[:, None]
    x_max = jax.ops.segment_max(h, batch, num_segments=G)
    x_max = jnp.where(jnp.isfinite(x_max), x_max, 0.0)
    pooled = jnp.concatenate([x_mean, x_max], axis=1)
    hid = jax.nn.relu(pooled @ Wc1 + bc1)
    out = hid @ Wc2 + bc2
    return out

if __name__ == "__main__":
    import jax
    _d = setup_inputs()
    print(jax.jit(kernel)(*tuple(_d.values())))

</pallas_src>

<mosaic_0001>
#map = affine_map<(d0, d1) -> (0, 0, 0)>
module attributes {stable_mosaic.version = 14 : i64} {
  func.func @body(%arg0: i32, %arg1: i32, %arg2: memref<2x10240x128xf32, #tpu.memory_space<hbm>>, %arg3: memref<16x84x120xi32, #tpu.memory_space<hbm>>, %arg4: memref<16x84x120xi32, #tpu.memory_space<hbm>>, %arg5: memref<2x10240x128xf32, #tpu.memory_space<hbm>>, %arg6: memref<10240x128xf32, #tpu.memory_space<vmem_shared>>, %arg7: memref<12x120xi32, #tpu.memory_space<vmem>>, %arg8: memref<12x120xi32, #tpu.memory_space<vmem>>, %arg9: memref<120x128xf32, #tpu.memory_space<vmem>>, %arg10: memref<120x128xf32, #tpu.memory_space<vmem>>, %arg11: memref<120x128xf32, #tpu.memory_space<vmem>>, %arg12: memref<!tpu.dma_semaphore, #tpu.memory_space<semaphore_mem>>, %arg13: memref<!tpu.dma_semaphore, #tpu.memory_space<semaphore_mem>>, %arg14: memref<!tpu.dma_semaphore, #tpu.memory_space<semaphore_mem>>, %arg15: memref<!tpu.dma_semaphore, #tpu.memory_space<semaphore_mem>>, %arg16: memref<!tpu.dma_semaphore, #tpu.memory_space<semaphore_mem>>, %arg17: memref<!tpu.dma_semaphore, #tpu.memory_space<semaphore_mem>>) attributes {dimension_semantics = [#tpu.dimension_semantics<core_parallel>, #tpu.dimension_semantics<subcore_parallel>], iteration_bounds = array<i64: 2, 16>, scalar_prefetch = 0 : i64, scratch_operands = 12 : i64, tpu.core_type = #tpu.core_type<sc_vector_subcore>, window_params = [{transform_indices = #map}, {transform_indices = #map}, {transform_indices = #map}, {transform_indices = #map}]} {
    %mul3A = arith.constant 640 : i32
    %mul3A_0 = arith.muli %arg1, %mul3A : i32
    "tpu.region"() ({
      %run_scoped3A = tpu.sem_alloc : memref<!tpu.dma_semaphore, #tpu.memory_space<semaphore_mem>>
      %dma_start3A_49 = arith.constant 0 : i32
      %dma_start3A_50 = tpu.memref_slice %arg6[%mul3A_0, %dma_start3A_49] : memref<10240x128xf32, #tpu.memory_space<vmem_shared>> -> memref<640x128xf32, #tpu.memory_space<vmem_shared>>
      %dma_start3A_51 = arith.constant 0 : i32
      %dma_start3A_52 = arith.constant 0 : i32
      %dma_start3A_53 = tpu.memref_slice %arg2[%arg0, %dma_start3A_51, %dma_start3A_52] : memref<2x10240x128xf32, #tpu.memory_space<hbm>> -> memref<1x10240x128xf32, #tpu.memory_space<hbm>>
      %dma_start3A_54 = tpu.memref_squeeze %dma_start3A_53 : memref<1x10240x128xf32, #tpu.memory_space<hbm>> -> memref<10240x128xf32, #tpu.memory_space<hbm>>
      %dma_start3A_55 = arith.constant 0 : i32
      %dma_start3A_56 = tpu.memref_slice %dma_start3A_54[%mul3A_0, %dma_start3A_55] : memref<10240x128xf32, #tpu.memory_space<hbm>> -> memref<640x128xf32, #tpu.memory_space<hbm>>
      tpu.enqueue_dma source(%dma_start3A_56 : memref<640x128xf32, #tpu.memory_space<hbm>>) target(%dma_start3A_50 : memref<640x128xf32, #tpu.memory_space<vmem_shared>>) target_semaphore(%run_scoped3A : memref<!tpu.dma_semaphore, #tpu.memory_space<semaphore_mem>>)
      %dma_wait3A_57 = arith.constant 0 : i32
      %dma_wait3A_58 = tpu.memref_slice %arg6[%mul3A_0, %dma_wait3A_57] : memref<10240x128xf32, #tpu.memory_space<vmem_shared>> -> memref<640x128xf32, #tpu.memory_space<vmem_shared>>
      %dma_wait3A_59 = arith.constant 0 : i32
      %dma_wait3A_60 = arith.constant 0 : i32
      %dma_wait3A_61 = tpu.memref_slice %arg2[%arg0, %dma_wait3A_59, %dma_wait3A_60] : memref<2x10240x128xf32, #tpu.memory_space<hbm>> -> memref<1x10240x128xf32, #tpu.memory_space<hbm>>
      %dma_wait3A_62 = tpu.memref_squeeze %dma_wait3A_61 : memref<1x10240x128xf32, #tpu.memory_space<hbm>> -> memref<10240x128xf32, #tpu.memory_space<hbm>>
      %dma_wait3A_63 = arith.constant 0 : i32
      %dma_wait3A_64 = tpu.memref_slice %dma_wait3A_62[%mul3A_0, %dma_wait3A_63] : memref<10240x128xf32, #tpu.memory_space<hbm>> -> memref<640x128xf32, #tpu.memory_space<hbm>>
      tpu.wait_dma2 semaphore(%run_scoped3A : memref<!tpu.dma_semaphore, #tpu.memory_space<semaphore_mem>>) src(%dma_wait3A_64 : memref<640x128xf32, #tpu.memory_space<hbm>>) dst(%dma_wait3A_58 : memref<640x128xf32, #tpu.memory_space<vmem_shared>>)
      tpu.yield
    }) : () -> ()
    %barrier3A = arith.constant 0 : index
    tpu.barrier barrier_id(%barrier3A)
    "tpu.region"() ({
      %run_scoped3A = tpu.sem_alloc : memref<!tpu.dma_semaphore, #tpu.memory_space<semaphore_mem>>
      %dma_start3A_49 = arith.constant 0 : i32
      %dma_start3A_50 = arith.constant 0 : i32
      %dma_start3A_51 = tpu.memref_slice %arg7[%dma_start3A_49, %dma_start3A_50] : memref<12x120xi32, #tpu.memory_space<vmem>> -> memref<6x120xi32, #tpu.memory_space<vmem>>
      %dma_start3A_52 = arith.constant 0 : i32
      %dma_start3A_53 = arith.constant 0 : i32
      %dma_start3A_54 = tpu.memref_slice %arg3[%arg1, %dma_start3A_52, %dma_start3A_53] : memref<16x84x120xi32, #tpu.memory_space<hbm>> -> memref<1x84x120xi32, #tpu.memory_space<hbm>>
      %dma_start3A_55 = tpu.memref_squeeze %dma_start3A_54 : memref<1x84x120xi32, #tpu.memory_space<hbm>> -> memref<84x120xi32, #tpu.memory_space<hbm>>
      %dma_start3A_56 = arith.constant 0 : i32
      %dma_start3A_57 = arith.constant 0 : i32
      %dma_start3A_58 = tpu.memref_slice %dma_start3A_55[%dma_start3A_56, %dma_start3A_57] : memref<84x120xi32, #tpu.memory_space<hbm>> -> memref<6x120xi32, #tpu.memory_space<hbm>>
      %dma_start3A_59 = arith.constant 0 : i32
      %dma_start3A_60 = arith.constant 0 : i32
      %dma_start3A_61 = tpu.memref_slice %arg7[%dma_start3A_59, %dma_start3A_60] : memref<12x120xi32, #tpu.memory_space<vmem>> -> memref<6x120xi32, #tpu.memory_space<vmem>>
      %dma_start3A_62 = arith.constant 0 : i32
      %dma_start3A_63 = arith.constant 0 : i32
      %dma_start3A_64 = tpu.memref_slice %arg3[%arg1, %dma_start3A_62, %dma_start3A_63] : memref<16x84x120xi32, #tpu.memory_space<hbm>> -> memref<1x84x120xi32, #tpu.memory_space<hbm>>
      %dma_start3A_65 = tpu.memref_squeeze %dma_start3A_64 : memref<1x84x120xi32, #tpu.memory_space<hbm>> -> memref<84x120xi32, #tpu.memory_space<hbm>>
      %dma_start3A_66 = arith.constant 0 : i32
      %dma_start3A_67 = arith.constant 0 : i32
      %dma_start3A_68 = tpu.memref_slice %dma_start3A_65[%dma_start3A_66, %dma_start3A_67] : memref<84x120xi32, #tpu.memory_space<hbm>> -> memref<6x120xi32, #tpu.memory_space<hbm>>
      tpu.enqueue_dma source(%dma_start3A_68 : memref<6x120xi32, #tpu.memory_space<hbm>>) target(%dma_start3A_61 : memref<6x120xi32, #tpu.memory_space<vmem>>) target_semaphore(%run_scoped3A : memref<!tpu.dma_semaphore, #tpu.memory_space<semaphore_mem>>)
      %dma_wait3A_69 = arith.constant 0 : i32
      %dma_wait3A_70 = arith.constant 0 : i32
      %dma_wait3A_71 = tpu.memref_slice %arg7[%dma_wait3A_69, %dma_wait3A_70] : memref<12x120xi32, #tpu.memory_space<vmem>> -> memref<6x120xi32, #tpu.memory_space<vmem>>
      %dma_wait3A_72 = arith.constant 0 : i32
      %dma_wait3A_73 = arith.constant 0 : i32
      %dma_wait3A_74 = tpu.memref_slice %arg3[%arg1, %dma_wait3A_72, %dma_wait3A_73] : memref<16x84x120xi32, #tpu.memory_space<hbm>> -> memref<1x84x120xi32, #tpu.memory_space<hbm>>
      %dma_wait3A_75 = tpu.memref_squeeze %dma_wait3A_74 : memref<1x84x120xi32, #tpu.memory_space<hbm>> -> memref<84x120xi32, #tpu.memory_space<hbm>>
      %dma_wait3A_76 = arith.constant 0 : i32
      %dma_wait3A_77 = arith.constant 0 : i32
      %dma_wait3A_78 = tpu.memref_slice %dma_wait3A_75[%dma_wait3A_76, %dma_wait3A_77] : memref<84x120xi32, #tpu.memory_space<hbm>> -> memref<6x120xi32, #tpu.memory_space<hbm>>
      %dma_wait3A_79 = arith.constant 0 : i32
      %dma_wait3A_80 = arith.constant 0 : i32
      %dma_wait3A_81 = tpu.memref_slice %arg7[%dma_wait3A_79, %dma_wait3A_80] : memref<12x120xi32, #tpu.memory_space<vmem>> -> memref<6x120xi32, #tpu.memory_space<vmem>>
      %dma_wait3A_82 = arith.constant 0 : i32
      %dma_wait3A_83 = arith.constant 0 : i32
      %dma_wait3A_84 = tpu.memref_slice %arg3[%arg1, %dma_wait3A_82, %dma_wait3A_83] : memref<16x84x120xi32, #tpu.memory_space<hbm>> -> memref<1x84x120xi32, #tpu.memory_space<hbm>>
      %dma_wait3A_85 = tpu.memref_squeeze %dma_wait3A_84 : memref<1x84x120xi32, #tpu.memory_space<hbm>> -> memref<84x120xi32, #tpu.memory_space<hbm>>
      %dma_wait3A_86 = arith.constant 0 : i32
      %dma_wait3A_87 = arith.constant 0 : i32
      %dma_wait3A_88 = tpu.memref_slice %dma_wait3A_85[%dma_wait3A_86, %dma_wait3A_87] : memref<84x120xi32, #tpu.memory_space<hbm>> -> memref<6x120xi32, #tpu.memory_space<hbm>>
      tpu.wait_dma2 semaphore(%run_scoped3A : memref<!tpu.dma_semaphore, #tpu.memory_space<semaphore_mem>>) src(%dma_wait3A_88 : memref<6x120xi32, #tpu.memory_space<hbm>>) dst(%dma_wait3A_81 : memref<6x120xi32, #tpu.memory_space<vmem>>)
      tpu.yield
    }) : () -> ()
    "tpu.region"() ({
      %run_scoped3A = tpu.sem_alloc : memref<!tpu.dma_semaphore, #tpu.memory_space<semaphore_mem>>
      %dma_start3A_49 = arith.constant 0 : i32
      %dma_start3A_50 = arith.constant 0 : i32
      %dma_start3A_51 = tpu.memref_slice %arg8[%dma_start3A_49, %dma_start3A_50] : memref<12x120xi32, #tpu.memory_space<vmem>> -> memref<6x120xi32, #tpu.memory_space<vmem>>
      %dma_start3A_52 = arith.constant 0 : i32
      %dma_start3A_53 = arith.constant 0 : i32
      %dma_start3A_54 = tpu.memref_slice %arg4[%arg1, %dma_start3A_52, %dma_start3A_53] : memref<16x84x120xi32, #tpu.memory_space<hbm>> -> memref<1x84x120xi32, #tpu.memory_space<hbm>>
      %dma_start3A_55 = tpu.memref_squeeze %dma_start3A_54 : memref<1x84x120xi32, #tpu.memory_space<hbm>> -> memref<84x120xi32, #tpu.memory_space<hbm>>
      %dma_start3A_56 = arith.constant 0 : i32
      %dma_start3A_57 = arith.constant 0 : i32
      %dma_start3A_58 = tpu.memref_slice %dma_start3A_55[%dma_start3A_56, %dma_start3A_57] : memref<84x120xi32, #tpu.memory_space<hbm>> -> memref<6x120xi32, #tpu.memory_space<hbm>>
      %dma_start3A_59 = arith.constant 0 : i32
      %dma_start3A_60 = arith.constant 0 : i32
      %dma_start3A_61 = tpu.memref_slice %arg8[%dma_start3A_59, %dma_start3A_60] : memref<12x120xi32, #tpu.memory_space<vmem>> -> memref<6x120xi32, #tpu.memory_space<vmem>>
      %dma_start3A_62 = arith.constant 0 : i32
      %dma_start3A_63 = arith.constant 0 : i32
      %dma_start3A_64 = tpu.memref_slice %arg4[%arg1, %dma_start3A_62, %dma_start3A_63] : memref<16x84x120xi32, #tpu.memory_space<hbm>> -> memref<1x84x120xi32, #tpu.memory_space<hbm>>
      %dma_start3A_65 = tpu.memref_squeeze %dma_start3A_64 : memref<1x84x120xi32, #tpu.memory_space<hbm>> -> memref<84x120xi32, #tpu.memory_space<hbm>>
      %dma_start3A_66 = arith.constant 0 : i32
      %dma_start3A_67 = arith.constant 0 : i32
      %dma_start3A_68 = tpu.memref_slice %dma_start3A_65[%dma_start3A_66, %dma_start3A_67] : memref<84x120xi32, #tpu.memory_space<hbm>> -> memref<6x120xi32, #tpu.memory_space<hbm>>
      tpu.enqueue_dma source(%dma_start3A_68 : memref<6x120xi32, #tpu.memory_space<hbm>>) target(%dma_start3A_61 : memref<6x120xi32, #tpu.memory_space<vmem>>) target_semaphore(%run_scoped3A : memref<!tpu.dma_semaphore, #tpu.memory_space<semaphore_mem>>)
      %dma_wait3A_69 = arith.constant 0 : i32
      %dma_wait3A_70 = arith.constant 0 : i32
      %dma_wait3A_71 = tpu.memref_slice %arg8[%dma_wait3A_69, %dma_wait3A_70] : memref<12x120xi32, #tpu.memory_space<vmem>> -> memref<6x120xi32, #tpu.memory_space<vmem>>
      %dma_wait3A_72 = arith.constant 0 : i32
      %dma_wait3A_73 = arith.constant 0 : i32
      %dma_wait3A_74 = tpu.memref_slice %arg4[%arg1, %dma_wait3A_72, %dma_wait3A_73] : memref<16x84x120xi32, #tpu.memory_space<hbm>> -> memref<1x84x120xi32, #tpu.memory_space<hbm>>
      %dma_wait3A_75 = tpu.memref_squeeze %dma_wait3A_74 : memref<1x84x120xi32, #tpu.memory_space<hbm>> -> memref<84x120xi32, #tpu.memory_space<hbm>>
      %dma_wait3A_76 = arith.constant 0 : i32
      %dma_wait3A_77 = arith.constant 0 : i32
      %dma_wait3A_78 = tpu.memref_slice %dma_wait3A_75[%dma_wait3A_76, %dma_wait3A_77] : memref<84x120xi32, #tpu.memory_space<hbm>> -> memref<6x120xi32, #tpu.memory_space<hbm>>
      %dma_wait3A_79 = arith.constant 0 : i32
      %dma_wait3A_80 = arith.constant 0 : i32
      %dma_wait3A_81 = tpu.memref_slice %arg8[%dma_wait3A_79, %dma_wait3A_80] : memref<12x120xi32, #tpu.memory_space<vmem>> -> memref<6x120xi32, #tpu.memory_space<vmem>>
      %dma_wait3A_82 = arith.constant 0 : i32
      %dma_wait3A_83 = arith.constant 0 : i32
      %dma_wait3A_84 = tpu.memref_slice %arg4[%arg1, %dma_wait3A_82, %dma_wait3A_83] : memref<16x84x120xi32, #tpu.memory_space<hbm>> -> memref<1x84x120xi32, #tpu.memory_space<hbm>>
      %dma_wait3A_85 = tpu.memref_squeeze %dma_wait3A_84 : memref<1x84x120xi32, #tpu.memory_space<hbm>> -> memref<84x120xi32, #tpu.memory_space<hbm>>
      %dma_wait3A_86 = arith.constant 0 : i32
      %dma_wait3A_87 = arith.constant 0 : i32
      %dma_wait3A_88 = tpu.memref_slice %dma_wait3A_85[%dma_wait3A_86, %dma_wait3A_87] : memref<84x120xi32, #tpu.memory_space<hbm>> -> memref<6x120xi32, #tpu.memory_space<hbm>>
      tpu.wait_dma2 semaphore(%run_scoped3A : memref<!tpu.dma_semaphore, #tpu.memory_space<semaphore_mem>>) src(%dma_wait3A_88 : memref<6x120xi32, #tpu.memory_space<hbm>>) dst(%dma_wait3A_81 : memref<6x120xi32, #tpu.memory_space<vmem>>)
      tpu.yield
    }) : () -> ()
    %dma_start3A = arith.constant 0 : i32
    %dma_start3A_1 = arith.constant 0 : i32
    %dma_start3A_2 = tpu.memref_slice %arg7[%dma_start3A, %dma_start3A_1] : memref<12x120xi32, #tpu.memory_space<vmem>> -> memref<1x120xi32, #tpu.memory_space<vmem>>
    %dma_start3A_3 = tpu.memref_squeeze %dma_start3A_2 : memref<1x120xi32, #tpu.memory_space<vmem>> -> memref<120xi32, #tpu.memory_space<vmem>>
    %dma_start3A_4 = arith.constant 0 : i32
    %dma_start3A_5 = arith.constant 0 : i32
    %dma_start3A_6 = tpu.memref_slice %arg2[%arg0, %dma_start3A_4, %dma_start3A_5] : memref<2x10240x128xf32, #tpu.memory_space<hbm>> -> memref<1x10240x128xf32, #tpu.memory_space<hbm>>
    %dma_start3A_7 = tpu.memref_squeeze %dma_start3A_6 : memref<1x10240x128xf32, #tpu.memory_space<hbm>> -> memref<10240x128xf32, #tpu.memory_space<hbm>>
    %dma_start3A_8 = arith.constant 0 : i32
    %dma_start3A_9 = arith.constant 0 : i32
    %dma_start3A_10 = tpu.memref_slice %dma_start3A_7[%dma_start3A_8, %dma_start3A_9] : memref<10240x128xf32, #tpu.memory_space<hbm>> -> memref<10240x128xf32, #tpu.memory_space<hbm>>
    tpu.enqueue_indirect_dma source(%dma_start3A_10 : memref<10240x128xf32, #tpu.memory_space<hbm>>) target(%arg9 : memref<120x128xf32, #tpu.memory_space<vmem>>) offsets(%dma_start3A_3 : memref<120xi32, #tpu.memory_space<vmem>>) semaphore(%arg12 : memref<!tpu.dma_semaphore, #tpu.memory_space<semaphore_mem>>)
    %dma_start3A_11 = arith.constant 1 : i32
    %dma_start3A_12 = arith.constant 0 : i32
    %dma_start3A_13 = tpu.memref_slice %arg7[%dma_start3A_11, %dma_start3A_12] : memref<12x120xi32, #tpu.memory_space<vmem>> -> memref<1x120xi32, #tpu.memory_space<vmem>>
    %dma_start3A_14 = tpu.memref_squeeze %dma_start3A_13 : memref<1x120xi32, #tpu.memory_space<vmem>> -> memref<120xi32, #tpu.memory_space<vmem>>
    %dma_start3A_15 = arith.constant 0 : i32
    %dma_start3A_16 = arith.constant 0 : i32
    %dma_start3A_17 = tpu.memref_slice %arg2[%arg0, %dma_start3A_15, %dma_start3A_16] : memref<2x10240x128xf32, #tpu.memory_space<hbm>> -> memref<1x10240x128xf32, #tpu.memory_space<hbm>>
    %dma_start3A_18 = tpu.memref_squeeze %dma_start3A_17 : memref<1x10240x128xf32, #tpu.memory_space<hbm>> -> memref<10240x128xf32, #tpu.memory_space<hbm>>
    %dma_start3A_19 = arith.constant 0 : i32
    %dma_start3A_20 = arith.constant 0 : i32
    %dma_start3A_21 = tpu.memref_slice %dma_start3A_18[%dma_start3A_19, %dma_start3A_20] : memref<10240x128xf32, #tpu.memory_space<hbm>> -> memref<10240x128xf32, #tpu.memory_space<hbm>>
    tpu.enqueue_indirect_dma source(%dma_start3A_21 : memref<10240x128xf32, #tpu.memory_space<hbm>>) target(%arg10 : memref<120x128xf32, #tpu.memory_space<vmem>>) offsets(%dma_start3A_14 : memref<120xi32, #tpu.memory_space<vmem>>) semaphore(%arg13 : memref<!tpu.dma_semaphore, #tpu.memory_space<semaphore_mem>>)
    %scan3A = arith.constant 0 : i32
    %scan3A_22 = arith.constant 0 : i32
    %scan3A_23 = arith.constant 14 : i32
    %scan3A_24 = arith.addi %scan3A_22, %scan3A_23 : i32
    %scan3A_25 = arith.constant 1 : i32
    %scan3A_26 = scf.for %scan3A_49 = %scan3A_22 to %scan3A_24 step %scan3A_25 iter_args(%scan3A_50 = %scan3A) -> (i32)  : i32 {
      %jit3A = arith.constant 2 : i32
      %eq3A = arith.constant 0 : i32
      %eq3A_51 = arith.cmpi eq, %jit3A, %eq3A : i32
      %jit3A_52 = arith.constant 1 : i32
      %select_n3A = arith.select %eq3A_51, %jit3A_52, %jit3A : i32
      %rem3A = arith.remsi %scan3A_49, %select_n3A : i32
      %ne3A = arith.constant 0 : i32
      %ne3A_53 = arith.cmpi ne, %rem3A, %ne3A : i32
      %lt3A = arith.constant 0 : i32
      %lt3A_54 = arith.cmpi slt, %rem3A, %lt3A : i32
      %lt3A_55 = arith.constant 0 : i32
      %lt3A_56 = arith.cmpi slt, %select_n3A, %lt3A_55 : i32
      %ne3A_57 = arith.xori %lt3A_54, %lt3A_56 : i1
      %and3A = arith.andi %ne3A_57, %ne3A_53 : i1
      %add3A = arith.addi %rem3A, %select_n3A : i32
      %select_n3A_58 = arith.select %and3A, %add3A, %rem3A : i32
      %add3A_59 = arith.constant 1 : i32
      %add3A_60 = arith.addi %scan3A_49, %add3A_59 : i32
      %jit3A_61 = arith.constant 2 : i32
      %eq3A_62 = arith.constant 0 : i32
      %eq3A_63 = arith.cmpi eq, %jit3A_61, %eq3A_62 : i32
      %jit3A_64 = arith.constant 1 : i32
      %select_n3A_65 = arith.select %eq3A_63, %jit3A_64, %jit3A_61 : i32
      %rem3A_66 = arith.remsi %add3A_60, %select_n3A_65 : i32
      %ne3A_67 = arith.constant 0 : i32
      %ne3A_68 = arith.cmpi ne, %rem3A_66, %ne3A_67 : i32
      %lt3A_69 = arith.constant 0 : i32
      %lt3A_70 = arith.cmpi slt, %rem3A_66, %lt3A_69 : i32
      %lt3A_71 = arith.constant 0 : i32
      %lt3A_72 = arith.cmpi slt, %select_n3A_65, %lt3A_71 : i32
      %ne3A_73 = arith.xori %lt3A_70, %lt3A_72 : i1
      %and3A_74 = arith.andi %ne3A_73, %ne3A_68 : i1
      %add3A_75 = arith.addi %rem3A_66, %select_n3A_65 : i32
      %select_n3A_76 = arith.select %and3A_74, %add3A_75, %rem3A_66 : i32
      %ge3A = arith.constant 1 : i32
      %ge3A_77 = arith.cmpi sge, %scan3A_49, %ge3A : i32
      %convert_element_type3A = arith.extui %ge3A_77 : i1 to i32
      %cond3A = arith.constant 0 : i32
      %cond3A_78 = arith.cmpi ne, %convert_element_type3A, %cond3A : i32
      scf.if %cond3A_78 {
        %mul3A_296 = arith.constant 6 : i32
        %mul3A_297 = arith.muli %select_n3A_58, %mul3A_296 : i32
        %dma_wait3A_298 = arith.constant 0 : i32
        %dma_wait3A_299 = tpu.memref_slice %arg8[%mul3A_297, %dma_wait3A_298] : memref<12x120xi32, #tpu.memory_space<vmem>> -> memref<1x120xi32, #tpu.memory_space<vmem>>
        %dma_wait3A_300 = tpu.memref_squeeze %dma_wait3A_299 : memref<1x120xi32, #tpu.memory_space<vmem>> -> memref<120xi32, #tpu.memory_space<vmem>>
        %dma_wait3A_301 = arith.constant 0 : i32
        %dma_wait3A_302 = arith.constant 0 : i32
        %dma_wait3A_303 = tpu.memref_slice %arg6[%dma_wait3A_301, %dma_wait3A_302] : memref<10240x128xf32, #tpu.memory_space<vmem_shared>> -> memref<10240x128xf32, #tpu.memory_space<vmem_shared>>
        tpu.wait_indirect_dma semaphore(%arg17 : memref<!tpu.dma_semaphore, #tpu.memory_space<semaphore_mem>>) src(%arg11 : memref<120x128xf32, #tpu.memory_space<vmem>>) dst(%dma_wait3A_303 : memref<10240x128xf32, #tpu.memory_space<vmem_shared>>)
      } else {
      }
      %le3A = arith.constant 12 : i32
      %le3A_79 = arith.cmpi sle, %scan3A_49, %le3A : i32
      %convert_element_type3A_80 = arith.extui %le3A_79 : i1 to i32
      %cond3A_81 = arith.constant 0 : i32
      %cond3A_82 = arith.cmpi ne, %convert_element_type3A_80, %cond3A_81 : i32
      scf.if %cond3A_82 {
        %add3A_296 = arith.constant 1 : i32
        %add3A_297 = arith.addi %scan3A_49, %add3A_296 : i32
        %mul3A_298 = arith.constant 6 : i32
        %mul3A_299 = arith.muli %add3A_297, %mul3A_298 : i32
        %mul3A_300 = arith.constant 6 : i32
        %mul3A_301 = arith.muli %select_n3A_76, %mul3A_300 : i32
        "tpu.region"() ({
          %run_scoped3A = tpu.sem_alloc : memref<!tpu.dma_semaphore, #tpu.memory_space<semaphore_mem>>
          %dma_start3A_302 = arith.constant 0 : i32
          %dma_start3A_303 = tpu.memref_slice %arg7[%mul3A_301, %dma_start3A_302] : memref<12x120xi32, #tpu.memory_space<vmem>> -> memref<6x120xi32, #tpu.memory_space<vmem>>
          %dma_start3A_304 = arith.constant 0 : i32
          %dma_start3A_305 = arith.constant 0 : i32
          %dma_start3A_306 = tpu.memref_slice %arg3[%arg1, %dma_start3A_304, %dma_start3A_305] : memref<16x84x120xi32, #tpu.memory_space<hbm>> -> memref<1x84x120xi32, #tpu.memory_space<hbm>>
          %dma_start3A_307 = tpu.memref_squeeze %dma_start3A_306 : memref<1x84x120xi32, #tpu.memory_space<hbm>> -> memref<84x120xi32, #tpu.memory_space<hbm>>
          %dma_start3A_308 = arith.constant 0 : i32
          %dma_start3A_309 = tpu.memref_slice %dma_start3A_307[%mul3A_299, %dma_start3A_308] : memref<84x120xi32, #tpu.memory_space<hbm>> -> memref<6x120xi32, #tpu.memory_space<hbm>>
          %dma_start3A_310 = arith.constant 0 : i32
          %dma_start3A_311 = tpu.memref_slice %arg7[%mul3A_301, %dma_start3A_310] : memref<12x120xi32, #tpu.memory_space<vmem>> -> memref<6x120xi32, #tpu.memory_space<vmem>>
          %dma_start3A_312 = arith.constant 0 : i32
          %dma_start3A_313 = arith.constant 0 : i32
          %dma_start3A_314 = tpu.memref_slice %arg3[%arg1, %dma_start3A_312, %dma_start3A_313] : memref<16x84x120xi32, #tpu.memory_space<hbm>> -> memref<1x84x120xi32, #tpu.memory_space<hbm>>
          %dma_start3A_315 = tpu.memref_squeeze %dma_start3A_314 : memref<1x84x120xi32, #tpu.memory_space<hbm>> -> memref<84x120xi32, #tpu.memory_space<hbm>>
          %dma_start3A_316 = arith.constant 0 : i32
          %dma_start3A_317 = tpu.memref_slice %dma_start3A_315[%mul3A_299, %dma_start3A_316] : memref<84x120xi32, #tpu.memory_space<hbm>> -> memref<6x120xi32, #tpu.memory_space<hbm>>
          tpu.enqueue_dma source(%dma_start3A_317 : memref<6x120xi32, #tpu.memory_space<hbm>>) target(%dma_start3A_311 : memref<6x120xi32, #tpu.memory_space<vmem>>) target_semaphore(%run_scoped3A : memref<!tpu.dma_semaphore, #tpu.memory_space<semaphore_mem>>)
          %dma_wait3A_318 = arith.constant 0 : i32
          %dma_wait3A_319 = tpu.memref_slice %arg7[%mul3A_301, %dma_wait3A_318] : memref<12x120xi32, #tpu.memory_space<vmem>> -> memref<6x120xi32, #tpu.memory_space<vmem>>
          %dma_wait3A_320 = arith.constant 0 : i32
          %dma_wait3A_321 = arith.constant 0 : i32
          %dma_wait3A_322 = tpu.memref_slice %arg3[%arg1, %dma_wait3A_320, %dma_wait3A_321] : memref<16x84x120xi32, #tpu.memory_space<hbm>> -> memref<1x84x120xi32, #tpu.memory_space<hbm>>
          %dma_wait3A_323 = tpu.memref_squeeze %dma_wait3A_322 : memref<1x84x120xi32, #tpu.memory_space<hbm>> -> memref<84x120xi32, #tpu.memory_space<hbm>>
          %dma_wait3A_324 = arith.constant 0 : i32
          %dma_wait3A_325 = tpu.memref_slice %dma_wait3A_323[%mul3A_299, %dma_wait3A_324] : memref<84x120xi32, #tpu.memory_space<hbm>> -> memref<6x120xi32, #tpu.memory_space<hbm>>
          %dma_wait3A_326 = arith.constant 0 : i32
          %dma_wait3A_327 = tpu.memref_slice %arg7[%mul3A_301, %dma_wait3A_326] : memref<12x120xi32, #tpu.memory_space<vmem>> -> memref<6x120xi32, #tpu.memory_space<vmem>>
          %dma_wait3A_328 = arith.constant 0 : i32
          %dma_wait3A_329 = arith.constant 0 : i32
          %dma_wait3A_330 = tpu.memref_slice %arg3[%arg1, %dma_wait3A_328, %dma_wait3A_329] : memref<16x84x120xi32, #tpu.memory_space<hbm>> -> memref<1x84x120xi32, #tpu.memory_space<hbm>>
          %dma_wait3A_331 = tpu.memref_squeeze %dma_wait3A_330 : memref<1x84x120xi32, #tpu.memory_space<hbm>> -> memref<84x120xi32, #tpu.memory_space<hbm>>
          %dma_wait3A_332 = arith.constant 0 : i32
          %dma_wait3A_333 = tpu.memref_slice %dma_wait3A_331[%mul3A_299, %dma_wait3A_332] : memref<84x120xi32, #tpu.memory_space<hbm>> -> memref<6x120xi32, #tpu.memory_space<hbm>>
          tpu.wait_dma2 semaphore(%run_scoped3A : memref<!tpu.dma_semaphore, #tpu.memory_space<semaphore_mem>>) src(%dma_wait3A_333 : memref<6x120xi32, #tpu.memory_space<hbm>>) dst(%dma_wait3A_327 : memref<6x120xi32, #tpu.memory_space<vmem>>)
          tpu.yield
        }) : () -> ()
        "tpu.region"() ({
          %run_scoped3A = tpu.sem_alloc : memref<!tpu.dma_semaphore, #tpu.memory_space<semaphore_mem>>
          %dma_start3A_302 = arith.constant 0 : i32
          %dma_start3A_303 = tpu.memref_slice %arg8[%mul3A_301, %dma_start3A_302] : memref<12x120xi32, #tpu.memory_space<vmem>> -> memref<6x120xi32, #tpu.memory_space<vmem>>
          %dma_start3A_304 = arith.constant 0 : i32
          %dma_start3A_305 = arith.constant 0 : i32
          %dma_start3A_306 = tpu.memref_slice %arg4[%arg1, %dma_start3A_304, %dma_start3A_305] : memref<16x84x120xi32, #tpu.memory_space<hbm>> -> memref<1x84x120xi32, #tpu.memory_space<hbm>>
          %dma_start3A_307 = tpu.memref_squeeze %dma_start3A_306 : memref<1x84x120xi32, #tpu.memory_space<hbm>> -> memref<84x120xi32, #tpu.memory_space<hbm>>
          %dma_start3A_308 = arith.constant 0 : i32
          %dma_start3A_309 = tpu.memref_slice %dma_start3A_307[%mul3A_299, %dma_start3A_308] : memref<84x120xi32, #tpu.memory_space<hbm>> -> memref<6x120xi32, #tpu.memory_space<hbm>>
          %dma_start3A_310 = arith.constant 0 : i32
          %dma_start3A_311 = tpu.memref_slice %arg8[%mul3A_301, %dma_start3A_310] : memref<12x120xi32, #tpu.memory_space<vmem>> -> memref<6x120xi32, #tpu.memory_space<vmem>>
          %dma_start3A_312 = arith.constant 0 : i32
          %dma_start3A_313 = arith.constant 0 : i32
          %dma_start3A_314 = tpu.memref_slice %arg4[%arg1, %dma_start3A_312, %dma_start3A_313] : memref<16x84x120xi32, #tpu.memory_space<hbm>> -> memref<1x84x120xi32, #tpu.memory_space<hbm>>
          %dma_start3A_315 = tpu.memref_squeeze %dma_start3A_314 : memref<1x84x120xi32, #tpu.memory_space<hbm>> -> memref<84x120xi32, #tpu.memory_space<hbm>>
          %dma_start3A_316 = arith.constant 0 : i32
          %dma_start3A_317 = tpu.memref_slice %dma_start3A_315[%mul3A_299, %dma_start3A_316] : memref<84x120xi32, #tpu.memory_space<hbm>> -> memref<6x120xi32, #tpu.memory_space<hbm>>
          tpu.enqueue_dma source(%dma_start3A_317 : memref<6x120xi32, #tpu.memory_space<hbm>>) target(%dma_start3A_311 : memref<6x120xi32, #tpu.memory_space<vmem>>) target_semaphore(%run_scoped3A : memref<!tpu.dma_semaphore, #tpu.memory_space<semaphore_mem>>)
          %dma_wait3A_318 = arith.constant 0 : i32
          %dma_wait3A_319 = tpu.memref_slice %arg8[%mul3A_301, %dma_wait3A_318] : memref<12x120xi32, #tpu.memory_space<vmem>> -> memref<6x120xi32, #tpu.memory_space<vmem>>
          %dma_wait3A_320 = arith.constant 0 : i32
          %dma_wait3A_321 = arith.constant 0 : i32
          %dma_wait3A_322 = tpu.memref_slice %arg4[%arg1, %dma_wait3A_320, %dma_wait3A_321] : memref<16x84x120xi32, #tpu.memory_space<hbm>> -> memref<1x84x120xi32, #tpu.memory_space<hbm>>
          %dma_wait3A_323 = tpu.memref_squeeze %dma_wait3A_322 : memref<1x84x120xi32, #tpu.memory_space<hbm>> -> memref<84x120xi32, #tpu.memory_space<hbm>>
          %dma_wait3A_324 = arith.constant 0 : i32
          %dma_wait3A_325 = tpu.memref_slice %dma_wait3A_323[%mul3A_299, %dma_wait3A_324] : memref<84x120xi32, #tpu.memory_space<hbm>> -> memref<6x120xi32, #tpu.memory_space<hbm>>
          %dma_wait3A_326 = arith.constant 0 : i32
          %dma_wait3A_327 = tpu.memref_slice %arg8[%mul3A_301, %dma_wait3A_326] : memref<12x120xi32, #tpu.memory_space<vmem>> -> memref<6x120xi32, #tpu.memory_space<vmem>>
          %dma_wait3A_328 = arith.constant 0 : i32
          %dma_wait3A_329 = arith.constant 0 : i32
          %dma_wait3A_330 = tpu.memref_slice %arg4[%arg1, %dma_wait3A_328, %dma_wait3A_329] : memref<16x84x120xi32, #tpu.memory_space<hbm>> -> memref<1x84x120xi32, #tpu.memory_space<hbm>>
          %dma_wait3A_331 = tpu.memref_squeeze %dma_wait3A_330 : memref<1x84x120xi32, #tpu.memory_space<hbm>> -> memref<84x120xi32, #tpu.memory_space<hbm>>
          %dma_wait3A_332 = arith.constant 0 : i32
          %dma_wait3A_333 = tpu.memref_slice %dma_wait3A_331[%mul3A_299, %dma_wait3A_332] : memref<84x120xi32, #tpu.memory_space<hbm>> -> memref<6x120xi32, #tpu.memory_space<hbm>>
          tpu.wait_dma2 semaphore(%run_scoped3A : memref<!tpu.dma_semaphore, #tpu.memory_space<semaphore_mem>>) src(%dma_wait3A_333 : memref<6x120xi32, #tpu.memory_space<hbm>>) dst(%dma_wait3A_327 : memref<6x120xi32, #tpu.memory_space<vmem>>)
          tpu.yield
        }) : () -> ()
      } else {
      }
      %mul3A_83 = arith.constant 6 : i32
      %mul3A_84 = arith.muli %select_n3A_58, %mul3A_83 : i32
      %add3A_85 = arith.constant 0 : i32
      %add3A_86 = arith.addi %mul3A_84, %add3A_85 : i32
      %dma_wait3A_87 = arith.constant 0 : i32
      %dma_wait3A_88 = tpu.memref_slice %arg7[%add3A_86, %dma_wait3A_87] : memref<12x120xi32, #tpu.memory_space<vmem>> -> memref<1x120xi32, #tpu.memory_space<vmem>>
      %dma_wait3A_89 = tpu.memref_squeeze %dma_wait3A_88 : memref<1x120xi32, #tpu.memory_space<vmem>> -> memref<120xi32, #tpu.memory_space<vmem>>
      %dma_wait3A_90 = arith.constant 0 : i32
      %dma_wait3A_91 = arith.constant 0 : i32
      %dma_wait3A_92 = tpu.memref_slice %arg2[%arg0, %dma_wait3A_90, %dma_wait3A_91] : memref<2x10240x128xf32, #tpu.memory_space<hbm>> -> memref<1x10240x128xf32, #tpu.memory_space<hbm>>
      %dma_wait3A_93 = tpu.memref_squeeze %dma_wait3A_92 : memref<1x10240x128xf32, #tpu.memory_space<hbm>> -> memref<10240x128xf32, #tpu.memory_space<hbm>>
      %dma_wait3A_94 = arith.constant 0 : i32
      %dma_wait3A_95 = arith.constant 0 : i32
      %dma_wait3A_96 = tpu.memref_slice %dma_wait3A_93[%dma_wait3A_94, %dma_wait3A_95] : memref<10240x128xf32, #tpu.memory_space<hbm>> -> memref<10240x128xf32, #tpu.memory_space<hbm>>
      tpu.wait_indirect_dma semaphore(%arg12 : memref<!tpu.dma_semaphore, #tpu.memory_space<semaphore_mem>>) src(%dma_wait3A_96 : memref<10240x128xf32, #tpu.memory_space<hbm>>) dst(%arg9 : memref<120x128xf32, #tpu.memory_space<vmem>>)
      %dma_start3A_97 = arith.constant 0 : i32
      %dma_start3A_98 = tpu.memref_slice %arg8[%add3A_86, %dma_start3A_97] : memref<12x120xi32, #tpu.memory_space<vmem>> -> memref<1x120xi32, #tpu.memory_space<vmem>>
      %dma_start3A_99 = tpu.memref_squeeze %dma_start3A_98 : memref<1x120xi32, #tpu.memory_space<vmem>> -> memref<120xi32, #tpu.memory_space<vmem>>
      %dma_start3A_100 = arith.constant 0 : i32
      %dma_start3A_101 = arith.constant 0 : i32
      %dma_start3A_102 = tpu.memref_slice %arg6[%dma_start3A_100, %dma_start3A_101] : memref<10240x128xf32, #tpu.memory_space<vmem_shared>> -> memref<10240x128xf32, #tpu.memory_space<vmem_shared>>
      tpu.enqueue_indirect_dma source(%arg9 : memref<120x128xf32, #tpu.memory_space<vmem>>) target(%dma_start3A_102 : memref<10240x128xf32, #tpu.memory_space<vmem_shared>>) offsets(%dma_start3A_99 : memref<120xi32, #tpu.memory_space<vmem>>) semaphore(%arg15 : memref<!tpu.dma_semaphore, #tpu.memory_space<semaphore_mem>>) {add = true}
      %mul3A_103 = arith.constant 6 : i32
      %mul3A_104 = arith.muli %select_n3A_58, %mul3A_103 : i32
      %add3A_105 = arith.constant 0 : i32
      %add3A_106 = arith.addi %mul3A_104, %add3A_105 : i32
      %add3A_107 = arith.constant 2 : i32
      %add3A_108 = arith.addi %add3A_106, %add3A_107 : i32
      %dma_start3A_109 = arith.constant 0 : i32
      %dma_start3A_110 = tpu.memref_slice %arg7[%add3A_108, %dma_start3A_109] : memref<12x120xi32, #tpu.memory_space<vmem>> -> memref<1x120xi32, #tpu.memory_space<vmem>>
      %dma_start3A_111 = tpu.memref_squeeze %dma_start3A_110 : memref<1x120xi32, #tpu.memory_space<vmem>> -> memref<120xi32, #tpu.memory_space<vmem>>
      %dma_start3A_112 = arith.constant 0 : i32
      %dma_start3A_113 = arith.constant 0 : i32
      %dma_start3A_114 = tpu.memref_slice %arg2[%arg0, %dma_start3A_112, %dma_start3A_113] : memref<2x10240x128xf32, #tpu.memory_space<hbm>> -> memref<1x10240x128xf32, #tpu.memory_space<hbm>>
      %dma_start3A_115 = tpu.memref_squeeze %dma_start3A_114 : memref<1x10240x128xf32, #tpu.memory_space<hbm>> -> memref<10240x128xf32, #tpu.memory_space<hbm>>
      %dma_start3A_116 = arith.constant 0 : i32
      %dma_start3A_117 = arith.constant 0 : i32
      %dma_start3A_118 = tpu.memref_slice %dma_start3A_115[%dma_start3A_116, %dma_start3A_117] : memref<10240x128xf32, #tpu.memory_space<hbm>> -> memref<10240x128xf32, #tpu.memory_space<hbm>>
      tpu.enqueue_indirect_dma source(%dma_start3A_118 : memref<10240x128xf32, #tpu.memory_space<hbm>>) target(%arg11 : memref<120x128xf32, #tpu.memory_space<vmem>>) offsets(%dma_start3A_111 : memref<120xi32, #tpu.memory_space<vmem>>) semaphore(%arg14 : memref<!tpu.dma_semaphore, #tpu.memory_space<semaphore_mem>>)
      %mul3A_119 = arith.constant 6 : i32
      %mul3A_120 = arith.muli %select_n3A_58, %mul3A_119 : i32
      %add3A_121 = arith.constant 1 : i32
      %add3A_122 = arith.addi %mul3A_120, %add3A_121 : i32
      %dma_wait3A_123 = arith.constant 0 : i32
      %dma_wait3A_124 = tpu.memref_slice %arg7[%add3A_122, %dma_wait3A_123] : memref<12x120xi32, #tpu.memory_space<vmem>> -> memref<1x120xi32, #tpu.memory_space<vmem>>
      %dma_wait3A_125 = tpu.memref_squeeze %dma_wait3A_124 : memref<1x120xi32, #tpu.memory_space<vmem>> -> memref<120xi32, #tpu.memory_space<vmem>>
      %dma_wait3A_126 = arith.constant 0 : i32
      %dma_wait3A_127 = arith.constant 0 : i32
      %dma_wait3A_128 = tpu.memref_slice %arg2[%arg0, %dma_wait3A_126, %dma_wait3A_127] : memref<2x10240x128xf32, #tpu.memory_space<hbm>> -> memref<1x10240x128xf32, #tpu.memory_space<hbm>>
      %dma_wait3A_129 = tpu.memref_squeeze %dma_wait3A_128 : memref<1x10240x128xf32, #tpu.memory_space<hbm>> -> memref<10240x128xf32, #tpu.memory_space<hbm>>
      %dma_wait3A_130 = arith.constant 0 : i32
      %dma_wait3A_131 = arith.constant 0 : i32
      %dma_wait3A_132 = tpu.memref_slice %dma_wait3A_129[%dma_wait3A_130, %dma_wait3A_131] : memref<10240x128xf32, #tpu.memory_space<hbm>> -> memref<10240x128xf32, #tpu.memory_space<hbm>>
      tpu.wait_indirect_dma semaphore(%arg13 : memref<!tpu.dma_semaphore, #tpu.memory_space<semaphore_mem>>) src(%dma_wait3A_132 : memref<10240x128xf32, #tpu.memory_space<hbm>>) dst(%arg10 : memref<120x128xf32, #tpu.memory_space<vmem>>)
      %dma_start3A_133 = arith.constant 0 : i32
      %dma_start3A_134 = tpu.memref_slice %arg8[%add3A_122, %dma_start3A_133] : memref<12x120xi32, #tpu.memory_space<vmem>> -> memref<1x120xi32, #tpu.memory_space<vmem>>
      %dma_start3A_135 = tpu.memref_squeeze %dma_start3A_134 : memref<1x120xi32, #tpu.memory_space<vmem>> -> memref<120xi32, #tpu.memory_space<vmem>>
      %dma_start3A_136 = arith.constant 0 : i32
      %dma_start3A_137 = arith.constant 0 : i32
      %dma_start3A_138 = tpu.memref_slice %arg6[%dma_start3A_136, %dma_start3A_137] : memref<10240x128xf32, #tpu.memory_space<vmem_shared>> -> memref<10240x128xf32, #tpu.memory_space<vmem_shared>>
      tpu.enqueue_indirect_dma source(%arg10 : memref<120x128xf32, #tpu.memory_space<vmem>>) target(%dma_start3A_138 : memref<10240x128xf32, #tpu.memory_space<vmem_shared>>) offsets(%dma_start3A_135 : memref<120xi32, #tpu.memory_space<vmem>>) semaphore(%arg16 : memref<!tpu.dma_semaphore, #tpu.memory_space<semaphore_mem>>) {add = true}
      %dma_wait3A_139 = arith.constant 0 : i32
      %dma_wait3A_140 = tpu.memref_slice %arg8[%add3A_122, %dma_wait3A_139] : memref<12x120xi32, #tpu.memory_space<vmem>> -> memref<1x120xi32, #tpu.memory_space<vmem>>
      %dma_wait3A_141 = tpu.memref_squeeze %dma_wait3A_140 : memref<1x120xi32, #tpu.memory_space<vmem>> -> memref<120xi32, #tpu.memory_space<vmem>>
      %dma_wait3A_142 = arith.constant 0 : i32
      %dma_wait3A_143 = arith.constant 0 : i32
      %dma_wait3A_144 = tpu.memref_slice %arg6[%dma_wait3A_142, %dma_wait3A_143] : memref<10240x128xf32, #tpu.memory_space<vmem_shared>> -> memref<10240x128xf32, #tpu.memory_space<vmem_shared>>
      tpu.wait_indirect_dma semaphore(%arg15 : memref<!tpu.dma_semaphore, #tpu.memory_space<semaphore_mem>>) src(%arg9 : memref<120x128xf32, #tpu.memory_space<vmem>>) dst(%dma_wait3A_144 : memref<10240x128xf32, #tpu.memory_space<vmem_shared>>)
      %mul3A_145 = arith.constant 6 : i32
      %mul3A_146 = arith.muli %select_n3A_58, %mul3A_145 : i32
      %add3A_147 = arith.constant 1 : i32
      %add3A_148 = arith.addi %mul3A_146, %add3A_147 : i32
      %add3A_149 = arith.constant 2 : i32
      %add3A_150 = arith.addi %add3A_148, %add3A_149 : i32
      %dma_start3A_151 = arith.constant 0 : i32
      %dma_start3A_152 = tpu.memref_slice %arg7[%add3A_150, %dma_start3A_151] : memref<12x120xi32, #tpu.memory_space<vmem>> -> memref<1x120xi32, #tpu.memory_space<vmem>>
      %dma_start3A_153 = tpu.memref_squeeze %dma_start3A_152 : memref<1x120xi32, #tpu.memory_space<vmem>> -> memref<120xi32, #tpu.memory_space<vmem>>
      %dma_start3A_154 = arith.constant 0 : i32
      %dma_start3A_155 = arith.constant 0 : i32
      %dma_start3A_156 = tpu.memref_slice %arg2[%arg0, %dma_start3A_154, %dma_start3A_155] : memref<2x10240x128xf32, #tpu.memory_space<hbm>> -> memref<1x10240x128xf32, #tpu.memory_space<hbm>>
      %dma_start3A_157 = tpu.memref_squeeze %dma_start3A_156 : memref<1x10240x128xf32, #tpu.memory_space<hbm>> -> memref<10240x128xf32, #tpu.memory_space<hbm>>
      %dma_start3A_158 = arith.constant 0 : i32
      %dma_start3A_159 = arith.constant 0 : i32
      %dma_start3A_160 = tpu.memref_slice %dma_start3A_157[%dma_start3A_158, %dma_start3A_159] : memref<10240x128xf32, #tpu.memory_space<hbm>> -> memref<10240x128xf32, #tpu.memory_space<hbm>>
      tpu.enqueue_indirect_dma source(%dma_start3A_160 : memref<10240x128xf32, #tpu.memory_space<hbm>>) target(%arg9 : memref<120x128xf32, #tpu.memory_space<vmem>>) offsets(%dma_start3A_153 : memref<120xi32, #tpu.memory_space<vmem>>) semaphore(%arg12 : memref<!tpu.dma_semaphore, #tpu.memory_space<semaphore_mem>>)
      %mul3A_161 = arith.constant 6 : i32
      %mul3A_162 = arith.muli %select_n3A_58, %mul3A_161 : i32
      %add3A_163 = arith.constant 2 : i32
      %add3A_164 = arith.addi %mul3A_162, %add3A_163 : i32
      %dma_wait3A_165 = arith.constant 0 : i32
      %dma_wait3A_166 = tpu.memref_slice %arg7[%add3A_164, %dma_wait3A_165] : memref<12x120xi32, #tpu.memory_space<vmem>> -> memref<1x120xi32, #tpu.memory_space<vmem>>
      %dma_wait3A_167 = tpu.memref_squeeze %dma_wait3A_166 : memref<1x120xi32, #tpu.memory_space<vmem>> -> memref<120xi32, #tpu.memory_space<vmem>>
      %dma_wait3A_168 = arith.constant 0 : i32
      %dma_wait3A_169 = arith.constant 0 : i32
      %dma_wait3A_170 = tpu.memref_slice %arg2[%arg0, %dma_wait3A_168, %dma_wait3A_169] : memref<2x10240x128xf32, #tpu.memory_space<hbm>> -> memref<1x10240x128xf32, #tpu.memory_space<hbm>>
      %dma_wait3A_171 = tpu.memref_squeeze %dma_wait3A_170 : memref<1x10240x128xf32, #tpu.memory_space<hbm>> -> memref<10240x128xf32, #tpu.memory_space<hbm>>
      %dma_wait3A_172 = arith.constant 0 : i32
      %dma_wait3A_173 = arith.constant 0 : i32
      %dma_wait3A_174 = tpu.memref_slice %dma_wait3A_171[%dma_wait3A_172, %dma_wait3A_173] : memref<10240x128xf32, #tpu.memory_space<hbm>> -> memref<10240x128xf32, #tpu.memory_space<hbm>>
      tpu.wait_indirect_dma semaphore(%arg14 : memref<!tpu.dma_semaphore, #tpu.memory_space<semaphore_mem>>) src(%dma_wait3A_174 : memref<10240x128xf32, #tpu.memory_space<hbm>>) dst(%arg11 : memref<120x128xf32, #tpu.memory_space<vmem>>)
      %dma_start3A_175 = arith.constant 0 : i32
      %dma_start3A_176 = tpu.memref_slice %arg8[%add3A_164, %dma_start3A_175] : memref<12x120xi32, #tpu.memory_space<vmem>> -> memref<1x120xi32, #tpu.memory_space<vmem>>
      %dma_start3A_177 = tpu.memref_squeeze %dma_start3A_176 : memref<1x120xi32, #tpu.memory_space<vmem>> -> memref<120xi32, #tpu.memory_space<vmem>>
      %dma_start3A_178 = arith.constant 0 : i32
      %dma_start3A_179 = arith.constant 0 : i32
      %dma_start3A_180 = tpu.memref_slice %arg6[%dma_start3A_178, %dma_start3A_179] : memref<10240x128xf32, #tpu.memory_space<vmem_shared>> -> memref<10240x128xf32, #tpu.memory_space<vmem_shared>>
      tpu.enqueue_indirect_dma source(%arg11 : memref<120x128xf32, #tpu.memory_space<vmem>>) target(%dma_start3A_180 : memref<10240x128xf32, #tpu.memory_space<vmem_shared>>) offsets(%dma_start3A_177 : memref<120xi32, #tpu.memory_space<vmem>>) semaphore(%arg17 : memref<!tpu.dma_semaphore, #tpu.memory_space<semaphore_mem>>) {add = true}
      %dma_wait3A_181 = arith.constant 0 : i32
      %dma_wait3A_182 = tpu.memref_slice %arg8[%add3A_164, %dma_wait3A_181] : memref<12x120xi32, #tpu.memory_space<vmem>> -> memref<1x120xi32, #tpu.memory_space<vmem>>
      %dma_wait3A_183 = tpu.memref_squeeze %dma_wait3A_182 : memref<1x120xi32, #tpu.memory_space<vmem>> -> memref<120xi32, #tpu.memory_space<vmem>>
      %dma_wait3A_184 = arith.constant 0 : i32
      %dma_wait3A_185 = arith.constant 0 : i32
      %dma_wait3A_186 = tpu.memref_slice %arg6[%dma_wait3A_184, %dma_wait3A_185] : memref<10240x128xf32, #tpu.memory_space<vmem_shared>> -> memref<10240x128xf32, #tpu.memory_space<vmem_shared>>
      tpu.wait_indirect_dma semaphore(%arg16 : memref<!tpu.dma_semaphore, #tpu.memory_space<semaphore_mem>>) src(%arg10 : memref<120x128xf32, #tpu.memory_space<vmem>>) dst(%dma_wait3A_186 : memref<10240x128xf32, #tpu.memory_space<vmem_shared>>)
      %mul3A_187 = arith.constant 6 : i32
      %mul3A_188 = arith.muli %select_n3A_58, %mul3A_187 : i32
      %add3A_189 = arith.constant 2 : i32
      %add3A_190 = arith.addi %mul3A_188, %add3A_189 : i32
      %add3A_191 = arith.constant 2 : i32
      %add3A_192 = arith.addi %add3A_190, %add3A_191 : i32
      %dma_start3A_193 = arith.constant 0 : i32
      %dma_start3A_194 = tpu.memref_slice %arg7[%add3A_192, %dma_start3A_193] : memref<12x120xi32, #tpu.memory_space<vmem>> -> memref<1x120xi32, #tpu.memory_space<vmem>>
      %dma_start3A_195 = tpu.memref_squeeze %dma_start3A_194 : memref<1x120xi32, #tpu.memory_space<vmem>> -> memref<120xi32, #tpu.memory_space<vmem>>
      %dma_start3A_196 = arith.constant 0 : i32
      %dma_start3A_197 = arith.constant 0 : i32
      %dma_start3A_198 = tpu.memref_slice %arg2[%arg0, %dma_start3A_196, %dma_start3A_197] : memref<2x10240x128xf32, #tpu.memory_space<hbm>> -> memref<1x10240x128xf32, #tpu.memory_space<hbm>>
      %dma_start3A_199 = tpu.memref_squeeze %dma_start3A_198 : memref<1x10240x128xf32, #tpu.memory_space<hbm>> -> memref<10240x128xf32, #tpu.memory_space<hbm>>
      %dma_start3A_200 = arith.constant 0 : i32
      %dma_start3A_201 = arith.constant 0 : i32
      %dma_start3A_202 = tpu.memref_slice %dma_start3A_199[%dma_start3A_200, %dma_start3A_201] : memref<10240x128xf32, #tpu.memory_space<hbm>> -> memref<10240x128xf32, #tpu.memory_space<hbm>>
      tpu.enqueue_indirect_dma source(%dma_start3A_202 : memref<10240x128xf32, #tpu.memory_space<hbm>>) target(%arg10 : memref<120x128xf32, #tpu.memory_space<vmem>>) offsets(%dma_start3A_195 : memref<120xi32, #tpu.memory_space<vmem>>) semaphore(%arg13 : memref<!tpu.dma_semaphore, #tpu.memory_space<semaphore_mem>>)
      %mul3A_203 = arith.constant 6 : i32
      %mul3A_204 = arith.muli %select_n3A_58, %mul3A_203 : i32
      %add3A_205 = arith.constant 3 : i32
      %add3A_206 = arith.addi %mul3A_204, %add3A_205 : i32
      %dma_wait3A_207 = arith.constant 0 : i32
      %dma_wait3A_208 = tpu.memref_slice %arg7[%add3A_206, %dma_wait3A_207] : memref<12x120xi32, #tpu.memory_space<vmem>> -> memref<1x120xi32, #tpu.memory_space<vmem>>
      %dma_wait3A_209 = tpu.memref_squeeze %dma_wait3A_208 : memref<1x120xi32, #tpu.memory_space<vmem>> -> memref<120xi32, #tpu.memory_space<vmem>>
      %dma_wait3A_210 = arith.constant 0 : i32
      %dma_wait3A_211 = arith.constant 0 : i32
      %dma_wait3A_212 = tpu.memref_slice %arg2[%arg0, %dma_wait3A_210, %dma_wait3A_211] : memref<2x10240x128xf32, #tpu.memory_space<hbm>> -> memref<1x10240x128xf32, #tpu.memory_space<hbm>>
      %dma_wait3A_213 = tpu.memref_squeeze %dma_wait3A_212 : memref<1x10240x128xf32, #tpu.memory_space<hbm>> -> memref<10240x128xf32, #tpu.memory_space<hbm>>
      %dma_wait3A_214 = arith.constant 0 : i32
      %dma_wait3A_215 = arith.constant 0 : i32
      %dma_wait3A_216 = tpu.memref_slice %dma_wait3A_213[%dma_wait3A_214, %dma_wait3A_215] : memref<10240x128xf32, #tpu.memory_space<hbm>> -> memref<10240x128xf32, #tpu.memory_space<hbm>>
      tpu.wait_indirect_dma semaphore(%arg12 : memref<!tpu.dma_semaphore, #tpu.memory_space<semaphore_mem>>) src(%dma_wait3A_216 : memref<10240x128xf32, #tpu.memory_space<hbm>>) dst(%arg9 : memref<120x128xf32, #tpu.memory_space<vmem>>)
      %dma_start3A_217 = arith.constant 0 : i32
      %dma_start3A_218 = tpu.memref_slice %arg8[%add3A_206, %dma_start3A_217] : memref<12x120xi32, #tpu.memory_space<vmem>> -> memref<1x120xi32, #tpu.memory_space<vmem>>
      %dma_start3A_219 = tpu.memref_squeeze %dma_start3A_218 : memref<1x120xi32, #tpu.memory_space<vmem>> -> memref<120xi32, #tpu.memory_space<vmem>>
      %dma_start3A_220 = arith.constant 0 : i32
      %dma_start3A_221 = arith.constant 0 : i32
      %dma_start3A_222 = tpu.memref_slice %arg6[%dma_start3A_220, %dma_start3A_221] : memref<10240x128xf32, #tpu.memory_space<vmem_shared>> -> memref<10240x128xf32, #tpu.memory_space<vmem_shared>>
      tpu.enqueue_indirect_dma source(%arg9 : memref<120x128xf32, #tpu.memory_space<vmem>>) target(%dma_start3A_222 : memref<10240x128xf32, #tpu.memory_space<vmem_shared>>) offsets(%dma_start3A_219 : memref<120xi32, #tpu.memory_space<vmem>>) semaphore(%arg15 : memref<!tpu.dma_semaphore, #tpu.memory_space<semaphore_mem>>) {add = true}
      %dma_wait3A_223 = arith.constant 0 : i32
      %dma_wait3A_224 = tpu.memref_slice %arg8[%add3A_206, %dma_wait3A_223] : memref<12x120xi32, #tpu.memory_space<vmem>> -> memref<1x120xi32, #tpu.memory_space<vmem>>
      %dma_wait3A_225 = tpu.memref_squeeze %dma_wait3A_224 : memref<1x120xi32, #tpu.memory_space<vmem>> -> memref<120xi32, #tpu.memory_space<vmem>>
      %dma_wait3A_226 = arith.constant 0 : i32
      %dma_wait3A_227 = arith.constant 0 : i32
      %dma_wait3A_228 = tpu.memref_slice %arg6[%dma_wait3A_226, %dma_wait3A_227] : memref<10240x128xf32, #tpu.memory_space<vmem_shared>> -> memref<10240x128xf32, #tpu.memory_space<vmem_shared>>
      tpu.wait_indirect_dma semaphore(%arg17 : memref<!tpu.dma_semaphore, #tpu.memory_space<semaphore_mem>>) src(%arg11 : memref<120x128xf32, #tpu.memory_space<vmem>>) dst(%dma_wait3A_228 : memref<10240x128xf32, #tpu.memory_space<vmem_shared>>)
      %mul3A_229 = arith.constant 6 : i32
      %mul3A_230 = arith.muli %select_n3A_58, %mul3A_229 : i32
      %add3A_231 = arith.constant 3 : i32
      %add3A_232 = arith.addi %mul3A_230, %add3A_231 : i32
      %add3A_233 = arith.constant 2 : i32
      %add3A_234 = arith.addi %add3A_232, %add3A_233 : i32
      %dma_start3A_235 = arith.constant 0 : i32
      %dma_start3A_236 = tpu.memref_slice %arg7[%add3A_234, %dma_start3A_235] : memref<12x120xi32, #tpu.memory_space<vmem>> -> memref<1x120xi32, #tpu.memory_space<vmem>>
      %dma_start3A_237 = tpu.memref_squeeze %dma_start3A_236 : memref<1x120xi32, #tpu.memory_space<vmem>> -> memref<120xi32, #tpu.memory_space<vmem>>
      %dma_start3A_238 = arith.constant 0 : i32
      %dma_start3A_239 = arith.constant 0 : i32
      %dma_start3A_240 = tpu.memref_slice %arg2[%arg0, %dma_start3A_238, %dma_start3A_239] : memref<2x10240x128xf32, #tpu.memory_space<hbm>> -> memref<1x10240x128xf32, #tpu.memory_space<hbm>>
      %dma_start3A_241 = tpu.memref_squeeze %dma_start3A_240 : memref<1x10240x128xf32, #tpu.memory_space<hbm>> -> memref<10240x128xf32, #tpu.memory_space<hbm>>
      %dma_start3A_242 = arith.constant 0 : i32
      %dma_start3A_243 = arith.constant 0 : i32
      %dma_start3A_244 = tpu.memref_slice %dma_start3A_241[%dma_start3A_242, %dma_start3A_243] : memref<10240x128xf32, #tpu.memory_space<hbm>> -> memref<10240x128xf32, #tpu.memory_space<hbm>>
      tpu.enqueue_indirect_dma source(%dma_start3A_244 : memref<10240x128xf32, #tpu.memory_space<hbm>>) target(%arg11 : memref<120x128xf32, #tpu.memory_space<vmem>>) offsets(%dma_start3A_237 : memref<120xi32, #tpu.memory_space<vmem>>) semaphore(%arg14 : memref<!tpu.dma_semaphore, #tpu.memory_space<semaphore_mem>>)
      %mul3A_245 = arith.constant 6 : i32
      %mul3A_246 = arith.muli %select_n3A_58, %mul3A_245 : i32
      %add3A_247 = arith.constant 4 : i32
      %add3A_248 = arith.addi %mul3A_246, %add3A_247 : i32
      %dma_wait3A_249 = arith.constant 0 : i32
      %dma_wait3A_250 = tpu.memref_slice %arg7[%add3A_248, %dma_wait3A_249] : memref<12x120xi32, #tpu.memory_space<vmem>> -> memref<1x120xi32, #tpu.memory_space<vmem>>
      %dma_wait3A_251 = tpu.memref_squeeze %dma_wait3A_250 : memref<1x120xi32, #tpu.memory_space<vmem>> -> memref<120xi32, #tpu.memory_space<vmem>>
      %dma_wait3A_252 = arith.constant 0 : i32
      %dma_wait3A_253 = arith.constant 0 : i32
      %dma_wait3A_254 = tpu.memref_slice %arg2[%arg0, %dma_wait3A_252, %dma_wait3A_253] : memref<2x10240x128xf32, #tpu.memory_space<hbm>> -> memref<1x10240x128xf32, #tpu.memory_space<hbm>>
      %dma_wait3A_255 = tpu.memref_squeeze %dma_wait3A_254 : memref<1x10240x128xf32, #tpu.memory_space<hbm>> -> memref<10240x128xf32, #tpu.memory_space<hbm>>
      %dma_wait3A_256 = arith.constant 0 : i32
      %dma_wait3A_257 = arith.constant 0 : i32
      %dma_wait3A_258 = tpu.memref_slice %dma_wait3A_255[%dma_wait3A_256, %dma_wait3A_257] : memref<10240x128xf32, #tpu.memory_space<hbm>> -> memref<10240x128xf32, #tpu.memory_space<hbm>>
      tpu.wait_indirect_dma semaphore(%arg13 : memref<!tpu.dma_semaphore, #tpu.memory_space<semaphore_mem>>) src(%dma_wait3A_258 : memref<10240x128xf32, #tpu.memory_space<hbm>>) dst(%arg10 : memref<120x128xf32, #tpu.memory_space<vmem>>)
      %dma_start3A_259 = arith.constant 0 : i32
      %dma_start3A_260 = tpu.memref_slice %arg8[%add3A_248, %dma_start3A_259] : memref<12x120xi32, #tpu.memory_space<vmem>> -> memref<1x120xi32, #tpu.memory_space<vmem>>
      %dma_start3A_261 = tpu.memref_squeeze %dma_start3A_260 : memref<1x120xi32, #tpu.memory_space<vmem>> -> memref<120xi32, #tpu.memory_space<vmem>>
      %dma_start3A_262 = arith.constant 0 : i32
      %dma_start3A_263 = arith.constant 0 : i32
      %dma_start3A_264 = tpu.memref_slice %arg6[%dma_start3A_262, %dma_start3A_263] : memref<10240x128xf32, #tpu.memory_space<vmem_shared>> -> memref<10240x128xf32, #tpu.memory_space<vmem_shared>>
      tpu.enqueue_indirect_dma source(%arg10 : memref<120x128xf32, #tpu.memory_space<vmem>>) target(%dma_start3A_264 : memref<10240x128xf32, #tpu.memory_space<vmem_shared>>) offsets(%dma_start3A_261 : memref<120xi32, #tpu.memory_space<vmem>>) semaphore(%arg16 : memref<!tpu.dma_semaphore, #tpu.memory_space<semaphore_mem>>) {add = true}
      %le3A_265 = arith.constant 12 : i32
      %le3A_266 = arith.cmpi sle, %scan3A_49, %le3A_265 : i32
      %convert_element_type3A_267 = arith.extui %le3A_266 : i1 to i32
      %cond3A_268 = arith.constant 0 : i32
      %cond3A_269 = arith.cmpi ne, %convert_element_type3A_267, %cond3A_268 : i32
      scf.if %cond3A_269 {
        %dma_wait3A_296 = arith.constant 0 : i32
        %dma_wait3A_297 = tpu.memref_slice %arg8[%add3A_248, %dma_wait3A_296] : memref<12x120xi32, #tpu.memory_space<vmem>> -> memref<1x120xi32, #tpu.memory_space<vmem>>
        %dma_wait3A_298 = tpu.memref_squeeze %dma_wait3A_297 : memref<1x120xi32, #tpu.memory_space<vmem>> -> memref<120xi32, #tpu.memory_space<vmem>>
        %dma_wait3A_299 = arith.constant 0 : i32
        %dma_wait3A_300 = arith.constant 0 : i32
        %dma_wait3A_301 = tpu.memref_slice %arg6[%dma_wait3A_299, %dma_wait3A_300] : memref<10240x128xf32, #tpu.memory_space<vmem_shared>> -> memref<10240x128xf32, #tpu.memory_space<vmem_shared>>
        tpu.wait_indirect_dma semaphore(%arg15 : memref<!tpu.dma_semaphore, #tpu.memory_space<semaphore_mem>>) src(%arg9 : memref<120x128xf32, #tpu.memory_space<vmem>>) dst(%dma_wait3A_301 : memref<10240x128xf32, #tpu.memory_space<vmem_shared>>)
        %mul3A_302 = arith.constant 6 : i32
        %mul3A_303 = arith.muli %select_n3A_76, %mul3A_302 : i32
        %add3A_304 = arith.constant 0 : i32
        %add3A_305 = arith.addi %mul3A_303, %add3A_304 : i32
        %dma_start3A_306 = arith.constant 0 : i32
        %dma_start3A_307 = tpu.memref_slice %arg7[%add3A_305, %dma_start3A_306] : memref<12x120xi32, #tpu.memory_space<vmem>> -> memref<1x120xi32, #tpu.memory_space<vmem>>
        %dma_start3A_308 = tpu.memref_squeeze %dma_start3A_307 : memref<1x120xi32, #tpu.memory_space<vmem>> -> memref<120xi32, #tpu.memory_space<vmem>>
        %dma_start3A_309 = arith.constant 0 : i32
        %dma_start3A_310 = arith.constant 0 : i32
        %dma_start3A_311 = tpu.memref_slice %arg2[%arg0, %dma_start3A_309, %dma_start3A_310] : memref<2x10240x128xf32, #tpu.memory_space<hbm>> -> memref<1x10240x128xf32, #tpu.memory_space<hbm>>
        %dma_start3A_312 = tpu.memref_squeeze %dma_start3A_311 : memref<1x10240x128xf32, #tpu.memory_space<hbm>> -> memref<10240x128xf32, #tpu.memory_space<hbm>>
        %dma_start3A_313 = arith.constant 0 : i32
        %dma_start3A_314 = arith.constant 0 : i32
        %dma_start3A_315 = tpu.memref_slice %dma_start3A_312[%dma_start3A_313, %dma_start3A_314] : memref<10240x128xf32, #tpu.memory_space<hbm>> -> memref<10240x128xf32, #tpu.memory_space<hbm>>
        tpu.enqueue_indirect_dma source(%dma_start3A_315 : memref<10240x128xf32, #tpu.memory_space<hbm>>) target(%arg9 : memref<120x128xf32, #tpu.memory_space<vmem>>) offsets(%dma_start3A_308 : memref<120xi32, #tpu.memory_space<vmem>>) semaphore(%arg12 : memref<!tpu.dma_semaphore, #tpu.memory_space<semaphore_mem>>)
      } else {
      }
      %mul3A_270 = arith.constant 6 : i32
      %mul3A_271 = arith.muli %select_n3A_58, %mul3A_270 : i32
      %add3A_272 = arith.constant 5 : i32
      %add3A_273 = arith.addi %mul3A_271, %add3A_272 : i32
      %dma_wait3A_274 = arith.constant 0 : i32
      %dma_wait3A_275 = tpu.memref_slice %arg7[%add3A_273, %dma_wait3A_274] : memref<12x120xi32, #tpu.memory_space<vmem>> -> memref<1x120xi32, #tpu.memory_space<vmem>>
      %dma_wait3A_276 = tpu.memref_squeeze %dma_wait3A_275 : memref<1x120xi32, #tpu.memory_space<vmem>> -> memref<120xi32, #tpu.memory_space<vmem>>
      %dma_wait3A_277 = arith.constant 0 : i32
      %dma_wait3A_278 = arith.constant 0 : i32
      %dma_wait3A_279 = tpu.memref_slice %arg2[%arg0, %dma_wait3A_277, %dma_wait3A_278] : memref<2x10240x128xf32, #tpu.memory_space<hbm>> -> memref<1x10240x128xf32, #tpu.memory_space<hbm>>
      %dma_wait3A_280 = tpu.memref_squeeze %dma_wait3A_279 : memref<1x10240x128xf32, #tpu.memory_space<hbm>> -> memref<10240x128xf32, #tpu.memory_space<hbm>>
      %dma_wait3A_281 = arith.constant 0 : i32
      %dma_wait3A_282 = arith.constant 0 : i32
      %dma_wait3A_283 = tpu.memref_slice %dma_wait3A_280[%dma_wait3A_281, %dma_wait3A_282] : memref<10240x128xf32, #tpu.memory_space<hbm>> -> memref<10240x128xf32, #tpu.memory_space<hbm>>
      tpu.wait_indirect_dma semaphore(%arg14 : memref<!tpu.dma_semaphore, #tpu.memory_space<semaphore_mem>>) src(%dma_wait3A_283 : memref<10240x128xf32, #tpu.memory_space<hbm>>) dst(%arg11 : memref<120x128xf32, #tpu.memory_space<vmem>>)
      %dma_start3A_284 = arith.constant 0 : i32
      %dma_start3A_285 = tpu.memref_slice %arg8[%add3A_273, %dma_start3A_284] : memref<12x120xi32, #tpu.memory_space<vmem>> -> memref<1x120xi32, #tpu.memory_space<vmem>>
      %dma_start3A_286 = tpu.memref_squeeze %dma_start3A_285 : memref<1x120xi32, #tpu.memory_space<vmem>> -> memref<120xi32, #tpu.memory_space<vmem>>
      %dma_start3A_287 = arith.constant 0 : i32
      %dma_start3A_288 = arith.constant 0 : i32
      %dma_start3A_289 = tpu.memref_slice %arg6[%dma_start3A_287, %dma_start3A_288] : memref<10240x128xf32, #tpu.memory_space<vmem_shared>> -> memref<10240x128xf32, #tpu.memory_space<vmem_shared>>
      tpu.enqueue_indirect_dma source(%arg11 : memref<120x128xf32, #tpu.memory_space<vmem>>) target(%dma_start3A_289 : memref<10240x128xf32, #tpu.memory_space<vmem_shared>>) offsets(%dma_start3A_286 : memref<120xi32, #tpu.memory_space<vmem>>) semaphore(%arg17 : memref<!tpu.dma_semaphore, #tpu.memory_space<semaphore_mem>>) {add = true}
      %le3A_290 = arith.constant 12 : i32
      %le3A_291 = arith.cmpi sle, %scan3A_49, %le3A_290 : i32
      %convert_element_type3A_292 = arith.extui %le3A_291 : i1 to i32
      %cond3A_293 = arith.constant 0 : i32
      %cond3A_294 = arith.cmpi ne, %convert_element_type3A_292, %cond3A_293 : i32
      scf.if %cond3A_294 {
        %dma_wait3A_296 = arith.constant 0 : i32
        %dma_wait3A_297 = tpu.memref_slice %arg8[%add3A_273, %dma_wait3A_296] : memref<12x120xi32, #tpu.memory_space<vmem>> -> memref<1x120xi32, #tpu.memory_space<vmem>>
        %dma_wait3A_298 = tpu.memref_squeeze %dma_wait3A_297 : memref<1x120xi32, #tpu.memory_space<vmem>> -> memref<120xi32, #tpu.memory_space<vmem>>
        %dma_wait3A_299 = arith.constant 0 : i32
        %dma_wait3A_300 = arith.constant 0 : i32
        %dma_wait3A_301 = tpu.memref_slice %arg6[%dma_wait3A_299, %dma_wait3A_300] : memref<10240x128xf32, #tpu.memory_space<vmem_shared>> -> memref<10240x128xf32, #tpu.memory_space<vmem_shared>>
        tpu.wait_indirect_dma semaphore(%arg16 : memref<!tpu.dma_semaphore, #tpu.memory_space<semaphore_mem>>) src(%arg10 : memref<120x128xf32, #tpu.memory_space<vmem>>) dst(%dma_wait3A_301 : memref<10240x128xf32, #tpu.memory_space<vmem_shared>>)
        %mul3A_302 = arith.constant 6 : i32
        %mul3A_303 = arith.muli %select_n3A_76, %mul3A_302 : i32
        %add3A_304 = arith.constant 1 : i32
        %add3A_305 = arith.addi %mul3A_303, %add3A_304 : i32
        %dma_start3A_306 = arith.constant 0 : i32
        %dma_start3A_307 = tpu.memref_slice %arg7[%add3A_305, %dma_start3A_306] : memref<12x120xi32, #tpu.memory_space<vmem>> -> memref<1x120xi32, #tpu.memory_space<vmem>>
        %dma_start3A_308 = tpu.memref_squeeze %dma_start3A_307 : memref<1x120xi32, #tpu.memory_space<vmem>> -> memref<120xi32, #tpu.memory_space<vmem>>
        %dma_start3A_309 = arith.constant 0 : i32
        %dma_start3A_310 = arith.constant 0 : i32
        %dma_start3A_311 = tpu.memref_slice %arg2[%arg0, %dma_start3A_309, %dma_start3A_310] : memref<2x10240x128xf32, #tpu.memory_space<hbm>> -> memref<1x10240x128xf32, #tpu.memory_space<hbm>>
        %dma_start3A_312 = tpu.memref_squeeze %dma_start3A_311 : memref<1x10240x128xf32, #tpu.memory_space<hbm>> -> memref<10240x128xf32, #tpu.memory_space<hbm>>
        %dma_start3A_313 = arith.constant 0 : i32
        %dma_start3A_314 = arith.constant 0 : i32
        %dma_start3A_315 = tpu.memref_slice %dma_start3A_312[%dma_start3A_313, %dma_start3A_314] : memref<10240x128xf32, #tpu.memory_space<hbm>> -> memref<10240x128xf32, #tpu.memory_space<hbm>>
        tpu.enqueue_indirect_dma source(%dma_start3A_315 : memref<10240x128xf32, #tpu.memory_space<hbm>>) target(%arg10 : memref<120x128xf32, #tpu.memory_space<vmem>>) offsets(%dma_start3A_308 : memref<120xi32, #tpu.memory_space<vmem>>) semaphore(%arg13 : memref<!tpu.dma_semaphore, #tpu.memory_space<semaphore_mem>>)
      } else {
      }
      %scan3A_295 = arith.constant 0 : i32
      scf.yield %scan3A_295 : i32
    }
    %scan3A_27 = arith.constant 14 : i32
    %dma_wait3A = arith.constant 9 : i32
    %dma_wait3A_28 = arith.constant 0 : i32
    %dma_wait3A_29 = tpu.memref_slice %arg8[%dma_wait3A, %dma_wait3A_28] : memref<12x120xi32, #tpu.memory_space<vmem>> -> memref<1x120xi32, #tpu.memory_space<vmem>>
    %dma_wait3A_30 = tpu.memref_squeeze %dma_wait3A_29 : memref<1x120xi32, #tpu.memory_space<vmem>> -> memref<120xi32, #tpu.memory_space<vmem>>
    %dma_wait3A_31 = arith.constant 0 : i32
    %dma_wait3A_32 = arith.constant 0 : i32
    %dma_wait3A_33 = tpu.memref_slice %arg6[%dma_wait3A_31, %dma_wait3A_32] : memref<10240x128xf32, #tpu.memory_space<vmem_shared>> -> memref<10240x128xf32, #tpu.memory_space<vmem_shared>>
    tpu.wait_indirect_dma semaphore(%arg15 : memref<!tpu.dma_semaphore, #tpu.memory_space<semaphore_mem>>) src(%arg9 : memref<120x128xf32, #tpu.memory_space<vmem>>) dst(%dma_wait3A_33 : memref<10240x128xf32, #tpu.memory_space<vmem_shared>>)
    %dma_wait3A_34 = arith.constant 10 : i32
    %dma_wait3A_35 = arith.constant 0 : i32
    %dma_wait3A_36 = tpu.memref_slice %arg8[%dma_wait3A_34, %dma_wait3A_35] : memref<12x120xi32, #tpu.memory_space<vmem>> -> memref<1x120xi32, #tpu.memory_space<vmem>>
    %dma_wait3A_37 = tpu.memref_squeeze %dma_wait3A_36 : memref<1x120xi32, #tpu.memory_space<vmem>> -> memref<120xi32, #tpu.memory_space<vmem>>
    %dma_wait3A_38 = arith.constant 0 : i32
    %dma_wait3A_39 = arith.constant 0 : i32
    %dma_wait3A_40 = tpu.memref_slice %arg6[%dma_wait3A_38, %dma_wait3A_39] : memref<10240x128xf32, #tpu.memory_space<vmem_shared>> -> memref<10240x128xf32, #tpu.memory_space<vmem_shared>>
    tpu.wait_indirect_dma semaphore(%arg16 : memref<!tpu.dma_semaphore, #tpu.memory_space<semaphore_mem>>) src(%arg10 : memref<120x128xf32, #tpu.memory_space<vmem>>) dst(%dma_wait3A_40 : memref<10240x128xf32, #tpu.memory_space<vmem_shared>>)
    %dma_wait3A_41 = arith.constant 11 : i32
    %dma_wait3A_42 = arith.constant 0 : i32
    %dma_wait3A_43 = tpu.memref_slice %arg8[%dma_wait3A_41, %dma_wait3A_42] : memref<12x120xi32, #tpu.memory_space<vmem>> -> memref<1x120xi32, #tpu.memory_space<vmem>>
    %dma_wait3A_44 = tpu.memref_squeeze %dma_wait3A_43 : memref<1x120xi32, #tpu.memory_space<vmem>> -> memref<120xi32, #tpu.memory_space<vmem>>
    %dma_wait3A_45 = arith.constant 0 : i32
    %dma_wait3A_46 = arith.constant 0 : i32
    %dma_wait3A_47 = tpu.memref_slice %arg6[%dma_wait3A_45, %dma_wait3A_46] : memref<10240x128xf32, #tpu.memory_space<vmem_shared>> -> memref<10240x128xf32, #tpu.memory_space<vmem_shared>>
    tpu.wait_indirect_dma semaphore(%arg17 : memref<!tpu.dma_semaphore, #tpu.memory_space<semaphore_mem>>) src(%arg11 : memref<120x128xf32, #tpu.memory_space<vmem>>) dst(%dma_wait3A_47 : memref<10240x128xf32, #tpu.memory_space<vmem_shared>>)
    %barrier3A_48 = arith.constant 0 : index
    tpu.barrier barrier_id(%barrier3A_48)
    "tpu.region"() ({
      %run_scoped3A = tpu.sem_alloc : memref<!tpu.dma_semaphore, #tpu.memory_space<semaphore_mem>>
      %dma_start3A_49 = arith.constant 0 : i32
      %dma_start3A_50 = arith.constant 0 : i32
      %dma_start3A_51 = tpu.memref_slice %arg5[%arg0, %dma_start3A_49, %dma_start3A_50] : memref<2x10240x128xf32, #tpu.memory_space<hbm>> -> memref<1x10240x128xf32, #tpu.memory_space<hbm>>
      %dma_start3A_52 = tpu.memref_squeeze %dma_start3A_51 : memref<1x10240x128xf32, #tpu.memory_space<hbm>> -> memref<10240x128xf32, #tpu.memory_space<hbm>>
      %dma_start3A_53 = arith.constant 0 : i32
      %dma_start3A_54 = tpu.memref_slice %dma_start3A_52[%mul3A_0, %dma_start3A_53] : memref<10240x128xf32, #tpu.memory_space<hbm>> -> memref<640x128xf32, #tpu.memory_space<hbm>>
      %dma_start3A_55 = arith.constant 0 : i32
      %dma_start3A_56 = tpu.memref_slice %arg6[%mul3A_0, %dma_start3A_55] : memref<10240x128xf32, #tpu.memory_space<vmem_shared>> -> memref<640x128xf32, #tpu.memory_space<vmem_shared>>
      tpu.enqueue_dma source(%dma_start3A_56 : memref<640x128xf32, #tpu.memory_space<vmem_shared>>) target(%dma_start3A_54 : memref<640x128xf32, #tpu.memory_space<hbm>>) target_semaphore(%run_scoped3A : memref<!tpu.dma_semaphore, #tpu.memory_space<semaphore_mem>>)
      %dma_wait3A_57 = arith.constant 0 : i32
      %dma_wait3A_58 = arith.constant 0 : i32
      %dma_wait3A_59 = tpu.memref_slice %arg5[%arg0, %dma_wait3A_57, %dma_wait3A_58] : memref<2x10240x128xf32, #tpu.memory_space<hbm>> -> memref<1x10240x128xf32, #tpu.memory_space<hbm>>
      %dma_wait3A_60 = tpu.memref_squeeze %dma_wait3A_59 : memref<1x10240x128xf32, #tpu.memory_space<hbm>> -> memref<10240x128xf32, #tpu.memory_space<hbm>>
      %dma_wait3A_61 = arith.constant 0 : i32
      %dma_wait3A_62 = tpu.memref_slice %dma_wait3A_60[%mul3A_0, %dma_wait3A_61] : memref<10240x128xf32, #tpu.memory_space<hbm>> -> memref<640x128xf32, #tpu.memory_space<hbm>>
      %dma_wait3A_63 = arith.constant 0 : i32
      %dma_wait3A_64 = tpu.memref_slice %arg6[%mul3A_0, %dma_wait3A_63] : memref<10240x128xf32, #tpu.memory_space<vmem_shared>> -> memref<640x128xf32, #tpu.memory_space<vmem_shared>>
      tpu.wait_dma2 semaphore(%run_scoped3A : memref<!tpu.dma_semaphore, #tpu.memory_space<semaphore_mem>>) src(%dma_wait3A_64 : memref<640x128xf32, #tpu.memory_space<vmem_shared>>) dst(%dma_wait3A_62 : memref<640x128xf32, #tpu.memory_space<hbm>>)
      tpu.yield
    }) : () -> ()
    return
  }
}

#map = affine_map<(d0, d1) -> (0, 0, 0)>
module attributes {stable_mosaic.version = 14 : i64} {
  func.func @_deg_body(%arg0: i32, %arg1: i32, %arg2: memref<32x40x128xi32, #tpu.memory_space<hbm>>, %arg3: memref<2x10240x16xf32, #tpu.memory_space<hbm>>, %arg4: memref<10240x16xf32, #tpu.memory_space<vmem_shared>>, %arg5: memref<40x128xi32, #tpu.memory_space<vmem>>, %arg6: memref<128x16xf32, #tpu.memory_space<vmem>>, %arg7: memref<128x16xf32, #tpu.memory_space<vmem>>, %arg8: memref<128x16xf32, #tpu.memory_space<vmem>>, %arg9: memref<!tpu.dma_semaphore, #tpu.memory_space<semaphore_mem>>) attributes {dimension_semantics = [#tpu.dimension_semantics<core_parallel>, #tpu.dimension_semantics<subcore_parallel>], iteration_bounds = array<i64: 2, 16>, scalar_prefetch = 0 : i64, scratch_operands = 6 : i64, tpu.core_type = #tpu.core_type<sc_vector_subcore>, window_params = [{transform_indices = #map}, {transform_indices = #map}]} {
    %mul3A = arith.constant 16 : i32
    %mul3A_0 = arith.muli %arg0, %mul3A : i32
    %add3A = arith.addi %mul3A_0, %arg1 : i32
    %scan3A = arith.constant 0 : i32
    %scan3A_1 = arith.constant 0 : i32
    %scan3A_2 = arith.constant 128 : i32
    %scan3A_3 = arith.addi %scan3A_1, %scan3A_2 : i32
    %scan3A_4 = arith.constant 1 : i32
    %scan3A_5 = scf.for %scan3A_51 = %scan3A_1 to %scan3A_3 step %scan3A_4 iter_args(%scan3A_52 = %scan3A) -> (i32)  : i32 {
      %jit3A = arith.constant 1 : i32
      %div3A = arith.divsi %scan3A_51, %jit3A : i32
      %sign3A = arith.constant 0 : i32
      %sign3A_53 = arith.cmpi sgt, %scan3A_51, %sign3A : i32
      %sign3A_54 = arith.extui %sign3A_53 : i1 to i32
      %sign3A_55 = arith.constant 0 : i32
      %sign3A_56 = arith.cmpi slt, %scan3A_51, %sign3A_55 : i32
      %sign3A_57 = arith.extui %sign3A_56 : i1 to i32
      %sign3A_58 = arith.subi %sign3A_54, %sign3A_57 : i32
      %sign3A_59 = arith.constant 0 : i32
      %sign3A_60 = arith.cmpi sgt, %jit3A, %sign3A_59 : i32
      %sign3A_61 = arith.extui %sign3A_60 : i1 to i32
      %sign3A_62 = arith.constant 0 : i32
      %sign3A_63 = arith.cmpi slt, %jit3A, %sign3A_62 : i32
      %sign3A_64 = arith.extui %sign3A_63 : i1 to i32
      %sign3A_65 = arith.subi %sign3A_61, %sign3A_64 : i32
      %ne3A = arith.cmpi ne, %sign3A_58, %sign3A_65 : i32
      %rem3A = arith.remsi %scan3A_51, %jit3A : i32
      %ne3A_66 = arith.constant 0 : i32
      %ne3A_67 = arith.cmpi ne, %rem3A, %ne3A_66 : i32
      %and3A = arith.andi %ne3A, %ne3A_67 : i1
      %sub3A = arith.constant 1 : i32
      %sub3A_68 = arith.subi %div3A, %sub3A : i32
      %select_n3A = arith.select %and3A, %sub3A_68, %div3A : i32
      %jit3A_69 = arith.constant 1 : i32
      %eq3A = arith.constant 0 : i32
      %eq3A_70 = arith.cmpi eq, %jit3A_69, %eq3A : i32
      %jit3A_71 = arith.constant 1 : i32
      %select_n3A_72 = arith.select %eq3A_70, %jit3A_71, %jit3A_69 : i32
      %rem3A_73 = arith.remsi %scan3A_51, %select_n3A_72 : i32
      %ne3A_74 = arith.constant 0 : i32
      %ne3A_75 = arith.cmpi ne, %rem3A_73, %ne3A_74 : i32
      %lt3A = arith.constant 0 : i32
      %lt3A_76 = arith.cmpi slt, %rem3A_73, %lt3A : i32
      %lt3A_77 = arith.constant 0 : i32
      %lt3A_78 = arith.cmpi slt, %select_n3A_72, %lt3A_77 : i32
      %ne3A_79 = arith.xori %lt3A_76, %lt3A_78 : i1
      %and3A_80 = arith.andi %ne3A_79, %ne3A_75 : i1
      %add3A_81 = arith.addi %rem3A_73, %select_n3A_72 : i32
      %select_n3A_82 = arith.select %and3A_80, %add3A_81, %rem3A_73 : i32
      %broadcast_in_dim3A = arith.constant 1.000000e+00 : f32
      %broadcast_in_dim3A_83 = vector.broadcast %broadcast_in_dim3A : f32 to vector<16xf32>
      %mul3A_84 = arith.constant 16 : i32
      %mul3A_85 = arith.muli %select_n3A_82, %mul3A_84 : i32
      %swap3A = arith.index_cast %select_n3A : i32 to index
      %swap3A_86 = arith.index_cast %mul3A_85 : i32 to index
      %swap3A_87 = tpu.vector_load %arg6[%swap3A, %swap3A_86] {strides = array<i32>} : memref<128x16xf32, #tpu.memory_space<vmem>>, vector<1x16xf32>,
      %swap3A_88 = vector.shape_cast %swap3A_87 : vector<1x16xf32> to vector<16xf32>
      %swap3A_89 = vector.shape_cast %broadcast_in_dim3A_83 : vector<16xf32> to vector<1x16xf32>
      tpu.vector_store %arg6[%swap3A, %swap3A_86], %swap3A_89 {strides = array<i32>} : memref<128x16xf32, #tpu.memory_space<vmem>>, vector<1x16xf32>,
      %scan3A_90 = arith.constant 0 : i32
      scf.yield %scan3A_90 : i32
    }
    %scan3A_6 = arith.constant 128 : i32
    %scan3A_7 = arith.constant 0 : i32
    %scan3A_8 = arith.constant 0 : i32
    %scan3A_9 = arith.constant 128 : i32
    %scan3A_10 = arith.addi %scan3A_8, %scan3A_9 : i32
    %scan3A_11 = arith.constant 1 : i32
    %scan3A_12 = scf.for %scan3A_51 = %scan3A_8 to %scan3A_10 step %scan3A_11 iter_args(%scan3A_52 = %scan3A_7) -> (i32)  : i32 {
      %jit3A = arith.constant 1 : i32
      %div3A = arith.divsi %scan3A_51, %jit3A : i32
      %sign3A = arith.constant 0 : i32
      %sign3A_53 = arith.cmpi sgt, %scan3A_51, %sign3A : i32
      %sign3A_54 = arith.extui %sign3A_53 : i1 to i32
      %sign3A_55 = arith.constant 0 : i32
      %sign3A_56 = arith.cmpi slt, %scan3A_51, %sign3A_55 : i32
      %sign3A_57 = arith.extui %sign3A_56 : i1 to i32
      %sign3A_58 = arith.subi %sign3A_54, %sign3A_57 : i32
      %sign3A_59 = arith.constant 0 : i32
      %sign3A_60 = arith.cmpi sgt, %jit3A, %sign3A_59 : i32
      %sign3A_61 = arith.extui %sign3A_60 : i1 to i32
      %sign3A_62 = arith.constant 0 : i32
      %sign3A_63 = arith.cmpi slt, %jit3A, %sign3A_62 : i32
      %sign3A_64 = arith.extui %sign3A_63 : i1 to i32
      %sign3A_65 = arith.subi %sign3A_61, %sign3A_64 : i32
      %ne3A = arith.cmpi ne, %sign3A_58, %sign3A_65 : i32
      %rem3A = arith.remsi %scan3A_51, %jit3A : i32
      %ne3A_66 = arith.constant 0 : i32
      %ne3A_67 = arith.cmpi ne, %rem3A, %ne3A_66 : i32
      %and3A = arith.andi %ne3A, %ne3A_67 : i1
      %sub3A = arith.constant 1 : i32
      %sub3A_68 = arith.subi %div3A, %sub3A : i32
      %select_n3A = arith.select %and3A, %sub3A_68, %div3A : i32
      %jit3A_69 = arith.constant 1 : i32
      %eq3A = arith.constant 0 : i32
      %eq3A_70 = arith.cmpi eq, %jit3A_69, %eq3A : i32
      %jit3A_71 = arith.constant 1 : i32
      %select_n3A_72 = arith.select %eq3A_70, %jit3A_71, %jit3A_69 : i32
      %rem3A_73 = arith.remsi %scan3A_51, %select_n3A_72 : i32
      %ne3A_74 = arith.constant 0 : i32
      %ne3A_75 = arith.cmpi ne, %rem3A_73, %ne3A_74 : i32
      %lt3A = arith.constant 0 : i32
      %lt3A_76 = arith.cmpi slt, %rem3A_73, %lt3A : i32
      %lt3A_77 = arith.constant 0 : i32
      %lt3A_78 = arith.cmpi slt, %select_n3A_72, %lt3A_77 : i32
      %ne3A_79 = arith.xori %lt3A_76, %lt3A_78 : i1
      %and3A_80 = arith.andi %ne3A_79, %ne3A_75 : i1
      %add3A_81 = arith.addi %rem3A_73, %select_n3A_72 : i32
      %select_n3A_82 = arith.select %and3A_80, %add3A_81, %rem3A_73 : i32
      %broadcast_in_dim3A = arith.constant 0.000000e+00 : f32
      %broadcast_in_dim3A_83 = vector.broadcast %broadcast_in_dim3A : f32 to vector<16xf32>
      %mul3A_84 = arith.constant 16 : i32
      %mul3A_85 = arith.muli %select_n3A_82, %mul3A_84 : i32
      %swap3A = arith.index_cast %select_n3A : i32 to index
      %swap3A_86 = arith.index_cast %mul3A_85 : i32 to index
      %swap3A_87 = tpu.vector_load %arg7[%swap3A, %swap3A_86] {strides = array<i32>} : memref<128x16xf32, #tpu.memory_space<vmem>>, vector<1x16xf32>,
      %swap3A_88 = vector.shape_cast %swap3A_87 : vector<1x16xf32> to vector<16xf32>
      %swap3A_89 = vector.shape_cast %broadcast_in_dim3A_83 : vector<16xf32> to vector<1x16xf32>
      tpu.vector_store %arg7[%swap3A, %swap3A_86], %swap3A_89 {strides = array<i32>} : memref<128x16xf32, #tpu.memory_space<vmem>>, vector<1x16xf32>,
      %scan3A_90 = arith.constant 0 : i32
      scf.yield %scan3A_90 : i32
    }
    %scan3A_13 = arith.constant 128 : i32
    %mul3A_14 = arith.constant 640 : i32
    %mul3A_15 = arith.muli %arg1, %mul3A_14 : i32
    %add3A_16 = arith.constant 0 : i32
    %add3A_17 = arith.addi %mul3A_15, %add3A_16 : i32
    "tpu.region"() ({
      %run_scoped3A = tpu.sem_alloc : memref<!tpu.dma_semaphore, #tpu.memory_space<semaphore_mem>>
      %dma_start3A = arith.constant 0 : i32
      %dma_start3A_51 = tpu.memref_slice %arg4[%add3A_17, %dma_start3A] : memref<10240x16xf32, #tpu.memory_space<vmem_shared>> -> memref<128x16xf32, #tpu.memory_space<vmem_shared>>
      %dma_start3A_52 = arith.constant 0 : i32
      %dma_start3A_53 = tpu.memref_slice %arg4[%add3A_17, %dma_start3A_52] : memref<10240x16xf32, #tpu.memory_space<vmem_shared>> -> memref<128x16xf32, #tpu.memory_space<vmem_shared>>
      tpu.enqueue_dma source(%arg7 : memref<128x16xf32, #tpu.memory_space<vmem>>) target(%dma_start3A_53 : memref<128x16xf32, #tpu.memory_space<vmem_shared>>) target_semaphore(%run_scoped3A : memref<!tpu.dma_semaphore, #tpu.memory_space<semaphore_mem>>)
      %dma_wait3A = arith.constant 0 : i32
      %dma_wait3A_54 = tpu.memref_slice %arg4[%add3A_17, %dma_wait3A] : memref<10240x16xf32, #tpu.memory_space<vmem_shared>> -> memref<128x16xf32, #tpu.memory_space<vmem_shared>>
      %dma_wait3A_55 = arith.constant 0 : i32
      %dma_wait3A_56 = tpu.memref_slice %arg4[%add3A_17, %dma_wait3A_55] : memref<10240x16xf32, #tpu.memory_space<vmem_shared>> -> memref<128x16xf32, #tpu.memory_space<vmem_shared>>
      tpu.wait_dma2 semaphore(%run_scoped3A : memref<!tpu.dma_semaphore, #tpu.memory_space<semaphore_mem>>) src(%arg7 : memref<128x16xf32, #tpu.memory_space<vmem>>) dst(%dma_wait3A_56 : memref<128x16xf32, #tpu.memory_space<vmem_shared>>)
      tpu.yield
    }) : () -> ()
    %add3A_18 = arith.constant 128 : i32
    %add3A_19 = arith.addi %mul3A_15, %add3A_18 : i32
    "tpu.region"() ({
      %run_scoped3A = tpu.sem_alloc : memref<!tpu.dma_semaphore, #tpu.memory_space<semaphore_mem>>
      %dma_start3A = arith.constant 0 : i32
      %dma_start3A_51 = tpu.memref_slice %arg4[%add3A_19, %dma_start3A] : memref<10240x16xf32, #tpu.memory_space<vmem_shared>> -> memref<128x16xf32, #tpu.memory_space<vmem_shared>>
      %dma_start3A_52 = arith.constant 0 : i32
      %dma_start3A_53 = tpu.memref_slice %arg4[%add3A_19, %dma_start3A_52] : memref<10240x16xf32, #tpu.memory_space<vmem_shared>> -> memref<128x16xf32, #tpu.memory_space<vmem_shared>>
      tpu.enqueue_dma source(%arg7 : memref<128x16xf32, #tpu.memory_space<vmem>>) target(%dma_start3A_53 : memref<128x16xf32, #tpu.memory_space<vmem_shared>>) target_semaphore(%run_scoped3A : memref<!tpu.dma_semaphore, #tpu.memory_space<semaphore_mem>>)
      %dma_wait3A = arith.constant 0 : i32
      %dma_wait3A_54 = tpu.memref_slice %arg4[%add3A_19, %dma_wait3A] : memref<10240x16xf32, #tpu.memory_space<vmem_shared>> -> memref<128x16xf32, #tpu.memory_space<vmem_shared>>
      %dma_wait3A_55 = arith.constant 0 : i32
      %dma_wait3A_56 = tpu.memref_slice %arg4[%add3A_19, %dma_wait3A_55] : memref<10240x16xf32, #tpu.memory_space<vmem_shared>> -> memref<128x16xf32, #tpu.memory_space<vmem_shared>>
      tpu.wait_dma2 semaphore(%run_scoped3A : memref<!tpu.dma_semaphore, #tpu.memory_space<semaphore_mem>>) src(%arg7 : memref<128x16xf32, #tpu.memory_space<vmem>>) dst(%dma_wait3A_56 : memref<128x16xf32, #tpu.memory_space<vmem_shared>>)
      tpu.yield
    }) : () -> ()
    %add3A_20 = arith.constant 256 : i32
    %add3A_21 = arith.addi %mul3A_15, %add3A_20 : i32
    "tpu.region"() ({
      %run_scoped3A = tpu.sem_alloc : memref<!tpu.dma_semaphore, #tpu.memory_space<semaphore_mem>>
      %dma_start3A = arith.constant 0 : i32
      %dma_start3A_51 = tpu.memref_slice %arg4[%add3A_21, %dma_start3A] : memref<10240x16xf32, #tpu.memory_space<vmem_shared>> -> memref<128x16xf32, #tpu.memory_space<vmem_shared>>
      %dma_start3A_52 = arith.constant 0 : i32
      %dma_start3A_53 = tpu.memref_slice %arg4[%add3A_21, %dma_start3A_52] : memref<10240x16xf32, #tpu.memory_space<vmem_shared>> -> memref<128x16xf32, #tpu.memory_space<vmem_shared>>
      tpu.enqueue_dma source(%arg7 : memref<128x16xf32, #tpu.memory_space<vmem>>) target(%dma_start3A_53 : memref<128x16xf32, #tpu.memory_space<vmem_shared>>) target_semaphore(%run_scoped3A : memref<!tpu.dma_semaphore, #tpu.memory_space<semaphore_mem>>)
      %dma_wait3A = arith.constant 0 : i32
      %dma_wait3A_54 = tpu.memref_slice %arg4[%add3A_21, %dma_wait3A] : memref<10240x16xf32, #tpu.memory_space<vmem_shared>> -> memref<128x16xf32, #tpu.memory_space<vmem_shared>>
      %dma_wait3A_55 = arith.constant 0 : i32
      %dma_wait3A_56 = tpu.memref_slice %arg4[%add3A_21, %dma_wait3A_55] : memref<10240x16xf32, #tpu.memory_space<vmem_shared>> -> memref<128x16xf32, #tpu.memory_space<vmem_shared>>
      tpu.wait_dma2 semaphore(%run_scoped3A : memref<!tpu.dma_semaphore, #tpu.memory_space<semaphore_mem>>) src(%arg7 : memref<128x16xf32, #tpu.memory_space<vmem>>) dst(%dma_wait3A_56 : memref<128x16xf32, #tpu.memory_space<vmem_shared>>)
      tpu.yield
    }) : () -> ()
    %add3A_22 = arith.constant 384 : i32
    %add3A_23 = arith.addi %mul3A_15, %add3A_22 : i32
    "tpu.region"() ({
      %run_scoped3A = tpu.sem_alloc : memref<!tpu.dma_semaphore, #tpu.memory_space<semaphore_mem>>
      %dma_start3A = arith.constant 0 : i32
      %dma_start3A_51 = tpu.memref_slice %arg4[%add3A_23, %dma_start3A] : memref<10240x16xf32, #tpu.memory_space<vmem_shared>> -> memref<128x16xf32, #tpu.memory_space<vmem_shared>>
      %dma_start3A_52 = arith.constant 0 : i32
      %dma_start3A_53 = tpu.memref_slice %arg4[%add3A_23, %dma_start3A_52] : memref<10240x16xf32, #tpu.memory_space<vmem_shared>> -> memref<128x16xf32, #tpu.memory_space<vmem_shared>>
      tpu.enqueue_dma source(%arg7 : memref<128x16xf32, #tpu.memory_space<vmem>>) target(%dma_start3A_53 : memref<128x16xf32, #tpu.memory_space<vmem_shared>>) target_semaphore(%run_scoped3A : memref<!tpu.dma_semaphore, #tpu.memory_space<semaphore_mem>>)
      %dma_wait3A = arith.constant 0 : i32
      %dma_wait3A_54 = tpu.memref_slice %arg4[%add3A_23, %dma_wait3A] : memref<10240x16xf32, #tpu.memory_space<vmem_shared>> -> memref<128x16xf32, #tpu.memory_space<vmem_shared>>
      %dma_wait3A_55 = arith.constant 0 : i32
      %dma_wait3A_56 = tpu.memref_slice %arg4[%add3A_23, %dma_wait3A_55] : memref<10240x16xf32, #tpu.memory_space<vmem_shared>> -> memref<128x16xf32, #tpu.memory_space<vmem_shared>>
      tpu.wait_dma2 semaphore(%run_scoped3A : memref<!tpu.dma_semaphore, #tpu.memory_space<semaphore_mem>>) src(%arg7 : memref<128x16xf32, #tpu.memory_space<vmem>>) dst(%dma_wait3A_56 : memref<128x16xf32, #tpu.memory_space<vmem_shared>>)
      tpu.yield
    }) : () -> ()
    %add3A_24 = arith.constant 512 : i32
    %add3A_25 = arith.addi %mul3A_15, %add3A_24 : i32
    "tpu.region"() ({
      %run_scoped3A = tpu.sem_alloc : memref<!tpu.dma_semaphore, #tpu.memory_space<semaphore_mem>>
      %dma_start3A = arith.constant 0 : i32
      %dma_start3A_51 = tpu.memref_slice %arg4[%add3A_25, %dma_start3A] : memref<10240x16xf32, #tpu.memory_space<vmem_shared>> -> memref<128x16xf32, #tpu.memory_space<vmem_shared>>
      %dma_start3A_52 = arith.constant 0 : i32
      %dma_start3A_53 = tpu.memref_slice %arg4[%add3A_25, %dma_start3A_52] : memref<10240x16xf32, #tpu.memory_space<vmem_shared>> -> memref<128x16xf32, #tpu.memory_space<vmem_shared>>
      tpu.enqueue_dma source(%arg7 : memref<128x16xf32, #tpu.memory_space<vmem>>) target(%dma_start3A_53 : memref<128x16xf32, #tpu.memory_space<vmem_shared>>) target_semaphore(%run_scoped3A : memref<!tpu.dma_semaphore, #tpu.memory_space<semaphore_mem>>)
      %dma_wait3A = arith.constant 0 : i32
      %dma_wait3A_54 = tpu.memref_slice %arg4[%add3A_25, %dma_wait3A] : memref<10240x16xf32, #tpu.memory_space<vmem_shared>> -> memref<128x16xf32, #tpu.memory_space<vmem_shared>>
      %dma_wait3A_55 = arith.constant 0 : i32
      %dma_wait3A_56 = tpu.memref_slice %arg4[%add3A_25, %dma_wait3A_55] : memref<10240x16xf32, #tpu.memory_space<vmem_shared>> -> memref<128x16xf32, #tpu.memory_space<vmem_shared>>
      tpu.wait_dma2 semaphore(%run_scoped3A : memref<!tpu.dma_semaphore, #tpu.memory_space<semaphore_mem>>) src(%arg7 : memref<128x16xf32, #tpu.memory_space<vmem>>) dst(%dma_wait3A_56 : memref<128x16xf32, #tpu.memory_space<vmem_shared>>)
      tpu.yield
    }) : () -> ()
    %barrier3A = arith.constant 0 : index
    tpu.barrier barrier_id(%barrier3A)
    "tpu.region"() ({
      %run_scoped3A = tpu.sem_alloc : memref<!tpu.dma_semaphore, #tpu.memory_space<semaphore_mem>>
      %dma_start3A = arith.constant 0 : i32
      %dma_start3A_51 = arith.constant 0 : i32
      %dma_start3A_52 = tpu.memref_slice %arg2[%add3A, %dma_start3A, %dma_start3A_51] : memref<32x40x128xi32, #tpu.memory_space<hbm>> -> memref<1x40x128xi32, #tpu.memory_space<hbm>>
      %dma_start3A_53 = tpu.memref_squeeze %dma_start3A_52 : memref<1x40x128xi32, #tpu.memory_space<hbm>> -> memref<40x128xi32, #tpu.memory_space<hbm>>
      %dma_start3A_54 = arith.constant 0 : i32
      %dma_start3A_55 = arith.constant 0 : i32
      %dma_start3A_56 = tpu.memref_slice %arg2[%add3A, %dma_start3A_54, %dma_start3A_55] : memref<32x40x128xi32, #tpu.memory_space<hbm>> -> memref<1x40x128xi32, #tpu.memory_space<hbm>>
      %dma_start3A_57 = tpu.memref_squeeze %dma_start3A_56 : memref<1x40x128xi32, #tpu.memory_space<hbm>> -> memref<40x128xi32, #tpu.memory_space<hbm>>
      tpu.enqueue_dma source(%dma_start3A_57 : memref<40x128xi32, #tpu.memory_space<hbm>>) target(%arg5 : memref<40x128xi32, #tpu.memory_space<vmem>>) target_semaphore(%run_scoped3A : memref<!tpu.dma_semaphore, #tpu.memory_space<semaphore_mem>>)
      %dma_wait3A = arith.constant 0 : i32
      %dma_wait3A_58 = arith.constant 0 : i32
      %dma_wait3A_59 = tpu.memref_slice %arg2[%add3A, %dma_wait3A, %dma_wait3A_58] : memref<32x40x128xi32, #tpu.memory_space<hbm>> -> memref<1x40x128xi32, #tpu.memory_space<hbm>>
      %dma_wait3A_60 = tpu.memref_squeeze %dma_wait3A_59 : memref<1x40x128xi32, #tpu.memory_space<hbm>> -> memref<40x128xi32, #tpu.memory_space<hbm>>
      %dma_wait3A_61 = arith.constant 0 : i32
      %dma_wait3A_62 = arith.constant 0 : i32
      %dma_wait3A_63 = tpu.memref_slice %arg2[%add3A, %dma_wait3A_61, %dma_wait3A_62] : memref<32x40x128xi32, #tpu.memory_space<hbm>> -> memref<1x40x128xi32, #tpu.memory_space<hbm>>
      %dma_wait3A_64 = tpu.memref_squeeze %dma_wait3A_63 : memref<1x40x128xi32, #tpu.memory_space<hbm>> -> memref<40x128xi32, #tpu.memory_space<hbm>>
      tpu.wait_dma2 semaphore(%run_scoped3A : memref<!tpu.dma_semaphore, #tpu.memory_space<semaphore_mem>>) src(%dma_wait3A_64 : memref<40x128xi32, #tpu.memory_space<hbm>>) dst(%arg5 : memref<40x128xi32, #tpu.memory_space<vmem>>)
      tpu.yield
    }) : () -> ()
    %scan3A_26 = arith.constant 0 : i32
    %scan3A_27 = arith.constant 0 : i32
    %scan3A_28 = arith.constant 40 : i32
    %scan3A_29 = arith.addi %scan3A_27, %scan3A_28 : i32
    %scan3A_30 = arith.constant 1 : i32
    %scan3A_31 = scf.for %scan3A_51 = %scan3A_27 to %scan3A_29 step %scan3A_30 iter_args(%scan3A_52 = %scan3A_26) -> (i32)  : i32 {
      %dma_start3A = arith.constant 0 : i32
      %dma_start3A_53 = tpu.memref_slice %arg5[%scan3A_51, %dma_start3A] : memref<40x128xi32, #tpu.memory_space<vmem>> -> memref<1x128xi32, #tpu.memory_space<vmem>>
      %dma_start3A_54 = tpu.memref_squeeze %dma_start3A_53 : memref<1x128xi32, #tpu.memory_space<vmem>> -> memref<128xi32, #tpu.memory_space<vmem>>
      %dma_start3A_55 = arith.constant 0 : i32
      %dma_start3A_56 = arith.constant 0 : i32
      %dma_start3A_57 = tpu.memref_slice %arg4[%dma_start3A_55, %dma_start3A_56] : memref<10240x16xf32, #tpu.memory_space<vmem_shared>> -> memref<10240x16xf32, #tpu.memory_space<vmem_shared>>
      tpu.enqueue_indirect_dma source(%arg6 : memref<128x16xf32, #tpu.memory_space<vmem>>) target(%dma_start3A_57 : memref<10240x16xf32, #tpu.memory_space<vmem_shared>>) offsets(%dma_start3A_54 : memref<128xi32, #tpu.memory_space<vmem>>) semaphore(%arg9 : memref<!tpu.dma_semaphore, #tpu.memory_space<semaphore_mem>>) {add = true}
      %ge3A = arith.constant 8 : i32
      %ge3A_58 = arith.cmpi sge, %scan3A_51, %ge3A : i32
      %convert_element_type3A = arith.extui %ge3A_58 : i1 to i32
      %cond3A = arith.constant 0 : i32
      %cond3A_59 = arith.cmpi ne, %convert_element_type3A, %cond3A : i32
      scf.if %cond3A_59 {
        %dma_wait3A = arith.constant 0 : i32
        %dma_wait3A_61 = tpu.memref_slice %arg5[%scan3A_51, %dma_wait3A] : memref<40x128xi32, #tpu.memory_space<vmem>> -> memref<1x128xi32, #tpu.memory_space<vmem>>
        %dma_wait3A_62 = tpu.memref_squeeze %dma_wait3A_61 : memref<1x128xi32, #tpu.memory_space<vmem>> -> memref<128xi32, #tpu.memory_space<vmem>>
        %dma_wait3A_63 = arith.constant 0 : i32
        %dma_wait3A_64 = arith.constant 0 : i32
        %dma_wait3A_65 = tpu.memref_slice %arg4[%dma_wait3A_63, %dma_wait3A_64] : memref<10240x16xf32, #tpu.memory_space<vmem_shared>> -> memref<10240x16xf32, #tpu.memory_space<vmem_shared>>
        tpu.wait_indirect_dma semaphore(%arg9 : memref<!tpu.dma_semaphore, #tpu.memory_space<semaphore_mem>>) src(%arg6 : memref<128x16xf32, #tpu.memory_space<vmem>>) dst(%dma_wait3A_65 : memref<10240x16xf32, #tpu.memory_space<vmem_shared>>)
      } else {
      }
      %scan3A_60 = arith.constant 0 : i32
      scf.yield %scan3A_60 : i32
    }
    %scan3A_32 = arith.constant 40 : i32
    %scan3A_33 = arith.constant 0 : i32
    %scan3A_34 = arith.constant 0 : i32
    %scan3A_35 = arith.constant 8 : i32
    %scan3A_36 = arith.addi %scan3A_34, %scan3A_35 : i32
    %scan3A_37 = arith.constant 1 : i32
    %scan3A_38 = scf.for %scan3A_51 = %scan3A_34 to %scan3A_36 step %scan3A_37 iter_args(%scan3A_52 = %scan3A_33) -> (i32)  : i32 {
      %dma_wait3A = arith.constant 0 : i32
      %dma_wait3A_53 = tpu.memref_slice %arg5[%scan3A_51, %dma_wait3A] : memref<40x128xi32, #tpu.memory_space<vmem>> -> memref<1x128xi32, #tpu.memory_space<vmem>>
      %dma_wait3A_54 = tpu.memref_squeeze %dma_wait3A_53 : memref<1x128xi32, #tpu.memory_space<vmem>> -> memref<128xi32, #tpu.memory_space<vmem>>
      %dma_wait3A_55 = arith.constant 0 : i32
      %dma_wait3A_56 = arith.constant 0 : i32
      %dma_wait3A_57 = tpu.memref_slice %arg4[%dma_wait3A_55, %dma_wait3A_56] : memref<10240x16xf32, #tpu.memory_space<vmem_shared>> -> memref<10240x16xf32, #tpu.memory_space<vmem_shared>>
      tpu.wait_indirect_dma semaphore(%arg9 : memref<!tpu.dma_semaphore, #tpu.memory_space<semaphore_mem>>) src(%arg6 : memref<128x16xf32, #tpu.memory_space<vmem>>) dst(%dma_wait3A_57 : memref<10240x16xf32, #tpu.memory_space<vmem_shared>>)
      %scan3A_58 = arith.constant 0 : i32
      scf.yield %scan3A_58 : i32
    }
    %scan3A_39 = arith.constant 8 : i32
    %barrier3A_40 = arith.constant 0 : index
    tpu.barrier barrier_id(%barrier3A_40)
    %add3A_41 = arith.constant 0 : i32
    %add3A_42 = arith.addi %mul3A_15, %add3A_41 : i32
    "tpu.region"() ({
      %run_scoped3A = tpu.sem_alloc : memref<!tpu.dma_semaphore, #tpu.memory_space<semaphore_mem>>
      %dma_start3A = arith.constant 0 : i32
      %dma_start3A_51 = tpu.memref_slice %arg4[%add3A_42, %dma_start3A] : memref<10240x16xf32, #tpu.memory_space<vmem_shared>> -> memref<128x16xf32, #tpu.memory_space<vmem_shared>>
      %dma_start3A_52 = arith.constant 0 : i32
      %dma_start3A_53 = tpu.memref_slice %arg4[%add3A_42, %dma_start3A_52] : memref<10240x16xf32, #tpu.memory_space<vmem_shared>> -> memref<128x16xf32, #tpu.memory_space<vmem_shared>>
      tpu.enqueue_dma source(%dma_start3A_53 : memref<128x16xf32, #tpu.memory_space<vmem_shared>>) target(%arg8 : memref<128x16xf32, #tpu.memory_space<vmem>>) target_semaphore(%run_scoped3A : memref<!tpu.dma_semaphore, #tpu.memory_space<semaphore_mem>>)
      %dma_wait3A = arith.constant 0 : i32
      %dma_wait3A_54 = tpu.memref_slice %arg4[%add3A_42, %dma_wait3A] : memref<10240x16xf32, #tpu.memory_space<vmem_shared>> -> memref<128x16xf32, #tpu.memory_space<vmem_shared>>
      %dma_wait3A_55 = arith.constant 0 : i32
      %dma_wait3A_56 = tpu.memref_slice %arg4[%add3A_42, %dma_wait3A_55] : memref<10240x16xf32, #tpu.memory_space<vmem_shared>> -> memref<128x16xf32, #tpu.memory_space<vmem_shared>>
      tpu.wait_dma2 semaphore(%run_scoped3A : memref<!tpu.dma_semaphore, #tpu.memory_space<semaphore_mem>>) src(%dma_wait3A_56 : memref<128x16xf32, #tpu.memory_space<vmem_shared>>) dst(%arg8 : memref<128x16xf32, #tpu.memory_space<vmem>>)
      tpu.yield
    }) : () -> ()
    "tpu.region"() ({
      %run_scoped3A = tpu.sem_alloc : memref<!tpu.dma_semaphore, #tpu.memory_space<semaphore_mem>>
      %dma_start3A = arith.constant 0 : i32
      %dma_start3A_51 = arith.constant 0 : i32
      %dma_start3A_52 = tpu.memref_slice %arg3[%arg0, %dma_start3A, %dma_start3A_51] : memref<2x10240x16xf32, #tpu.memory_space<hbm>> -> memref<1x10240x16xf32, #tpu.memory_space<hbm>>
      %dma_start3A_53 = tpu.memref_squeeze %dma_start3A_52 : memref<1x10240x16xf32, #tpu.memory_space<hbm>> -> memref<10240x16xf32, #tpu.memory_space<hbm>>
      %dma_start3A_54 = arith.constant 0 : i32
      %dma_start3A_55 = tpu.memref_slice %dma_start3A_53[%add3A_42, %dma_start3A_54] : memref<10240x16xf32, #tpu.memory_space<hbm>> -> memref<128x16xf32, #tpu.memory_space<hbm>>
      %dma_start3A_56 = arith.constant 0 : i32
      %dma_start3A_57 = arith.constant 0 : i32
      %dma_start3A_58 = tpu.memref_slice %arg3[%arg0, %dma_start3A_56, %dma_start3A_57] : memref<2x10240x16xf32, #tpu.memory_space<hbm>> -> memref<1x10240x16xf32, #tpu.memory_space<hbm>>
      %dma_start3A_59 = tpu.memref_squeeze %dma_start3A_58 : memref<1x10240x16xf32, #tpu.memory_space<hbm>> -> memref<10240x16xf32, #tpu.memory_space<hbm>>
      %dma_start3A_60 = arith.constant 0 : i32
      %dma_start3A_61 = tpu.memref_slice %dma_start3A_59[%add3A_42, %dma_start3A_60] : memref<10240x16xf32, #tpu.memory_space<hbm>> -> memref<128x16xf32, #tpu.memory_space<hbm>>
      tpu.enqueue_dma source(%arg8 : memref<128x16xf32, #tpu.memory_space<vmem>>) target(%dma_start3A_61 : memref<128x16xf32, #tpu.memory_space<hbm>>) target_semaphore(%run_scoped3A : memref<!tpu.dma_semaphore, #tpu.memory_space<semaphore_mem>>)
      %dma_wait3A = arith.constant 0 : i32
      %dma_wait3A_62 = arith.constant 0 : i32
      %dma_wait3A_63 = tpu.memref_slice %arg3[%arg0, %dma_wait3A, %dma_wait3A_62] : memref<2x10240x16xf32, #tpu.memory_space<hbm>> -> memref<1x10240x16xf32, #tpu.memory_space<hbm>>
      %dma_wait3A_64 = tpu.memref_squeeze %dma_wait3A_63 : memref<1x10240x16xf32, #tpu.memory_space<hbm>> -> memref<10240x16xf32, #tpu.memory_space<hbm>>
      %dma_wait3A_65 = arith.constant 0 : i32
      %dma_wait3A_66 = tpu.memref_slice %dma_wait3A_64[%add3A_42, %dma_wait3A_65] : memref<10240x16xf32, #tpu.memory_space<hbm>> -> memref<128x16xf32, #tpu.memory_space<hbm>>
      %dma_wait3A_67 = arith.constant 0 : i32
      %dma_wait3A_68 = arith.constant 0 : i32
      %dma_wait3A_69 = tpu.memref_slice %arg3[%arg0, %dma_wait3A_67, %dma_wait3A_68] : memref<2x10240x16xf32, #tpu.memory_space<hbm>> -> memref<1x10240x16xf32, #tpu.memory_space<hbm>>
      %dma_wait3A_70 = tpu.memref_squeeze %dma_wait3A_69 : memref<1x10240x16xf32, #tpu.memory_space<hbm>> -> memref<10240x16xf32, #tpu.memory_space<hbm>>
      %dma_wait3A_71 = arith.constant 0 : i32
      %dma_wait3A_72 = tpu.memref_slice %dma_wait3A_70[%add3A_42, %dma_wait3A_71] : memref<10240x16xf32, #tpu.memory_space<hbm>> -> memref<128x16xf32, #tpu.memory_space<hbm>>
      tpu.wait_dma2 semaphore(%run_scoped3A : memref<!tpu.dma_semaphore, #tpu.memory_space<semaphore_mem>>) src(%arg8 : memref<128x16xf32, #tpu.memory_space<vmem>>) dst(%dma_wait3A_72 : memref<128x16xf32, #tpu.memory_space<hbm>>)
      tpu.yield
    }) : () -> ()
    %add3A_43 = arith.constant 128 : i32
    %add3A_44 = arith.addi %mul3A_15, %add3A_43 : i32
    "tpu.region"() ({
      %run_scoped3A = tpu.sem_alloc : memref<!tpu.dma_semaphore, #tpu.memory_space<semaphore_mem>>
      %dma_start3A = arith.constant 0 : i32
      %dma_start3A_51 = tpu.memref_slice %arg4[%add3A_44, %dma_start3A] : memref<10240x16xf32, #tpu.memory_space<vmem_shared>> -> memref<128x16xf32, #tpu.memory_space<vmem_shared>>
      %dma_start3A_52 = arith.constant 0 : i32
      %dma_start3A_53 = tpu.memref_slice %arg4[%add3A_44, %dma_start3A_52] : memref<10240x16xf32, #tpu.memory_space<vmem_shared>> -> memref<128x16xf32, #tpu.memory_space<vmem_shared>>
      tpu.enqueue_dma source(%dma_start3A_53 : memref<128x16xf32, #tpu.memory_space<vmem_shared>>) target(%arg8 : memref<128x16xf32, #tpu.memory_space<vmem>>) target_semaphore(%run_scoped3A : memref<!tpu.dma_semaphore, #tpu.memory_space<semaphore_mem>>)
      %dma_wait3A = arith.constant 0 : i32
      %dma_wait3A_54 = tpu.memref_slice %arg4[%add3A_44, %dma_wait3A] : memref<10240x16xf32, #tpu.memory_space<vmem_shared>> -> memref<128x16xf32, #tpu.memory_space<vmem_shared>>
      %dma_wait3A_55 = arith.constant 0 : i32
      %dma_wait3A_56 = tpu.memref_slice %arg4[%add3A_44, %dma_wait3A_55] : memref<10240x16xf32, #tpu.memory_space<vmem_shared>> -> memref<128x16xf32, #tpu.memory_space<vmem_shared>>
      tpu.wait_dma2 semaphore(%run_scoped3A : memref<!tpu.dma_semaphore, #tpu.memory_space<semaphore_mem>>) src(%dma_wait3A_56 : memref<128x16xf32, #tpu.memory_space<vmem_shared>>) dst(%arg8 : memref<128x16xf32, #tpu.memory_space<vmem>>)
      tpu.yield
    }) : () -> ()
    "tpu.region"() ({
      %run_scoped3A = tpu.sem_alloc : memref<!tpu.dma_semaphore, #tpu.memory_space<semaphore_mem>>
      %dma_start3A = arith.constant 0 : i32
      %dma_start3A_51 = arith.constant 0 : i32
      %dma_start3A_52 = tpu.memref_slice %arg3[%arg0, %dma_start3A, %dma_start3A_51] : memref<2x10240x16xf32, #tpu.memory_space<hbm>> -> memref<1x10240x16xf32, #tpu.memory_space<hbm>>
      %dma_start3A_53 = tpu.memref_squeeze %dma_start3A_52 : memref<1x10240x16xf32, #tpu.memory_space<hbm>> -> memref<10240x16xf32, #tpu.memory_space<hbm>>
      %dma_start3A_54 = arith.constant 0 : i32
      %dma_start3A_55 = tpu.memref_slice %dma_start3A_53[%add3A_44, %dma_start3A_54] : memref<10240x16xf32, #tpu.memory_space<hbm>> -> memref<128x16xf32, #tpu.memory_space<hbm>>
      %dma_start3A_56 = arith.constant 0 : i32
      %dma_start3A_57 = arith.constant 0 : i32
      %dma_start3A_58 = tpu.memref_slice %arg3[%arg0, %dma_start3A_56, %dma_start3A_57] : memref<2x10240x16xf32, #tpu.memory_space<hbm>> -> memref<1x10240x16xf32, #tpu.memory_space<hbm>>
      %dma_start3A_59 = tpu.memref_squeeze %dma_start3A_58 : memref<1x10240x16xf32, #tpu.memory_space<hbm>> -> memref<10240x16xf32, #tpu.memory_space<hbm>>
      %dma_start3A_60 = arith.constant 0 : i32
      %dma_start3A_61 = tpu.memref_slice %dma_start3A_59[%add3A_44, %dma_start3A_60] : memref<10240x16xf32, #tpu.memory_space<hbm>> -> memref<128x16xf32, #tpu.memory_space<hbm>>
      tpu.enqueue_dma source(%arg8 : memref<128x16xf32, #tpu.memory_space<vmem>>) target(%dma_start3A_61 : memref<128x16xf32, #tpu.memory_space<hbm>>) target_semaphore(%run_scoped3A : memref<!tpu.dma_semaphore, #tpu.memory_space<semaphore_mem>>)
      %dma_wait3A = arith.constant 0 : i32
      %dma_wait3A_62 = arith.constant 0 : i32
      %dma_wait3A_63 = tpu.memref_slice %arg3[%arg0, %dma_wait3A, %dma_wait3A_62] : memref<2x10240x16xf32, #tpu.memory_space<hbm>> -> memref<1x10240x16xf32, #tpu.memory_space<hbm>>
      %dma_wait3A_64 = tpu.memref_squeeze %dma_wait3A_63 : memref<1x10240x16xf32, #tpu.memory_space<hbm>> -> memref<10240x16xf32, #tpu.memory_space<hbm>>
      %dma_wait3A_65 = arith.constant 0 : i32
      %dma_wait3A_66 = tpu.memref_slice %dma_wait3A_64[%add3A_44, %dma_wait3A_65] : memref<10240x16xf32, #tpu.memory_space<hbm>> -> memref<128x16xf32, #tpu.memory_space<hbm>>
      %dma_wait3A_67 = arith.constant 0 : i32
      %dma_wait3A_68 = arith.constant 0 : i32
      %dma_wait3A_69 = tpu.memref_slice %arg3[%arg0, %dma_wait3A_67, %dma_wait3A_68] : memref<2x10240x16xf32, #tpu.memory_space<hbm>> -> memref<1x10240x16xf32, #tpu.memory_space<hbm>>
      %dma_wait3A_70 = tpu.memref_squeeze %dma_wait3A_69 : memref<1x10240x16xf32, #tpu.memory_space<hbm>> -> memref<10240x16xf32, #tpu.memory_space<hbm>>
      %dma_wait3A_71 = arith.constant 0 : i32
      %dma_wait3A_72 = tpu.memref_slice %dma_wait3A_70[%add3A_44, %dma_wait3A_71] : memref<10240x16xf32, #tpu.memory_space<hbm>> -> memref<128x16xf32, #tpu.memory_space<hbm>>
      tpu.wait_dma2 semaphore(%run_scoped3A : memref<!tpu.dma_semaphore, #tpu.memory_space<semaphore_mem>>) src(%arg8 : memref<128x16xf32, #tpu.memory_space<vmem>>) dst(%dma_wait3A_72 : memref<128x16xf32, #tpu.memory_space<hbm>>)
      tpu.yield
    }) : () -> ()
    %add3A_45 = arith.constant 256 : i32
    %add3A_46 = arith.addi %mul3A_15, %add3A_45 : i32
    "tpu.region"() ({
      %run_scoped3A = tpu.sem_alloc : memref<!tpu.dma_semaphore, #tpu.memory_space<semaphore_mem>>
      %dma_start3A = arith.constant 0 : i32
      %dma_start3A_51 = tpu.memref_slice %arg4[%add3A_46, %dma_start3A] : memref<10240x16xf32, #tpu.memory_space<vmem_shared>> -> memref<128x16xf32, #tpu.memory_space<vmem_shared>>
      %dma_start3A_52 = arith.constant 0 : i32
      %dma_start3A_53 = tpu.memref_slice %arg4[%add3A_46, %dma_start3A_52] : memref<10240x16xf32, #tpu.memory_space<vmem_shared>> -> memref<128x16xf32, #tpu.memory_space<vmem_shared>>
      tpu.enqueue_dma source(%dma_start3A_53 : memref<128x16xf32, #tpu.memory_space<vmem_shared>>) target(%arg8 : memref<128x16xf32, #tpu.memory_space<vmem>>) target_semaphore(%run_scoped3A : memref<!tpu.dma_semaphore, #tpu.memory_space<semaphore_mem>>)
      %dma_wait3A = arith.constant 0 : i32
      %dma_wait3A_54 = tpu.memref_slice %arg4[%add3A_46, %dma_wait3A] : memref<10240x16xf32, #tpu.memory_space<vmem_shared>> -> memref<128x16xf32, #tpu.memory_space<vmem_shared>>
      %dma_wait3A_55 = arith.constant 0 : i32
      %dma_wait3A_56 = tpu.memref_slice %arg4[%add3A_46, %dma_wait3A_55] : memref<10240x16xf32, #tpu.memory_space<vmem_shared>> -> memref<128x16xf32, #tpu.memory_space<vmem_shared>>
      tpu.wait_dma2 semaphore(%run_scoped3A : memref<!tpu.dma_semaphore, #tpu.memory_space<semaphore_mem>>) src(%dma_wait3A_56 : memref<128x16xf32, #tpu.memory_space<vmem_shared>>) dst(%arg8 : memref<128x16xf32, #tpu.memory_space<vmem>>)
      tpu.yield
    }) : () -> ()
    "tpu.region"() ({
      %run_scoped3A = tpu.sem_alloc : memref<!tpu.dma_semaphore, #tpu.memory_space<semaphore_mem>>
      %dma_start3A = arith.constant 0 : i32
      %dma_start3A_51 = arith.constant 0 : i32
      %dma_start3A_52 = tpu.memref_slice %arg3[%arg0, %dma_start3A, %dma_start3A_51] : memref<2x10240x16xf32, #tpu.memory_space<hbm>> -> memref<1x10240x16xf32, #tpu.memory_space<hbm>>
      %dma_start3A_53 = tpu.memref_squeeze %dma_start3A_52 : memref<1x10240x16xf32, #tpu.memory_space<hbm>> -> memref<10240x16xf32, #tpu.memory_space<hbm>>
      %dma_start3A_54 = arith.constant 0 : i32
      %dma_start3A_55 = tpu.memref_slice %dma_start3A_53[%add3A_46, %dma_start3A_54] : memref<10240x16xf32, #tpu.memory_space<hbm>> -> memref<128x16xf32, #tpu.memory_space<hbm>>
      %dma_start3A_56 = arith.constant 0 : i32
      %dma_start3A_57 = arith.constant 0 : i32
      %dma_start3A_58 = tpu.memref_slice %arg3[%arg0, %dma_start3A_56, %dma_start3A_57] : memref<2x10240x16xf32, #tpu.memory_space<hbm>> -> memref<1x10240x16xf32, #tpu.memory_space<hbm>>
      %dma_start3A_59 = tpu.memref_squeeze %dma_start3A_58 : memref<1x10240x16xf32, #tpu.memory_space<hbm>> -> memref<10240x16xf32, #tpu.memory_space<hbm>>
      %dma_start3A_60 = arith.constant 0 : i32
      %dma_start3A_61 = tpu.memref_slice %dma_start3A_59[%add3A_46, %dma_start3A_60] : memref<10240x16xf32, #tpu.memory_space<hbm>> -> memref<128x16xf32, #tpu.memory_space<hbm>>
      tpu.enqueue_dma source(%arg8 : memref<128x16xf32, #tpu.memory_space<vmem>>) target(%dma_start3A_61 : memref<128x16xf32, #tpu.memory_space<hbm>>) target_semaphore(%run_scoped3A : memref<!tpu.dma_semaphore, #tpu.memory_space<semaphore_mem>>)
      %dma_wait3A = arith.constant 0 : i32
      %dma_wait3A_62 = arith.constant 0 : i32
      %dma_wait3A_63 = tpu.memref_slice %arg3[%arg0, %dma_wait3A, %dma_wait3A_62] : memref<2x10240x16xf32, #tpu.memory_space<hbm>> -> memref<1x10240x16xf32, #tpu.memory_space<hbm>>
      %dma_wait3A_64 = tpu.memref_squeeze %dma_wait3A_63 : memref<1x10240x16xf32, #tpu.memory_space<hbm>> -> memref<10240x16xf32, #tpu.memory_space<hbm>>
      %dma_wait3A_65 = arith.constant 0 : i32
      %dma_wait3A_66 = tpu.memref_slice %dma_wait3A_64[%add3A_46, %dma_wait3A_65] : memref<10240x16xf32, #tpu.memory_space<hbm>> -> memref<128x16xf32, #tpu.memory_space<hbm>>
      %dma_wait3A_67 = arith.constant 0 : i32
      %dma_wait3A_68 = arith.constant 0 : i32
      %dma_wait3A_69 = tpu.memref_slice %arg3[%arg0, %dma_wait3A_67, %dma_wait3A_68] : memref<2x10240x16xf32, #tpu.memory_space<hbm>> -> memref<1x10240x16xf32, #tpu.memory_space<hbm>>
      %dma_wait3A_70 = tpu.memref_squeeze %dma_wait3A_69 : memref<1x10240x16xf32, #tpu.memory_space<hbm>> -> memref<10240x16xf32, #tpu.memory_space<hbm>>
      %dma_wait3A_71 = arith.constant 0 : i32
      %dma_wait3A_72 = tpu.memref_slice %dma_wait3A_70[%add3A_46, %dma_wait3A_71] : memref<10240x16xf32, #tpu.memory_space<hbm>> -> memref<128x16xf32, #tpu.memory_space<hbm>>
      tpu.wait_dma2 semaphore(%run_scoped3A : memref<!tpu.dma_semaphore, #tpu.memory_space<semaphore_mem>>) src(%arg8 : memref<128x16xf32, #tpu.memory_space<vmem>>) dst(%dma_wait3A_72 : memref<128x16xf32, #tpu.memory_space<hbm>>)
      tpu.yield
    }) : () -> ()
    %add3A_47 = arith.constant 384 : i32
    %add3A_48 = arith.addi %mul3A_15, %add3A_47 : i32
    "tpu.region"() ({
      %run_scoped3A = tpu.sem_alloc : memref<!tpu.dma_semaphore, #tpu.memory_space<semaphore_mem>>
      %dma_start3A = arith.constant 0 : i32
      %dma_start3A_51 = tpu.memref_slice %arg4[%add3A_48, %dma_start3A] : memref<10240x16xf32, #tpu.memory_space<vmem_shared>> -> memref<128x16xf32, #tpu.memory_space<vmem_shared>>
      %dma_start3A_52 = arith.constant 0 : i32
      %dma_start3A_53 = tpu.memref_slice %arg4[%add3A_48, %dma_start3A_52] : memref<10240x16xf32, #tpu.memory_space<vmem_shared>> -> memref<128x16xf32, #tpu.memory_space<vmem_shared>>
      tpu.enqueue_dma source(%dma_start3A_53 : memref<128x16xf32, #tpu.memory_space<vmem_shared>>) target(%arg8 : memref<128x16xf32, #tpu.memory_space<vmem>>) target_semaphore(%run_scoped3A : memref<!tpu.dma_semaphore, #tpu.memory_space<semaphore_mem>>)
      %dma_wait3A = arith.constant 0 : i32
      %dma_wait3A_54 = tpu.memref_slice %arg4[%add3A_48, %dma_wait3A] : memref<10240x16xf32, #tpu.memory_space<vmem_shared>> -> memref<128x16xf32, #tpu.memory_space<vmem_shared>>
      %dma_wait3A_55 = arith.constant 0 : i32
      %dma_wait3A_56 = tpu.memref_slice %arg4[%add3A_48, %dma_wait3A_55] : memref<10240x16xf32, #tpu.memory_space<vmem_shared>> -> memref<128x16xf32, #tpu.memory_space<vmem_shared>>
      tpu.wait_dma2 semaphore(%run_scoped3A : memref<!tpu.dma_semaphore, #tpu.memory_space<semaphore_mem>>) src(%dma_wait3A_56 : memref<128x16xf32, #tpu.memory_space<vmem_shared>>) dst(%arg8 : memref<128x16xf32, #tpu.memory_space<vmem>>)
      tpu.yield
    }) : () -> ()
    "tpu.region"() ({
      %run_scoped3A = tpu.sem_alloc : memref<!tpu.dma_semaphore, #tpu.memory_space<semaphore_mem>>
      %dma_start3A = arith.constant 0 : i32
      %dma_start3A_51 = arith.constant 0 : i32
      %dma_start3A_52 = tpu.memref_slice %arg3[%arg0, %dma_start3A, %dma_start3A_51] : memref<2x10240x16xf32, #tpu.memory_space<hbm>> -> memref<1x10240x16xf32, #tpu.memory_space<hbm>>
      %dma_start3A_53 = tpu.memref_squeeze %dma_start3A_52 : memref<1x10240x16xf32, #tpu.memory_space<hbm>> -> memref<10240x16xf32, #tpu.memory_space<hbm>>
      %dma_start3A_54 = arith.constant 0 : i32
      %dma_start3A_55 = tpu.memref_slice %dma_start3A_53[%add3A_48, %dma_start3A_54] : memref<10240x16xf32, #tpu.memory_space<hbm>> -> memref<128x16xf32, #tpu.memory_space<hbm>>
      %dma_start3A_56 = arith.constant 0 : i32
      %dma_start3A_57 = arith.constant 0 : i32
      %dma_start3A_58 = tpu.memref_slice %arg3[%arg0, %dma_start3A_56, %dma_start3A_57] : memref<2x10240x16xf32, #tpu.memory_space<hbm>> -> memref<1x10240x16xf32, #tpu.memory_space<hbm>>
      %dma_start3A_59 = tpu.memref_squeeze %dma_start3A_58 : memref<1x10240x16xf32, #tpu.memory_space<hbm>> -> memref<10240x16xf32, #tpu.memory_space<hbm>>
      %dma_start3A_60 = arith.constant 0 : i32
      %dma_start3A_61 = tpu.memref_slice %dma_start3A_59[%add3A_48, %dma_start3A_60] : memref<10240x16xf32, #tpu.memory_space<hbm>> -> memref<128x16xf32, #tpu.memory_space<hbm>>
      tpu.enqueue_dma source(%arg8 : memref<128x16xf32, #tpu.memory_space<vmem>>) target(%dma_start3A_61 : memref<128x16xf32, #tpu.memory_space<hbm>>) target_semaphore(%run_scoped3A : memref<!tpu.dma_semaphore, #tpu.memory_space<semaphore_mem>>)
      %dma_wait3A = arith.constant 0 : i32
      %dma_wait3A_62 = arith.constant 0 : i32
      %dma_wait3A_63 = tpu.memref_slice %arg3[%arg0, %dma_wait3A, %dma_wait3A_62] : memref<2x10240x16xf32, #tpu.memory_space<hbm>> -> memref<1x10240x16xf32, #tpu.memory_space<hbm>>
      %dma_wait3A_64 = tpu.memref_squeeze %dma_wait3A_63 : memref<1x10240x16xf32, #tpu.memory_space<hbm>> -> memref<10240x16xf32, #tpu.memory_space<hbm>>
      %dma_wait3A_65 = arith.constant 0 : i32
      %dma_wait3A_66 = tpu.memref_slice %dma_wait3A_64[%add3A_48, %dma_wait3A_65] : memref<10240x16xf32, #tpu.memory_space<hbm>> -> memref<128x16xf32, #tpu.memory_space<hbm>>
      %dma_wait3A_67 = arith.constant 0 : i32
      %dma_wait3A_68 = arith.constant 0 : i32
      %dma_wait3A_69 = tpu.memref_slice %arg3[%arg0, %dma_wait3A_67, %dma_wait3A_68] : memref<2x10240x16xf32, #tpu.memory_space<hbm>> -> memref<1x10240x16xf32, #tpu.memory_space<hbm>>
      %dma_wait3A_70 = tpu.memref_squeeze %dma_wait3A_69 : memref<1x10240x16xf32, #tpu.memory_space<hbm>> -> memref<10240x16xf32, #tpu.memory_space<hbm>>
      %dma_wait3A_71 = arith.constant 0 : i32
      %dma_wait3A_72 = tpu.memref_slice %dma_wait3A_70[%add3A_48, %dma_wait3A_71] : memref<10240x16xf32, #tpu.memory_space<hbm>> -> memref<128x16xf32, #tpu.memory_space<hbm>>
      tpu.wait_dma2 semaphore(%run_scoped3A : memref<!tpu.dma_semaphore, #tpu.memory_space<semaphore_mem>>) src(%arg8 : memref<128x16xf32, #tpu.memory_space<vmem>>) dst(%dma_wait3A_72 : memref<128x16xf32, #tpu.memory_space<hbm>>)
      tpu.yield
    }) : () -> ()
    %add3A_49 = arith.constant 512 : i32
    %add3A_50 = arith.addi %mul3A_15, %add3A_49 : i32
    "tpu.region"() ({
      %run_scoped3A = tpu.sem_alloc : memref<!tpu.dma_semaphore, #tpu.memory_space<semaphore_mem>>
      %dma_start3A = arith.constant 0 : i32
      %dma_start3A_51 = tpu.memref_slice %arg4[%add3A_50, %dma_start3A] : memref<10240x16xf32, #tpu.memory_space<vmem_shared>> -> memref<128x16xf32, #tpu.memory_space<vmem_shared>>
      %dma_start3A_52 = arith.constant 0 : i32
      %dma_start3A_53 = tpu.memref_slice %arg4[%add3A_50, %dma_start3A_52] : memref<10240x16xf32, #tpu.memory_space<vmem_shared>> -> memref<128x16xf32, #tpu.memory_space<vmem_shared>>
      tpu.enqueue_dma source(%dma_start3A_53 : memref<128x16xf32, #tpu.memory_space<vmem_shared>>) target(%arg8 : memref<128x16xf32, #tpu.memory_space<vmem>>) target_semaphore(%run_scoped3A : memref<!tpu.dma_semaphore, #tpu.memory_space<semaphore_mem>>)
      %dma_wait3A = arith.constant 0 : i32
      %dma_wait3A_54 = tpu.memref_slice %arg4[%add3A_50, %dma_wait3A] : memref<10240x16xf32, #tpu.memory_space<vmem_shared>> -> memref<128x16xf32, #tpu.memory_space<vmem_shared>>
      %dma_wait3A_55 = arith.constant 0 : i32
      %dma_wait3A_56 = tpu.memref_slice %arg4[%add3A_50, %dma_wait3A_55] : memref<10240x16xf32, #tpu.memory_space<vmem_shared>> -> memref<128x16xf32, #tpu.memory_space<vmem_shared>>
      tpu.wait_dma2 semaphore(%run_scoped3A : memref<!tpu.dma_semaphore, #tpu.memory_space<semaphore_mem>>) src(%dma_wait3A_56 : memref<128x16xf32, #tpu.memory_space<vmem_shared>>) dst(%arg8 : memref<128x16xf32, #tpu.memory_space<vmem>>)
      tpu.yield
    }) : () -> ()
    "tpu.region"() ({
      %run_scoped3A = tpu.sem_alloc : memref<!tpu.dma_semaphore, #tpu.memory_space<semaphore_mem>>
      %dma_start3A = arith.constant 0 : i32
      %dma_start3A_51 = arith.constant 0 : i32
      %dma_start3A_52 = tpu.memref_slice %arg3[%arg0, %dma_start3A, %dma_start3A_51] : memref<2x10240x16xf32, #tpu.memory_space<hbm>> -> memref<1x10240x16xf32, #tpu.memory_space<hbm>>
      %dma_start3A_53 = tpu.memref_squeeze %dma_start3A_52 : memref<1x10240x16xf32, #tpu.memory_space<hbm>> -> memref<10240x16xf32, #tpu.memory_space<hbm>>
      %dma_start3A_54 = arith.constant 0 : i32
      %dma_start3A_55 = tpu.memref_slice %dma_start3A_53[%add3A_50, %dma_start3A_54] : memref<10240x16xf32, #tpu.memory_space<hbm>> -> memref<128x16xf32, #tpu.memory_space<hbm>>
      %dma_start3A_56 = arith.constant 0 : i32
      %dma_start3A_57 = arith.constant 0 : i32
      %dma_start3A_58 = tpu.memref_slice %arg3[%arg0, %dma_start3A_56, %dma_start3A_57] : memref<2x10240x16xf32, #tpu.memory_space<hbm>> -> memref<1x10240x16xf32, #tpu.memory_space<hbm>>
      %dma_start3A_59 = tpu.memref_squeeze %dma_start3A_58 : memref<1x10240x16xf32, #tpu.memory_space<hbm>> -> memref<10240x16xf32, #tpu.memory_space<hbm>>
      %dma_start3A_60 = arith.constant 0 : i32
      %dma_start3A_61 = tpu.memref_slice %dma_start3A_59[%add3A_50, %dma_start3A_60] : memref<10240x16xf32, #tpu.memory_space<hbm>> -> memref<128x16xf32, #tpu.memory_space<hbm>>
      tpu.enqueue_dma source(%arg8 : memref<128x16xf32, #tpu.memory_space<vmem>>) target(%dma_start3A_61 : memref<128x16xf32, #tpu.memory_space<hbm>>) target_semaphore(%run_scoped3A : memref<!tpu.dma_semaphore, #tpu.memory_space<semaphore_mem>>)
      %dma_wait3A = arith.constant 0 : i32
      %dma_wait3A_62 = arith.constant 0 : i32
      %dma_wait3A_63 = tpu.memref_slice %arg3[%arg0, %dma_wait3A, %dma_wait3A_62] : memref<2x10240x16xf32, #tpu.memory_space<hbm>> -> memref<1x10240x16xf32, #tpu.memory_space<hbm>>
      %dma_wait3A_64 = tpu.memref_squeeze %dma_wait3A_63 : memref<1x10240x16xf32, #tpu.memory_space<hbm>> -> memref<10240x16xf32, #tpu.memory_space<hbm>>
      %dma_wait3A_65 = arith.constant 0 : i32
      %dma_wait3A_66 = tpu.memref_slice %dma_wait3A_64[%add3A_50, %dma_wait3A_65] : memref<10240x16xf32, #tpu.memory_space<hbm>> -> memref<128x16xf32, #tpu.memory_space<hbm>>
      %dma_wait3A_67 = arith.constant 0 : i32
      %dma_wait3A_68 = arith.constant 0 : i32
      %dma_wait3A_69 = tpu.memref_slice %arg3[%arg0, %dma_wait3A_67, %dma_wait3A_68] : memref<2x10240x16xf32, #tpu.memory_space<hbm>> -> memref<1x10240x16xf32, #tpu.memory_space<hbm>>
      %dma_wait3A_70 = tpu.memref_squeeze %dma_wait3A_69 : memref<1x10240x16xf32, #tpu.memory_space<hbm>> -> memref<10240x16xf32, #tpu.memory_space<hbm>>
      %dma_wait3A_71 = arith.constant 0 : i32
      %dma_wait3A_72 = tpu.memref_slice %dma_wait3A_70[%add3A_50, %dma_wait3A_71] : memref<10240x16xf32, #tpu.memory_space<hbm>> -> memref<128x16xf32, #tpu.memory_space<hbm>>
      tpu.wait_dma2 semaphore(%run_scoped3A : memref<!tpu.dma_semaphore, #tpu.memory_space<semaphore_mem>>) src(%arg8 : memref<128x16xf32, #tpu.memory_space<vmem>>) dst(%dma_wait3A_72 : memref<128x16xf32, #tpu.memory_space<hbm>>)
      tpu.yield
    }) : () -> ()
    return
  }
}

#map = affine_map<(d0, d1) -> (0, 0)>
#map1 = affine_map<(d0, d1) -> (0, 0, 0)>
module attributes {stable_mosaic.version = 14 : i64} {
  func.func @body(%arg0: i32, %arg1: i32, %arg2: memref<10240x16xf32, #tpu.memory_space<hbm>>, %arg3: memref<32x42x120xi32, #tpu.memory_space<hbm>>, %arg4: memref<32x42x120xi32, #tpu.memory_space<hbm>>, %arg5: memref<2x10240x16xf32, #tpu.memory_space<hbm>>, %arg6: memref<10240x16xf32, #tpu.memory_space<vmem_shared>>, %arg7: memref<12x120xi32, #tpu.memory_space<vmem>>, %arg8: memref<12x120xi32, #tpu.memory_space<vmem>>, %arg9: memref<120x16xf32, #tpu.memory_space<vmem>>, %arg10: memref<120x16xf32, #tpu.memory_space<vmem>>, %arg11: memref<120x16xf32, #tpu.memory_space<vmem>>, %arg12: memref<!tpu.dma_semaphore, #tpu.memory_space<semaphore_mem>>, %arg13: memref<!tpu.dma_semaphore, #tpu.memory_space<semaphore_mem>>, %arg14: memref<!tpu.dma_semaphore, #tpu.memory_space<semaphore_mem>>, %arg15: memref<!tpu.dma_semaphore, #tpu.memory_space<semaphore_mem>>, %arg16: memref<!tpu.dma_semaphore, #tpu.memory_space<semaphore_mem>>, %arg17: memref<!tpu.dma_semaphore, #tpu.memory_space<semaphore_mem>>) attributes {dimension_semantics = [#tpu.dimension_semantics<core_parallel>, #tpu.dimension_semantics<subcore_parallel>], iteration_bounds = array<i64: 2, 16>, scalar_prefetch = 0 : i64, scratch_operands = 12 : i64, tpu.core_type = #tpu.core_type<sc_vector_subcore>, window_params = [{transform_indices = #map}, {transform_indices = #map1}, {transform_indices = #map1}, {transform_indices = #map1}]} {
    %mul3A = arith.constant 16 : i32
    %mul3A_0 = arith.muli %arg0, %mul3A : i32
    %add3A = arith.addi %mul3A_0, %arg1 : i32
    %mul3A_1 = arith.constant 640 : i32
    %mul3A_2 = arith.muli %arg1, %mul3A_1 : i32
    %eq3A = arith.constant 0 : i32
    %eq3A_3 = arith.cmpi eq, %arg0, %eq3A : i32
    %convert_element_type3A = arith.extui %eq3A_3 : i1 to i32
    %cond3A = arith.constant 0 : i32
    %cond3A_4 = arith.cmpi ne, %convert_element_type3A, %cond3A : i32
    scf.if %cond3A_4 {
      "tpu.region"() ({
        %run_scoped3A = tpu.sem_alloc : memref<!tpu.dma_semaphore, #tpu.memory_space<semaphore_mem>>
        %dma_start3A_50 = arith.constant 0 : i32
        %dma_start3A_51 = tpu.memref_slice %arg6[%mul3A_2, %dma_start3A_50] : memref<10240x16xf32, #tpu.memory_space<vmem_shared>> -> memref<640x16xf32, #tpu.memory_space<vmem_shared>>
        %dma_start3A_52 = arith.constant 0 : i32
        %dma_start3A_53 = tpu.memref_slice %arg2[%mul3A_2, %dma_start3A_52] : memref<10240x16xf32, #tpu.memory_space<hbm>> -> memref<640x16xf32, #tpu.memory_space<hbm>>
        tpu.enqueue_dma source(%dma_start3A_53 : memref<640x16xf32, #tpu.memory_space<hbm>>) target(%dma_start3A_51 : memref<640x16xf32, #tpu.memory_space<vmem_shared>>) target_semaphore(%run_scoped3A : memref<!tpu.dma_semaphore, #tpu.memory_space<semaphore_mem>>)
        %dma_wait3A_54 = arith.constant 0 : i32
        %dma_wait3A_55 = tpu.memref_slice %arg6[%mul3A_2, %dma_wait3A_54] : memref<10240x16xf32, #tpu.memory_space<vmem_shared>> -> memref<640x16xf32, #tpu.memory_space<vmem_shared>>
        %dma_wait3A_56 = arith.constant 0 : i32
        %dma_wait3A_57 = tpu.memref_slice %arg2[%mul3A_2, %dma_wait3A_56] : memref<10240x16xf32, #tpu.memory_space<hbm>> -> memref<640x16xf32, #tpu.memory_space<hbm>>
        tpu.wait_dma2 semaphore(%run_scoped3A : memref<!tpu.dma_semaphore, #tpu.memory_space<semaphore_mem>>) src(%dma_wait3A_57 : memref<640x16xf32, #tpu.memory_space<hbm>>) dst(%dma_wait3A_55 : memref<640x16xf32, #tpu.memory_space<vmem_shared>>)
        tpu.yield
      }) : () -> ()
    } else {
    }
    %eq3A_5 = arith.constant 1 : i32
    %eq3A_6 = arith.cmpi eq, %arg0, %eq3A_5 : i32
    %convert_element_type3A_7 = arith.extui %eq3A_6 : i1 to i32
    %cond3A_8 = arith.constant 0 : i32
    %cond3A_9 = arith.cmpi ne, %convert_element_type3A_7, %cond3A_8 : i32
    scf.if %cond3A_9 {
      %scan3A_50 = arith.constant 0 : i32
      %scan3A_51 = arith.constant 0 : i32
      %scan3A_52 = arith.constant 120 : i32
      %scan3A_53 = arith.addi %scan3A_51, %scan3A_52 : i32
      %scan3A_54 = arith.constant 1 : i32
      %scan3A_55 = scf.for %scan3A_69 = %scan3A_51 to %scan3A_53 step %scan3A_54 iter_args(%scan3A_70 = %scan3A_50) -> (i32)  : i32 {
        %jit3A = arith.constant 1 : i32
        %div3A = arith.divsi %scan3A_69, %jit3A : i32
        %sign3A = arith.constant 0 : i32
        %sign3A_71 = arith.cmpi sgt, %scan3A_69, %sign3A : i32
        %sign3A_72 = arith.extui %sign3A_71 : i1 to i32
        %sign3A_73 = arith.constant 0 : i32
        %sign3A_74 = arith.cmpi slt, %scan3A_69, %sign3A_73 : i32
        %sign3A_75 = arith.extui %sign3A_74 : i1 to i32
        %sign3A_76 = arith.subi %sign3A_72, %sign3A_75 : i32
        %sign3A_77 = arith.constant 0 : i32
        %sign3A_78 = arith.cmpi sgt, %jit3A, %sign3A_77 : i32
        %sign3A_79 = arith.extui %sign3A_78 : i1 to i32
        %sign3A_80 = arith.constant 0 : i32
        %sign3A_81 = arith.cmpi slt, %jit3A, %sign3A_80 : i32
        %sign3A_82 = arith.extui %sign3A_81 : i1 to i32
        %sign3A_83 = arith.subi %sign3A_79, %sign3A_82 : i32
        %ne3A = arith.cmpi ne, %sign3A_76, %sign3A_83 : i32
        %rem3A = arith.remsi %scan3A_69, %jit3A : i32
        %ne3A_84 = arith.constant 0 : i32
        %ne3A_85 = arith.cmpi ne, %rem3A, %ne3A_84 : i32
        %and3A = arith.andi %ne3A, %ne3A_85 : i1
        %sub3A = arith.constant 1 : i32
        %sub3A_86 = arith.subi %div3A, %sub3A : i32
        %select_n3A = arith.select %and3A, %sub3A_86, %div3A : i32
        %jit3A_87 = arith.constant 1 : i32
        %eq3A_88 = arith.constant 0 : i32
        %eq3A_89 = arith.cmpi eq, %jit3A_87, %eq3A_88 : i32
        %jit3A_90 = arith.constant 1 : i32
        %select_n3A_91 = arith.select %eq3A_89, %jit3A_90, %jit3A_87 : i32
        %rem3A_92 = arith.remsi %scan3A_69, %select_n3A_91 : i32
        %ne3A_93 = arith.constant 0 : i32
        %ne3A_94 = arith.cmpi ne, %rem3A_92, %ne3A_93 : i32
        %lt3A = arith.constant 0 : i32
        %lt3A_95 = arith.cmpi slt, %rem3A_92, %lt3A : i32
        %lt3A_96 = arith.constant 0 : i32
        %lt3A_97 = arith.cmpi slt, %select_n3A_91, %lt3A_96 : i32
        %ne3A_98 = arith.xori %lt3A_95, %lt3A_97 : i1
        %and3A_99 = arith.andi %ne3A_98, %ne3A_94 : i1
        %add3A_100 = arith.addi %rem3A_92, %select_n3A_91 : i32
        %select_n3A_101 = arith.select %and3A_99, %add3A_100, %rem3A_92 : i32
        %broadcast_in_dim3A = arith.constant 0.000000e+00 : f32
        %broadcast_in_dim3A_102 = vector.broadcast %broadcast_in_dim3A : f32 to vector<16xf32>
        %mul3A_103 = arith.constant 16 : i32
        %mul3A_104 = arith.muli %select_n3A_101, %mul3A_103 : i32
        %swap3A = arith.index_cast %select_n3A : i32 to index
        %swap3A_105 = arith.index_cast %mul3A_104 : i32 to index
        %swap3A_106 = tpu.vector_load %arg9[%swap3A, %swap3A_105] {strides = array<i32>} : memref<120x16xf32, #tpu.memory_space<vmem>>, vector<1x16xf32>,
        %swap3A_107 = vector.shape_cast %swap3A_106 : vector<1x16xf32> to vector<16xf32>
        %swap3A_108 = vector.shape_cast %broadcast_in_dim3A_102 : vector<16xf32> to vector<1x16xf32>
        tpu.vector_store %arg9[%swap3A, %swap3A_105], %swap3A_108 {strides = array<i32>} : memref<120x16xf32, #tpu.memory_space<vmem>>, vector<1x16xf32>,
        %scan3A_109 = arith.constant 0 : i32
        scf.yield %scan3A_109 : i32
      }
      %scan3A_56 = arith.constant 120 : i32
      %add3A_57 = arith.constant 0 : i32
      %add3A_58 = arith.addi %mul3A_2, %add3A_57 : i32
      "tpu.region"() ({
        %run_scoped3A = tpu.sem_alloc : memref<!tpu.dma_semaphore, #tpu.memory_space<semaphore_mem>>
        %dma_start3A_69 = arith.constant 0 : i32
        %dma_start3A_70 = tpu.memref_slice %arg6[%add3A_58, %dma_start3A_69] : memref<10240x16xf32, #tpu.memory_space<vmem_shared>> -> memref<120x16xf32, #tpu.memory_space<vmem_shared>>
        %dma_start3A_71 = arith.constant 0 : i32
        %dma_start3A_72 = tpu.memref_slice %arg6[%add3A_58, %dma_start3A_71] : memref<10240x16xf32, #tpu.memory_space<vmem_shared>> -> memref<120x16xf32, #tpu.memory_space<vmem_shared>>
        tpu.enqueue_dma source(%arg9 : memref<120x16xf32, #tpu.memory_space<vmem>>) target(%dma_start3A_72 : memref<120x16xf32, #tpu.memory_space<vmem_shared>>) target_semaphore(%run_scoped3A : memref<!tpu.dma_semaphore, #tpu.memory_space<semaphore_mem>>)
        %dma_wait3A_73 = arith.constant 0 : i32
        %dma_wait3A_74 = tpu.memref_slice %arg6[%add3A_58, %dma_wait3A_73] : memref<10240x16xf32, #tpu.memory_space<vmem_shared>> -> memref<120x16xf32, #tpu.memory_space<vmem_shared>>
        %dma_wait3A_75 = arith.constant 0 : i32
        %dma_wait3A_76 = tpu.memref_slice %arg6[%add3A_58, %dma_wait3A_75] : memref<10240x16xf32, #tpu.memory_space<vmem_shared>> -> memref<120x16xf32, #tpu.memory_space<vmem_shared>>
        tpu.wait_dma2 semaphore(%run_scoped3A : memref<!tpu.dma_semaphore, #tpu.memory_space<semaphore_mem>>) src(%arg9 : memref<120x16xf32, #tpu.memory_space<vmem>>) dst(%dma_wait3A_76 : memref<120x16xf32, #tpu.memory_space<vmem_shared>>)
        tpu.yield
      }) : () -> ()
      %add3A_59 = arith.constant 120 : i32
      %add3A_60 = arith.addi %mul3A_2, %add3A_59 : i32
      "tpu.region"() ({
        %run_scoped3A = tpu.sem_alloc : memref<!tpu.dma_semaphore, #tpu.memory_space<semaphore_mem>>
        %dma_start3A_69 = arith.constant 0 : i32
        %dma_start3A_70 = tpu.memref_slice %arg6[%add3A_60, %dma_start3A_69] : memref<10240x16xf32, #tpu.memory_space<vmem_shared>> -> memref<120x16xf32, #tpu.memory_space<vmem_shared>>
        %dma_start3A_71 = arith.constant 0 : i32
        %dma_start3A_72 = tpu.memref_slice %arg6[%add3A_60, %dma_start3A_71] : memref<10240x16xf32, #tpu.memory_space<vmem_shared>> -> memref<120x16xf32, #tpu.memory_space<vmem_shared>>
        tpu.enqueue_dma source(%arg9 : memref<120x16xf32, #tpu.memory_space<vmem>>) target(%dma_start3A_72 : memref<120x16xf32, #tpu.memory_space<vmem_shared>>) target_semaphore(%run_scoped3A : memref<!tpu.dma_semaphore, #tpu.memory_space<semaphore_mem>>)
        %dma_wait3A_73 = arith.constant 0 : i32
        %dma_wait3A_74 = tpu.memref_slice %arg6[%add3A_60, %dma_wait3A_73] : memref<10240x16xf32, #tpu.memory_space<vmem_shared>> -> memref<120x16xf32, #tpu.memory_space<vmem_shared>>
        %dma_wait3A_75 = arith.constant 0 : i32
        %dma_wait3A_76 = tpu.memref_slice %arg6[%add3A_60, %dma_wait3A_75] : memref<10240x16xf32, #tpu.memory_space<vmem_shared>> -> memref<120x16xf32, #tpu.memory_space<vmem_shared>>
        tpu.wait_dma2 semaphore(%run_scoped3A : memref<!tpu.dma_semaphore, #tpu.memory_space<semaphore_mem>>) src(%arg9 : memref<120x16xf32, #tpu.memory_space<vmem>>) dst(%dma_wait3A_76 : memref<120x16xf32, #tpu.memory_space<vmem_shared>>)
        tpu.yield
      }) : () -> ()
      %add3A_61 = arith.constant 240 : i32
      %add3A_62 = arith.addi %mul3A_2, %add3A_61 : i32
      "tpu.region"() ({
        %run_scoped3A = tpu.sem_alloc : memref<!tpu.dma_semaphore, #tpu.memory_space<semaphore_mem>>
        %dma_start3A_69 = arith.constant 0 : i32
        %dma_start3A_70 = tpu.memref_slice %arg6[%add3A_62, %dma_start3A_69] : memref<10240x16xf32, #tpu.memory_space<vmem_shared>> -> memref<120x16xf32, #tpu.memory_space<vmem_shared>>
        %dma_start3A_71 = arith.constant 0 : i32
        %dma_start3A_72 = tpu.memref_slice %arg6[%add3A_62, %dma_start3A_71] : memref<10240x16xf32, #tpu.memory_space<vmem_shared>> -> memref<120x16xf32, #tpu.memory_space<vmem_shared>>
        tpu.enqueue_dma source(%arg9 : memref<120x16xf32, #tpu.memory_space<vmem>>) target(%dma_start3A_72 : memref<120x16xf32, #tpu.memory_space<vmem_shared>>) target_semaphore(%run_scoped3A : memref<!tpu.dma_semaphore, #tpu.memory_space<semaphore_mem>>)
        %dma_wait3A_73 = arith.constant 0 : i32
        %dma_wait3A_74 = tpu.memref_slice %arg6[%add3A_62, %dma_wait3A_73] : memref<10240x16xf32, #tpu.memory_space<vmem_shared>> -> memref<120x16xf32, #tpu.memory_space<vmem_shared>>
        %dma_wait3A_75 = arith.constant 0 : i32
        %dma_wait3A_76 = tpu.memref_slice %arg6[%add3A_62, %dma_wait3A_75] : memref<10240x16xf32, #tpu.memory_space<vmem_shared>> -> memref<120x16xf32, #tpu.memory_space<vmem_shared>>
        tpu.wait_dma2 semaphore(%run_scoped3A : memref<!tpu.dma_semaphore, #tpu.memory_space<semaphore_mem>>) src(%arg9 : memref<120x16xf32, #tpu.memory_space<vmem>>) dst(%dma_wait3A_76 : memref<120x16xf32, #tpu.memory_space<vmem_shared>>)
        tpu.yield
      }) : () -> ()
      %add3A_63 = arith.constant 360 : i32
      %add3A_64 = arith.addi %mul3A_2, %add3A_63 : i32
      "tpu.region"() ({
        %run_scoped3A = tpu.sem_alloc : memref<!tpu.dma_semaphore, #tpu.memory_space<semaphore_mem>>
        %dma_start3A_69 = arith.constant 0 : i32
        %dma_start3A_70 = tpu.memref_slice %arg6[%add3A_64, %dma_start3A_69] : memref<10240x16xf32, #tpu.memory_space<vmem_shared>> -> memref<120x16xf32, #tpu.memory_space<vmem_shared>>
        %dma_start3A_71 = arith.constant 0 : i32
        %dma_start3A_72 = tpu.memref_slice %arg6[%add3A_64, %dma_start3A_71] : memref<10240x16xf32, #tpu.memory_space<vmem_shared>> -> memref<120x16xf32, #tpu.memory_space<vmem_shared>>
        tpu.enqueue_dma source(%arg9 : memref<120x16xf32, #tpu.memory_space<vmem>>) target(%dma_start3A_72 : memref<120x16xf32, #tpu.memory_space<vmem_shared>>) target_semaphore(%run_scoped3A : memref<!tpu.dma_semaphore, #tpu.memory_space<semaphore_mem>>)
        %dma_wait3A_73 = arith.constant 0 : i32
        %dma_wait3A_74 = tpu.memref_slice %arg6[%add3A_64, %dma_wait3A_73] : memref<10240x16xf32, #tpu.memory_space<vmem_shared>> -> memref<120x16xf32, #tpu.memory_space<vmem_shared>>
        %dma_wait3A_75 = arith.constant 0 : i32
        %dma_wait3A_76 = tpu.memref_slice %arg6[%add3A_64, %dma_wait3A_75] : memref<10240x16xf32, #tpu.memory_space<vmem_shared>> -> memref<120x16xf32, #tpu.memory_space<vmem_shared>>
        tpu.wait_dma2 semaphore(%run_scoped3A : memref<!tpu.dma_semaphore, #tpu.memory_space<semaphore_mem>>) src(%arg9 : memref<120x16xf32, #tpu.memory_space<vmem>>) dst(%dma_wait3A_76 : memref<120x16xf32, #tpu.memory_space<vmem_shared>>)
        tpu.yield
      }) : () -> ()
      %add3A_65 = arith.constant 480 : i32
      %add3A_66 = arith.addi %mul3A_2, %add3A_65 : i32
      "tpu.region"() ({
        %run_scoped3A = tpu.sem_alloc : memref<!tpu.dma_semaphore, #tpu.memory_space<semaphore_mem>>
        %dma_start3A_69 = arith.constant 0 : i32
        %dma_start3A_70 = tpu.memref_slice %arg6[%add3A_66, %dma_start3A_69] : memref<10240x16xf32, #tpu.memory_space<vmem_shared>> -> memref<120x16xf32, #tpu.memory_space<vmem_shared>>
        %dma_start3A_71 = arith.constant 0 : i32
        %dma_start3A_72 = tpu.memref_slice %arg6[%add3A_66, %dma_start3A_71] : memref<10240x16xf32, #tpu.memory_space<vmem_shared>> -> memref<120x16xf32, #tpu.memory_space<vmem_shared>>
        tpu.enqueue_dma source(%arg9 : memref<120x16xf32, #tpu.memory_space<vmem>>) target(%dma_start3A_72 : memref<120x16xf32, #tpu.memory_space<vmem_shared>>) target_semaphore(%run_scoped3A : memref<!tpu.dma_semaphore, #tpu.memory_space<semaphore_mem>>)
        %dma_wait3A_73 = arith.constant 0 : i32
        %dma_wait3A_74 = tpu.memref_slice %arg6[%add3A_66, %dma_wait3A_73] : memref<10240x16xf32, #tpu.memory_space<vmem_shared>> -> memref<120x16xf32, #tpu.memory_space<vmem_shared>>
        %dma_wait3A_75 = arith.constant 0 : i32
        %dma_wait3A_76 = tpu.memref_slice %arg6[%add3A_66, %dma_wait3A_75] : memref<10240x16xf32, #tpu.memory_space<vmem_shared>> -> memref<120x16xf32, #tpu.memory_space<vmem_shared>>
        tpu.wait_dma2 semaphore(%run_scoped3A : memref<!tpu.dma_semaphore, #tpu.memory_space<semaphore_mem>>) src(%arg9 : memref<120x16xf32, #tpu.memory_space<vmem>>) dst(%dma_wait3A_76 : memref<120x16xf32, #tpu.memory_space<vmem_shared>>)
        tpu.yield
      }) : () -> ()
      %add3A_67 = arith.constant 600 : i32
      %add3A_68 = arith.addi %mul3A_2, %add3A_67 : i32
      "tpu.region"() ({
        %run_scoped3A = tpu.sem_alloc : memref<!tpu.dma_semaphore, #tpu.memory_space<semaphore_mem>>
        %dma_start3A_69 = arith.constant 0 : i32
        %dma_start3A_70 = arith.constant 0 : i32
        %dma_start3A_71 = tpu.memref_slice %arg9[%dma_start3A_69, %dma_start3A_70] : memref<120x16xf32, #tpu.memory_space<vmem>> -> memref<40x16xf32, #tpu.memory_space<vmem>>
        %dma_start3A_72 = arith.constant 0 : i32
        %dma_start3A_73 = tpu.memref_slice %arg6[%add3A_68, %dma_start3A_72] : memref<10240x16xf32, #tpu.memory_space<vmem_shared>> -> memref<40x16xf32, #tpu.memory_space<vmem_shared>>
        %dma_start3A_74 = arith.constant 0 : i32
        %dma_start3A_75 = tpu.memref_slice %arg6[%add3A_68, %dma_start3A_74] : memref<10240x16xf32, #tpu.memory_space<vmem_shared>> -> memref<40x16xf32, #tpu.memory_space<vmem_shared>>
        %dma_start3A_76 = arith.constant 0 : i32
        %dma_start3A_77 = arith.constant 0 : i32
        %dma_start3A_78 = tpu.memref_slice %arg9[%dma_start3A_76, %dma_start3A_77] : memref<120x16xf32, #tpu.memory_space<vmem>> -> memref<40x16xf32, #tpu.memory_space<vmem>>
        tpu.enqueue_dma source(%dma_start3A_78 : memref<40x16xf32, #tpu.memory_space<vmem>>) target(%dma_start3A_75 : memref<40x16xf32, #tpu.memory_space<vmem_shared>>) target_semaphore(%run_scoped3A : memref<!tpu.dma_semaphore, #tpu.memory_space<semaphore_mem>>)
        %dma_wait3A_79 = arith.constant 0 : i32
        %dma_wait3A_80 = arith.constant 0 : i32
        %dma_wait3A_81 = tpu.memref_slice %arg9[%dma_wait3A_79, %dma_wait3A_80] : memref<120x16xf32, #tpu.memory_space<vmem>> -> memref<40x16xf32, #tpu.memory_space<vmem>>
        %dma_wait3A_82 = arith.constant 0 : i32
        %dma_wait3A_83 = tpu.memref_slice %arg6[%add3A_68, %dma_wait3A_82] : memref<10240x16xf32, #tpu.memory_space<vmem_shared>> -> memref<40x16xf32, #tpu.memory_space<vmem_shared>>
        %dma_wait3A_84 = arith.constant 0 : i32
        %dma_wait3A_85 = tpu.memref_slice %arg6[%add3A_68, %dma_wait3A_84] : memref<10240x16xf32, #tpu.memory_space<vmem_shared>> -> memref<40x16xf32, #tpu.memory_space<vmem_shared>>
        %dma_wait3A_86 = arith.constant 0 : i32
        %dma_wait3A_87 = arith.constant 0 : i32
        %dma_wait3A_88 = tpu.memref_slice %arg9[%dma_wait3A_86, %dma_wait3A_87] : memref<120x16xf32, #tpu.memory_space<vmem>> -> memref<40x16xf32, #tpu.memory_space<vmem>>
        tpu.wait_dma2 semaphore(%run_scoped3A : memref<!tpu.dma_semaphore, #tpu.memory_space<semaphore_mem>>) src(%dma_wait3A_88 : memref<40x16xf32, #tpu.memory_space<vmem>>) dst(%dma_wait3A_85 : memref<40x16xf32, #tpu.memory_space<vmem_shared>>)
        tpu.yield
      }) : () -> ()
    } else {
    }
    %barrier3A = arith.constant 0 : index
    tpu.barrier barrier_id(%barrier3A)
    "tpu.region"() ({
      %run_scoped3A = tpu.sem_alloc : memref<!tpu.dma_semaphore, #tpu.memory_space<semaphore_mem>>
      %dma_start3A_50 = arith.constant 0 : i32
      %dma_start3A_51 = arith.constant 0 : i32
      %dma_start3A_52 = tpu.memref_slice %arg7[%dma_start3A_50, %dma_start3A_51] : memref<12x120xi32, #tpu.memory_space<vmem>> -> memref<6x120xi32, #tpu.memory_space<vmem>>
      %dma_start3A_53 = arith.constant 0 : i32
      %dma_start3A_54 = arith.constant 0 : i32
      %dma_start3A_55 = tpu.memref_slice %arg3[%add3A, %dma_start3A_53, %dma_start3A_54] : memref<32x42x120xi32, #tpu.memory_space<hbm>> -> memref<1x42x120xi32, #tpu.memory_space<hbm>>
      %dma_start3A_56 = tpu.memref_squeeze %dma_start3A_55 : memref<1x42x120xi32, #tpu.memory_space<hbm>> -> memref<42x120xi32, #tpu.memory_space<hbm>>
      %dma_start3A_57 = arith.constant 0 : i32
      %dma_start3A_58 = arith.constant 0 : i32
      %dma_start3A_59 = tpu.memref_slice %dma_start3A_56[%dma_start3A_57, %dma_start3A_58] : memref<42x120xi32, #tpu.memory_space<hbm>> -> memref<6x120xi32, #tpu.memory_space<hbm>>
      %dma_start3A_60 = arith.constant 0 : i32
      %dma_start3A_61 = arith.constant 0 : i32
      %dma_start3A_62 = tpu.memref_slice %arg7[%dma_start3A_60, %dma_start3A_61] : memref<12x120xi32, #tpu.memory_space<vmem>> -> memref<6x120xi32, #tpu.memory_space<vmem>>
      %dma_start3A_63 = arith.constant 0 : i32
      %dma_start3A_64 = arith.constant 0 : i32
      %dma_start3A_65 = tpu.memref_slice %arg3[%add3A, %dma_start3A_63, %dma_start3A_64] : memref<32x42x120xi32, #tpu.memory_space<hbm>> -> memref<1x42x120xi32, #tpu.memory_space<hbm>>
      %dma_start3A_66 = tpu.memref_squeeze %dma_start3A_65 : memref<1x42x120xi32, #tpu.memory_space<hbm>> -> memref<42x120xi32, #tpu.memory_space<hbm>>
      %dma_start3A_67 = arith.constant 0 : i32
      %dma_start3A_68 = arith.constant 0 : i32
      %dma_start3A_69 = tpu.memref_slice %dma_start3A_66[%dma_start3A_67, %dma_start3A_68] : memref<42x120xi32, #tpu.memory_space<hbm>> -> memref<6x120xi32, #tpu.memory_space<hbm>>
      tpu.enqueue_dma source(%dma_start3A_69 : memref<6x120xi32, #tpu.memory_space<hbm>>) target(%dma_start3A_62 : memref<6x120xi32, #tpu.memory_space<vmem>>) target_semaphore(%run_scoped3A : memref<!tpu.dma_semaphore, #tpu.memory_space<semaphore_mem>>)
      %dma_wait3A_70 = arith.constant 0 : i32
      %dma_wait3A_71 = arith.constant 0 : i32
      %dma_wait3A_72 = tpu.memref_slice %arg7[%dma_wait3A_70, %dma_wait3A_71] : memref<12x120xi32, #tpu.memory_space<vmem>> -> memref<6x120xi32, #tpu.memory_space<vmem>>
      %dma_wait3A_73 = arith.constant 0 : i32
      %dma_wait3A_74 = arith.constant 0 : i32
      %dma_wait3A_75 = tpu.memref_slice %arg3[%add3A, %dma_wait3A_73, %dma_wait3A_74] : memref<32x42x120xi32, #tpu.memory_space<hbm>> -> memref<1x42x120xi32, #tpu.memory_space<hbm>>
      %dma_wait3A_76 = tpu.memref_squeeze %dma_wait3A_75 : memref<1x42x120xi32, #tpu.memory_space<hbm>> -> memref<42x120xi32, #tpu.memory_space<hbm>>
      %dma_wait3A_77 = arith.constant 0 : i32
      %dma_wait3A_78 = arith.constant 0 : i32
      %dma_wait3A_79 = tpu.memref_slice %dma_wait3A_76[%dma_wait3A_77, %dma_wait3A_78] : memref<42x120xi32, #tpu.memory_space<hbm>> -> memref<6x120xi32, #tpu.memory_space<hbm>>
      %dma_wait3A_80 = arith.constant 0 : i32
      %dma_wait3A_81 = arith.constant 0 : i32
      %dma_wait3A_82 = tpu.memref_slice %arg7[%dma_wait3A_80, %dma_wait3A_81] : memref<12x120xi32, #tpu.memory_space<vmem>> -> memref<6x120xi32, #tpu.memory_space<vmem>>
      %dma_wait3A_83 = arith.constant 0 : i32
      %dma_wait3A_84 = arith.constant 0 : i32
      %dma_wait3A_85 = tpu.memref_slice %arg3[%add3A, %dma_wait3A_83, %dma_wait3A_84] : memref<32x42x120xi32, #tpu.memory_space<hbm>> -> memref<1x42x120xi32, #tpu.memory_space<hbm>>
      %dma_wait3A_86 = tpu.memref_squeeze %dma_wait3A_85 : memref<1x42x120xi32, #tpu.memory_space<hbm>> -> memref<42x120xi32, #tpu.memory_space<hbm>>
      %dma_wait3A_87 = arith.constant 0 : i32
      %dma_wait3A_88 = arith.constant 0 : i32
      %dma_wait3A_89 = tpu.memref_slice %dma_wait3A_86[%dma_wait3A_87, %dma_wait3A_88] : memref<42x120xi32, #tpu.memory_space<hbm>> -> memref<6x120xi32, #tpu.memory_space<hbm>>
      tpu.wait_dma2 semaphore(%run_scoped3A : memref<!tpu.dma_semaphore, #tpu.memory_space<semaphore_mem>>) src(%dma_wait3A_89 : memref<6x120xi32, #tpu.memory_space<hbm>>) dst(%dma_wait3A_82 : memref<6x120xi32, #tpu.memory_space<vmem>>)
      tpu.yield
    }) : () -> ()
    "tpu.region"() ({
      %run_scoped3A = tpu.sem_alloc : memref<!tpu.dma_semaphore, #tpu.memory_space<semaphore_mem>>
      %dma_start3A_50 = arith.constant 0 : i32
      %dma_start3A_51 = arith.constant 0 : i32
      %dma_start3A_52 = tpu.memref_slice %arg8[%dma_start3A_50, %dma_start3A_51] : memref<12x120xi32, #tpu.memory_space<vmem>> -> memref<6x120xi32, #tpu.memory_space<vmem>>
      %dma_start3A_53 = arith.constant 0 : i32
      %dma_start3A_54 = arith.constant 0 : i32
      %dma_start3A_55 = tpu.memref_slice %arg4[%add3A, %dma_start3A_53, %dma_start3A_54] : memref<32x42x120xi32, #tpu.memory_space<hbm>> -> memref<1x42x120xi32, #tpu.memory_space<hbm>>
      %dma_start3A_56 = tpu.memref_squeeze %dma_start3A_55 : memref<1x42x120xi32, #tpu.memory_space<hbm>> -> memref<42x120xi32, #tpu.memory_space<hbm>>
      %dma_start3A_57 = arith.constant 0 : i32
      %dma_start3A_58 = arith.constant 0 : i32
      %dma_start3A_59 = tpu.memref_slice %dma_start3A_56[%dma_start3A_57, %dma_start3A_58] : memref<42x120xi32, #tpu.memory_space<hbm>> -> memref<6x120xi32, #tpu.memory_space<hbm>>
      %dma_start3A_60 = arith.constant 0 : i32
      %dma_start3A_61 = arith.constant 0 : i32
      %dma_start3A_62 = tpu.memref_slice %arg8[%dma_start3A_60, %dma_start3A_61] : memref<12x120xi32, #tpu.memory_space<vmem>> -> memref<6x120xi32, #tpu.memory_space<vmem>>
      %dma_start3A_63 = arith.constant 0 : i32
      %dma_start3A_64 = arith.constant 0 : i32
      %dma_start3A_65 = tpu.memref_slice %arg4[%add3A, %dma_start3A_63, %dma_start3A_64] : memref<32x42x120xi32, #tpu.memory_space<hbm>> -> memref<1x42x120xi32, #tpu.memory_space<hbm>>
      %dma_start3A_66 = tpu.memref_squeeze %dma_start3A_65 : memref<1x42x120xi32, #tpu.memory_space<hbm>> -> memref<42x120xi32, #tpu.memory_space<hbm>>
      %dma_start3A_67 = arith.constant 0 : i32
      %dma_start3A_68 = arith.constant 0 : i32
      %dma_start3A_69 = tpu.memref_slice %dma_start3A_66[%dma_start3A_67, %dma_start3A_68] : memref<42x120xi32, #tpu.memory_space<hbm>> -> memref<6x120xi32, #tpu.memory_space<hbm>>
      tpu.enqueue_dma source(%dma_start3A_69 : memref<6x120xi32, #tpu.memory_space<hbm>>) target(%dma_start3A_62 : memref<6x120xi32, #tpu.memory_space<vmem>>) target_semaphore(%run_scoped3A : memref<!tpu.dma_semaphore, #tpu.memory_space<semaphore_mem>>)
      %dma_wait3A_70 = arith.constant 0 : i32
      %dma_wait3A_71 = arith.constant 0 : i32
      %dma_wait3A_72 = tpu.memref_slice %arg8[%dma_wait3A_70, %dma_wait3A_71] : memref<12x120xi32, #tpu.memory_space<vmem>> -> memref<6x120xi32, #tpu.memory_space<vmem>>
      %dma_wait3A_73 = arith.constant 0 : i32
      %dma_wait3A_74 = arith.constant 0 : i32
      %dma_wait3A_75 = tpu.memref_slice %arg4[%add3A, %dma_wait3A_73, %dma_wait3A_74] : memref<32x42x120xi32, #tpu.memory_space<hbm>> -> memref<1x42x120xi32, #tpu.memory_space<hbm>>
      %dma_wait3A_76 = tpu.memref_squeeze %dma_wait3A_75 : memref<1x42x120xi32, #tpu.memory_space<hbm>> -> memref<42x120xi32, #tpu.memory_space<hbm>>
      %dma_wait3A_77 = arith.constant 0 : i32
      %dma_wait3A_78 = arith.constant 0 : i32
      %dma_wait3A_79 = tpu.memref_slice %dma_wait3A_76[%dma_wait3A_77, %dma_wait3A_78] : memref<42x120xi32, #tpu.memory_space<hbm>> -> memref<6x120xi32, #tpu.memory_space<hbm>>
      %dma_wait3A_80 = arith.constant 0 : i32
      %dma_wait3A_81 = arith.constant 0 : i32
      %dma_wait3A_82 = tpu.memref_slice %arg8[%dma_wait3A_80, %dma_wait3A_81] : memref<12x120xi32, #tpu.memory_space<vmem>> -> memref<6x120xi32, #tpu.memory_space<vmem>>
      %dma_wait3A_83 = arith.constant 0 : i32
      %dma_wait3A_84 = arith.constant 0 : i32
      %dma_wait3A_85 = tpu.memref_slice %arg4[%add3A, %dma_wait3A_83, %dma_wait3A_84] : memref<32x42x120xi32, #tpu.memory_space<hbm>> -> memref<1x42x120xi32, #tpu.memory_space<hbm>>
      %dma_wait3A_86 = tpu.memref_squeeze %dma_wait3A_85 : memref<1x42x120xi32, #tpu.memory_space<hbm>> -> memref<42x120xi32, #tpu.memory_space<hbm>>
      %dma_wait3A_87 = arith.constant 0 : i32
      %dma_wait3A_88 = arith.constant 0 : i32
      %dma_wait3A_89 = tpu.memref_slice %dma_wait3A_86[%dma_wait3A_87, %dma_wait3A_88] : memref<42x120xi32, #tpu.memory_space<hbm>> -> memref<6x120xi32, #tpu.memory_space<hbm>>
      tpu.wait_dma2 semaphore(%run_scoped3A : memref<!tpu.dma_semaphore, #tpu.memory_space<semaphore_mem>>) src(%dma_wait3A_89 : memref<6x120xi32, #tpu.memory_space<hbm>>) dst(%dma_wait3A_82 : memref<6x120xi32, #tpu.memory_space<vmem>>)
      tpu.yield
    }) : () -> ()
    %dma_start3A = arith.constant 0 : i32
    %dma_start3A_10 = arith.constant 0 : i32
    %dma_start3A_11 = tpu.memref_slice %arg7[%dma_start3A, %dma_start3A_10] : memref<12x120xi32, #tpu.memory_space<vmem>> -> memref<1x120xi32, #tpu.memory_space<vmem>>
    %dma_start3A_12 = tpu.memref_squeeze %dma_start3A_11 : memref<1x120xi32, #tpu.memory_space<vmem>> -> memref<120xi32, #tpu.memory_space<vmem>>
    %dma_start3A_13 = arith.constant 0 : i32
    %dma_start3A_14 = arith.constant 0 : i32
    %dma_start3A_15 = tpu.memref_slice %arg2[%dma_start3A_13, %dma_start3A_14] : memref<10240x16xf32, #tpu.memory_space<hbm>> -> memref<10240x16xf32, #tpu.memory_space<hbm>>
    tpu.enqueue_indirect_dma source(%dma_start3A_15 : memref<10240x16xf32, #tpu.memory_space<hbm>>) target(%arg9 : memref<120x16xf32, #tpu.memory_space<vmem>>) offsets(%dma_start3A_12 : memref<120xi32, #tpu.memory_space<vmem>>) semaphore(%arg12 : memref<!tpu.dma_semaphore, #tpu.memory_space<semaphore_mem>>)
    %dma_start3A_16 = arith.constant 1 : i32
    %dma_start3A_17 = arith.constant 0 : i32
    %dma_start3A_18 = tpu.memref_slice %arg7[%dma_start3A_16, %dma_start3A_17] : memref<12x120xi32, #tpu.memory_space<vmem>> -> memref<1x120xi32, #tpu.memory_space<vmem>>
    %dma_start3A_19 = tpu.memref_squeeze %dma_start3A_18 : memref<1x120xi32, #tpu.memory_space<vmem>> -> memref<120xi32, #tpu.memory_space<vmem>>
    %dma_start3A_20 = arith.constant 0 : i32
    %dma_start3A_21 = arith.constant 0 : i32
    %dma_start3A_22 = tpu.memref_slice %arg2[%dma_start3A_20, %dma_start3A_21] : memref<10240x16xf32, #tpu.memory_space<hbm>> -> memref<10240x16xf32, #tpu.memory_space<hbm>>
    tpu.enqueue_indirect_dma source(%dma_start3A_22 : memref<10240x16xf32, #tpu.memory_space<hbm>>) target(%arg10 : memref<120x16xf32, #tpu.memory_space<vmem>>) offsets(%dma_start3A_19 : memref<120xi32, #tpu.memory_space<vmem>>) semaphore(%arg13 : memref<!tpu.dma_semaphore, #tpu.memory_space<semaphore_mem>>)
    %scan3A = arith.constant 0 : i32
    %scan3A_23 = arith.constant 0 : i32
    %scan3A_24 = arith.constant 7 : i32
    %scan3A_25 = arith.addi %scan3A_23, %scan3A_24 : i32
    %scan3A_26 = arith.constant 1 : i32
    %scan3A_27 = scf.for %scan3A_50 = %scan3A_23 to %scan3A_25 step %scan3A_26 iter_args(%scan3A_51 = %scan3A) -> (i32)  : i32 {
      %jit3A = arith.constant 2 : i32
      %eq3A_52 = arith.constant 0 : i32
      %eq3A_53 = arith.cmpi eq, %jit3A, %eq3A_52 : i32
      %jit3A_54 = arith.constant 1 : i32
      %select_n3A = arith.select %eq3A_53, %jit3A_54, %jit3A : i32
      %rem3A = arith.remsi %scan3A_50, %select_n3A : i32
      %ne3A = arith.constant 0 : i32
      %ne3A_55 = arith.cmpi ne, %rem3A, %ne3A : i32
      %lt3A = arith.constant 0 : i32
      %lt3A_56 = arith.cmpi slt, %rem3A, %lt3A : i32
      %lt3A_57 = arith.constant 0 : i32
      %lt3A_58 = arith.cmpi slt, %select_n3A, %lt3A_57 : i32
      %ne3A_59 = arith.xori %lt3A_56, %lt3A_58 : i1
      %and3A = arith.andi %ne3A_59, %ne3A_55 : i1
      %add3A_60 = arith.addi %rem3A, %select_n3A : i32
      %select_n3A_61 = arith.select %and3A, %add3A_60, %rem3A : i32
      %add3A_62 = arith.constant 1 : i32
      %add3A_63 = arith.addi %scan3A_50, %add3A_62 : i32
      %jit3A_64 = arith.constant 2 : i32
      %eq3A_65 = arith.constant 0 : i32
      %eq3A_66 = arith.cmpi eq, %jit3A_64, %eq3A_65 : i32
      %jit3A_67 = arith.constant 1 : i32
      %select_n3A_68 = arith.select %eq3A_66, %jit3A_67, %jit3A_64 : i32
      %rem3A_69 = arith.remsi %add3A_63, %select_n3A_68 : i32
      %ne3A_70 = arith.constant 0 : i32
      %ne3A_71 = arith.cmpi ne, %rem3A_69, %ne3A_70 : i32
      %lt3A_72 = arith.constant 0 : i32
      %lt3A_73 = arith.cmpi slt, %rem3A_69, %lt3A_72 : i32
      %lt3A_74 = arith.constant 0 : i32
      %lt3A_75 = arith.cmpi slt, %select_n3A_68, %lt3A_74 : i32
      %ne3A_76 = arith.xori %lt3A_73, %lt3A_75 : i1
      %and3A_77 = arith.andi %ne3A_76, %ne3A_71 : i1
      %add3A_78 = arith.addi %rem3A_69, %select_n3A_68 : i32
      %select_n3A_79 = arith.select %and3A_77, %add3A_78, %rem3A_69 : i32
      %ge3A = arith.constant 1 : i32
      %ge3A_80 = arith.cmpi sge, %scan3A_50, %ge3A : i32
      %convert_element_type3A_81 = arith.extui %ge3A_80 : i1 to i32
      %cond3A_82 = arith.constant 0 : i32
      %cond3A_83 = arith.cmpi ne, %convert_element_type3A_81, %cond3A_82 : i32
      scf.if %cond3A_83 {
        %mul3A_261 = arith.constant 6 : i32
        %mul3A_262 = arith.muli %select_n3A_61, %mul3A_261 : i32
        %dma_wait3A_263 = arith.constant 0 : i32
        %dma_wait3A_264 = tpu.memref_slice %arg8[%mul3A_262, %dma_wait3A_263] : memref<12x120xi32, #tpu.memory_space<vmem>> -> memref<1x120xi32, #tpu.memory_space<vmem>>
        %dma_wait3A_265 = tpu.memref_squeeze %dma_wait3A_264 : memref<1x120xi32, #tpu.memory_space<vmem>> -> memref<120xi32, #tpu.memory_space<vmem>>
        %dma_wait3A_266 = arith.constant 0 : i32
        %dma_wait3A_267 = arith.constant 0 : i32
        %dma_wait3A_268 = tpu.memref_slice %arg6[%dma_wait3A_266, %dma_wait3A_267] : memref<10240x16xf32, #tpu.memory_space<vmem_shared>> -> memref<10240x16xf32, #tpu.memory_space<vmem_shared>>
        tpu.wait_indirect_dma semaphore(%arg17 : memref<!tpu.dma_semaphore, #tpu.memory_space<semaphore_mem>>) src(%arg11 : memref<120x16xf32, #tpu.memory_space<vmem>>) dst(%dma_wait3A_268 : memref<10240x16xf32, #tpu.memory_space<vmem_shared>>)
      } else {
      }
      %le3A = arith.constant 5 : i32
      %le3A_84 = arith.cmpi sle, %scan3A_50, %le3A : i32
      %convert_element_type3A_85 = arith.extui %le3A_84 : i1 to i32
      %cond3A_86 = arith.constant 0 : i32
      %cond3A_87 = arith.cmpi ne, %convert_element_type3A_85, %cond3A_86 : i32
      scf.if %cond3A_87 {
        %add3A_261 = arith.constant 1 : i32
        %add3A_262 = arith.addi %scan3A_50, %add3A_261 : i32
        %mul3A_263 = arith.constant 6 : i32
        %mul3A_264 = arith.muli %add3A_262, %mul3A_263 : i32
        %mul3A_265 = arith.constant 6 : i32
        %mul3A_266 = arith.muli %select_n3A_79, %mul3A_265 : i32
        "tpu.region"() ({
          %run_scoped3A = tpu.sem_alloc : memref<!tpu.dma_semaphore, #tpu.memory_space<semaphore_mem>>
          %dma_start3A_267 = arith.constant 0 : i32
          %dma_start3A_268 = tpu.memref_slice %arg7[%mul3A_266, %dma_start3A_267] : memref<12x120xi32, #tpu.memory_space<vmem>> -> memref<6x120xi32, #tpu.memory_space<vmem>>
          %dma_start3A_269 = arith.constant 0 : i32
          %dma_start3A_270 = arith.constant 0 : i32
          %dma_start3A_271 = tpu.memref_slice %arg3[%add3A, %dma_start3A_269, %dma_start3A_270] : memref<32x42x120xi32, #tpu.memory_space<hbm>> -> memref<1x42x120xi32, #tpu.memory_space<hbm>>
          %dma_start3A_272 = tpu.memref_squeeze %dma_start3A_271 : memref<1x42x120xi32, #tpu.memory_space<hbm>> -> memref<42x120xi32, #tpu.memory_space<hbm>>
          %dma_start3A_273 = arith.constant 0 : i32
          %dma_start3A_274 = tpu.memref_slice %dma_start3A_272[%mul3A_264, %dma_start3A_273] : memref<42x120xi32, #tpu.memory_space<hbm>> -> memref<6x120xi32, #tpu.memory_space<hbm>>
          %dma_start3A_275 = arith.constant 0 : i32
          %dma_start3A_276 = tpu.memref_slice %arg7[%mul3A_266, %dma_start3A_275] : memref<12x120xi32, #tpu.memory_space<vmem>> -> memref<6x120xi32, #tpu.memory_space<vmem>>
          %dma_start3A_277 = arith.constant 0 : i32
          %dma_start3A_278 = arith.constant 0 : i32
          %dma_start3A_279 = tpu.memref_slice %arg3[%add3A, %dma_start3A_277, %dma_start3A_278] : memref<32x42x120xi32, #tpu.memory_space<hbm>> -> memref<1x42x120xi32, #tpu.memory_space<hbm>>
          %dma_start3A_280 = tpu.memref_squeeze %dma_start3A_279 : memref<1x42x120xi32, #tpu.memory_space<hbm>> -> memref<42x120xi32, #tpu.memory_space<hbm>>
          %dma_start3A_281 = arith.constant 0 : i32
          %dma_start3A_282 = tpu.memref_slice %dma_start3A_280[%mul3A_264, %dma_start3A_281] : memref<42x120xi32, #tpu.memory_space<hbm>> -> memref<6x120xi32, #tpu.memory_space<hbm>>
          tpu.enqueue_dma source(%dma_start3A_282 : memref<6x120xi32, #tpu.memory_space<hbm>>) target(%dma_start3A_276 : memref<6x120xi32, #tpu.memory_space<vmem>>) target_semaphore(%run_scoped3A : memref<!tpu.dma_semaphore, #tpu.memory_space<semaphore_mem>>)
          %dma_wait3A_283 = arith.constant 0 : i32
          %dma_wait3A_284 = tpu.memref_slice %arg7[%mul3A_266, %dma_wait3A_283] : memref<12x120xi32, #tpu.memory_space<vmem>> -> memref<6x120xi32, #tpu.memory_space<vmem>>
          %dma_wait3A_285 = arith.constant 0 : i32
          %dma_wait3A_286 = arith.constant 0 : i32
          %dma_wait3A_287 = tpu.memref_slice %arg3[%add3A, %dma_wait3A_285, %dma_wait3A_286] : memref<32x42x120xi32, #tpu.memory_space<hbm>> -> memref<1x42x120xi32, #tpu.memory_space<hbm>>
          %dma_wait3A_288 = tpu.memref_squeeze %dma_wait3A_287 : memref<1x42x120xi32, #tpu.memory_space<hbm>> -> memref<42x120xi32, #tpu.memory_space<hbm>>
          %dma_wait3A_289 = arith.constant 0 : i32
          %dma_wait3A_290 = tpu.memref_slice %dma_wait3A_288[%mul3A_264, %dma_wait3A_289] : memref<42x120xi32, #tpu.memory_space<hbm>> -> memref<6x120xi32, #tpu.memory_space<hbm>>
          %dma_wait3A_291 = arith.constant 0 : i32
          %dma_wait3A_292 = tpu.memref_slice %arg7[%mul3A_266, %dma_wait3A_291] : memref<12x120xi32, #tpu.memory_space<vmem>> -> memref<6x120xi32, #tpu.memory_space<vmem>>
          %dma_wait3A_293 = arith.constant 0 : i32
          %dma_wait3A_294 = arith.constant 0 : i32
          %dma_wait3A_295 = tpu.memref_slice %arg3[%add3A, %dma_wait3A_293, %dma_wait3A_294] : memref<32x42x120xi32, #tpu.memory_space<hbm>> -> memref<1x42x120xi32, #tpu.memory_space<hbm>>
          %dma_wait3A_296 = tpu.memref_squeeze %dma_wait3A_295 : memref<1x42x120xi32, #tpu.memory_space<hbm>> -> memref<42x120xi32, #tpu.memory_space<hbm>>
          %dma_wait3A_297 = arith.constant 0 : i32
          %dma_wait3A_298 = tpu.memref_slice %dma_wait3A_296[%mul3A_264, %dma_wait3A_297] : memref<42x120xi32, #tpu.memory_space<hbm>> -> memref<6x120xi32, #tpu.memory_space<hbm>>
          tpu.wait_dma2 semaphore(%run_scoped3A : memref<!tpu.dma_semaphore, #tpu.memory_space<semaphore_mem>>) src(%dma_wait3A_298 : memref<6x120xi32, #tpu.memory_space<hbm>>) dst(%dma_wait3A_292 : memref<6x120xi32, #tpu.memory_space<vmem>>)
          tpu.yield
        }) : () -> ()
        "tpu.region"() ({
          %run_scoped3A = tpu.sem_alloc : memref<!tpu.dma_semaphore, #tpu.memory_space<semaphore_mem>>
          %dma_start3A_267 = arith.constant 0 : i32
          %dma_start3A_268 = tpu.memref_slice %arg8[%mul3A_266, %dma_start3A_267] : memref<12x120xi32, #tpu.memory_space<vmem>> -> memref<6x120xi32, #tpu.memory_space<vmem>>
          %dma_start3A_269 = arith.constant 0 : i32
          %dma_start3A_270 = arith.constant 0 : i32
          %dma_start3A_271 = tpu.memref_slice %arg4[%add3A, %dma_start3A_269, %dma_start3A_270] : memref<32x42x120xi32, #tpu.memory_space<hbm>> -> memref<1x42x120xi32, #tpu.memory_space<hbm>>
          %dma_start3A_272 = tpu.memref_squeeze %dma_start3A_271 : memref<1x42x120xi32, #tpu.memory_space<hbm>> -> memref<42x120xi32, #tpu.memory_space<hbm>>
          %dma_start3A_273 = arith.constant 0 : i32
          %dma_start3A_274 = tpu.memref_slice %dma_start3A_272[%mul3A_264, %dma_start3A_273] : memref<42x120xi32, #tpu.memory_space<hbm>> -> memref<6x120xi32, #tpu.memory_space<hbm>>
          %dma_start3A_275 = arith.constant 0 : i32
          %dma_start3A_276 = tpu.memref_slice %arg8[%mul3A_266, %dma_start3A_275] : memref<12x120xi32, #tpu.memory_space<vmem>> -> memref<6x120xi32, #tpu.memory_space<vmem>>
          %dma_start3A_277 = arith.constant 0 : i32
          %dma_start3A_278 = arith.constant 0 : i32
          %dma_start3A_279 = tpu.memref_slice %arg4[%add3A, %dma_start3A_277, %dma_start3A_278] : memref<32x42x120xi32, #tpu.memory_space<hbm>> -> memref<1x42x120xi32, #tpu.memory_space<hbm>>
          %dma_start3A_280 = tpu.memref_squeeze %dma_start3A_279 : memref<1x42x120xi32, #tpu.memory_space<hbm>> -> memref<42x120xi32, #tpu.memory_space<hbm>>
          %dma_start3A_281 = arith.constant 0 : i32
          %dma_start3A_282 = tpu.memref_slice %dma_start3A_280[%mul3A_264, %dma_start3A_281] : memref<42x120xi32, #tpu.memory_space<hbm>> -> memref<6x120xi32, #tpu.memory_space<hbm>>
          tpu.enqueue_dma source(%dma_start3A_282 : memref<6x120xi32, #tpu.memory_space<hbm>>) target(%dma_start3A_276 : memref<6x120xi32, #tpu.memory_space<vmem>>) target_semaphore(%run_scoped3A : memref<!tpu.dma_semaphore, #tpu.memory_space<semaphore_mem>>)
          %dma_wait3A_283 = arith.constant 0 : i32
          %dma_wait3A_284 = tpu.memref_slice %arg8[%mul3A_266, %dma_wait3A_283] : memref<12x120xi32, #tpu.memory_space<vmem>> -> memref<6x120xi32, #tpu.memory_space<vmem>>
          %dma_wait3A_285 = arith.constant 0 : i32
          %dma_wait3A_286 = arith.constant 0 : i32
          %dma_wait3A_287 = tpu.memref_slice %arg4[%add3A, %dma_wait3A_285, %dma_wait3A_286] : memref<32x42x120xi32, #tpu.memory_space<hbm>> -> memref<1x42x120xi32, #tpu.memory_space<hbm>>
          %dma_wait3A_288 = tpu.memref_squeeze %dma_wait3A_287 : memref<1x42x120xi32, #tpu.memory_space<hbm>> -> memref<42x120xi32, #tpu.memory_space<hbm>>
          %dma_wait3A_289 = arith.constant 0 : i32
          %dma_wait3A_290 = tpu.memref_slice %dma_wait3A_288[%mul3A_264, %dma_wait3A_289] : memref<42x120xi32, #tpu.memory_space<hbm>> -> memref<6x120xi32, #tpu.memory_space<hbm>>
          %dma_wait3A_291 = arith.constant 0 : i32
          %dma_wait3A_292 = tpu.memref_slice %arg8[%mul3A_266, %dma_wait3A_291] : memref<12x120xi32, #tpu.memory_space<vmem>> -> memref<6x120xi32, #tpu.memory_space<vmem>>
          %dma_wait3A_293 = arith.constant 0 : i32
          %dma_wait3A_294 = arith.constant 0 : i32
          %dma_wait3A_295 = tpu.memref_slice %arg4[%add3A, %dma_wait3A_293, %dma_wait3A_294] : memref<32x42x120xi32, #tpu.memory_space<hbm>> -> memref<1x42x120xi32, #tpu.memory_space<hbm>>
          %dma_wait3A_296 = tpu.memref_squeeze %dma_wait3A_295 : memref<1x42x120xi32, #tpu.memory_space<hbm>> -> memref<42x120xi32, #tpu.memory_space<hbm>>
          %dma_wait3A_297 = arith.constant 0 : i32
          %dma_wait3A_298 = tpu.memref_slice %dma_wait3A_296[%mul3A_264, %dma_wait3A_297] : memref<42x120xi32, #tpu.memory_space<hbm>> -> memref<6x120xi32, #tpu.memory_space<hbm>>
          tpu.wait_dma2 semaphore(%run_scoped3A : memref<!tpu.dma_semaphore, #tpu.memory_space<semaphore_mem>>) src(%dma_wait3A_298 : memref<6x120xi32, #tpu.memory_space<hbm>>) dst(%dma_wait3A_292 : memref<6x120xi32, #tpu.memory_space<vmem>>)
          tpu.yield
        }) : () -> ()
      } else {
      }
      %mul3A_88 = arith.constant 6 : i32
      %mul3A_89 = arith.muli %select_n3A_61, %mul3A_88 : i32
      %add3A_90 = arith.constant 0 : i32
      %add3A_91 = arith.addi %mul3A_89, %add3A_90 : i32
      %dma_wait3A_92 = arith.constant 0 : i32
      %dma_wait3A_93 = tpu.memref_slice %arg7[%add3A_91, %dma_wait3A_92] : memref<12x120xi32, #tpu.memory_space<vmem>> -> memref<1x120xi32, #tpu.memory_space<vmem>>
      %dma_wait3A_94 = tpu.memref_squeeze %dma_wait3A_93 : memref<1x120xi32, #tpu.memory_space<vmem>> -> memref<120xi32, #tpu.memory_space<vmem>>
      %dma_wait3A_95 = arith.constant 0 : i32
      %dma_wait3A_96 = arith.constant 0 : i32
      %dma_wait3A_97 = tpu.memref_slice %arg2[%dma_wait3A_95, %dma_wait3A_96] : memref<10240x16xf32, #tpu.memory_space<hbm>> -> memref<10240x16xf32, #tpu.memory_space<hbm>>
      tpu.wait_indirect_dma semaphore(%arg12 : memref<!tpu.dma_semaphore, #tpu.memory_space<semaphore_mem>>) src(%dma_wait3A_97 : memref<10240x16xf32, #tpu.memory_space<hbm>>) dst(%arg9 : memref<120x16xf32, #tpu.memory_space<vmem>>)
      %dma_start3A_98 = arith.constant 0 : i32
      %dma_start3A_99 = tpu.memref_slice %arg8[%add3A_91, %dma_start3A_98] : memref<12x120xi32, #tpu.memory_space<vmem>> -> memref<1x120xi32, #tpu.memory_space<vmem>>
      %dma_start3A_100 = tpu.memref_squeeze %dma_start3A_99 : memref<1x120xi32, #tpu.memory_space<vmem>> -> memref<120xi32, #tpu.memory_space<vmem>>
      %dma_start3A_101 = arith.constant 0 : i32
      %dma_start3A_102 = arith.constant 0 : i32
      %dma_start3A_103 = tpu.memref_slice %arg6[%dma_start3A_101, %dma_start3A_102] : memref<10240x16xf32, #tpu.memory_space<vmem_shared>> -> memref<10240x16xf32, #tpu.memory_space<vmem_shared>>
      tpu.enqueue_indirect_dma source(%arg9 : memref<120x16xf32, #tpu.memory_space<vmem>>) target(%dma_start3A_103 : memref<10240x16xf32, #tpu.memory_space<vmem_shared>>) offsets(%dma_start3A_100 : memref<120xi32, #tpu.memory_space<vmem>>) semaphore(%arg15 : memref<!tpu.dma_semaphore, #tpu.memory_space<semaphore_mem>>) {add = true}
      %mul3A_104 = arith.constant 6 : i32
      %mul3A_105 = arith.muli %select_n3A_61, %mul3A_104 : i32
      %add3A_106 = arith.constant 0 : i32
      %add3A_107 = arith.addi %mul3A_105, %add3A_106 : i32
      %add3A_108 = arith.constant 2 : i32
      %add3A_109 = arith.addi %add3A_107, %add3A_108 : i32
      %dma_start3A_110 = arith.constant 0 : i32
      %dma_start3A_111 = tpu.memref_slice %arg7[%add3A_109, %dma_start3A_110] : memref<12x120xi32, #tpu.memory_space<vmem>> -> memref<1x120xi32, #tpu.memory_space<vmem>>
      %dma_start3A_112 = tpu.memref_squeeze %dma_start3A_111 : memref<1x120xi32, #tpu.memory_space<vmem>> -> memref<120xi32, #tpu.memory_space<vmem>>
      %dma_start3A_113 = arith.constant 0 : i32
      %dma_start3A_114 = arith.constant 0 : i32
      %dma_start3A_115 = tpu.memref_slice %arg2[%dma_start3A_113, %dma_start3A_114] : memref<10240x16xf32, #tpu.memory_space<hbm>> -> memref<10240x16xf32, #tpu.memory_space<hbm>>
      tpu.enqueue_indirect_dma source(%dma_start3A_115 : memref<10240x16xf32, #tpu.memory_space<hbm>>) target(%arg11 : memref<120x16xf32, #tpu.memory_space<vmem>>) offsets(%dma_start3A_112 : memref<120xi32, #tpu.memory_space<vmem>>) semaphore(%arg14 : memref<!tpu.dma_semaphore, #tpu.memory_space<semaphore_mem>>)
      %mul3A_116 = arith.constant 6 : i32
      %mul3A_117 = arith.muli %select_n3A_61, %mul3A_116 : i32
      %add3A_118 = arith.constant 1 : i32
      %add3A_119 = arith.addi %mul3A_117, %add3A_118 : i32
      %dma_wait3A_120 = arith.constant 0 : i32
      %dma_wait3A_121 = tpu.memref_slice %arg7[%add3A_119, %dma_wait3A_120] : memref<12x120xi32, #tpu.memory_space<vmem>> -> memref<1x120xi32, #tpu.memory_space<vmem>>
      %dma_wait3A_122 = tpu.memref_squeeze %dma_wait3A_121 : memref<1x120xi32, #tpu.memory_space<vmem>> -> memref<120xi32, #tpu.memory_space<vmem>>
      %dma_wait3A_123 = arith.constant 0 : i32
      %dma_wait3A_124 = arith.constant 0 : i32
      %dma_wait3A_125 = tpu.memref_slice %arg2[%dma_wait3A_123, %dma_wait3A_124] : memref<10240x16xf32, #tpu.memory_space<hbm>> -> memref<10240x16xf32, #tpu.memory_space<hbm>>
      tpu.wait_indirect_dma semaphore(%arg13 : memref<!tpu.dma_semaphore, #tpu.memory_space<semaphore_mem>>) src(%dma_wait3A_125 : memref<10240x16xf32, #tpu.memory_space<hbm>>) dst(%arg10 : memref<120x16xf32, #tpu.memory_space<vmem>>)
      %dma_start3A_126 = arith.constant 0 : i32
      %dma_start3A_127 = tpu.memref_slice %arg8[%add3A_119, %dma_start3A_126] : memref<12x120xi32, #tpu.memory_space<vmem>> -> memref<1x120xi32, #tpu.memory_space<vmem>>
      %dma_start3A_128 = tpu.memref_squeeze %dma_start3A_127 : memref<1x120xi32, #tpu.memory_space<vmem>> -> memref<120xi32, #tpu.memory_space<vmem>>
      %dma_start3A_129 = arith.constant 0 : i32
      %dma_start3A_130 = arith.constant 0 : i32
      %dma_start3A_131 = tpu.memref_slice %arg6[%dma_start3A_129, %dma_start3A_130] : memref<10240x16xf32, #tpu.memory_space<vmem_shared>> -> memref<10240x16xf32, #tpu.memory_space<vmem_shared>>
      tpu.enqueue_indirect_dma source(%arg10 : memref<120x16xf32, #tpu.memory_space<vmem>>) target(%dma_start3A_131 : memref<10240x16xf32, #tpu.memory_space<vmem_shared>>) offsets(%dma_start3A_128 : memref<120xi32, #tpu.memory_space<vmem>>) semaphore(%arg16 : memref<!tpu.dma_semaphore, #tpu.memory_space<semaphore_mem>>) {add = true}
      %dma_wait3A_132 = arith.constant 0 : i32
      %dma_wait3A_133 = tpu.memref_slice %arg8[%add3A_119, %dma_wait3A_132] : memref<12x120xi32, #tpu.memory_space<vmem>> -> memref<1x120xi32, #tpu.memory_space<vmem>>
      %dma_wait3A_134 = tpu.memref_squeeze %dma_wait3A_133 : memref<1x120xi32, #tpu.memory_space<vmem>> -> memref<120xi32, #tpu.memory_space<vmem>>
      %dma_wait3A_135 = arith.constant 0 : i32
      %dma_wait3A_136 = arith.constant 0 : i32
      %dma_wait3A_137 = tpu.memref_slice %arg6[%dma_wait3A_135, %dma_wait3A_136] : memref<10240x16xf32, #tpu.memory_space<vmem_shared>> -> memref<10240x16xf32, #tpu.memory_space<vmem_shared>>
      tpu.wait_indirect_dma semaphore(%arg15 : memref<!tpu.dma_semaphore, #tpu.memory_space<semaphore_mem>>) src(%arg9 : memref<120x16xf32, #tpu.memory_space<vmem>>) dst(%dma_wait3A_137 : memref<10240x16xf32, #tpu.memory_space<vmem_shared>>)
      %mul3A_138 = arith.constant 6 : i32
      %mul3A_139 = arith.muli %select_n3A_61, %mul3A_138 : i32
      %add3A_140 = arith.constant 1 : i32
      %add3A_141 = arith.addi %mul3A_139, %add3A_140 : i32
      %add3A_142 = arith.constant 2 : i32
      %add3A_143 = arith.addi %add3A_141, %add3A_142 : i32
      %dma_start3A_144 = arith.constant 0 : i32
      %dma_start3A_145 = tpu.memref_slice %arg7[%add3A_143, %dma_start3A_144] : memref<12x120xi32, #tpu.memory_space<vmem>> -> memref<1x120xi32, #tpu.memory_space<vmem>>
      %dma_start3A_146 = tpu.memref_squeeze %dma_start3A_145 : memref<1x120xi32, #tpu.memory_space<vmem>> -> memref<120xi32, #tpu.memory_space<vmem>>
      %dma_start3A_147 = arith.constant 0 : i32
      %dma_start3A_148 = arith.constant 0 : i32
      %dma_start3A_149 = tpu.memref_slice %arg2[%dma_start3A_147, %dma_start3A_148] : memref<10240x16xf32, #tpu.memory_space<hbm>> -> memref<10240x16xf32, #tpu.memory_space<hbm>>
      tpu.enqueue_indirect_dma source(%dma_start3A_149 : memref<10240x16xf32, #tpu.memory_space<hbm>>) target(%arg9 : memref<120x16xf32, #tpu.memory_space<vmem>>) offsets(%dma_start3A_146 : memref<120xi32, #tpu.memory_space<vmem>>) semaphore(%arg12 : memref<!tpu.dma_semaphore, #tpu.memory_space<semaphore_mem>>)
      %mul3A_150 = arith.constant 6 : i32
      %mul3A_151 = arith.muli %select_n3A_61, %mul3A_150 : i32
      %add3A_152 = arith.constant 2 : i32
      %add3A_153 = arith.addi %mul3A_151, %add3A_152 : i32
      %dma_wait3A_154 = arith.constant 0 : i32
      %dma_wait3A_155 = tpu.memref_slice %arg7[%add3A_153, %dma_wait3A_154] : memref<12x120xi32, #tpu.memory_space<vmem>> -> memref<1x120xi32, #tpu.memory_space<vmem>>
      %dma_wait3A_156 = tpu.memref_squeeze %dma_wait3A_155 : memref<1x120xi32, #tpu.memory_space<vmem>> -> memref<120xi32, #tpu.memory_space<vmem>>
      %dma_wait3A_157 = arith.constant 0 : i32
      %dma_wait3A_158 = arith.constant 0 : i32
      %dma_wait3A_159 = tpu.memref_slice %arg2[%dma_wait3A_157, %dma_wait3A_158] : memref<10240x16xf32, #tpu.memory_space<hbm>> -> memref<10240x16xf32, #tpu.memory_space<hbm>>
      tpu.wait_indirect_dma semaphore(%arg14 : memref<!tpu.dma_semaphore, #tpu.memory_space<semaphore_mem>>) src(%dma_wait3A_159 : memref<10240x16xf32, #tpu.memory_space<hbm>>) dst(%arg11 : memref<120x16xf32, #tpu.memory_space<vmem>>)
      %dma_start3A_160 = arith.constant 0 : i32
      %dma_start3A_161 = tpu.memref_slice %arg8[%add3A_153, %dma_start3A_160] : memref<12x120xi32, #tpu.memory_space<vmem>> -> memref<1x120xi32, #tpu.memory_space<vmem>>
      %dma_start3A_162 = tpu.memref_squeeze %dma_start3A_161 : memref<1x120xi32, #tpu.memory_space<vmem>> -> memref<120xi32, #tpu.memory_space<vmem>>
      %dma_start3A_163 = arith.constant 0 : i32
      %dma_start3A_164 = arith.constant 0 : i32
      %dma_start3A_165 = tpu.memref_slice %arg6[%dma_start3A_163, %dma_start3A_164] : memref<10240x16xf32, #tpu.memory_space<vmem_shared>> -> memref<10240x16xf32, #tpu.memory_space<vmem_shared>>
      tpu.enqueue_indirect_dma source(%arg11 : memref<120x16xf32, #tpu.memory_space<vmem>>) target(%dma_start3A_165 : memref<10240x16xf32, #tpu.memory_space<vmem_shared>>) offsets(%dma_start3A_162 : memref<120xi32, #tpu.memory_space<vmem>>) semaphore(%arg17 : memref<!tpu.dma_semaphore, #tpu.memory_space<semaphore_mem>>) {add = true}
      %dma_wait3A_166 = arith.constant 0 : i32
      %dma_wait3A_167 = tpu.memref_slice %arg8[%add3A_153, %dma_wait3A_166] : memref<12x120xi32, #tpu.memory_space<vmem>> -> memref<1x120xi32, #tpu.memory_space<vmem>>
      %dma_wait3A_168 = tpu.memref_squeeze %dma_wait3A_167 : memref<1x120xi32, #tpu.memory_space<vmem>> -> memref<120xi32, #tpu.memory_space<vmem>>
      %dma_wait3A_169 = arith.constant 0 : i32
      %dma_wait3A_170 = arith.constant 0 : i32
      %dma_wait3A_171 = tpu.memref_slice %arg6[%dma_wait3A_169, %dma_wait3A_170] : memref<10240x16xf32, #tpu.memory_space<vmem_shared>> -> memref<10240x16xf32, #tpu.memory_space<vmem_shared>>
      tpu.wait_indirect_dma semaphore(%arg16 : memref<!tpu.dma_semaphore, #tpu.memory_space<semaphore_mem>>) src(%arg10 : memref<120x16xf32, #tpu.memory_space<vmem>>) dst(%dma_wait3A_171 : memref<10240x16xf32, #tpu.memory_space<vmem_shared>>)
      %mul3A_172 = arith.constant 6 : i32
      %mul3A_173 = arith.muli %select_n3A_61, %mul3A_172 : i32
      %add3A_174 = arith.constant 2 : i32
      %add3A_175 = arith.addi %mul3A_173, %add3A_174 : i32
      %add3A_176 = arith.constant 2 : i32
      %add3A_177 = arith.addi %add3A_175, %add3A_176 : i32
      %dma_start3A_178 = arith.constant 0 : i32
      %dma_start3A_179 = tpu.memref_slice %arg7[%add3A_177, %dma_start3A_178] : memref<12x120xi32, #tpu.memory_space<vmem>> -> memref<1x120xi32, #tpu.memory_space<vmem>>
      %dma_start3A_180 = tpu.memref_squeeze %dma_start3A_179 : memref<1x120xi32, #tpu.memory_space<vmem>> -> memref<120xi32, #tpu.memory_space<vmem>>
      %dma_start3A_181 = arith.constant 0 : i32
      %dma_start3A_182 = arith.constant 0 : i32
      %dma_start3A_183 = tpu.memref_slice %arg2[%dma_start3A_181, %dma_start3A_182] : memref<10240x16xf32, #tpu.memory_space<hbm>> -> memref<10240x16xf32, #tpu.memory_space<hbm>>
      tpu.enqueue_indirect_dma source(%dma_start3A_183 : memref<10240x16xf32, #tpu.memory_space<hbm>>) target(%arg10 : memref<120x16xf32, #tpu.memory_space<vmem>>) offsets(%dma_start3A_180 : memref<120xi32, #tpu.memory_space<vmem>>) semaphore(%arg13 : memref<!tpu.dma_semaphore, #tpu.memory_space<semaphore_mem>>)
      %mul3A_184 = arith.constant 6 : i32
      %mul3A_185 = arith.muli %select_n3A_61, %mul3A_184 : i32
      %add3A_186 = arith.constant 3 : i32
      %add3A_187 = arith.addi %mul3A_185, %add3A_186 : i32
      %dma_wait3A_188 = arith.constant 0 : i32
      %dma_wait3A_189 = tpu.memref_slice %arg7[%add3A_187, %dma_wait3A_188] : memref<12x120xi32, #tpu.memory_space<vmem>> -> memref<1x120xi32, #tpu.memory_space<vmem>>
      %dma_wait3A_190 = tpu.memref_squeeze %dma_wait3A_189 : memref<1x120xi32, #tpu.memory_space<vmem>> -> memref<120xi32, #tpu.memory_space<vmem>>
      %dma_wait3A_191 = arith.constant 0 : i32
      %dma_wait3A_192 = arith.constant 0 : i32
      %dma_wait3A_193 = tpu.memref_slice %arg2[%dma_wait3A_191, %dma_wait3A_192] : memref<10240x16xf32, #tpu.memory_space<hbm>> -> memref<10240x16xf32, #tpu.memory_space<hbm>>
      tpu.wait_indirect_dma semaphore(%arg12 : memref<!tpu.dma_semaphore, #tpu.memory_space<semaphore_mem>>) src(%dma_wait3A_193 : memref<10240x16xf32, #tpu.memory_space<hbm>>) dst(%arg9 : memref<120x16xf32, #tpu.memory_space<vmem>>)
      %dma_start3A_194 = arith.constant 0 : i32
      %dma_start3A_195 = tpu.memref_slice %arg8[%add3A_187, %dma_start3A_194] : memref<12x120xi32, #tpu.memory_space<vmem>> -> memref<1x120xi32, #tpu.memory_space<vmem>>
      %dma_start3A_196 = tpu.memref_squeeze %dma_start3A_195 : memref<1x120xi32, #tpu.memory_space<vmem>> -> memref<120xi32, #tpu.memory_space<vmem>>
      %dma_start3A_197 = arith.constant 0 : i32
      %dma_start3A_198 = arith.constant 0 : i32
      %dma_start3A_199 = tpu.memref_slice %arg6[%dma_start3A_197, %dma_start3A_198] : memref<10240x16xf32, #tpu.memory_space<vmem_shared>> -> memref<10240x16xf32, #tpu.memory_space<vmem_shared>>
      tpu.enqueue_indirect_dma source(%arg9 : memref<120x16xf32, #tpu.memory_space<vmem>>) target(%dma_start3A_199 : memref<10240x16xf32, #tpu.memory_space<vmem_shared>>) offsets(%dma_start3A_196 : memref<120xi32, #tpu.memory_space<vmem>>) semaphore(%arg15 : memref<!tpu.dma_semaphore, #tpu.memory_space<semaphore_mem>>) {add = true}
      %dma_wait3A_200 = arith.constant 0 : i32
      %dma_wait3A_201 = tpu.memref_slice %arg8[%add3A_187, %dma_wait3A_200] : memref<12x120xi32, #tpu.memory_space<vmem>> -> memref<1x120xi32, #tpu.memory_space<vmem>>
      %dma_wait3A_202 = tpu.memref_squeeze %dma_wait3A_201 : memref<1x120xi32, #tpu.memory_space<vmem>> -> memref<120xi32, #tpu.memory_space<vmem>>
      %dma_wait3A_203 = arith.constant 0 : i32
      %dma_wait3A_204 = arith.constant 0 : i32
      %dma_wait3A_205 = tpu.memref_slice %arg6[%dma_wait3A_203, %dma_wait3A_204] : memref<10240x16xf32, #tpu.memory_space<vmem_shared>> -> memref<10240x16xf32, #tpu.memory_space<vmem_shared>>
      tpu.wait_indirect_dma semaphore(%arg17 : memref<!tpu.dma_semaphore, #tpu.memory_space<semaphore_mem>>) src(%arg11 : memref<120x16xf32, #tpu.memory_space<vmem>>) dst(%dma_wait3A_205 : memref<10240x16xf32, #tpu.memory_space<vmem_shared>>)
      %mul3A_206 = arith.constant 6 : i32
      %mul3A_207 = arith.muli %select_n3A_61, %mul3A_206 : i32
      %add3A_208 = arith.constant 3 : i32
      %add3A_209 = arith.addi %mul3A_207, %add3A_208 : i32
      %add3A_210 = arith.constant 2 : i32
      %add3A_211 = arith.addi %add3A_209, %add3A_210 : i32
      %dma_start3A_212 = arith.constant 0 : i32
      %dma_start3A_213 = tpu.memref_slice %arg7[%add3A_211, %dma_start3A_212] : memref<12x120xi32, #tpu.memory_space<vmem>> -> memref<1x120xi32, #tpu.memory_space<vmem>>
      %dma_start3A_214 = tpu.memref_squeeze %dma_start3A_213 : memref<1x120xi32, #tpu.memory_space<vmem>> -> memref<120xi32, #tpu.memory_space<vmem>>
      %dma_start3A_215 = arith.constant 0 : i32
      %dma_start3A_216 = arith.constant 0 : i32
      %dma_start3A_217 = tpu.memref_slice %arg2[%dma_start3A_215, %dma_start3A_216] : memref<10240x16xf32, #tpu.memory_space<hbm>> -> memref<10240x16xf32, #tpu.memory_space<hbm>>
      tpu.enqueue_indirect_dma source(%dma_start3A_217 : memref<10240x16xf32, #tpu.memory_space<hbm>>) target(%arg11 : memref<120x16xf32, #tpu.memory_space<vmem>>) offsets(%dma_start3A_214 : memref<120xi32, #tpu.memory_space<vmem>>) semaphore(%arg14 : memref<!tpu.dma_semaphore, #tpu.memory_space<semaphore_mem>>)
      %mul3A_218 = arith.constant 6 : i32
      %mul3A_219 = arith.muli %select_n3A_61, %mul3A_218 : i32
      %add3A_220 = arith.constant 4 : i32
      %add3A_221 = arith.addi %mul3A_219, %add3A_220 : i32
      %dma_wait3A_222 = arith.constant 0 : i32
      %dma_wait3A_223 = tpu.memref_slice %arg7[%add3A_221, %dma_wait3A_222] : memref<12x120xi32, #tpu.memory_space<vmem>> -> memref<1x120xi32, #tpu.memory_space<vmem>>
      %dma_wait3A_224 = tpu.memref_squeeze %dma_wait3A_223 : memref<1x120xi32, #tpu.memory_space<vmem>> -> memref<120xi32, #tpu.memory_space<vmem>>
      %dma_wait3A_225 = arith.constant 0 : i32
      %dma_wait3A_226 = arith.constant 0 : i32
      %dma_wait3A_227 = tpu.memref_slice %arg2[%dma_wait3A_225, %dma_wait3A_226] : memref<10240x16xf32, #tpu.memory_space<hbm>> -> memref<10240x16xf32, #tpu.memory_space<hbm>>
      tpu.wait_indirect_dma semaphore(%arg13 : memref<!tpu.dma_semaphore, #tpu.memory_space<semaphore_mem>>) src(%dma_wait3A_227 : memref<10240x16xf32, #tpu.memory_space<hbm>>) dst(%arg10 : memref<120x16xf32, #tpu.memory_space<vmem>>)
      %dma_start3A_228 = arith.constant 0 : i32
      %dma_start3A_229 = tpu.memref_slice %arg8[%add3A_221, %dma_start3A_228] : memref<12x120xi32, #tpu.memory_space<vmem>> -> memref<1x120xi32, #tpu.memory_space<vmem>>
      %dma_start3A_230 = tpu.memref_squeeze %dma_start3A_229 : memref<1x120xi32, #tpu.memory_space<vmem>> -> memref<120xi32, #tpu.memory_space<vmem>>
      %dma_start3A_231 = arith.constant 0 : i32
      %dma_start3A_232 = arith.constant 0 : i32
      %dma_start3A_233 = tpu.memref_slice %arg6[%dma_start3A_231, %dma_start3A_232] : memref<10240x16xf32, #tpu.memory_space<vmem_shared>> -> memref<10240x16xf32, #tpu.memory_space<vmem_shared>>
      tpu.enqueue_indirect_dma source(%arg10 : memref<120x16xf32, #tpu.memory_space<vmem>>) target(%dma_start3A_233 : memref<10240x16xf32, #tpu.memory_space<vmem_shared>>) offsets(%dma_start3A_230 : memref<120xi32, #tpu.memory_space<vmem>>) semaphore(%arg16 : memref<!tpu.dma_semaphore, #tpu.memory_space<semaphore_mem>>) {add = true}
      %le3A_234 = arith.constant 5 : i32
      %le3A_235 = arith.cmpi sle, %scan3A_50, %le3A_234 : i32
      %convert_element_type3A_236 = arith.extui %le3A_235 : i1 to i32
      %cond3A_237 = arith.constant 0 : i32
      %cond3A_238 = arith.cmpi ne, %convert_element_type3A_236, %cond3A_237 : i32
      scf.if %cond3A_238 {
        %dma_wait3A_261 = arith.constant 0 : i32
        %dma_wait3A_262 = tpu.memref_slice %arg8[%add3A_221, %dma_wait3A_261] : memref<12x120xi32, #tpu.memory_space<vmem>> -> memref<1x120xi32, #tpu.memory_space<vmem>>
        %dma_wait3A_263 = tpu.memref_squeeze %dma_wait3A_262 : memref<1x120xi32, #tpu.memory_space<vmem>> -> memref<120xi32, #tpu.memory_space<vmem>>
        %dma_wait3A_264 = arith.constant 0 : i32
        %dma_wait3A_265 = arith.constant 0 : i32
        %dma_wait3A_266 = tpu.memref_slice %arg6[%dma_wait3A_264, %dma_wait3A_265] : memref<10240x16xf32, #tpu.memory_space<vmem_shared>> -> memref<10240x16xf32, #tpu.memory_space<vmem_shared>>
        tpu.wait_indirect_dma semaphore(%arg15 : memref<!tpu.dma_semaphore, #tpu.memory_space<semaphore_mem>>) src(%arg9 : memref<120x16xf32, #tpu.memory_space<vmem>>) dst(%dma_wait3A_266 : memref<10240x16xf32, #tpu.memory_space<vmem_shared>>)
        %mul3A_267 = arith.constant 6 : i32
        %mul3A_268 = arith.muli %select_n3A_79, %mul3A_267 : i32
        %add3A_269 = arith.constant 0 : i32
        %add3A_270 = arith.addi %mul3A_268, %add3A_269 : i32
        %dma_start3A_271 = arith.constant 0 : i32
        %dma_start3A_272 = tpu.memref_slice %arg7[%add3A_270, %dma_start3A_271] : memref<12x120xi32, #tpu.memory_space<vmem>> -> memref<1x120xi32, #tpu.memory_space<vmem>>
        %dma_start3A_273 = tpu.memref_squeeze %dma_start3A_272 : memref<1x120xi32, #tpu.memory_space<vmem>> -> memref<120xi32, #tpu.memory_space<vmem>>
        %dma_start3A_274 = arith.constant 0 : i32
        %dma_start3A_275 = arith.constant 0 : i32
        %dma_start3A_276 = tpu.memref_slice %arg2[%dma_start3A_274, %dma_start3A_275] : memref<10240x16xf32, #tpu.memory_space<hbm>> -> memref<10240x16xf32, #tpu.memory_space<hbm>>
        tpu.enqueue_indirect_dma source(%dma_start3A_276 : memref<10240x16xf32, #tpu.memory_space<hbm>>) target(%arg9 : memref<120x16xf32, #tpu.memory_space<vmem>>) offsets(%dma_start3A_273 : memref<120xi32, #tpu.memory_space<vmem>>) semaphore(%arg12 : memref<!tpu.dma_semaphore, #tpu.memory_space<semaphore_mem>>)
      } else {
      }
      %mul3A_239 = arith.constant 6 : i32
      %mul3A_240 = arith.muli %select_n3A_61, %mul3A_239 : i32
      %add3A_241 = arith.constant 5 : i32
      %add3A_242 = arith.addi %mul3A_240, %add3A_241 : i32
      %dma_wait3A_243 = arith.constant 0 : i32
      %dma_wait3A_244 = tpu.memref_slice %arg7[%add3A_242, %dma_wait3A_243] : memref<12x120xi32, #tpu.memory_space<vmem>> -> memref<1x120xi32, #tpu.memory_space<vmem>>
      %dma_wait3A_245 = tpu.memref_squeeze %dma_wait3A_244 : memref<1x120xi32, #tpu.memory_space<vmem>> -> memref<120xi32, #tpu.memory_space<vmem>>
      %dma_wait3A_246 = arith.constant 0 : i32
      %dma_wait3A_247 = arith.constant 0 : i32
      %dma_wait3A_248 = tpu.memref_slice %arg2[%dma_wait3A_246, %dma_wait3A_247] : memref<10240x16xf32, #tpu.memory_space<hbm>> -> memref<10240x16xf32, #tpu.memory_space<hbm>>
      tpu.wait_indirect_dma semaphore(%arg14 : memref<!tpu.dma_semaphore, #tpu.memory_space<semaphore_mem>>) src(%dma_wait3A_248 : memref<10240x16xf32, #tpu.memory_space<hbm>>) dst(%arg11 : memref<120x16xf32, #tpu.memory_space<vmem>>)
      %dma_start3A_249 = arith.constant 0 : i32
      %dma_start3A_250 = tpu.memref_slice %arg8[%add3A_242, %dma_start3A_249] : memref<12x120xi32, #tpu.memory_space<vmem>> -> memref<1x120xi32, #tpu.memory_space<vmem>>
      %dma_start3A_251 = tpu.memref_squeeze %dma_start3A_250 : memref<1x120xi32, #tpu.memory_space<vmem>> -> memref<120xi32, #tpu.memory_space<vmem>>
      %dma_start3A_252 = arith.constant 0 : i32
      %dma_start3A_253 = arith.constant 0 : i32
      %dma_start3A_254 = tpu.memref_slice %arg6[%dma_start3A_252, %dma_start3A_253] : memref<10240x16xf32, #tpu.memory_space<vmem_shared>> -> memref<10240x16xf32, #tpu.memory_space<vmem_shared>>
      tpu.enqueue_indirect_dma source(%arg11 : memref<120x16xf32, #tpu.memory_space<vmem>>) target(%dma_start3A_254 : memref<10240x16xf32, #tpu.memory_space<vmem_shared>>) offsets(%dma_start3A_251 : memref<120xi32, #tpu.memory_space<vmem>>) semaphore(%arg17 : memref<!tpu.dma_semaphore, #tpu.memory_space<semaphore_mem>>) {add = true}
      %le3A_255 = arith.constant 5 : i32
      %le3A_256 = arith.cmpi sle, %scan3A_50, %le3A_255 : i32
      %convert_element_type3A_257 = arith.extui %le3A_256 : i1 to i32
      %cond3A_258 = arith.constant 0 : i32
      %cond3A_259 = arith.cmpi ne, %convert_element_type3A_257, %cond3A_258 : i32
      scf.if %cond3A_259 {
        %dma_wait3A_261 = arith.constant 0 : i32
        %dma_wait3A_262 = tpu.memref_slice %arg8[%add3A_242, %dma_wait3A_261] : memref<12x120xi32, #tpu.memory_space<vmem>> -> memref<1x120xi32, #tpu.memory_space<vmem>>
        %dma_wait3A_263 = tpu.memref_squeeze %dma_wait3A_262 : memref<1x120xi32, #tpu.memory_space<vmem>> -> memref<120xi32, #tpu.memory_space<vmem>>
        %dma_wait3A_264 = arith.constant 0 : i32
        %dma_wait3A_265 = arith.constant 0 : i32
        %dma_wait3A_266 = tpu.memref_slice %arg6[%dma_wait3A_264, %dma_wait3A_265] : memref<10240x16xf32, #tpu.memory_space<vmem_shared>> -> memref<10240x16xf32, #tpu.memory_space<vmem_shared>>
        tpu.wait_indirect_dma semaphore(%arg16 : memref<!tpu.dma_semaphore, #tpu.memory_space<semaphore_mem>>) src(%arg10 : memref<120x16xf32, #tpu.memory_space<vmem>>) dst(%dma_wait3A_266 : memref<10240x16xf32, #tpu.memory_space<vmem_shared>>)
        %mul3A_267 = arith.constant 6 : i32
        %mul3A_268 = arith.muli %select_n3A_79, %mul3A_267 : i32
        %add3A_269 = arith.constant 1 : i32
        %add3A_270 = arith.addi %mul3A_268, %add3A_269 : i32
        %dma_start3A_271 = arith.constant 0 : i32
        %dma_start3A_272 = tpu.memref_slice %arg7[%add3A_270, %dma_start3A_271] : memref<12x120xi32, #tpu.memory_space<vmem>> -> memref<1x120xi32, #tpu.memory_space<vmem>>
        %dma_start3A_273 = tpu.memref_squeeze %dma_start3A_272 : memref<1x120xi32, #tpu.memory_space<vmem>> -> memref<120xi32, #tpu.memory_space<vmem>>
        %dma_start3A_274 = arith.constant 0 : i32
        %dma_start3A_275 = arith.constant 0 : i32
        %dma_start3A_276 = tpu.memref_slice %arg2[%dma_start3A_274, %dma_start3A_275] : memref<10240x16xf32, #tpu.memory_space<hbm>> -> memref<10240x16xf32, #tpu.memory_space<hbm>>
        tpu.enqueue_indirect_dma source(%dma_start3A_276 : memref<10240x16xf32, #tpu.memory_space<hbm>>) target(%arg10 : memref<120x16xf32, #tpu.memory_space<vmem>>) offsets(%dma_start3A_273 : memref<120xi32, #tpu.memory_space<vmem>>) semaphore(%arg13 : memref<!tpu.dma_semaphore, #tpu.memory_space<semaphore_mem>>)
      } else {
      }
      %scan3A_260 = arith.constant 0 : i32
      scf.yield %scan3A_260 : i32
    }
    %scan3A_28 = arith.constant 7 : i32
    %dma_wait3A = arith.constant 3 : i32
    %dma_wait3A_29 = arith.constant 0 : i32
    %dma_wait3A_30 = tpu.memref_slice %arg8[%dma_wait3A, %dma_wait3A_29] : memref<12x120xi32, #tpu.memory_space<vmem>> -> memref<1x120xi32, #tpu.memory_space<vmem>>
    %dma_wait3A_31 = tpu.memref_squeeze %dma_wait3A_30 : memref<1x120xi32, #tpu.memory_space<vmem>> -> memref<120xi32, #tpu.memory_space<vmem>>
    %dma_wait3A_32 = arith.constant 0 : i32
    %dma_wait3A_33 = arith.constant 0 : i32
    %dma_wait3A_34 = tpu.memref_slice %arg6[%dma_wait3A_32, %dma_wait3A_33] : memref<10240x16xf32, #tpu.memory_space<vmem_shared>> -> memref<10240x16xf32, #tpu.memory_space<vmem_shared>>
    tpu.wait_indirect_dma semaphore(%arg15 : memref<!tpu.dma_semaphore, #tpu.memory_space<semaphore_mem>>) src(%arg9 : memref<120x16xf32, #tpu.memory_space<vmem>>) dst(%dma_wait3A_34 : memref<10240x16xf32, #tpu.memory_space<vmem_shared>>)
    %dma_wait3A_35 = arith.constant 4 : i32
    %dma_wait3A_36 = arith.constant 0 : i32
    %dma_wait3A_37 = tpu.memref_slice %arg8[%dma_wait3A_35, %dma_wait3A_36] : memref<12x120xi32, #tpu.memory_space<vmem>> -> memref<1x120xi32, #tpu.memory_space<vmem>>
    %dma_wait3A_38 = tpu.memref_squeeze %dma_wait3A_37 : memref<1x120xi32, #tpu.memory_space<vmem>> -> memref<120xi32, #tpu.memory_space<vmem>>
    %dma_wait3A_39 = arith.constant 0 : i32
    %dma_wait3A_40 = arith.constant 0 : i32
    %dma_wait3A_41 = tpu.memref_slice %arg6[%dma_wait3A_39, %dma_wait3A_40] : memref<10240x16xf32, #tpu.memory_space<vmem_shared>> -> memref<10240x16xf32, #tpu.memory_space<vmem_shared>>
    tpu.wait_indirect_dma semaphore(%arg16 : memref<!tpu.dma_semaphore, #tpu.memory_space<semaphore_mem>>) src(%arg10 : memref<120x16xf32, #tpu.memory_space<vmem>>) dst(%dma_wait3A_41 : memref<10240x16xf32, #tpu.memory_space<vmem_shared>>)
    %dma_wait3A_42 = arith.constant 5 : i32
    %dma_wait3A_43 = arith.constant 0 : i32
    %dma_wait3A_44 = tpu.memref_slice %arg8[%dma_wait3A_42, %dma_wait3A_43] : memref<12x120xi32, #tpu.memory_space<vmem>> -> memref<1x120xi32, #tpu.memory_space<vmem>>
    %dma_wait3A_45 = tpu.memref_squeeze %dma_wait3A_44 : memref<1x120xi32, #tpu.memory_space<vmem>> -> memref<120xi32, #tpu.memory_space<vmem>>
    %dma_wait3A_46 = arith.constant 0 : i32
    %dma_wait3A_47 = arith.constant 0 : i32
    %dma_wait3A_48 = tpu.memref_slice %arg6[%dma_wait3A_46, %dma_wait3A_47] : memref<10240x16xf32, #tpu.memory_space<vmem_shared>> -> memref<10240x16xf32, #tpu.memory_space<vmem_shared>>
    tpu.wait_indirect_dma semaphore(%arg17 : memref<!tpu.dma_semaphore, #tpu.memory_space<semaphore_mem>>) src(%arg11 : memref<120x16xf32, #tpu.memory_space<vmem>>) dst(%dma_wait3A_48 : memref<10240x16xf32, #tpu.memory_space<vmem_shared>>)
    %barrier3A_49 = arith.constant 0 : index
    tpu.barrier barrier_id(%barrier3A_49)
    "tpu.region"() ({
      %run_scoped3A = tpu.sem_alloc : memref<!tpu.dma_semaphore, #tpu.memory_space<semaphore_mem>>
      %dma_start3A_50 = arith.constant 0 : i32
      %dma_start3A_51 = arith.constant 0 : i32
      %dma_start3A_52 = tpu.memref_slice %arg5[%arg0, %dma_start3A_50, %dma_start3A_51] : memref<2x10240x16xf32, #tpu.memory_space<hbm>> -> memref<1x10240x16xf32, #tpu.memory_space<hbm>>
      %dma_start3A_53 = tpu.memref_squeeze %dma_start3A_52 : memref<1x10240x16xf32, #tpu.memory_space<hbm>> -> memref<10240x16xf32, #tpu.memory_space<hbm>>
      %dma_start3A_54 = arith.constant 0 : i32
      %dma_start3A_55 = tpu.memref_slice %dma_start3A_53[%mul3A_2, %dma_start3A_54] : memref<10240x16xf32, #tpu.memory_space<hbm>> -> memref<640x16xf32, #tpu.memory_space<hbm>>
      %dma_start3A_56 = arith.constant 0 : i32
      %dma_start3A_57 = tpu.memref_slice %arg6[%mul3A_2, %dma_start3A_56] : memref<10240x16xf32, #tpu.memory_space<vmem_shared>> -> memref<640x16xf32, #tpu.memory_space<vmem_shared>>
      tpu.enqueue_dma source(%dma_start3A_57 : memref<640x16xf32, #tpu.memory_space<vmem_shared>>) target(%dma_start3A_55 : memref<640x16xf32, #tpu.memory_space<hbm>>) target_semaphore(%run_scoped3A : memref<!tpu.dma_semaphore, #tpu.memory_space<semaphore_mem>>)
      %dma_wait3A_58 = arith.constant 0 : i32
      %dma_wait3A_59 = arith.constant 0 : i32
      %dma_wait3A_60 = tpu.memref_slice %arg5[%arg0, %dma_wait3A_58, %dma_wait3A_59] : memref<2x10240x16xf32, #tpu.memory_space<hbm>> -> memref<1x10240x16xf32, #tpu.memory_space<hbm>>
      %dma_wait3A_61 = tpu.memref_squeeze %dma_wait3A_60 : memref<1x10240x16xf32, #tpu.memory_space<hbm>> -> memref<10240x16xf32, #tpu.memory_space<hbm>>
      %dma_wait3A_62 = arith.constant 0 : i32
      %dma_wait3A_63 = tpu.memref_slice %dma_wait3A_61[%mul3A_2, %dma_wait3A_62] : memref<10240x16xf32, #tpu.memory_space<hbm>> -> memref<640x16xf32, #tpu.memory_space<hbm>>
      %dma_wait3A_64 = arith.constant 0 : i32
      %dma_wait3A_65 = tpu.memref_slice %arg6[%mul3A_2, %dma_wait3A_64] : memref<10240x16xf32, #tpu.memory_space<vmem_shared>> -> memref<640x16xf32, #tpu.memory_space<vmem_shared>>
      tpu.wait_dma2 semaphore(%run_scoped3A : memref<!tpu.dma_semaphore, #tpu.memory_space<semaphore_mem>>) src(%dma_wait3A_65 : memref<640x16xf32, #tpu.memory_space<vmem_shared>>) dst(%dma_wait3A_63 : memref<640x16xf32, #tpu.memory_space<hbm>>)
      tpu.yield
    }) : () -> ()
    return
  }
}

#map = affine_map<(d0, d1) -> (0, 0, 0)>
module attributes {stable_mosaic.version = 14 : i64} {
  func.func @body(%arg0: i32, %arg1: i32, %arg2: memref<2x10240x128xf32, #tpu.memory_space<hbm>>, %arg3: memref<16x84x120xi32, #tpu.memory_space<hbm>>, %arg4: memref<16x84x120xi32, #tpu.memory_space<hbm>>, %arg5: memref<2x10240x128xf32, #tpu.memory_space<hbm>>, %arg6: memref<10240x128xf32, #tpu.memory_space<vmem_shared>>, %arg7: memref<12x120xi32, #tpu.memory_space<vmem>>, %arg8: memref<12x120xi32, #tpu.memory_space<vmem>>, %arg9: memref<120x128xf32, #tpu.memory_space<vmem>>, %arg10: memref<120x128xf32, #tpu.memory_space<vmem>>, %arg11: memref<120x128xf32, #tpu.memory_space<vmem>>, %arg12: memref<!tpu.dma_semaphore, #tpu.memory_space<semaphore_mem>>, %arg13: memref<!tpu.dma_semaphore, #tpu.memory_space<semaphore_mem>>, %arg14: memref<!tpu.dma_semaphore, #tpu.memory_space<semaphore_mem>>, %arg15: memref<!tpu.dma_semaphore, #tpu.memory_space<semaphore_mem>>, %arg16: memref<!tpu.dma_semaphore, #tpu.memory_space<semaphore_mem>>, %arg17: memref<!tpu.dma_semaphore, #tpu.memory_space<semaphore_mem>>) attributes {dimension_semantics = [#tpu.dimension_semantics<core_parallel>, #tpu.dimension_semantics<subcore_parallel>], iteration_bounds = array<i64: 2, 16>, scalar_prefetch = 0 : i64, scratch_operands = 12 : i64, tpu.core_type = #tpu.core_type<sc_vector_subcore>, window_params = [{transform_indices = #map}, {transform_indices = #map}, {transform_indices = #map}, {transform_indices = #map}]} {
    %mul3A = arith.constant 640 : i32
    %mul3A_0 = arith.muli %arg1, %mul3A : i32
    "tpu.region"() ({
      %run_scoped3A = tpu.sem_alloc : memref<!tpu.dma_semaphore, #tpu.memory_space<semaphore_mem>>
      %dma_start3A_49 = arith.constant 0 : i32
      %dma_start3A_50 = tpu.memref_slice %arg6[%mul3A_0, %dma_start3A_49] : memref<10240x128xf32, #tpu.memory_space<vmem_shared>> -> memref<640x128xf32, #tpu.memory_space<vmem_shared>>
      %dma_start3A_51 = arith.constant 0 : i32
      %dma_start3A_52 = arith.constant 0 : i32
      %dma_start3A_53 = tpu.memref_slice %arg2[%arg0, %dma_start3A_51, %dma_start3A_52] : memref<2x10240x128xf32, #tpu.memory_space<hbm>> -> memref<1x10240x128xf32, #tpu.memory_space<hbm>>
      %dma_start3A_54 = tpu.memref_squeeze %dma_start3A_53 : memref<1x10240x128xf32, #tpu.memory_space<hbm>> -> memref<10240x128xf32, #tpu.memory_space<hbm>>
      %dma_start3A_55 = arith.constant 0 : i32
      %dma_start3A_56 = tpu.memref_slice %dma_start3A_54[%mul3A_0, %dma_start3A_55] : memref<10240x128xf32, #tpu.memory_space<hbm>> -> memref<640x128xf32, #tpu.memory_space<hbm>>
      tpu.enqueue_dma source(%dma_start3A_56 : memref<640x128xf32, #tpu.memory_space<hbm>>) target(%dma_start3A_50 : memref<640x128xf32, #tpu.memory_space<vmem_shared>>) target_semaphore(%run_scoped3A : memref<!tpu.dma_semaphore, #tpu.memory_space<semaphore_mem>>)
      %dma_wait3A_57 = arith.constant 0 : i32
      %dma_wait3A_58 = tpu.memref_slice %arg6[%mul3A_0, %dma_wait3A_57] : memref<10240x128xf32, #tpu.memory_space<vmem_shared>> -> memref<640x128xf32, #tpu.memory_space<vmem_shared>>
      %dma_wait3A_59 = arith.constant 0 : i32
      %dma_wait3A_60 = arith.constant 0 : i32
      %dma_wait3A_61 = tpu.memref_slice %arg2[%arg0, %dma_wait3A_59, %dma_wait3A_60] : memref<2x10240x128xf32, #tpu.memory_space<hbm>> -> memref<1x10240x128xf32, #tpu.memory_space<hbm>>
      %dma_wait3A_62 = tpu.memref_squeeze %dma_wait3A_61 : memref<1x10240x128xf32, #tpu.memory_space<hbm>> -> memref<10240x128xf32, #tpu.memory_space<hbm>>
      %dma_wait3A_63 = arith.constant 0 : i32
      %dma_wait3A_64 = tpu.memref_slice %dma_wait3A_62[%mul3A_0, %dma_wait3A_63] : memref<10240x128xf32, #tpu.memory_space<hbm>> -> memref<640x128xf32, #tpu.memory_space<hbm>>
      tpu.wait_dma2 semaphore(%run_scoped3A : memref<!tpu.dma_semaphore, #tpu.memory_space<semaphore_mem>>) src(%dma_wait3A_64 : memref<640x128xf32, #tpu.memory_space<hbm>>) dst(%dma_wait3A_58 : memref<640x128xf32, #tpu.memory_space<vmem_shared>>)
      tpu.yield
    }) : () -> ()
    %barrier3A = arith.constant 0 : index
    tpu.barrier barrier_id(%barrier3A)
    "tpu.region"() ({
      %run_scoped3A = tpu.sem_alloc : memref<!tpu.dma_semaphore, #tpu.memory_space<semaphore_mem>>
      %dma_start3A_49 = arith.constant 0 : i32
      %dma_start3A_50 = arith.constant 0 : i32
      %dma_start3A_51 = tpu.memref_slice %arg7[%dma_start3A_49, %dma_start3A_50] : memref<12x120xi32, #tpu.memory_space<vmem>> -> memref<6x120xi32, #tpu.memory_space<vmem>>
      %dma_start3A_52 = arith.constant 0 : i32
      %dma_start3A_53 = arith.constant 0 : i32
      %dma_start3A_54 = tpu.memref_slice %arg3[%arg1, %dma_start3A_52, %dma_start3A_53] : memref<16x84x120xi32, #tpu.memory_space<hbm>> -> memref<1x84x120xi32, #tpu.memory_space<hbm>>
      %dma_start3A_55 = tpu.memref_squeeze %dma_start3A_54 : memref<1x84x120xi32, #tpu.memory_space<hbm>> -> memref<84x120xi32, #tpu.memory_space<hbm>>
      %dma_start3A_56 = arith.constant 0 : i32
      %dma_start3A_57 = arith.constant 0 : i32
      %dma_start3A_58 = tpu.memref_slice %dma_start3A_55[%dma_start3A_56, %dma_start3A_57] : memref<84x120xi32, #tpu.memory_space<hbm>> -> memref<6x120xi32, #tpu.memory_space<hbm>>
      %dma_start3A_59 = arith.constant 0 : i32
      %dma_start3A_60 = arith.constant 0 : i32
      %dma_start3A_61 = tpu.memref_slice %arg7[%dma_start3A_59, %dma_start3A_60] : memref<12x120xi32, #tpu.memory_space<vmem>> -> memref<6x120xi32, #tpu.memory_space<vmem>>
      %dma_start3A_62 = arith.constant 0 : i32
      %dma_start3A_63 = arith.constant 0 : i32
      %dma_start3A_64 = tpu.memref_slice %arg3[%arg1, %dma_start3A_62, %dma_start3A_63] : memref<16x84x120xi32, #tpu.memory_space<hbm>> -> memref<1x84x120xi32, #tpu.memory_space<hbm>>
      %dma_start3A_65 = tpu.memref_squeeze %dma_start3A_64 : memref<1x84x120xi32, #tpu.memory_space<hbm>> -> memref<84x120xi32, #tpu.memory_space<hbm>>
      %dma_start3A_66 = arith.constant 0 : i32
      %dma_start3A_67 = arith.constant 0 : i32
      %dma_start3A_68 = tpu.memref_slice %dma_start3A_65[%dma_start3A_66, %dma_start3A_67] : memref<84x120xi32, #tpu.memory_space<hbm>> -> memref<6x120xi32, #tpu.memory_space<hbm>>
      tpu.enqueue_dma source(%dma_start3A_68 : memref<6x120xi32, #tpu.memory_space<hbm>>) target(%dma_start3A_61 : memref<6x120xi32, #tpu.memory_space<vmem>>) target_semaphore(%run_scoped3A : memref<!tpu.dma_semaphore, #tpu.memory_space<semaphore_mem>>)
      %dma_wait3A_69 = arith.constant 0 : i32
      %dma_wait3A_70 = arith.constant 0 : i32
      %dma_wait3A_71 = tpu.memref_slice %arg7[%dma_wait3A_69, %dma_wait3A_70] : memref<12x120xi32, #tpu.memory_space<vmem>> -> memref<6x120xi32, #tpu.memory_space<vmem>>
      %dma_wait3A_72 = arith.constant 0 : i32
      %dma_wait3A_73 = arith.constant 0 : i32
      %dma_wait3A_74 = tpu.memref_slice %arg3[%arg1, %dma_wait3A_72, %dma_wait3A_73] : memref<16x84x120xi32, #tpu.memory_space<hbm>> -> memref<1x84x120xi32, #tpu.memory_space<hbm>>
      %dma_wait3A_75 = tpu.memref_squeeze %dma_wait3A_74 : memref<1x84x120xi32, #tpu.memory_space<hbm>> -> memref<84x120xi32, #tpu.memory_space<hbm>>
      %dma_wait3A_76 = arith.constant 0 : i32
      %dma_wait3A_77 = arith.constant 0 : i32
      %dma_wait3A_78 = tpu.memref_slice %dma_wait3A_75[%dma_wait3A_76, %dma_wait3A_77] : memref<84x120xi32, #tpu.memory_space<hbm>> -> memref<6x120xi32, #tpu.memory_space<hbm>>
      %dma_wait3A_79 = arith.constant 0 : i32
      %dma_wait3A_80 = arith.constant 0 : i32
      %dma_wait3A_81 = tpu.memref_slice %arg7[%dma_wait3A_79, %dma_wait3A_80] : memref<12x120xi32, #tpu.memory_space<vmem>> -> memref<6x120xi32, #tpu.memory_space<vmem>>
      %dma_wait3A_82 = arith.constant 0 : i32
      %dma_wait3A_83 = arith.constant 0 : i32
      %dma_wait3A_84 = tpu.memref_slice %arg3[%arg1, %dma_wait3A_82, %dma_wait3A_83] : memref<16x84x120xi32, #tpu.memory_space<hbm>> -> memref<1x84x120xi32, #tpu.memory_space<hbm>>
      %dma_wait3A_85 = tpu.memref_squeeze %dma_wait3A_84 : memref<1x84x120xi32, #tpu.memory_space<hbm>> -> memref<84x120xi32, #tpu.memory_space<hbm>>
      %dma_wait3A_86 = arith.constant 0 : i32
      %dma_wait3A_87 = arith.constant 0 : i32
      %dma_wait3A_88 = tpu.memref_slice %dma_wait3A_85[%dma_wait3A_86, %dma_wait3A_87] : memref<84x120xi32, #tpu.memory_space<hbm>> -> memref<6x120xi32, #tpu.memory_space<hbm>>
      tpu.wait_dma2 semaphore(%run_scoped3A : memref<!tpu.dma_semaphore, #tpu.memory_space<semaphore_mem>>) src(%dma_wait3A_88 : memref<6x120xi32, #tpu.memory_space<hbm>>) dst(%dma_wait3A_81 : memref<6x120xi32, #tpu.memory_space<vmem>>)
      tpu.yield
    }) : () -> ()
    "tpu.region"() ({
      %run_scoped3A = tpu.sem_alloc : memref<!tpu.dma_semaphore, #tpu.memory_space<semaphore_mem>>
      %dma_start3A_49 = arith.constant 0 : i32
      %dma_start3A_50 = arith.constant 0 : i32
      %dma_start3A_51 = tpu.memref_slice %arg8[%dma_start3A_49, %dma_start3A_50] : memref<12x120xi32, #tpu.memory_space<vmem>> -> memref<6x120xi32, #tpu.memory_space<vmem>>
      %dma_start3A_52 = arith.constant 0 : i32
      %dma_start3A_53 = arith.constant 0 : i32
      %dma_start3A_54 = tpu.memref_slice %arg4[%arg1, %dma_start3A_52, %dma_start3A_53] : memref<16x84x120xi32, #tpu.memory_space<hbm>> -> memref<1x84x120xi32, #tpu.memory_space<hbm>>
      %dma_start3A_55 = tpu.memref_squeeze %dma_start3A_54 : memref<1x84x120xi32, #tpu.memory_space<hbm>> -> memref<84x120xi32, #tpu.memory_space<hbm>>
      %dma_start3A_56 = arith.constant 0 : i32
      %dma_start3A_57 = arith.constant 0 : i32
      %dma_start3A_58 = tpu.memref_slice %dma_start3A_55[%dma_start3A_56, %dma_start3A_57] : memref<84x120xi32, #tpu.memory_space<hbm>> -> memref<6x120xi32, #tpu.memory_space<hbm>>
      %dma_start3A_59 = arith.constant 0 : i32
      %dma_start3A_60 = arith.constant 0 : i32
      %dma_start3A_61 = tpu.memref_slice %arg8[%dma_start3A_59, %dma_start3A_60] : memref<12x120xi32, #tpu.memory_space<vmem>> -> memref<6x120xi32, #tpu.memory_space<vmem>>
      %dma_start3A_62 = arith.constant 0 : i32
      %dma_start3A_63 = arith.constant 0 : i32
      %dma_start3A_64 = tpu.memref_slice %arg4[%arg1, %dma_start3A_62, %dma_start3A_63] : memref<16x84x120xi32, #tpu.memory_space<hbm>> -> memref<1x84x120xi32, #tpu.memory_space<hbm>>
      %dma_start3A_65 = tpu.memref_squeeze %dma_start3A_64 : memref<1x84x120xi32, #tpu.memory_space<hbm>> -> memref<84x120xi32, #tpu.memory_space<hbm>>
      %dma_start3A_66 = arith.constant 0 : i32
      %dma_start3A_67 = arith.constant 0 : i32
      %dma_start3A_68 = tpu.memref_slice %dma_start3A_65[%dma_start3A_66, %dma_start3A_67] : memref<84x120xi32, #tpu.memory_space<hbm>> -> memref<6x120xi32, #tpu.memory_space<hbm>>
      tpu.enqueue_dma source(%dma_start3A_68 : memref<6x120xi32, #tpu.memory_space<hbm>>) target(%dma_start3A_61 : memref<6x120xi32, #tpu.memory_space<vmem>>) target_semaphore(%run_scoped3A : memref<!tpu.dma_semaphore, #tpu.memory_space<semaphore_mem>>)
      %dma_wait3A_69 = arith.constant 0 : i32
      %dma_wait3A_70 = arith.constant 0 : i32
      %dma_wait3A_71 = tpu.memref_slice %arg8[%dma_wait3A_69, %dma_wait3A_70] : memref<12x120xi32, #tpu.memory_space<vmem>> -> memref<6x120xi32, #tpu.memory_space<vmem>>
      %dma_wait3A_72 = arith.constant 0 : i32
      %dma_wait3A_73 = arith.constant 0 : i32
      %dma_wait3A_74 = tpu.memref_slice %arg4[%arg1, %dma_wait3A_72, %dma_wait3A_73] : memref<16x84x120xi32, #tpu.memory_space<hbm>> -> memref<1x84x120xi32, #tpu.memory_space<hbm>>
      %dma_wait3A_75 = tpu.memref_squeeze %dma_wait3A_74 : memref<1x84x120xi32, #tpu.memory_space<hbm>> -> memref<84x120xi32, #tpu.memory_space<hbm>>
      %dma_wait3A_76 = arith.constant 0 : i32
      %dma_wait3A_77 = arith.constant 0 : i32
      %dma_wait3A_78 = tpu.memref_slice %dma_wait3A_75[%dma_wait3A_76, %dma_wait3A_77] : memref<84x120xi32, #tpu.memory_space<hbm>> -> memref<6x120xi32, #tpu.memory_space<hbm>>
      %dma_wait3A_79 = arith.constant 0 : i32
      %dma_wait3A_80 = arith.constant 0 : i32
      %dma_wait3A_81 = tpu.memref_slice %arg8[%dma_wait3A_79, %dma_wait3A_80] : memref<12x120xi32, #tpu.memory_space<vmem>> -> memref<6x120xi32, #tpu.memory_space<vmem>>
      %dma_wait3A_82 = arith.constant 0 : i32
      %dma_wait3A_83 = arith.constant 0 : i32
      %dma_wait3A_84 = tpu.memref_slice %arg4[%arg1, %dma_wait3A_82, %dma_wait3A_83] : memref<16x84x120xi32, #tpu.memory_space<hbm>> -> memref<1x84x120xi32, #tpu.memory_space<hbm>>
      %dma_wait3A_85 = tpu.memref_squeeze %dma_wait3A_84 : memref<1x84x120xi32, #tpu.memory_space<hbm>> -> memref<84x120xi32, #tpu.memory_space<hbm>>
      %dma_wait3A_86 = arith.constant 0 : i32
      %dma_wait3A_87 = arith.constant 0 : i32
      %dma_wait3A_88 = tpu.memref_slice %dma_wait3A_85[%dma_wait3A_86, %dma_wait3A_87] : memref<84x120xi32, #tpu.memory_space<hbm>> -> memref<6x120xi32, #tpu.memory_space<hbm>>
      tpu.wait_dma2 semaphore(%run_scoped3A : memref<!tpu.dma_semaphore, #tpu.memory_space<semaphore_mem>>) src(%dma_wait3A_88 : memref<6x120xi32, #tpu.memory_space<hbm>>) dst(%dma_wait3A_81 : memref<6x120xi32, #tpu.memory_space<vmem>>)
      tpu.yield
    }) : () -> ()
    %dma_start3A = arith.constant 0 : i32
    %dma_start3A_1 = arith.constant 0 : i32
    %dma_start3A_2 = tpu.memref_slice %arg7[%dma_start3A, %dma_start3A_1] : memref<12x120xi32, #tpu.memory_space<vmem>> -> memref<1x120xi32, #tpu.memory_space<vmem>>
    %dma_start3A_3 = tpu.memref_squeeze %dma_start3A_2 : memref<1x120xi32, #tpu.memory_space<vmem>> -> memref<120xi32, #tpu.memory_space<vmem>>
    %dma_start3A_4 = arith.constant 0 : i32
    %dma_start3A_5 = arith.constant 0 : i32
    %dma_start3A_6 = tpu.memref_slice %arg2[%arg0, %dma_start3A_4, %dma_start3A_5] : memref<2x10240x128xf32, #tpu.memory_space<hbm>> -> memref<1x10240x128xf32, #tpu.memory_space<hbm>>
    %dma_start3A_7 = tpu.memref_squeeze %dma_start3A_6 : memref<1x10240x128xf32, #tpu.memory_space<hbm>> -> memref<10240x128xf32, #tpu.memory_space<hbm>>
    %dma_start3A_8 = arith.constant 0 : i32
    %dma_start3A_9 = arith.constant 0 : i32
    %dma_start3A_10 = tpu.memref_slice %dma_start3A_7[%dma_start3A_8, %dma_start3A_9] : memref<10240x128xf32, #tpu.memory_space<hbm>> -> memref<10240x128xf32, #tpu.memory_space<hbm>>
    tpu.enqueue_indirect_dma source(%dma_start3A_10 : memref<10240x128xf32, #tpu.memory_space<hbm>>) target(%arg9 : memref<120x128xf32, #tpu.memory_space<vmem>>) offsets(%dma_start3A_3 : memref<120xi32, #tpu.memory_space<vmem>>) semaphore(%arg12 : memref<!tpu.dma_semaphore, #tpu.memory_space<semaphore_mem>>)
    %dma_start3A_11 = arith.constant 1 : i32
    %dma_start3A_12 = arith.constant 0 : i32
    %dma_start3A_13 = tpu.memref_slice %arg7[%dma_start3A_11, %dma_start3A_12] : memref<12x120xi32, #tpu.memory_space<vmem>> -> memref<1x120xi32, #tpu.memory_space<vmem>>
    %dma_start3A_14 = tpu.memref_squeeze %dma_start3A_13 : memref<1x120xi32, #tpu.memory_space<vmem>> -> memref<120xi32, #tpu.memory_space<vmem>>
    %dma_start3A_15 = arith.constant 0 : i32
    %dma_start3A_16 = arith.constant 0 : i32
    %dma_start3A_17 = tpu.memref_slice %arg2[%arg0, %dma_start3A_15, %dma_start3A_16] : memref<2x10240x128xf32, #tpu.memory_space<hbm>> -> memref<1x10240x128xf32, #tpu.memory_space<hbm>>
    %dma_start3A_18 = tpu.memref_squeeze %dma_start3A_17 : memref<1x10240x128xf32, #tpu.memory_space<hbm>> -> memref<10240x128xf32, #tpu.memory_space<hbm>>
    %dma_start3A_19 = arith.constant 0 : i32
    %dma_start3A_20 = arith.constant 0 : i32
    %dma_start3A_21 = tpu.memref_slice %dma_start3A_18[%dma_start3A_19, %dma_start3A_20] : memref<10240x128xf32, #tpu.memory_space<hbm>> -> memref<10240x128xf32, #tpu.memory_space<hbm>>
    tpu.enqueue_indirect_dma source(%dma_start3A_21 : memref<10240x128xf32, #tpu.memory_space<hbm>>) target(%arg10 : memref<120x128xf32, #tpu.memory_space<vmem>>) offsets(%dma_start3A_14 : memref<120xi32, #tpu.memory_space<vmem>>) semaphore(%arg13 : memref<!tpu.dma_semaphore, #tpu.memory_space<semaphore_mem>>)
    %scan3A = arith.constant 0 : i32
    %scan3A_22 = arith.constant 0 : i32
    %scan3A_23 = arith.constant 14 : i32
    %scan3A_24 = arith.addi %scan3A_22, %scan3A_23 : i32
    %scan3A_25 = arith.constant 1 : i32
    %scan3A_26 = scf.for %scan3A_49 = %scan3A_22 to %scan3A_24 step %scan3A_25 iter_args(%scan3A_50 = %scan3A) -> (i32)  : i32 {
      %jit3A = arith.constant 2 : i32
      %eq3A = arith.constant 0 : i32
      %eq3A_51 = arith.cmpi eq, %jit3A, %eq3A : i32
      %jit3A_52 = arith.constant 1 : i32
      %select_n3A = arith.select %eq3A_51, %jit3A_52, %jit3A : i32
      %rem3A = arith.remsi %scan3A_49, %select_n3A : i32
      %ne3A = arith.constant 0 : i32
      %ne3A_53 = arith.cmpi ne, %rem3A, %ne3A : i32
      %lt3A = arith.constant 0 : i32
      %lt3A_54 = arith.cmpi slt, %rem3A, %lt3A : i32
      %lt3A_55 = arith.constant 0 : i32
      %lt3A_56 = arith.cmpi slt, %select_n3A, %lt3A_55 : i32
      %ne3A_57 = arith.xori %lt3A_54, %lt3A_56 : i1
      %and3A = arith.andi %ne3A_57, %ne3A_53 : i1
      %add3A = arith.addi %rem3A, %select_n3A : i32
      %select_n3A_58 = arith.select %and3A, %add3A, %rem3A : i32
      %add3A_59 = arith.constant 1 : i32
      %add3A_60 = arith.addi %scan3A_49, %add3A_59 : i32
      %jit3A_61 = arith.constant 2 : i32
      %eq3A_62 = arith.constant 0 : i32
      %eq3A_63 = arith.cmpi eq, %jit3A_61, %eq3A_62 : i32
      %jit3A_64 = arith.constant 1 : i32
      %select_n3A_65 = arith.select %eq3A_63, %jit3A_64, %jit3A_61 : i32
      %rem3A_66 = arith.remsi %add3A_60, %select_n3A_65 : i32
      %ne3A_67 = arith.constant 0 : i32
      %ne3A_68 = arith.cmpi ne, %rem3A_66, %ne3A_67 : i32
      %lt3A_69 = arith.constant 0 : i32
      %lt3A_70 = arith.cmpi slt, %rem3A_66, %lt3A_69 : i32
      %lt3A_71 = arith.constant 0 : i32
      %lt3A_72 = arith.cmpi slt, %select_n3A_65, %lt3A_71 : i32
      %ne3A_73 = arith.xori %lt3A_70, %lt3A_72 : i1
      %and3A_74 = arith.andi %ne3A_73, %ne3A_68 : i1
      %add3A_75 = arith.addi %rem3A_66, %select_n3A_65 : i32
      %select_n3A_76 = arith.select %and3A_74, %add3A_75, %rem3A_66 : i32
      %ge3A = arith.constant 1 : i32
      %ge3A_77 = arith.cmpi sge, %scan3A_49, %ge3A : i32
      %convert_element_type3A = arith.extui %ge3A_77 : i1 to i32
      %cond3A = arith.constant 0 : i32
      %cond3A_78 = arith.cmpi ne, %convert_element_type3A, %cond3A : i32
      scf.if %cond3A_78 {
        %mul3A_296 = arith.constant 6 : i32
        %mul3A_297 = arith.muli %select_n3A_58, %mul3A_296 : i32
        %dma_wait3A_298 = arith.constant 0 : i32
        %dma_wait3A_299 = tpu.memref_slice %arg8[%mul3A_297, %dma_wait3A_298] : memref<12x120xi32, #tpu.memory_space<vmem>> -> memref<1x120xi32, #tpu.memory_space<vmem>>
        %dma_wait3A_300 = tpu.memref_squeeze %dma_wait3A_299 : memref<1x120xi32, #tpu.memory_space<vmem>> -> memref<120xi32, #tpu.memory_space<vmem>>
        %dma_wait3A_301 = arith.constant 0 : i32
        %dma_wait3A_302 = arith.constant 0 : i32
        %dma_wait3A_303 = tpu.memref_slice %arg6[%dma_wait3A_301, %dma_wait3A_302] : memref<10240x128xf32, #tpu.memory_space<vmem_shared>> -> memref<10240x128xf32, #tpu.memory_space<vmem_shared>>
        tpu.wait_indirect_dma semaphore(%arg17 : memref<!tpu.dma_semaphore, #tpu.memory_space<semaphore_mem>>) src(%arg11 : memref<120x128xf32, #tpu.memory_space<vmem>>) dst(%dma_wait3A_303 : memref<10240x128xf32, #tpu.memory_space<vmem_shared>>)
      } else {
      }
      %le3A = arith.constant 12 : i32
      %le3A_79 = arith.cmpi sle, %scan3A_49, %le3A : i32
      %convert_element_type3A_80 = arith.extui %le3A_79 : i1 to i32
      %cond3A_81 = arith.constant 0 : i32
      %cond3A_82 = arith.cmpi ne, %convert_element_type3A_80, %cond3A_81 : i32
      scf.if %cond3A_82 {
        %add3A_296 = arith.constant 1 : i32
        %add3A_297 = arith.addi %scan3A_49, %add3A_296 : i32
        %mul3A_298 = arith.constant 6 : i32
        %mul3A_299 = arith.muli %add3A_297, %mul3A_298 : i32
        %mul3A_300 = arith.constant 6 : i32
        %mul3A_301 = arith.muli %select_n3A_76, %mul3A_300 : i32
        "tpu.region"() ({
          %run_scoped3A = tpu.sem_alloc : memref<!tpu.dma_semaphore, #tpu.memory_space<semaphore_mem>>
          %dma_start3A_302 = arith.constant 0 : i32
          %dma_start3A_303 = tpu.memref_slice %arg7[%mul3A_301, %dma_start3A_302] : memref<12x120xi32, #tpu.memory_space<vmem>> -> memref<6x120xi32, #tpu.memory_space<vmem>>
          %dma_start3A_304 = arith.constant 0 : i32
          %dma_start3A_305 = arith.constant 0 : i32
          %dma_start3A_306 = tpu.memref_slice %arg3[%arg1, %dma_start3A_304, %dma_start3A_305] : memref<16x84x120xi32, #tpu.memory_space<hbm>> -> memref<1x84x120xi32, #tpu.memory_space<hbm>>
          %dma_start3A_307 = tpu.memref_squeeze %dma_start3A_306 : memref<1x84x120xi32, #tpu.memory_space<hbm>> -> memref<84x120xi32, #tpu.memory_space<hbm>>
          %dma_start3A_308 = arith.constant 0 : i32
          %dma_start3A_309 = tpu.memref_slice %dma_start3A_307[%mul3A_299, %dma_start3A_308] : memref<84x120xi32, #tpu.memory_space<hbm>> -> memref<6x120xi32, #tpu.memory_space<hbm>>
          %dma_start3A_310 = arith.constant 0 : i32
          %dma_start3A_311 = tpu.memref_slice %arg7[%mul3A_301, %dma_start3A_310] : memref<12x120xi32, #tpu.memory_space<vmem>> -> memref<6x120xi32, #tpu.memory_space<vmem>>
          %dma_start3A_312 = arith.constant 0 : i32
          %dma_start3A_313 = arith.constant 0 : i32
          %dma_start3A_314 = tpu.memref_slice %arg3[%arg1, %dma_start3A_312, %dma_start3A_313] : memref<16x84x120xi32, #tpu.memory_space<hbm>> -> memref<1x84x120xi32, #tpu.memory_space<hbm>>
          %dma_start3A_315 = tpu.memref_squeeze %dma_start3A_314 : memref<1x84x120xi32, #tpu.memory_space<hbm>> -> memref<84x120xi32, #tpu.memory_space<hbm>>
          %dma_start3A_316 = arith.constant 0 : i32
          %dma_start3A_317 = tpu.memref_slice %dma_start3A_315[%mul3A_299, %dma_start3A_316] : memref<84x120xi32, #tpu.memory_space<hbm>> -> memref<6x120xi32, #tpu.memory_space<hbm>>
          tpu.enqueue_dma source(%dma_start3A_317 : memref<6x120xi32, #tpu.memory_space<hbm>>) target(%dma_start3A_311 : memref<6x120xi32, #tpu.memory_space<vmem>>) target_semaphore(%run_scoped3A : memref<!tpu.dma_semaphore, #tpu.memory_space<semaphore_mem>>)
          %dma_wait3A_318 = arith.constant 0 : i32
          %dma_wait3A_319 = tpu.memref_slice %arg7[%mul3A_301, %dma_wait3A_318] : memref<12x120xi32, #tpu.memory_space<vmem>> -> memref<6x120xi32, #tpu.memory_space<vmem>>
          %dma_wait3A_320 = arith.constant 0 : i32
          %dma_wait3A_321 = arith.constant 0 : i32
          %dma_wait3A_322 = tpu.memref_slice %arg3[%arg1, %dma_wait3A_320, %dma_wait3A_321] : memref<16x84x120xi32, #tpu.memory_space<hbm>> -> memref<1x84x120xi32, #tpu.memory_space<hbm>>
          %dma_wait3A_323 = tpu.memref_squeeze %dma_wait3A_322 : memref<1x84x120xi32, #tpu.memory_space<hbm>> -> memref<84x120xi32, #tpu.memory_space<hbm>>
          %dma_wait3A_324 = arith.constant 0 : i32
          %dma_wait3A_325 = tpu.memref_slice %dma_wait3A_323[%mul3A_299, %dma_wait3A_324] : memref<84x120xi32, #tpu.memory_space<hbm>> -> memref<6x120xi32, #tpu.memory_space<hbm>>
          %dma_wait3A_326 = arith.constant 0 : i32
          %dma_wait3A_327 = tpu.memref_slice %arg7[%mul3A_301, %dma_wait3A_326] : memref<12x120xi32, #tpu.memory_space<vmem>> -> memref<6x120xi32, #tpu.memory_space<vmem>>
          %dma_wait3A_328 = arith.constant 0 : i32
          %dma_wait3A_329 = arith.constant 0 : i32
          %dma_wait3A_330 = tpu.memref_slice %arg3[%arg1, %dma_wait3A_328, %dma_wait3A_329] : memref<16x84x120xi32, #tpu.memory_space<hbm>> -> memref<1x84x120xi32, #tpu.memory_space<hbm>>
          %dma_wait3A_331 = tpu.memref_squeeze %dma_wait3A_330 : memref<1x84x120xi32, #tpu.memory_space<hbm>> -> memref<84x120xi32, #tpu.memory_space<hbm>>
          %dma_wait3A_332 = arith.constant 0 : i32
          %dma_wait3A_333 = tpu.memref_slice %dma_wait3A_331[%mul3A_299, %dma_wait3A_332] : memref<84x120xi32, #tpu.memory_space<hbm>> -> memref<6x120xi32, #tpu.memory_space<hbm>>
          tpu.wait_dma2 semaphore(%run_scoped3A : memref<!tpu.dma_semaphore, #tpu.memory_space<semaphore_mem>>) src(%dma_wait3A_333 : memref<6x120xi32, #tpu.memory_space<hbm>>) dst(%dma_wait3A_327 : memref<6x120xi32, #tpu.memory_space<vmem>>)
          tpu.yield
        }) : () -> ()
        "tpu.region"() ({
          %run_scoped3A = tpu.sem_alloc : memref<!tpu.dma_semaphore, #tpu.memory_space<semaphore_mem>>
          %dma_start3A_302 = arith.constant 0 : i32
          %dma_start3A_303 = tpu.memref_slice %arg8[%mul3A_301, %dma_start3A_302] : memref<12x120xi32, #tpu.memory_space<vmem>> -> memref<6x120xi32, #tpu.memory_space<vmem>>
          %dma_start3A_304 = arith.constant 0 : i32
          %dma_start3A_305 = arith.constant 0 : i32
          %dma_start3A_306 = tpu.memref_slice %arg4[%arg1, %dma_start3A_304, %dma_start3A_305] : memref<16x84x120xi32, #tpu.memory_space<hbm>> -> memref<1x84x120xi32, #tpu.memory_space<hbm>>
          %dma_start3A_307 = tpu.memref_squeeze %dma_start3A_306 : memref<1x84x120xi32, #tpu.memory_space<hbm>> -> memref<84x120xi32, #tpu.memory_space<hbm>>
          %dma_start3A_308 = arith.constant 0 : i32
          %dma_start3A_309 = tpu.memref_slice %dma_start3A_307[%mul3A_299, %dma_start3A_308] : memref<84x120xi32, #tpu.memory_space<hbm>> -> memref<6x120xi32, #tpu.memory_space<hbm>>
          %dma_start3A_310 = arith.constant 0 : i32
          %dma_start3A_311 = tpu.memref_slice %arg8[%mul3A_301, %dma_start3A_310] : memref<12x120xi32, #tpu.memory_space<vmem>> -> memref<6x120xi32, #tpu.memory_space<vmem>>
          %dma_start3A_312 = arith.constant 0 : i32
          %dma_start3A_313 = arith.constant 0 : i32
          %dma_start3A_314 = tpu.memref_slice %arg4[%arg1, %dma_start3A_312, %dma_start3A_313] : memref<16x84x120xi32, #tpu.memory_space<hbm>> -> memref<1x84x120xi32, #tpu.memory_space<hbm>>
          %dma_start3A_315 = tpu.memref_squeeze %dma_start3A_314 : memref<1x84x120xi32, #tpu.memory_space<hbm>> -> memref<84x120xi32, #tpu.memory_space<hbm>>
          %dma_start3A_316 = arith.constant 0 : i32
          %dma_start3A_317 = tpu.memref_slice %dma_start3A_315[%mul3A_299, %dma_start3A_316] : memref<84x120xi32, #tpu.memory_space<hbm>> -> memref<6x120xi32, #tpu.memory_space<hbm>>
          tpu.enqueue_dma source(%dma_start3A_317 : memref<6x120xi32, #tpu.memory_space<hbm>>) target(%dma_start3A_311 : memref<6x120xi32, #tpu.memory_space<vmem>>) target_semaphore(%run_scoped3A : memref<!tpu.dma_semaphore, #tpu.memory_space<semaphore_mem>>)
          %dma_wait3A_318 = arith.constant 0 : i32
          %dma_wait3A_319 = tpu.memref_slice %arg8[%mul3A_301, %dma_wait3A_318] : memref<12x120xi32, #tpu.memory_space<vmem>> -> memref<6x120xi32, #tpu.memory_space<vmem>>
          %dma_wait3A_320 = arith.constant 0 : i32
          %dma_wait3A_321 = arith.constant 0 : i32
          %dma_wait3A_322 = tpu.memref_slice %arg4[%arg1, %dma_wait3A_320, %dma_wait3A_321] : memref<16x84x120xi32, #tpu.memory_space<hbm>> -> memref<1x84x120xi32, #tpu.memory_space<hbm>>
          %dma_wait3A_323 = tpu.memref_squeeze %dma_wait3A_322 : memref<1x84x120xi32, #tpu.memory_space<hbm>> -> memref<84x120xi32, #tpu.memory_space<hbm>>
          %dma_wait3A_324 = arith.constant 0 : i32
          %dma_wait3A_325 = tpu.memref_slice %dma_wait3A_323[%mul3A_299, %dma_wait3A_324] : memref<84x120xi32, #tpu.memory_space<hbm>> -> memref<6x120xi32, #tpu.memory_space<hbm>>
          %dma_wait3A_326 = arith.constant 0 : i32
          %dma_wait3A_327 = tpu.memref_slice %arg8[%mul3A_301, %dma_wait3A_326] : memref<12x120xi32, #tpu.memory_space<vmem>> -> memref<6x120xi32, #tpu.memory_space<vmem>>
          %dma_wait3A_328 = arith.constant 0 : i32
          %dma_wait3A_329 = arith.constant 0 : i32
          %dma_wait3A_330 = tpu.memref_slice %arg4[%arg1, %dma_wait3A_328, %dma_wait3A_329] : memref<16x84x120xi32, #tpu.memory_space<hbm>> -> memref<1x84x120xi32, #tpu.memory_space<hbm>>
          %dma_wait3A_331 = tpu.memref_squeeze %dma_wait3A_330 : memref<1x84x120xi32, #tpu.memory_space<hbm>> -> memref<84x120xi32, #tpu.memory_space<hbm>>
          %dma_wait3A_332 = arith.constant 0 : i32
          %dma_wait3A_333 = tpu.memref_slice %dma_wait3A_331[%mul3A_299, %dma_wait3A_332] : memref<84x120xi32, #tpu.memory_space<hbm>> -> memref<6x120xi32, #tpu.memory_space<hbm>>
          tpu.wait_dma2 semaphore(%run_scoped3A : memref<!tpu.dma_semaphore, #tpu.memory_space<semaphore_mem>>) src(%dma_wait3A_333 : memref<6x120xi32, #tpu.memory_space<hbm>>) dst(%dma_wait3A_327 : memref<6x120xi32, #tpu.memory_space<vmem>>)
          tpu.yield
        }) : () -> ()
      } else {
      }
      %mul3A_83 = arith.constant 6 : i32
      %mul3A_84 = arith.muli %select_n3A_58, %mul3A_83 : i32
      %add3A_85 = arith.constant 0 : i32
      %add3A_86 = arith.addi %mul3A_84, %add3A_85 : i32
      %dma_wait3A_87 = arith.constant 0 : i32
      %dma_wait3A_88 = tpu.memref_slice %arg7[%add3A_86, %dma_wait3A_87] : memref<12x120xi32, #tpu.memory_space<vmem>> -> memref<1x120xi32, #tpu.memory_space<vmem>>
      %dma_wait3A_89 = tpu.memref_squeeze %dma_wait3A_88 : memref<1x120xi32, #tpu.memory_space<vmem>> -> memref<120xi32, #tpu.memory_space<vmem>>
      %dma_wait3A_90 = arith.constant 0 : i32
      %dma_wait3A_91 = arith.constant 0 : i32
      %dma_wait3A_92 = tpu.memref_slice %arg2[%arg0, %dma_wait3A_90, %dma_wait3A_91] : memref<2x10240x128xf32, #tpu.memory_space<hbm>> -> memref<1x10240x128xf32, #tpu.memory_space<hbm>>
      %dma_wait3A_93 = tpu.memref_squeeze %dma_wait3A_92 : memref<1x10240x128xf32, #tpu.memory_space<hbm>> -> memref<10240x128xf32, #tpu.memory_space<hbm>>
      %dma_wait3A_94 = arith.constant 0 : i32
      %dma_wait3A_95 = arith.constant 0 : i32
      %dma_wait3A_96 = tpu.memref_slice %dma_wait3A_93[%dma_wait3A_94, %dma_wait3A_95] : memref<10240x128xf32, #tpu.memory_space<hbm>> -> memref<10240x128xf32, #tpu.memory_space<hbm>>
      tpu.wait_indirect_dma semaphore(%arg12 : memref<!tpu.dma_semaphore, #tpu.memory_space<semaphore_mem>>) src(%dma_wait3A_96 : memref<10240x128xf32, #tpu.memory_space<hbm>>) dst(%arg9 : memref<120x128xf32, #tpu.memory_space<vmem>>)
      %dma_start3A_97 = arith.constant 0 : i32
      %dma_start3A_98 = tpu.memref_slice %arg8[%add3A_86, %dma_start3A_97] : memref<12x120xi32, #tpu.memory_space<vmem>> -> memref<1x120xi32, #tpu.memory_space<vmem>>
      %dma_start3A_99 = tpu.memref_squeeze %dma_start3A_98 : memref<1x120xi32, #tpu.memory_space<vmem>> -> memref<120xi32, #tpu.memory_space<vmem>>
      %dma_start3A_100 = arith.constant 0 : i32
      %dma_start3A_101 = arith.constant 0 : i32
      %dma_start3A_102 = tpu.memref_slice %arg6[%dma_start3A_100, %dma_start3A_101] : memref<10240x128xf32, #tpu.memory_space<vmem_shared>> -> memref<10240x128xf32, #tpu.memory_space<vmem_shared>>
      tpu.enqueue_indirect_dma source(%arg9 : memref<120x128xf32, #tpu.memory_space<vmem>>) target(%dma_start3A_102 : memref<10240x128xf32, #tpu.memory_space<vmem_shared>>) offsets(%dma_start3A_99 : memref<120xi32, #tpu.memory_space<vmem>>) semaphore(%arg15 : memref<!tpu.dma_semaphore, #tpu.memory_space<semaphore_mem>>) {add = true}
      %mul3A_103 = arith.constant 6 : i32
      %mul3A_104 = arith.muli %select_n3A_58, %mul3A_103 : i32
      %add3A_105 = arith.constant 0 : i32
      %add3A_106 = arith.addi %mul3A_104, %add3A_105 : i32
      %add3A_107 = arith.constant 2 : i32
      %add3A_108 = arith.addi %add3A_106, %add3A_107 : i32
      %dma_start3A_109 = arith.constant 0 : i32
      %dma_start3A_110 = tpu.memref_slice %arg7[%add3A_108, %dma_start3A_109] : memref<12x120xi32, #tpu.memory_space<vmem>> -> memref<1x120xi32, #tpu.memory_space<vmem>>
      %dma_start3A_111 = tpu.memref_squeeze %dma_start3A_110 : memref<1x120xi32, #tpu.memory_space<vmem>> -> memref<120xi32, #tpu.memory_space<vmem>>
      %dma_start3A_112 = arith.constant 0 : i32
      %dma_start3A_113 = arith.constant 0 : i32
      %dma_start3A_114 = tpu.memref_slice %arg2[%arg0, %dma_start3A_112, %dma_start3A_113] : memref<2x10240x128xf32, #tpu.memory_space<hbm>> -> memref<1x10240x128xf32, #tpu.memory_space<hbm>>
      %dma_start3A_115 = tpu.memref_squeeze %dma_start3A_114 : memref<1x10240x128xf32, #tpu.memory_space<hbm>> -> memref<10240x128xf32, #tpu.memory_space<hbm>>
      %dma_start3A_116 = arith.constant 0 : i32
      %dma_start3A_117 = arith.constant 0 : i32
      %dma_start3A_118 = tpu.memref_slice %dma_start3A_115[%dma_start3A_116, %dma_start3A_117] : memref<10240x128xf32, #tpu.memory_space<hbm>> -> memref<10240x128xf32, #tpu.memory_space<hbm>>
      tpu.enqueue_indirect_dma source(%dma_start3A_118 : memref<10240x128xf32, #tpu.memory_space<hbm>>) target(%arg11 : memref<120x128xf32, #tpu.memory_space<vmem>>) offsets(%dma_start3A_111 : memref<120xi32, #tpu.memory_space<vmem>>) semaphore(%arg14 : memref<!tpu.dma_semaphore, #tpu.memory_space<semaphore_mem>>)
      %mul3A_119 = arith.constant 6 : i32
      %mul3A_120 = arith.muli %select_n3A_58, %mul3A_119 : i32
      %add3A_121 = arith.constant 1 : i32
      %add3A_122 = arith.addi %mul3A_120, %add3A_121 : i32
      %dma_wait3A_123 = arith.constant 0 : i32
      %dma_wait3A_124 = tpu.memref_slice %arg7[%add3A_122, %dma_wait3A_123] : memref<12x120xi32, #tpu.memory_space<vmem>> -> memref<1x120xi32, #tpu.memory_space<vmem>>
      %dma_wait3A_125 = tpu.memref_squeeze %dma_wait3A_124 : memref<1x120xi32, #tpu.memory_space<vmem>> -> memref<120xi32, #tpu.memory_space<vmem>>
      %dma_wait3A_126 = arith.constant 0 : i32
      %dma_wait3A_127 = arith.constant 0 : i32
      %dma_wait3A_128 = tpu.memref_slice %arg2[%arg0, %dma_wait3A_126, %dma_wait3A_127] : memref<2x10240x128xf32, #tpu.memory_space<hbm>> -> memref<1x10240x128xf32, #tpu.memory_space<hbm>>
      %dma_wait3A_129 = tpu.memref_squeeze %dma_wait3A_128 : memref<1x10240x128xf32, #tpu.memory_space<hbm>> -> memref<10240x128xf32, #tpu.memory_space<hbm>>
      %dma_wait3A_130 = arith.constant 0 : i32
      %dma_wait3A_131 = arith.constant 0 : i32
      %dma_wait3A_132 = tpu.memref_slice %dma_wait3A_129[%dma_wait3A_130, %dma_wait3A_131] : memref<10240x128xf32, #tpu.memory_space<hbm>> -> memref<10240x128xf32, #tpu.memory_space<hbm>>
      tpu.wait_indirect_dma semaphore(%arg13 : memref<!tpu.dma_semaphore, #tpu.memory_space<semaphore_mem>>) src(%dma_wait3A_132 : memref<10240x128xf32, #tpu.memory_space<hbm>>) dst(%arg10 : memref<120x128xf32, #tpu.memory_space<vmem>>)
      %dma_start3A_133 = arith.constant 0 : i32
      %dma_start3A_134 = tpu.memref_slice %arg8[%add3A_122, %dma_start3A_133] : memref<12x120xi32, #tpu.memory_space<vmem>> -> memref<1x120xi32, #tpu.memory_space<vmem>>
      %dma_start3A_135 = tpu.memref_squeeze %dma_start3A_134 : memref<1x120xi32, #tpu.memory_space<vmem>> -> memref<120xi32, #tpu.memory_space<vmem>>
      %dma_start3A_136 = arith.constant 0 : i32
      %dma_start3A_137 = arith.constant 0 : i32
      %dma_start3A_138 = tpu.memref_slice %arg6[%dma_start3A_136, %dma_start3A_137] : memref<10240x128xf32, #tpu.memory_space<vmem_shared>> -> memref<10240x128xf32, #tpu.memory_space<vmem_shared>>
      tpu.enqueue_indirect_dma source(%arg10 : memref<120x128xf32, #tpu.memory_space<vmem>>) target(%dma_start3A_138 : memref<10240x128xf32, #tpu.memory_space<vmem_shared>>) offsets(%dma_start3A_135 : memref<120xi32, #tpu.memory_space<vmem>>) semaphore(%arg16 : memref<!tpu.dma_semaphore, #tpu.memory_space<semaphore_mem>>) {add = true}
      %dma_wait3A_139 = arith.constant 0 : i32
      %dma_wait3A_140 = tpu.memref_slice %arg8[%add3A_122, %dma_wait3A_139] : memref<12x120xi32, #tpu.memory_space<vmem>> -> memref<1x120xi32, #tpu.memory_space<vmem>>
      %dma_wait3A_141 = tpu.memref_squeeze %dma_wait3A_140 : memref<1x120xi32, #tpu.memory_space<vmem>> -> memref<120xi32, #tpu.memory_space<vmem>>
      %dma_wait3A_142 = arith.constant 0 : i32
      %dma_wait3A_143 = arith.constant 0 : i32
      %dma_wait3A_144 = tpu.memref_slice %arg6[%dma_wait3A_142, %dma_wait3A_143] : memref<10240x128xf32, #tpu.memory_space<vmem_shared>> -> memref<10240x128xf32, #tpu.memory_space<vmem_shared>>
      tpu.wait_indirect_dma semaphore(%arg15 : memref<!tpu.dma_semaphore, #tpu.memory_space<semaphore_mem>>) src(%arg9 : memref<120x128xf32, #tpu.memory_space<vmem>>) dst(%dma_wait3A_144 : memref<10240x128xf32, #tpu.memory_space<vmem_shared>>)
      %mul3A_145 = arith.constant 6 : i32
      %mul3A_146 = arith.muli %select_n3A_58, %mul3A_145 : i32
      %add3A_147 = arith.constant 1 : i32
      %add3A_148 = arith.addi %mul3A_146, %add3A_147 : i32
      %add3A_149 = arith.constant 2 : i32
      %add3A_150 = arith.addi %add3A_148, %add3A_149 : i32
      %dma_start3A_151 = arith.constant 0 : i32
      %dma_start3A_152 = tpu.memref_slice %arg7[%add3A_150, %dma_start3A_151] : memref<12x120xi32, #tpu.memory_space<vmem>> -> memref<1x120xi32, #tpu.memory_space<vmem>>
      %dma_start3A_153 = tpu.memref_squeeze %dma_start3A_152 : memref<1x120xi32, #tpu.memory_space<vmem>> -> memref<120xi32, #tpu.memory_space<vmem>>
      %dma_start3A_154 = arith.constant 0 : i32
      %dma_start3A_155 = arith.constant 0 : i32
      %dma_start3A_156 = tpu.memref_slice %arg2[%arg0, %dma_start3A_154, %dma_start3A_155] : memref<2x10240x128xf32, #tpu.memory_space<hbm>> -> memref<1x10240x128xf32, #tpu.memory_space<hbm>>
      %dma_start3A_157 = tpu.memref_squeeze %dma_start3A_156 : memref<1x10240x128xf32, #tpu.memory_space<hbm>> -> memref<10240x128xf32, #tpu.memory_space<hbm>>
      %dma_start3A_158 = arith.constant 0 : i32
      %dma_start3A_159 = arith.constant 0 : i32
      %dma_start3A_160 = tpu.memref_slice %dma_start3A_157[%dma_start3A_158, %dma_start3A_159] : memref<10240x128xf32, #tpu.memory_space<hbm>> -> memref<10240x128xf32, #tpu.memory_space<hbm>>
      tpu.enqueue_indirect_dma source(%dma_start3A_160 : memref<10240x128xf32, #tpu.memory_space<hbm>>) target(%arg9 : memref<120x128xf32, #tpu.memory_space<vmem>>) offsets(%dma_start3A_153 : memref<120xi32, #tpu.memory_space<vmem>>) semaphore(%arg12 : memref<!tpu.dma_semaphore, #tpu.memory_space<semaphore_mem>>)
      %mul3A_161 = arith.constant 6 : i32
      %mul3A_162 = arith.muli %select_n3A_58, %mul3A_161 : i32
      %add3A_163 = arith.constant 2 : i32
      %add3A_164 = arith.addi %mul3A_162, %add3A_163 : i32
      %dma_wait3A_165 = arith.constant 0 : i32
      %dma_wait3A_166 = tpu.memref_slice %arg7[%add3A_164, %dma_wait3A_165] : memref<12x120xi32, #tpu.memory_space<vmem>> -> memref<1x120xi32, #tpu.memory_space<vmem>>
      %dma_wait3A_167 = tpu.memref_squeeze %dma_wait3A_166 : memref<1x120xi32, #tpu.memory_space<vmem>> -> memref<120xi32, #tpu.memory_space<vmem>>
      %dma_wait3A_168 = arith.constant 0 : i32
      %dma_wait3A_169 = arith.constant 0 : i32
      %dma_wait3A_170 = tpu.memref_slice %arg2[%arg0, %dma_wait3A_168, %dma_wait3A_169] : memref<2x10240x128xf32, #tpu.memory_space<hbm>> -> memref<1x10240x128xf32, #tpu.memory_space<hbm>>
      %dma_wait3A_171 = tpu.memref_squeeze %dma_wait3A_170 : memref<1x10240x128xf32, #tpu.memory_space<hbm>> -> memref<10240x128xf32, #tpu.memory_space<hbm>>
      %dma_wait3A_172 = arith.constant 0 : i32
      %dma_wait3A_173 = arith.constant 0 : i32
      %dma_wait3A_174 = tpu.memref_slice %dma_wait3A_171[%dma_wait3A_172, %dma_wait3A_173] : memref<10240x128xf32, #tpu.memory_space<hbm>> -> memref<10240x128xf32, #tpu.memory_space<hbm>>
      tpu.wait_indirect_dma semaphore(%arg14 : memref<!tpu.dma_semaphore, #tpu.memory_space<semaphore_mem>>) src(%dma_wait3A_174 : memref<10240x128xf32, #tpu.memory_space<hbm>>) dst(%arg11 : memref<120x128xf32, #tpu.memory_space<vmem>>)
      %dma_start3A_175 = arith.constant 0 : i32
      %dma_start3A_176 = tpu.memref_slice %arg8[%add3A_164, %dma_start3A_175] : memref<12x120xi32, #tpu.memory_space<vmem>> -> memref<1x120xi32, #tpu.memory_space<vmem>>
      %dma_start3A_177 = tpu.memref_squeeze %dma_start3A_176 : memref<1x120xi32, #tpu.memory_space<vmem>> -> memref<120xi32, #tpu.memory_space<vmem>>
      %dma_start3A_178 = arith.constant 0 : i32
      %dma_start3A_179 = arith.constant 0 : i32
      %dma_start3A_180 = tpu.memref_slice %arg6[%dma_start3A_178, %dma_start3A_179] : memref<10240x128xf32, #tpu.memory_space<vmem_shared>> -> memref<10240x128xf32, #tpu.memory_space<vmem_shared>>
      tpu.enqueue_indirect_dma source(%arg11 : memref<120x128xf32, #tpu.memory_space<vmem>>) target(%dma_start3A_180 : memref<10240x128xf32, #tpu.memory_space<vmem_shared>>) offsets(%dma_start3A_177 : memref<120xi32, #tpu.memory_space<vmem>>) semaphore(%arg17 : memref<!tpu.dma_semaphore, #tpu.memory_space<semaphore_mem>>) {add = true}
      %dma_wait3A_181 = arith.constant 0 : i32
      %dma_wait3A_182 = tpu.memref_slice %arg8[%add3A_164, %dma_wait3A_181] : memref<12x120xi32, #tpu.memory_space<vmem>> -> memref<1x120xi32, #tpu.memory_space<vmem>>
      %dma_wait3A_183 = tpu.memref_squeeze %dma_wait3A_182 : memref<1x120xi32, #tpu.memory_space<vmem>> -> memref<120xi32, #tpu.memory_space<vmem>>
      %dma_wait3A_184 = arith.constant 0 : i32
      %dma_wait3A_185 = arith.constant 0 : i32
      %dma_wait3A_186 = tpu.memref_slice %arg6[%dma_wait3A_184, %dma_wait3A_185] : memref<10240x128xf32, #tpu.memory_space<vmem_shared>> -> memref<10240x128xf32, #tpu.memory_space<vmem_shared>>
      tpu.wait_indirect_dma semaphore(%arg16 : memref<!tpu.dma_semaphore, #tpu.memory_space<semaphore_mem>>) src(%arg10 : memref<120x128xf32, #tpu.memory_space<vmem>>) dst(%dma_wait3A_186 : memref<10240x128xf32, #tpu.memory_space<vmem_shared>>)
      %mul3A_187 = arith.constant 6 : i32
      %mul3A_188 = arith.muli %select_n3A_58, %mul3A_187 : i32
      %add3A_189 = arith.constant 2 : i32
      %add3A_190 = arith.addi %mul3A_188, %add3A_189 : i32
      %add3A_191 = arith.constant 2 : i32
      %add3A_192 = arith.addi %add3A_190, %add3A_191 : i32
      %dma_start3A_193 = arith.constant 0 : i32
      %dma_start3A_194 = tpu.memref_slice %arg7[%add3A_192, %dma_start3A_193] : memref<12x120xi32, #tpu.memory_space<vmem>> -> memref<1x120xi32, #tpu.memory_space<vmem>>
      %dma_start3A_195 = tpu.memref_squeeze %dma_start3A_194 : memref<1x120xi32, #tpu.memory_space<vmem>> -> memref<120xi32, #tpu.memory_space<vmem>>
      %dma_start3A_196 = arith.constant 0 : i32
      %dma_start3A_197 = arith.constant 0 : i32
      %dma_start3A_198 = tpu.memref_slice %arg2[%arg0, %dma_start3A_196, %dma_start3A_197] : memref<2x10240x128xf32, #tpu.memory_space<hbm>> -> memref<1x10240x128xf32, #tpu.memory_space<hbm>>
      %dma_start3A_199 = tpu.memref_squeeze %dma_start3A_198 : memref<1x10240x128xf32, #tpu.memory_space<hbm>> -> memref<10240x128xf32, #tpu.memory_space<hbm>>
      %dma_start3A_200 = arith.constant 0 : i32
      %dma_start3A_201 = arith.constant 0 : i32
      %dma_start3A_202 = tpu.memref_slice %dma_start3A_199[%dma_start3A_200, %dma_start3A_201] : memref<10240x128xf32, #tpu.memory_space<hbm>> -> memref<10240x128xf32, #tpu.memory_space<hbm>>
      tpu.enqueue_indirect_dma source(%dma_start3A_202 : memref<10240x128xf32, #tpu.memory_space<hbm>>) target(%arg10 : memref<120x128xf32, #tpu.memory_space<vmem>>) offsets(%dma_start3A_195 : memref<120xi32, #tpu.memory_space<vmem>>) semaphore(%arg13 : memref<!tpu.dma_semaphore, #tpu.memory_space<semaphore_mem>>)
      %mul3A_203 = arith.constant 6 : i32
      %mul3A_204 = arith.muli %select_n3A_58, %mul3A_203 : i32
      %add3A_205 = arith.constant 3 : i32
      %add3A_206 = arith.addi %mul3A_204, %add3A_205 : i32
      %dma_wait3A_207 = arith.constant 0 : i32
      %dma_wait3A_208 = tpu.memref_slice %arg7[%add3A_206, %dma_wait3A_207] : memref<12x120xi32, #tpu.memory_space<vmem>> -> memref<1x120xi32, #tpu.memory_space<vmem>>
      %dma_wait3A_209 = tpu.memref_squeeze %dma_wait3A_208 : memref<1x120xi32, #tpu.memory_space<vmem>> -> memref<120xi32, #tpu.memory_space<vmem>>
      %dma_wait3A_210 = arith.constant 0 : i32
      %dma_wait3A_211 = arith.constant 0 : i32
      %dma_wait3A_212 = tpu.memref_slice %arg2[%arg0, %dma_wait3A_210, %dma_wait3A_211] : memref<2x10240x128xf32, #tpu.memory_space<hbm>> -> memref<1x10240x128xf32, #tpu.memory_space<hbm>>
      %dma_wait3A_213 = tpu.memref_squeeze %dma_wait3A_212 : memref<1x10240x128xf32, #tpu.memory_space<hbm>> -> memref<10240x128xf32, #tpu.memory_space<hbm>>
      %dma_wait3A_214 = arith.constant 0 : i32
      %dma_wait3A_215 = arith.constant 0 : i32
      %dma_wait3A_216 = tpu.memref_slice %dma_wait3A_213[%dma_wait3A_214, %dma_wait3A_215] : memref<10240x128xf32, #tpu.memory_space<hbm>> -> memref<10240x128xf32, #tpu.memory_space<hbm>>
      tpu.wait_indirect_dma semaphore(%arg12 : memref<!tpu.dma_semaphore, #tpu.memory_space<semaphore_mem>>) src(%dma_wait3A_216 : memref<10240x128xf32, #tpu.memory_space<hbm>>) dst(%arg9 : memref<120x128xf32, #tpu.memory_space<vmem>>)
      %dma_start3A_217 = arith.constant 0 : i32
      %dma_start3A_218 = tpu.memref_slice %arg8[%add3A_206, %dma_start3A_217] : memref<12x120xi32, #tpu.memory_space<vmem>> -> memref<1x120xi32, #tpu.memory_space<vmem>>
      %dma_start3A_219 = tpu.memref_squeeze %dma_start3A_218 : memref<1x120xi32, #tpu.memory_space<vmem>> -> memref<120xi32, #tpu.memory_space<vmem>>
      %dma_start3A_220 = arith.constant 0 : i32
      %dma_start3A_221 = arith.constant 0 : i32
      %dma_start3A_222 = tpu.memref_slice %arg6[%dma_start3A_220, %dma_start3A_221] : memref<10240x128xf32, #tpu.memory_space<vmem_shared>> -> memref<10240x128xf32, #tpu.memory_space<vmem_shared>>
      tpu.enqueue_indirect_dma source(%arg9 : memref<120x128xf32, #tpu.memory_space<vmem>>) target(%dma_start3A_222 : memref<10240x128xf32, #tpu.memory_space<vmem_shared>>) offsets(%dma_start3A_219 : memref<120xi32, #tpu.memory_space<vmem>>) semaphore(%arg15 : memref<!tpu.dma_semaphore, #tpu.memory_space<semaphore_mem>>) {add = true}
      %dma_wait3A_223 = arith.constant 0 : i32
      %dma_wait3A_224 = tpu.memref_slice %arg8[%add3A_206, %dma_wait3A_223] : memref<12x120xi32, #tpu.memory_space<vmem>> -> memref<1x120xi32, #tpu.memory_space<vmem>>
      %dma_wait3A_225 = tpu.memref_squeeze %dma_wait3A_224 : memref<1x120xi32, #tpu.memory_space<vmem>> -> memref<120xi32, #tpu.memory_space<vmem>>
      %dma_wait3A_226 = arith.constant 0 : i32
      %dma_wait3A_227 = arith.constant 0 : i32
      %dma_wait3A_228 = tpu.memref_slice %arg6[%dma_wait3A_226, %dma_wait3A_227] : memref<10240x128xf32, #tpu.memory_space<vmem_shared>> -> memref<10240x128xf32, #tpu.memory_space<vmem_shared>>
      tpu.wait_indirect_dma semaphore(%arg17 : memref<!tpu.dma_semaphore, #tpu.memory_space<semaphore_mem>>) src(%arg11 : memref<120x128xf32, #tpu.memory_space<vmem>>) dst(%dma_wait3A_228 : memref<10240x128xf32, #tpu.memory_space<vmem_shared>>)
      %mul3A_229 = arith.constant 6 : i32
      %mul3A_230 = arith.muli %select_n3A_58, %mul3A_229 : i32
      %add3A_231 = arith.constant 3 : i32
      %add3A_232 = arith.addi %mul3A_230, %add3A_231 : i32
      %add3A_233 = arith.constant 2 : i32
      %add3A_234 = arith.addi %add3A_232, %add3A_233 : i32
      %dma_start3A_235 = arith.constant 0 : i32
      %dma_start3A_236 = tpu.memref_slice %arg7[%add3A_234, %dma_start3A_235] : memref<12x120xi32, #tpu.memory_space<vmem>> -> memref<1x120xi32, #tpu.memory_space<vmem>>
      %dma_start3A_237 = tpu.memref_squeeze %dma_start3A_236 : memref<1x120xi32, #tpu.memory_space<vmem>> -> memref<120xi32, #tpu.memory_space<vmem>>
      %dma_start3A_238 = arith.constant 0 : i32
      %dma_start3A_239 = arith.constant 0 : i32
      %dma_start3A_240 = tpu.memref_slice %arg2[%arg0, %dma_start3A_238, %dma_start3A_239] : memref<2x10240x128xf32, #tpu.memory_space<hbm>> -> memref<1x10240x128xf32, #tpu.memory_space<hbm>>
      %dma_start3A_241 = tpu.memref_squeeze %dma_start3A_240 : memref<1x10240x128xf32, #tpu.memory_space<hbm>> -> memref<10240x128xf32, #tpu.memory_space<hbm>>
      %dma_start3A_242 = arith.constant 0 : i32
      %dma_start3A_243 = arith.constant 0 : i32
      %dma_start3A_244 = tpu.memref_slice %dma_start3A_241[%dma_start3A_242, %dma_start3A_243] : memref<10240x128xf32, #tpu.memory_space<hbm>> -> memref<10240x128xf32, #tpu.memory_space<hbm>>
      tpu.enqueue_indirect_dma source(%dma_start3A_244 : memref<10240x128xf32, #tpu.memory_space<hbm>>) target(%arg11 : memref<120x128xf32, #tpu.memory_space<vmem>>) offsets(%dma_start3A_237 : memref<120xi32, #tpu.memory_space<vmem>>) semaphore(%arg14 : memref<!tpu.dma_semaphore, #tpu.memory_space<semaphore_mem>>)
      %mul3A_245 = arith.constant 6 : i32
      %mul3A_246 = arith.muli %select_n3A_58, %mul3A_245 : i32
      %add3A_247 = arith.constant 4 : i32
      %add3A_248 = arith.addi %mul3A_246, %add3A_247 : i32
      %dma_wait3A_249 = arith.constant 0 : i32
      %dma_wait3A_250 = tpu.memref_slice %arg7[%add3A_248, %dma_wait3A_249] : memref<12x120xi32, #tpu.memory_space<vmem>> -> memref<1x120xi32, #tpu.memory_space<vmem>>
      %dma_wait3A_251 = tpu.memref_squeeze %dma_wait3A_250 : memref<1x120xi32, #tpu.memory_space<vmem>> -> memref<120xi32, #tpu.memory_space<vmem>>
      %dma_wait3A_252 = arith.constant 0 : i32
      %dma_wait3A_253 = arith.constant 0 : i32
      %dma_wait3A_254 = tpu.memref_slice %arg2[%arg0, %dma_wait3A_252, %dma_wait3A_253] : memref<2x10240x128xf32, #tpu.memory_space<hbm>> -> memref<1x10240x128xf32, #tpu.memory_space<hbm>>
      %dma_wait3A_255 = tpu.memref_squeeze %dma_wait3A_254 : memref<1x10240x128xf32, #tpu.memory_space<hbm>> -> memref<10240x128xf32, #tpu.memory_space<hbm>>
      %dma_wait3A_256 = arith.constant 0 : i32
      %dma_wait3A_257 = arith.constant 0 : i32
      %dma_wait3A_258 = tpu.memref_slice %dma_wait3A_255[%dma_wait3A_256, %dma_wait3A_257] : memref<10240x128xf32, #tpu.memory_space<hbm>> -> memref<10240x128xf32, #tpu.memory_space<hbm>>
      tpu.wait_indirect_dma semaphore(%arg13 : memref<!tpu.dma_semaphore, #tpu.memory_space<semaphore_mem>>) src(%dma_wait3A_258 : memref<10240x128xf32, #tpu.memory_space<hbm>>) dst(%arg10 : memref<120x128xf32, #tpu.memory_space<vmem>>)
      %dma_start3A_259 = arith.constant 0 : i32
      %dma_start3A_260 = tpu.memref_slice %arg8[%add3A_248, %dma_start3A_259] : memref<12x120xi32, #tpu.memory_space<vmem>> -> memref<1x120xi32, #tpu.memory_space<vmem>>
      %dma_start3A_261 = tpu.memref_squeeze %dma_start3A_260 : memref<1x120xi32, #tpu.memory_space<vmem>> -> memref<120xi32, #tpu.memory_space<vmem>>
      %dma_start3A_262 = arith.constant 0 : i32
      %dma_start3A_263 = arith.constant 0 : i32
      %dma_start3A_264 = tpu.memref_slice %arg6[%dma_start3A_262, %dma_start3A_263] : memref<10240x128xf32, #tpu.memory_space<vmem_shared>> -> memref<10240x128xf32, #tpu.memory_space<vmem_shared>>
      tpu.enqueue_indirect_dma source(%arg10 : memref<120x128xf32, #tpu.memory_space<vmem>>) target(%dma_start3A_264 : memref<10240x128xf32, #tpu.memory_space<vmem_shared>>) offsets(%dma_start3A_261 : memref<120xi32, #tpu.memory_space<vmem>>) semaphore(%arg16 : memref<!tpu.dma_semaphore, #tpu.memory_space<semaphore_mem>>) {add = true}
      %le3A_265 = arith.constant 12 : i32
      %le3A_266 = arith.cmpi sle, %scan3A_49, %le3A_265 : i32
      %convert_element_type3A_267 = arith.extui %le3A_266 : i1 to i32
      %cond3A_268 = arith.constant 0 : i32
      %cond3A_269 = arith.cmpi ne, %convert_element_type3A_267, %cond3A_268 : i32
      scf.if %cond3A_269 {
        %dma_wait3A_296 = arith.constant 0 : i32
        %dma_wait3A_297 = tpu.memref_slice %arg8[%add3A_248, %dma_wait3A_296] : memref<12x120xi32, #tpu.memory_space<vmem>> -> memref<1x120xi32, #tpu.memory_space<vmem>>
        %dma_wait3A_298 = tpu.memref_squeeze %dma_wait3A_297 : memref<1x120xi32, #tpu.memory_space<vmem>> -> memref<120xi32, #tpu.memory_space<vmem>>
        %dma_wait3A_299 = arith.constant 0 : i32
        %dma_wait3A_300 = arith.constant 0 : i32
        %dma_wait3A_301 = tpu.memref_slice %arg6[%dma_wait3A_299, %dma_wait3A_300] : memref<10240x128xf32, #tpu.memory_space<vmem_shared>> -> memref<10240x128xf32, #tpu.memory_space<vmem_shared>>
        tpu.wait_indirect_dma semaphore(%arg15 : memref<!tpu.dma_semaphore, #tpu.memory_space<semaphore_mem>>) src(%arg9 : memref<120x128xf32, #tpu.memory_space<vmem>>) dst(%dma_wait3A_301 : memref<10240x128xf32, #tpu.memory_space<vmem_shared>>)
        %mul3A_302 = arith.constant 6 : i32
        %mul3A_303 = arith.muli %select_n3A_76, %mul3A_302 : i32
        %add3A_304 = arith.constant 0 : i32
        %add3A_305 = arith.addi %mul3A_303, %add3A_304 : i32
        %dma_start3A_306 = arith.constant 0 : i32
        %dma_start3A_307 = tpu.memref_slice %arg7[%add3A_305, %dma_start3A_306] : memref<12x120xi32, #tpu.memory_space<vmem>> -> memref<1x120xi32, #tpu.memory_space<vmem>>
        %dma_start3A_308 = tpu.memref_squeeze %dma_start3A_307 : memref<1x120xi32, #tpu.memory_space<vmem>> -> memref<120xi32, #tpu.memory_space<vmem>>
        %dma_start3A_309 = arith.constant 0 : i32
        %dma_start3A_310 = arith.constant 0 : i32
        %dma_start3A_311 = tpu.memref_slice %arg2[%arg0, %dma_start3A_309, %dma_start3A_310] : memref<2x10240x128xf32, #tpu.memory_space<hbm>> -> memref<1x10240x128xf32, #tpu.memory_space<hbm>>
        %dma_start3A_312 = tpu.memref_squeeze %dma_start3A_311 : memref<1x10240x128xf32, #tpu.memory_space<hbm>> -> memref<10240x128xf32, #tpu.memory_space<hbm>>
        %dma_start3A_313 = arith.constant 0 : i32
        %dma_start3A_314 = arith.constant 0 : i32
        %dma_start3A_315 = tpu.memref_slice %dma_start3A_312[%dma_start3A_313, %dma_start3A_314] : memref<10240x128xf32, #tpu.memory_space<hbm>> -> memref<10240x128xf32, #tpu.memory_space<hbm>>
        tpu.enqueue_indirect_dma source(%dma_start3A_315 : memref<10240x128xf32, #tpu.memory_space<hbm>>) target(%arg9 : memref<120x128xf32, #tpu.memory_space<vmem>>) offsets(%dma_start3A_308 : memref<120xi32, #tpu.memory_space<vmem>>) semaphore(%arg12 : memref<!tpu.dma_semaphore, #tpu.memory_space<semaphore_mem>>)
      } else {
      }
      %mul3A_270 = arith.constant 6 : i32
      %mul3A_271 = arith.muli %select_n3A_58, %mul3A_270 : i32
      %add3A_272 = arith.constant 5 : i32
      %add3A_273 = arith.addi %mul3A_271, %add3A_272 : i32
      %dma_wait3A_274 = arith.constant 0 : i32
      %dma_wait3A_275 = tpu.memref_slice %arg7[%add3A_273, %dma_wait3A_274] : memref<12x120xi32, #tpu.memory_space<vmem>> -> memref<1x120xi32, #tpu.memory_space<vmem>>
      %dma_wait3A_276 = tpu.memref_squeeze %dma_wait3A_275 : memref<1x120xi32, #tpu.memory_space<vmem>> -> memref<120xi32, #tpu.memory_space<vmem>>
      %dma_wait3A_277 = arith.constant 0 : i32
      %dma_wait3A_278 = arith.constant 0 : i32
      %dma_wait3A_279 = tpu.memref_slice %arg2[%arg0, %dma_wait3A_277, %dma_wait3A_278] : memref<2x10240x128xf32, #tpu.memory_space<hbm>> -> memref<1x10240x128xf32, #tpu.memory_space<hbm>>
      %dma_wait3A_280 = tpu.memref_squeeze %dma_wait3A_279 : memref<1x10240x128xf32, #tpu.memory_space<hbm>> -> memref<10240x128xf32, #tpu.memory_space<hbm>>
      %dma_wait3A_281 = arith.constant 0 : i32
      %dma_wait3A_282 = arith.constant 0 : i32
      %dma_wait3A_283 = tpu.memref_slice %dma_wait3A_280[%dma_wait3A_281, %dma_wait3A_282] : memref<10240x128xf32, #tpu.memory_space<hbm>> -> memref<10240x128xf32, #tpu.memory_space<hbm>>
      tpu.wait_indirect_dma semaphore(%arg14 : memref<!tpu.dma_semaphore, #tpu.memory_space<semaphore_mem>>) src(%dma_wait3A_283 : memref<10240x128xf32, #tpu.memory_space<hbm>>) dst(%arg11 : memref<120x128xf32, #tpu.memory_space<vmem>>)
      %dma_start3A_284 = arith.constant 0 : i32
      %dma_start3A_285 = tpu.memref_slice %arg8[%add3A_273, %dma_start3A_284] : memref<12x120xi32, #tpu.memory_space<vmem>> -> memref<1x120xi32, #tpu.memory_space<vmem>>
      %dma_start3A_286 = tpu.memref_squeeze %dma_start3A_285 : memref<1x120xi32, #tpu.memory_space<vmem>> -> memref<120xi32, #tpu.memory_space<vmem>>
      %dma_start3A_287 = arith.constant 0 : i32
      %dma_start3A_288 = arith.constant 0 : i32
      %dma_start3A_289 = tpu.memref_slice %arg6[%dma_start3A_287, %dma_start3A_288] : memref<10240x128xf32, #tpu.memory_space<vmem_shared>> -> memref<10240x128xf32, #tpu.memory_space<vmem_shared>>
      tpu.enqueue_indirect_dma source(%arg11 : memref<120x128xf32, #tpu.memory_space<vmem>>) target(%dma_start3A_289 : memref<10240x128xf32, #tpu.memory_space<vmem_shared>>) offsets(%dma_start3A_286 : memref<120xi32, #tpu.memory_space<vmem>>) semaphore(%arg17 : memref<!tpu.dma_semaphore, #tpu.memory_space<semaphore_mem>>) {add = true}
      %le3A_290 = arith.constant 12 : i32
      %le3A_291 = arith.cmpi sle, %scan3A_49, %le3A_290 : i32
      %convert_element_type3A_292 = arith.extui %le3A_291 : i1 to i32
      %cond3A_293 = arith.constant 0 : i32
      %cond3A_294 = arith.cmpi ne, %convert_element_type3A_292, %cond3A_293 : i32
      scf.if %cond3A_294 {
        %dma_wait3A_296 = arith.constant 0 : i32
        %dma_wait3A_297 = tpu.memref_slice %arg8[%add3A_273, %dma_wait3A_296] : memref<12x120xi32, #tpu.memory_space<vmem>> -> memref<1x120xi32, #tpu.memory_space<vmem>>
        %dma_wait3A_298 = tpu.memref_squeeze %dma_wait3A_297 : memref<1x120xi32, #tpu.memory_space<vmem>> -> memref<120xi32, #tpu.memory_space<vmem>>
        %dma_wait3A_299 = arith.constant 0 : i32
        %dma_wait3A_300 = arith.constant 0 : i32
        %dma_wait3A_301 = tpu.memref_slice %arg6[%dma_wait3A_299, %dma_wait3A_300] : memref<10240x128xf32, #tpu.memory_space<vmem_shared>> -> memref<10240x128xf32, #tpu.memory_space<vmem_shared>>
        tpu.wait_indirect_dma semaphore(%arg16 : memref<!tpu.dma_semaphore, #tpu.memory_space<semaphore_mem>>) src(%arg10 : memref<120x128xf32, #tpu.memory_space<vmem>>) dst(%dma_wait3A_301 : memref<10240x128xf32, #tpu.memory_space<vmem_shared>>)
        %mul3A_302 = arith.constant 6 : i32
        %mul3A_303 = arith.muli %select_n3A_76, %mul3A_302 : i32
        %add3A_304 = arith.constant 1 : i32
        %add3A_305 = arith.addi %mul3A_303, %add3A_304 : i32
        %dma_start3A_306 = arith.constant 0 : i32
        %dma_start3A_307 = tpu.memref_slice %arg7[%add3A_305, %dma_start3A_306] : memref<12x120xi32, #tpu.memory_space<vmem>> -> memref<1x120xi32, #tpu.memory_space<vmem>>
        %dma_start3A_308 = tpu.memref_squeeze %dma_start3A_307 : memref<1x120xi32, #tpu.memory_space<vmem>> -> memref<120xi32, #tpu.memory_space<vmem>>
        %dma_start3A_309 = arith.constant 0 : i32
        %dma_start3A_310 = arith.constant 0 : i32
        %dma_start3A_311 = tpu.memref_slice %arg2[%arg0, %dma_start3A_309, %dma_start3A_310] : memref<2x10240x128xf32, #tpu.memory_space<hbm>> -> memref<1x10240x128xf32, #tpu.memory_space<hbm>>
        %dma_start3A_312 = tpu.memref_squeeze %dma_start3A_311 : memref<1x10240x128xf32, #tpu.memory_space<hbm>> -> memref<10240x128xf32, #tpu.memory_space<hbm>>
        %dma_start3A_313 = arith.constant 0 : i32
        %dma_start3A_314 = arith.constant 0 : i32
        %dma_start3A_315 = tpu.memref_slice %dma_start3A_312[%dma_start3A_313, %dma_start3A_314] : memref<10240x128xf32, #tpu.memory_space<hbm>> -> memref<10240x128xf32, #tpu.memory_space<hbm>>
        tpu.enqueue_indirect_dma source(%dma_start3A_315 : memref<10240x128xf32, #tpu.memory_space<hbm>>) target(%arg10 : memref<120x128xf32, #tpu.memory_space<vmem>>) offsets(%dma_start3A_308 : memref<120xi32, #tpu.memory_space<vmem>>) semaphore(%arg13 : memref<!tpu.dma_semaphore, #tpu.memory_space<semaphore_mem>>)
      } else {
      }
      %scan3A_295 = arith.constant 0 : i32
      scf.yield %scan3A_295 : i32
    }
    %scan3A_27 = arith.constant 14 : i32
    %dma_wait3A = arith.constant 9 : i32
    %dma_wait3A_28 = arith.constant 0 : i32
    %dma_wait3A_29 = tpu.memref_slice %arg8[%dma_wait3A, %dma_wait3A_28] : memref<12x120xi32, #tpu.memory_space<vmem>> -> memref<1x120xi32, #tpu.memory_space<vmem>>
    %dma_wait3A_30 = tpu.memref_squeeze %dma_wait3A_29 : memref<1x120xi32, #tpu.memory_space<vmem>> -> memref<120xi32, #tpu.memory_space<vmem>>
    %dma_wait3A_31 = arith.constant 0 : i32
    %dma_wait3A_32 = arith.constant 0 : i32
    %dma_wait3A_33 = tpu.memref_slice %arg6[%dma_wait3A_31, %dma_wait3A_32] : memref<10240x128xf32, #tpu.memory_space<vmem_shared>> -> memref<10240x128xf32, #tpu.memory_space<vmem_shared>>
    tpu.wait_indirect_dma semaphore(%arg15 : memref<!tpu.dma_semaphore, #tpu.memory_space<semaphore_mem>>) src(%arg9 : memref<120x128xf32, #tpu.memory_space<vmem>>) dst(%dma_wait3A_33 : memref<10240x128xf32, #tpu.memory_space<vmem_shared>>)
    %dma_wait3A_34 = arith.constant 10 : i32
    %dma_wait3A_35 = arith.constant 0 : i32
    %dma_wait3A_36 = tpu.memref_slice %arg8[%dma_wait3A_34, %dma_wait3A_35] : memref<12x120xi32, #tpu.memory_space<vmem>> -> memref<1x120xi32, #tpu.memory_space<vmem>>
    %dma_wait3A_37 = tpu.memref_squeeze %dma_wait3A_36 : memref<1x120xi32, #tpu.memory_space<vmem>> -> memref<120xi32, #tpu.memory_space<vmem>>
    %dma_wait3A_38 = arith.constant 0 : i32
    %dma_wait3A_39 = arith.constant 0 : i32
    %dma_wait3A_40 = tpu.memref_slice %arg6[%dma_wait3A_38, %dma_wait3A_39] : memref<10240x128xf32, #tpu.memory_space<vmem_shared>> -> memref<10240x128xf32, #tpu.memory_space<vmem_shared>>
    tpu.wait_indirect_dma semaphore(%arg16 : memref<!tpu.dma_semaphore, #tpu.memory_space<semaphore_mem>>) src(%arg10 : memref<120x128xf32, #tpu.memory_space<vmem>>) dst(%dma_wait3A_40 : memref<10240x128xf32, #tpu.memory_space<vmem_shared>>)
    %dma_wait3A_41 = arith.constant 11 : i32
    %dma_wait3A_42 = arith.constant 0 : i32
    %dma_wait3A_43 = tpu.memref_slice %arg8[%dma_wait3A_41, %dma_wait3A_42] : memref<12x120xi32, #tpu.memory_space<vmem>> -> memref<1x120xi32, #tpu.memory_space<vmem>>
    %dma_wait3A_44 = tpu.memref_squeeze %dma_wait3A_43 : memref<1x120xi32, #tpu.memory_space<vmem>> -> memref<120xi32, #tpu.memory_space<vmem>>
    %dma_wait3A_45 = arith.constant 0 : i32
    %dma_wait3A_46 = arith.constant 0 : i32
    %dma_wait3A_47 = tpu.memref_slice %arg6[%dma_wait3A_45, %dma_wait3A_46] : memref<10240x128xf32, #tpu.memory_space<vmem_shared>> -> memref<10240x128xf32, #tpu.memory_space<vmem_shared>>
    tpu.wait_indirect_dma semaphore(%arg17 : memref<!tpu.dma_semaphore, #tpu.memory_space<semaphore_mem>>) src(%arg11 : memref<120x128xf32, #tpu.memory_space<vmem>>) dst(%dma_wait3A_47 : memref<10240x128xf32, #tpu.memory_space<vmem_shared>>)
    %barrier3A_48 = arith.constant 0 : index
    tpu.barrier barrier_id(%barrier3A_48)
    "tpu.region"() ({
      %run_scoped3A = tpu.sem_alloc : memref<!tpu.dma_semaphore, #tpu.memory_space<semaphore_mem>>
      %dma_start3A_49 = arith.constant 0 : i32
      %dma_start3A_50 = arith.constant 0 : i32
      %dma_start3A_51 = tpu.memref_slice %arg5[%arg0, %dma_start3A_49, %dma_start3A_50] : memref<2x10240x128xf32, #tpu.memory_space<hbm>> -> memref<1x10240x128xf32, #tpu.memory_space<hbm>>
      %dma_start3A_52 = tpu.memref_squeeze %dma_start3A_51 : memref<1x10240x128xf32, #tpu.memory_space<hbm>> -> memref<10240x128xf32, #tpu.memory_space<hbm>>
      %dma_start3A_53 = arith.constant 0 : i32
      %dma_start3A_54 = tpu.memref_slice %dma_start3A_52[%mul3A_0, %dma_start3A_53] : memref<10240x128xf32, #tpu.memory_space<hbm>> -> memref<640x128xf32, #tpu.memory_space<hbm>>
      %dma_start3A_55 = arith.constant 0 : i32
      %dma_start3A_56 = tpu.memref_slice %arg6[%mul3A_0, %dma_start3A_55] : memref<10240x128xf32, #tpu.memory_space<vmem_shared>> -> memref<640x128xf32, #tpu.memory_space<vmem_shared>>
      tpu.enqueue_dma source(%dma_start3A_56 : memref<640x128xf32, #tpu.memory_space<vmem_shared>>) target(%dma_start3A_54 : memref<640x128xf32, #tpu.memory_space<hbm>>) target_semaphore(%run_scoped3A : memref<!tpu.dma_semaphore, #tpu.memory_space<semaphore_mem>>)
      %dma_wait3A_57 = arith.constant 0 : i32
      %dma_wait3A_58 = arith.constant 0 : i32
      %dma_wait3A_59 = tpu.memref_slice %arg5[%arg0, %dma_wait3A_57, %dma_wait3A_58] : memref<2x10240x128xf32, #tpu.memory_space<hbm>> -> memref<1x10240x128xf32, #tpu.memory_space<hbm>>
      %dma_wait3A_60 = tpu.memref_squeeze %dma_wait3A_59 : memref<1x10240x128xf32, #tpu.memory_space<hbm>> -> memref<10240x128xf32, #tpu.memory_space<hbm>>
      %dma_wait3A_61 = arith.constant 0 : i32
      %dma_wait3A_62 = tpu.memref_slice %dma_wait3A_60[%mul3A_0, %dma_wait3A_61] : memref<10240x128xf32, #tpu.memory_space<hbm>> -> memref<640x128xf32, #tpu.memory_space<hbm>>
      %dma_wait3A_63 = arith.constant 0 : i32
      %dma_wait3A_64 = tpu.memref_slice %arg6[%mul3A_0, %dma_wait3A_63] : memref<10240x128xf32, #tpu.memory_space<vmem_shared>> -> memref<640x128xf32, #tpu.memory_space<vmem_shared>>
      tpu.wait_dma2 semaphore(%run_scoped3A : memref<!tpu.dma_semaphore, #tpu.memory_space<semaphore_mem>>) src(%dma_wait3A_64 : memref<640x128xf32, #tpu.memory_space<vmem_shared>>) dst(%dma_wait3A_62 : memref<640x128xf32, #tpu.memory_space<hbm>>)
      tpu.yield
    }) : () -> ()
    return
  }
}

module attributes {stable_mosaic.version = 14 : i64} {
  func.func @_pre_body(%arg0: i32, %arg1: memref<2x512x16xf32, #tpu.memory_space<vmem>>, %arg2: memref<512x16xf32, #tpu.memory_space<vmem>>, %arg3: memref<512x1xf32, #tpu.memory_space<vmem>>, %arg4: memref<512x16xf32, #tpu.memory_space<vmem>>) attributes {dimension_semantics = [#tpu.dimension_semantics<arbitrary>], iteration_bounds = array<i64: 20>, scalar_prefetch = 0 : i64, scratch_operands = 0 : i64, tpu.core_type = #tpu.core_type<tc>, window_params = [{transform_indices = @transform_0, window_bounds = array<i64: 2, 512, 16>}, {transform_indices = @transform_1, window_bounds = array<i64: 512, 16>}, {transform_indices = @transform_2, window_bounds = array<i64: 512, 1>}, {transform_indices = @transform_3, window_bounds = array<i64: 512, 16>}]} {
    %get3A = arith.constant 0 : index
    %get3A_0 = arith.constant 0 : index
    %get3A_1 = arith.constant 0 : index
    %get3A_2 = vector.load %arg1[%get3A, %get3A_0, %get3A_1] : memref<2x512x16xf32, #tpu.memory_space<vmem>>, vector<2x512x16xf32>
    %slice3A = vector.extract_strided_slice %get3A_2 {offsets = [0, 0, 0], sizes = [1, 512, 1], strides = [1, 1, 1]} : vector<2x512x16xf32> to vector<1x512x1xf32>
    %squeeze3A = vector.shape_cast %slice3A : vector<1x512x1xf32> to vector<512x1xf32>
    %add3A = arith.constant 1.000000e+00 : f32
    %add3A_3 = vector.broadcast %add3A : f32 to vector<512x1xf32>
    %add3A_4 = arith.addf %add3A_3, %squeeze3A : vector<512x1xf32>
    %slice3A_5 = vector.extract_strided_slice %get3A_2 {offsets = [1, 0, 0], sizes = [1, 512, 1], strides = [1, 1, 1]} : vector<2x512x16xf32> to vector<1x512x1xf32>
    %squeeze3A_6 = vector.shape_cast %slice3A_5 : vector<1x512x1xf32> to vector<512x1xf32>
    %add3A_7 = arith.addf %add3A_4, %squeeze3A_6 : vector<512x1xf32>
    %rsqrt3A = math.rsqrt %add3A_7 : vector<512x1xf32>
    %swap3A = arith.constant 0 : index
    %swap3A_8 = arith.constant 0 : index
    %swap3A_9 = vector.load %arg3[%swap3A, %swap3A_8] : memref<512x1xf32, #tpu.memory_space<vmem>>, vector<512x1xf32>
    tpu.vector_store %arg3[%swap3A, %swap3A_8], %rsqrt3A {strides = array<i32>} : memref<512x1xf32, #tpu.memory_space<vmem>>, vector<512x1xf32>,
    %get3A_10 = arith.constant 0 : index
    %get3A_11 = arith.constant 0 : index
    %get3A_12 = vector.load %arg2[%get3A_10, %get3A_11] : memref<512x16xf32, #tpu.memory_space<vmem>>, vector<512x16xf32>
    %mul3A = vector.broadcast %rsqrt3A : vector<512x1xf32> to vector<512x16xf32>
    %mul3A_13 = arith.mulf %get3A_12, %mul3A : vector<512x16xf32>
    %swap3A_14 = arith.constant 0 : index
    %swap3A_15 = arith.constant 0 : index
    %swap3A_16 = vector.load %arg4[%swap3A_14, %swap3A_15] : memref<512x16xf32, #tpu.memory_space<vmem>>, vector<512x16xf32>
    tpu.vector_store %arg4[%swap3A_14, %swap3A_15], %mul3A_13 {strides = array<i32>} : memref<512x16xf32, #tpu.memory_space<vmem>>, vector<512x16xf32>,
    return
  }
  func.func @transform_0(%arg0: i32) -> (i32, i32, i32) {
    %c0_i32 = arith.constant 0 : i32
    %c0_i32_0 = arith.constant 0 : i32
    %c0_i32_1 = arith.constant 0 : i32
    return %c0_i32, %arg0, %c0_i32_0 : i32, i32, i32
  }
  func.func @transform_1(%arg0: i32) -> (i32, i32) {
    %c0_i32 = arith.constant 0 : i32
    %c0_i32_0 = arith.constant 0 : i32
    return %arg0, %c0_i32 : i32, i32
  }
  func.func @transform_2(%arg0: i32) -> (i32, i32) {
    %c0_i32 = arith.constant 0 : i32
    %c0_i32_0 = arith.constant 0 : i32
    return %arg0, %c0_i32 : i32, i32
  }
  func.func @transform_3(%arg0: i32) -> (i32, i32) {
    %c0_i32 = arith.constant 0 : i32
    %c0_i32_0 = arith.constant 0 : i32
    return %arg0, %c0_i32 : i32, i32
  }
}

module attributes {stable_mosaic.version = 14 : i64} {
  func.func @body(%arg0: i32, %arg1: memref<2x512x16xf32, #tpu.memory_space<vmem>>, %arg2: memref<512x1xf32, #tpu.memory_space<vmem>>, %arg3: memref<16x256xf32, #tpu.memory_space<vmem>>, %arg4: memref<1x256xf32, #tpu.memory_space<vmem>>, %arg5: memref<2x512x128xf32, #tpu.memory_space<vmem>>) attributes {dimension_semantics = [#tpu.dimension_semantics<arbitrary>], iteration_bounds = array<i64: 20>, scalar_prefetch = 0 : i64, scratch_operands = 0 : i64, tpu.core_type = #tpu.core_type<tc>, window_params = [{transform_indices = @transform_0, window_bounds = array<i64: 2, 512, 16>}, {transform_indices = @transform_1, window_bounds = array<i64: 512, 1>}, {pipeline_mode = #tpu.pipeline_mode<synchronous>, transform_indices = @transform_2, window_bounds = array<i64: 16, 256>}, {pipeline_mode = #tpu.pipeline_mode<synchronous>, transform_indices = @transform_3, window_bounds = array<i64: 1, 256>}, {transform_indices = @transform_4, window_bounds = array<i64: 2, 512, 128>}]} {
    %get3A = arith.constant 0 : index
    %get3A_0 = arith.constant 0 : index
    %get3A_1 = arith.constant 0 : index
    %get3A_2 = vector.load %arg1[%get3A, %get3A_0, %get3A_1] : memref<2x512x16xf32, #tpu.memory_space<vmem>>, vector<2x512x16xf32>
    %slice3A = vector.extract_strided_slice %get3A_2 {offsets = [0, 0, 0], sizes = [1, 512, 16], strides = [1, 1, 1]} : vector<2x512x16xf32> to vector<1x512x16xf32>
    %squeeze3A = vector.shape_cast %slice3A : vector<1x512x16xf32> to vector<512x16xf32>
    %slice3A_3 = vector.extract_strided_slice %get3A_2 {offsets = [1, 0, 0], sizes = [1, 512, 16], strides = [1, 1, 1]} : vector<2x512x16xf32> to vector<1x512x16xf32>
    %squeeze3A_4 = vector.shape_cast %slice3A_3 : vector<1x512x16xf32> to vector<512x16xf32>
    %add3A = arith.addf %squeeze3A, %squeeze3A_4 : vector<512x16xf32>
    %get3A_5 = arith.constant 0 : index
    %get3A_6 = arith.constant 0 : index
    %get3A_7 = vector.load %arg2[%get3A_5, %get3A_6] : memref<512x1xf32, #tpu.memory_space<vmem>>, vector<512x1xf32>
    %mul3A = vector.broadcast %get3A_7 : vector<512x1xf32> to vector<512x16xf32>
    %mul3A_8 = arith.mulf %add3A, %mul3A : vector<512x16xf32>
    %get3A_9 = arith.constant 0 : index
    %get3A_10 = arith.constant 0 : index
    %get3A_11 = vector.load %arg3[%get3A_9, %get3A_10] : memref<16x256xf32, #tpu.memory_space<vmem>>, vector<16x256xf32>
    %dot_general3A = arith.constant dense<0.000000e+00> : vector<512x256xf32>
    %dot_general3A_12 = tpu.matmul %mul3A_8, %get3A_11, %dot_general3A {dimension_numbers = #tpu.dot_dimension_numbers<[1], [0], [0], [1], [0, 0, 1, 1], [], []>, transpose_lhs_hint = false} : vector<512x16xf32>, vector<16x256xf32>, vector<512x256xf32> -> vector<512x256xf32>
    %get3A_13 = arith.constant 0 : index
    %get3A_14 = arith.constant 0 : index
    %get3A_15 = vector.load %arg4[%get3A_13, %get3A_14] : memref<1x256xf32, #tpu.memory_space<vmem>>, vector<1x256xf32>
    %add3A_16 = vector.broadcast %get3A_15 : vector<1x256xf32> to vector<512x256xf32>
    %add3A_17 = arith.addf %dot_general3A_12, %add3A_16 : vector<512x256xf32>
    %max3A = arith.constant 0.000000e+00 : f32
    %max3A_18 = vector.broadcast %max3A : f32 to vector<512x256xf32>
    %max3A_19 = arith.maximumf %add3A_17, %max3A_18 : vector<512x256xf32>
    %mul3A_20 = vector.broadcast %get3A_7 : vector<512x1xf32> to vector<512x256xf32>
    %mul3A_21 = arith.mulf %max3A_19, %mul3A_20 : vector<512x256xf32>
    %slice3A_22 = vector.extract_strided_slice %mul3A_21 {offsets = [0, 0], sizes = [512, 128], strides = [1, 1]} : vector<512x256xf32> to vector<512x128xf32>
    %swap3A = arith.constant 0 : index
    %swap3A_23 = arith.constant 0 : index
    %swap3A_24 = arith.constant 0 : index
    %swap3A_25 = vector.load %arg5[%swap3A, %swap3A_23, %swap3A_24] : memref<2x512x128xf32, #tpu.memory_space<vmem>>, vector<1x512x128xf32>
    %swap3A_26 = vector.shape_cast %swap3A_25 : vector<1x512x128xf32> to vector<512x128xf32>
    %swap3A_27 = vector.shape_cast %slice3A_22 : vector<512x128xf32> to vector<1x512x128xf32>
    tpu.vector_store %arg5[%swap3A, %swap3A_23, %swap3A_24], %swap3A_27 {strides = array<i32>} : memref<2x512x128xf32, #tpu.memory_space<vmem>>, vector<1x512x128xf32>,
    %slice3A_28 = vector.extract_strided_slice %mul3A_21 {offsets = [0, 128], sizes = [512, 128], strides = [1, 1]} : vector<512x256xf32> to vector<512x128xf32>
    %swap3A_29 = arith.constant 1 : index
    %swap3A_30 = arith.constant 0 : index
    %swap3A_31 = arith.constant 0 : index
    %swap3A_32 = vector.load %arg5[%swap3A_29, %swap3A_30, %swap3A_31] : memref<2x512x128xf32, #tpu.memory_space<vmem>>, vector<1x512x128xf32>
    %swap3A_33 = vector.shape_cast %swap3A_32 : vector<1x512x128xf32> to vector<512x128xf32>
    %swap3A_34 = vector.shape_cast %slice3A_28 : vector<512x128xf32> to vector<1x512x128xf32>
    tpu.vector_store %arg5[%swap3A_29, %swap3A_30, %swap3A_31], %swap3A_34 {strides = array<i32>} : memref<2x512x128xf32, #tpu.memory_space<vmem>>, vector<1x512x128xf32>,
    return
  }
  func.func @transform_0(%arg0: i32) -> (i32, i32, i32) {
    %c0_i32 = arith.constant 0 : i32
    %c0_i32_0 = arith.constant 0 : i32
    %c0_i32_1 = arith.constant 0 : i32
    return %c0_i32, %arg0, %c0_i32_0 : i32, i32, i32
  }
  func.func @transform_1(%arg0: i32) -> (i32, i32) {
    %c0_i32 = arith.constant 0 : i32
    %c0_i32_0 = arith.constant 0 : i32
    return %arg0, %c0_i32 : i32, i32
  }
  func.func @transform_2(%arg0: i32) -> (i32, i32) {
    %c0_i32 = arith.constant 0 : i32
    %c0_i32_0 = arith.constant 0 : i32
    %c0_i32_1 = arith.constant 0 : i32
    return %c0_i32, %c0_i32_0 : i32, i32
  }
  func.func @transform_3(%arg0: i32) -> (i32, i32) {
    %c0_i32 = arith.constant 0 : i32
    %c0_i32_0 = arith.constant 0 : i32
    %c0_i32_1 = arith.constant 0 : i32
    return %c0_i32, %c0_i32_0 : i32, i32
  }
  func.func @transform_4(%arg0: i32) -> (i32, i32, i32) {
    %c0_i32 = arith.constant 0 : i32
    %c0_i32_0 = arith.constant 0 : i32
    %c0_i32_1 = arith.constant 0 : i32
    return %c0_i32, %arg0, %c0_i32_0 : i32, i32, i32
  }
}

module attributes {stable_mosaic.version = 14 : i64} {
  func.func @body(%arg0: i32, %arg1: memref<2x512x128xf32, #tpu.memory_space<vmem>>, %arg2: memref<512x1xf32, #tpu.memory_space<vmem>>, %arg3: memref<256x256xf32, #tpu.memory_space<vmem>>, %arg4: memref<1x256xf32, #tpu.memory_space<vmem>>, %arg5: memref<2x512x128xf32, #tpu.memory_space<vmem>>) attributes {dimension_semantics = [#tpu.dimension_semantics<arbitrary>], iteration_bounds = array<i64: 20>, scalar_prefetch = 0 : i64, scratch_operands = 0 : i64, tpu.core_type = #tpu.core_type<tc>, window_params = [{transform_indices = @transform_0, window_bounds = array<i64: 2, 512, 128>}, {transform_indices = @transform_1, window_bounds = array<i64: 512, 1>}, {pipeline_mode = #tpu.pipeline_mode<synchronous>, transform_indices = @transform_2, window_bounds = array<i64: 256, 256>}, {pipeline_mode = #tpu.pipeline_mode<synchronous>, transform_indices = @transform_3, window_bounds = array<i64: 1, 256>}, {transform_indices = @transform_4, window_bounds = array<i64: 2, 512, 128>}]} {
    %get3A = arith.constant 0 : index
    %get3A_0 = arith.constant 0 : index
    %get3A_1 = arith.constant 0 : index
    %get3A_2 = vector.load %arg1[%get3A, %get3A_0, %get3A_1] : memref<2x512x128xf32, #tpu.memory_space<vmem>>, vector<2x512x128xf32>
    %slice3A = vector.extract_strided_slice %get3A_2 {offsets = [0, 0, 0], sizes = [1, 512, 128], strides = [1, 1, 1]} : vector<2x512x128xf32> to vector<1x512x128xf32>
    %squeeze3A = vector.shape_cast %slice3A : vector<1x512x128xf32> to vector<512x128xf32>
    %slice3A_3 = vector.extract_strided_slice %get3A_2 {offsets = [1, 0, 0], sizes = [1, 512, 128], strides = [1, 1, 1]} : vector<2x512x128xf32> to vector<1x512x128xf32>
    %squeeze3A_4 = vector.shape_cast %slice3A_3 : vector<1x512x128xf32> to vector<512x128xf32>
    %concatenate3A = tpu.concatenate %squeeze3A, %squeeze3A_4 in 1 : vector<512x128xf32>, vector<512x128xf32> -> vector<512x256xf32>
    %get3A_5 = arith.constant 0 : index
    %get3A_6 = arith.constant 0 : index
    %get3A_7 = vector.load %arg2[%get3A_5, %get3A_6] : memref<512x1xf32, #tpu.memory_space<vmem>>, vector<512x1xf32>
    %mul3A = vector.broadcast %get3A_7 : vector<512x1xf32> to vector<512x256xf32>
    %mul3A_8 = arith.mulf %concatenate3A, %mul3A : vector<512x256xf32>
    %get3A_9 = arith.constant 0 : index
    %get3A_10 = arith.constant 0 : index
    %get3A_11 = vector.load %arg3[%get3A_9, %get3A_10] : memref<256x256xf32, #tpu.memory_space<vmem>>, vector<256x256xf32>
    %dot_general3A = arith.constant dense<0.000000e+00> : vector<512x256xf32>
    %dot_general3A_12 = tpu.matmul %mul3A_8, %get3A_11, %dot_general3A {dimension_numbers = #tpu.dot_dimension_numbers<[1], [0], [0], [1], [0, 0, 1, 1], [], []>, transpose_lhs_hint = false} : vector<512x256xf32>, vector<256x256xf32>, vector<512x256xf32> -> vector<512x256xf32>
    %get3A_13 = arith.constant 0 : index
    %get3A_14 = arith.constant 0 : index
    %get3A_15 = vector.load %arg4[%get3A_13, %get3A_14] : memref<1x256xf32, #tpu.memory_space<vmem>>, vector<1x256xf32>
    %add3A = vector.broadcast %get3A_15 : vector<1x256xf32> to vector<512x256xf32>
    %add3A_16 = arith.addf %dot_general3A_12, %add3A : vector<512x256xf32>
    %max3A = arith.constant 0.000000e+00 : f32
    %max3A_17 = vector.broadcast %max3A : f32 to vector<512x256xf32>
    %max3A_18 = arith.maximumf %add3A_16, %max3A_17 : vector<512x256xf32>
    %mul3A_19 = vector.broadcast %get3A_7 : vector<512x1xf32> to vector<512x256xf32>
    %mul3A_20 = arith.mulf %max3A_18, %mul3A_19 : vector<512x256xf32>
    %slice3A_21 = vector.extract_strided_slice %mul3A_20 {offsets = [0, 0], sizes = [512, 128], strides = [1, 1]} : vector<512x256xf32> to vector<512x128xf32>
    %swap3A = arith.constant 0 : index
    %swap3A_22 = arith.constant 0 : index
    %swap3A_23 = arith.constant 0 : index
    %swap3A_24 = vector.load %arg5[%swap3A, %swap3A_22, %swap3A_23] : memref<2x512x128xf32, #tpu.memory_space<vmem>>, vector<1x512x128xf32>
    %swap3A_25 = vector.shape_cast %swap3A_24 : vector<1x512x128xf32> to vector<512x128xf32>
    %swap3A_26 = vector.shape_cast %slice3A_21 : vector<512x128xf32> to vector<1x512x128xf32>
    tpu.vector_store %arg5[%swap3A, %swap3A_22, %swap3A_23], %swap3A_26 {strides = array<i32>} : memref<2x512x128xf32, #tpu.memory_space<vmem>>, vector<1x512x128xf32>,
    %slice3A_27 = vector.extract_strided_slice %mul3A_20 {offsets = [0, 128], sizes = [512, 128], strides = [1, 1]} : vector<512x256xf32> to vector<512x128xf32>
    %swap3A_28 = arith.constant 1 : index
    %swap3A_29 = arith.constant 0 : index
    %swap3A_30 = arith.constant 0 : index
    %swap3A_31 = vector.load %arg5[%swap3A_28, %swap3A_29, %swap3A_30] : memref<2x512x128xf32, #tpu.memory_space<vmem>>, vector<1x512x128xf32>
    %swap3A_32 = vector.shape_cast %swap3A_31 : vector<1x512x128xf32> to vector<512x128xf32>
    %swap3A_33 = vector.shape_cast %slice3A_27 : vector<512x128xf32> to vector<1x512x128xf32>
    tpu.vector_store %arg5[%swap3A_28, %swap3A_29, %swap3A_30], %swap3A_33 {strides = array<i32>} : memref<2x512x128xf32, #tpu.memory_space<vmem>>, vector<1x512x128xf32>,
    return
  }
  func.func @transform_0(%arg0: i32) -> (i32, i32, i32) {
    %c0_i32 = arith.constant 0 : i32
    %c0_i32_0 = arith.constant 0 : i32
    %c0_i32_1 = arith.constant 0 : i32
    return %c0_i32, %arg0, %c0_i32_0 : i32, i32, i32
  }
  func.func @transform_1(%arg0: i32) -> (i32, i32) {
    %c0_i32 = arith.constant 0 : i32
    %c0_i32_0 = arith.constant 0 : i32
    return %arg0, %c0_i32 : i32, i32
  }
  func.func @transform_2(%arg0: i32) -> (i32, i32) {
    %c0_i32 = arith.constant 0 : i32
    %c0_i32_0 = arith.constant 0 : i32
    %c0_i32_1 = arith.constant 0 : i32
    return %c0_i32, %c0_i32_0 : i32, i32
  }
  func.func @transform_3(%arg0: i32) -> (i32, i32) {
    %c0_i32 = arith.constant 0 : i32
    %c0_i32_0 = arith.constant 0 : i32
    %c0_i32_1 = arith.constant 0 : i32
    return %c0_i32, %c0_i32_0 : i32, i32
  }
  func.func @transform_4(%arg0: i32) -> (i32, i32, i32) {
    %c0_i32 = arith.constant 0 : i32
    %c0_i32_0 = arith.constant 0 : i32
    %c0_i32_1 = arith.constant 0 : i32
    return %c0_i32, %arg0, %c0_i32_0 : i32, i32, i32
  }
}

module attributes {stable_mosaic.version = 14 : i64} {
  func.func @_final_body(%arg0: i32, %arg1: memref<2x512x128xf32, #tpu.memory_space<vmem>>, %arg2: memref<512x1xf32, #tpu.memory_space<vmem>>, %arg3: memref<256x256xf32, #tpu.memory_space<vmem>>, %arg4: memref<1x256xf32, #tpu.memory_space<vmem>>, %arg5: memref<512x1xi32, #tpu.memory_space<vmem>>, %arg6: memref<512x256xf32, #tpu.memory_space<vmem>>, %arg7: memref<1x256xf32, #tpu.memory_space<vmem>>, %arg8: memref<256x128xf32, #tpu.memory_space<vmem>>, %arg9: memref<1x128xf32, #tpu.memory_space<vmem>>, %arg10: memref<16x128xf32, #tpu.memory_space<vmem>>, %arg11: memref<16x256xf32, #tpu.memory_space<vmem>>, %arg12: memref<16x256xf32, #tpu.memory_space<vmem>>, %arg13: memref<16x1xf32, #tpu.memory_space<vmem>>) attributes {dimension_semantics = [#tpu.dimension_semantics<arbitrary>], iteration_bounds = array<i64: 20>, scalar_prefetch = 0 : i64, scratch_operands = 3 : i64, tpu.core_type = #tpu.core_type<tc>, window_params = [{transform_indices = @transform_0, window_bounds = array<i64: 2, 512, 128>}, {transform_indices = @transform_1, window_bounds = array<i64: 512, 1>}, {pipeline_mode = #tpu.pipeline_mode<synchronous>, transform_indices = @transform_2, window_bounds = array<i64: 256, 256>}, {pipeline_mode = #tpu.pipeline_mode<synchronous>, transform_indices = @transform_3, window_bounds = array<i64: 1, 256>}, {transform_indices = @transform_4, window_bounds = array<i64: 512, 1>}, {pipeline_mode = #tpu.pipeline_mode<synchronous>, transform_indices = @transform_5, window_bounds = array<i64: 512, 256>}, {pipeline_mode = #tpu.pipeline_mode<synchronous>, transform_indices = @transform_6, window_bounds = array<i64: 1, 256>}, {pipeline_mode = #tpu.pipeline_mode<synchronous>, transform_indices = @transform_7, window_bounds = array<i64: 256, 128>}, {pipeline_mode = #tpu.pipeline_mode<synchronous>, transform_indices = @transform_8, window_bounds = array<i64: 1, 128>}, {pipeline_mode = #tpu.pipeline_mode<synchronous>, transform_indices = @transform_9, window_bounds = array<i64: 16, 128>}]} {
    %eq3A = arith.constant 0 : i32
    %eq3A_0 = arith.cmpi eq, %arg0, %eq3A : i32
    %convert_element_type3A = arith.extui %eq3A_0 : i1 to i32
    %cond3A = arith.constant 0 : i32
    %cond3A_1 = arith.cmpi ne, %convert_element_type3A, %cond3A : i32
    scf.if %cond3A_1 {
      %broadcast_in_dim3A_69 = arith.constant 0.000000e+00 : f32
      %broadcast_in_dim3A_70 = vector.broadcast %broadcast_in_dim3A_69 : f32 to vector<16x256xf32>
      %swap3A_71 = arith.constant 0 : index
      %swap3A_72 = arith.constant 0 : index
      %swap3A_73 = vector.load %arg11[%swap3A_71, %swap3A_72] : memref<16x256xf32, #tpu.memory_space<vmem>>, vector<16x256xf32>
      tpu.vector_store %arg11[%swap3A_71, %swap3A_72], %broadcast_in_dim3A_70 {strides = array<i32>} : memref<16x256xf32, #tpu.memory_space<vmem>>, vector<16x256xf32>,
      %broadcast_in_dim3A_74 = arith.constant 0.000000e+00 : f32
      %broadcast_in_dim3A_75 = vector.broadcast %broadcast_in_dim3A_74 : f32 to vector<16x1xf32>
      %swap3A_76 = arith.constant 0 : index
      %swap3A_77 = arith.constant 0 : index
      %swap3A_78 = vector.load %arg13[%swap3A_76, %swap3A_77] : memref<16x1xf32, #tpu.memory_space<vmem>>, vector<16x1xf32>
      tpu.vector_store %arg13[%swap3A_76, %swap3A_77], %broadcast_in_dim3A_75 {strides = array<i32>} : memref<16x1xf32, #tpu.memory_space<vmem>>, vector<16x1xf32>,
      %broadcast_in_dim3A_79 = arith.constant 0xFF800000 : f32
      %broadcast_in_dim3A_80 = vector.broadcast %broadcast_in_dim3A_79 : f32 to vector<16x256xf32>
      %swap3A_81 = arith.constant 0 : index
      %swap3A_82 = arith.constant 0 : index
      %swap3A_83 = vector.load %arg12[%swap3A_81, %swap3A_82] : memref<16x256xf32, #tpu.memory_space<vmem>>, vector<16x256xf32>
      tpu.vector_store %arg12[%swap3A_81, %swap3A_82], %broadcast_in_dim3A_80 {strides = array<i32>} : memref<16x256xf32, #tpu.memory_space<vmem>>, vector<16x256xf32>,
    } else {
    }
    %get3A = arith.constant 0 : index
    %get3A_2 = arith.constant 0 : index
    %get3A_3 = arith.constant 0 : index
    %get3A_4 = vector.load %arg1[%get3A, %get3A_2, %get3A_3] : memref<2x512x128xf32, #tpu.memory_space<vmem>>, vector<2x512x128xf32>
    %slice3A = vector.extract_strided_slice %get3A_4 {offsets = [0, 0, 0], sizes = [1, 512, 128], strides = [1, 1, 1]} : vector<2x512x128xf32> to vector<1x512x128xf32>
    %squeeze3A = vector.shape_cast %slice3A : vector<1x512x128xf32> to vector<512x128xf32>
    %slice3A_5 = vector.extract_strided_slice %get3A_4 {offsets = [1, 0, 0], sizes = [1, 512, 128], strides = [1, 1, 1]} : vector<2x512x128xf32> to vector<1x512x128xf32>
    %squeeze3A_6 = vector.shape_cast %slice3A_5 : vector<1x512x128xf32> to vector<512x128xf32>
    %concatenate3A = tpu.concatenate %squeeze3A, %squeeze3A_6 in 1 : vector<512x128xf32>, vector<512x128xf32> -> vector<512x256xf32>
    %get3A_7 = arith.constant 0 : index
    %get3A_8 = arith.constant 0 : index
    %get3A_9 = vector.load %arg2[%get3A_7, %get3A_8] : memref<512x1xf32, #tpu.memory_space<vmem>>, vector<512x1xf32>
    %mul3A = vector.broadcast %get3A_9 : vector<512x1xf32> to vector<512x256xf32>
    %mul3A_10 = arith.mulf %concatenate3A, %mul3A : vector<512x256xf32>
    %get3A_11 = arith.constant 0 : index
    %get3A_12 = arith.constant 0 : index
    %get3A_13 = vector.load %arg3[%get3A_11, %get3A_12] : memref<256x256xf32, #tpu.memory_space<vmem>>, vector<256x256xf32>
    %dot_general3A = arith.constant dense<0.000000e+00> : vector<512x256xf32>
    %dot_general3A_14 = tpu.matmul %mul3A_10, %get3A_13, %dot_general3A {dimension_numbers = #tpu.dot_dimension_numbers<[1], [0], [0], [1], [0, 0, 1, 1], [], []>, transpose_lhs_hint = false} : vector<512x256xf32>, vector<256x256xf32>, vector<512x256xf32> -> vector<512x256xf32>
    %get3A_15 = arith.constant 0 : index
    %get3A_16 = arith.constant 0 : index
    %get3A_17 = vector.load %arg4[%get3A_15, %get3A_16] : memref<1x256xf32, #tpu.memory_space<vmem>>, vector<1x256xf32>
    %add3A = vector.broadcast %get3A_17 : vector<1x256xf32> to vector<512x256xf32>
    %add3A_18 = arith.addf %dot_general3A_14, %add3A : vector<512x256xf32>
    %max3A = arith.constant 0.000000e+00 : f32
    %max3A_19 = vector.broadcast %max3A : f32 to vector<512x256xf32>
    %max3A_20 = arith.maximumf %add3A_18, %max3A_19 : vector<512x256xf32>
    %get3A_21 = arith.constant 0 : index
    %get3A_22 = arith.constant 0 : index
    %get3A_23 = vector.load %arg5[%get3A_21, %get3A_22] : memref<512x1xi32, #tpu.memory_space<vmem>>, vector<512x1xi32>
    %iota3A = tpu.iota {dimensions = array<i32: 1>} : vector<1x16xi32>
    %eq3A_24 = vector.broadcast %get3A_23 : vector<512x1xi32> to vector<512x16xi32>
    %eq3A_25 = vector.broadcast %iota3A : vector<1x16xi32> to vector<512x16xi32>
    %eq3A_26 = arith.cmpi eq, %eq3A_24, %eq3A_25 : vector<512x16xi32>
    %convert_element_type3A_27 = arith.extui %eq3A_26 : vector<512x16xi1> to vector<512x16xi32>
    %convert_element_type3A_28 = arith.sitofp %convert_element_type3A_27 : vector<512x16xi32> to vector<512x16xf32>
    %get3A_29 = arith.constant 0 : index
    %get3A_30 = arith.constant 0 : index
    %get3A_31 = vector.load %arg11[%get3A_29, %get3A_30] : memref<16x256xf32, #tpu.memory_space<vmem>>, vector<16x256xf32>
    %dot_general3A_32 = arith.constant dense<0.000000e+00> : vector<16x256xf32>
    %dot_general3A_33 = tpu.matmul %convert_element_type3A_28, %max3A_20, %dot_general3A_32 {dimension_numbers = #tpu.dot_dimension_numbers<[0], [0], [1], [1], [0, 1, 1, 1], [], []>, transpose_lhs_hint = false} : vector<512x16xf32>, vector<512x256xf32>, vector<16x256xf32> -> vector<16x256xf32>
    %add3A_34 = arith.addf %get3A_31, %dot_general3A_33 : vector<16x256xf32>
    %swap3A = arith.constant 0 : index
    %swap3A_35 = arith.constant 0 : index
    %swap3A_36 = vector.load %arg11[%swap3A, %swap3A_35] : memref<16x256xf32, #tpu.memory_space<vmem>>, vector<16x256xf32>
    tpu.vector_store %arg11[%swap3A, %swap3A_35], %add3A_34 {strides = array<i32>} : memref<16x256xf32, #tpu.memory_space<vmem>>, vector<16x256xf32>,
    %get3A_37 = arith.constant 0 : index
    %get3A_38 = arith.constant 0 : index
    %get3A_39 = vector.load %arg13[%get3A_37, %get3A_38] : memref<16x1xf32, #tpu.memory_space<vmem>>, vector<16x1xf32>
    %broadcast_in_dim3A = arith.constant 1.000000e+00 : f32
    %broadcast_in_dim3A_40 = vector.broadcast %broadcast_in_dim3A : f32 to vector<512x1xf32>
    %dot_general3A_41 = arith.constant dense<0.000000e+00> : vector<16x1xf32>
    %dot_general3A_42 = tpu.matmul %convert_element_type3A_28, %broadcast_in_dim3A_40, %dot_general3A_41 {dimension_numbers = #tpu.dot_dimension_numbers<[0], [0], [1], [1], [0, 1, 1, 1], [], []>, transpose_lhs_hint = false} : vector<512x16xf32>, vector<512x1xf32>, vector<16x1xf32> -> vector<16x1xf32>
    %add3A_43 = arith.addf %get3A_39, %dot_general3A_42 : vector<16x1xf32>
    %swap3A_44 = arith.constant 0 : index
    %swap3A_45 = arith.constant 0 : index
    %swap3A_46 = vector.load %arg13[%swap3A_44, %swap3A_45] : memref<16x1xf32, #tpu.memory_space<vmem>>, vector<16x1xf32>
    tpu.vector_store %arg13[%swap3A_44, %swap3A_45], %add3A_43 {strides = array<i32>} : memref<16x1xf32, #tpu.memory_space<vmem>>, vector<16x1xf32>,
    %slice3A_47 = vector.extract_strided_slice %get3A_23 {offsets = [0, 0], sizes = [1, 1], strides = [1, 1]} : vector<512x1xi32> to vector<1x1xi32>
    %squeeze3A_48 = vector.extract %slice3A_47[0, 0] : i32 from vector<1x1xi32>
    %slice3A_49 = vector.extract_strided_slice %get3A_23 {offsets = [511, 0], sizes = [1, 1], strides = [1, 1]} : vector<512x1xi32> to vector<1x1xi32>
    %squeeze3A_50 = vector.extract %slice3A_49[0, 0] : i32 from vector<1x1xi32>
    %min3A = arith.constant 15 : i32
    %min3A_51 = arith.minsi %squeeze3A_50, %min3A : i32
    %add3A_52 = arith.constant 1 : i32
    %add3A_53 = arith.addi %min3A_51, %add3A_52 : i32
    %while3A = arith.constant 0 : i32
    %while3A_54 = arith.subi %add3A_53, %squeeze3A_48 : i32
    %while3A_55 = arith.addi %squeeze3A_48, %while3A_54 : i32
    %while3A_56 = arith.constant 1 : i32
    %while3A_57 = arith.divsi %while3A_54, %while3A_56 : i32
    %while3A_58 = arith.muli %while3A_57, %while3A_56 : i32
    %while3A_59 = arith.addi %squeeze3A_48, %while3A_58 : i32
    %while3A_60 = arith.constant 1 : i32
    %while3A_61 = scf.for %while3A_69 = %squeeze3A_48 to %while3A_59 step %while3A_60 iter_args(%while3A_70 = %while3A) -> (i32)  : i32 {
      %eq3A_71 = vector.broadcast %while3A_69 : i32 to vector<512x1xi32>
      %eq3A_72 = arith.cmpi eq, %get3A_23, %eq3A_71 : vector<512x1xi32>
      %jit3A = arith.constant 0xFF800000 : f32
      %broadcast_in_dim3A_73 = vector.shape_cast %eq3A_72 : vector<512x1xi1> to vector<512x1xi1>
      %broadcast_in_dim3A_74 = vector.broadcast %broadcast_in_dim3A_73 : vector<512x1xi1> to vector<512x256xi1>
      %broadcast_in_dim3A_75 = vector.broadcast %jit3A : f32 to vector<512x256xf32>
      %select_n3A = arith.select %broadcast_in_dim3A_74, %max3A_20, %broadcast_in_dim3A_75 : vector<512x256xi1>, vector<512x256xf32>
      %reduce_max3A = arith.constant dense<0xFF800000> : vector<256xf32>
      %reduce_max3A_76 = vector.multi_reduction <maximumf>, %select_n3A, %reduce_max3A [0] : vector<512x256xf32> to vector<256xf32>
      %broadcast_in_dim3A_77 = vector.shape_cast %reduce_max3A_76 : vector<256xf32> to vector<1x256xf32>
      %get3A_78 = arith.index_cast %while3A_69 : i32 to index
      %get3A_79 = arith.constant 0 : index
      %get3A_80 = vector.load %arg12[%get3A_78, %get3A_79] : memref<16x256xf32, #tpu.memory_space<vmem>>, vector<1x256xf32>
      %max3A_81 = arith.maximumf %get3A_80, %broadcast_in_dim3A_77 : vector<1x256xf32>
      %swap3A_82 = arith.index_cast %while3A_69 : i32 to index
      %swap3A_83 = arith.constant 0 : index
      %swap3A_84 = vector.load %arg12[%swap3A_82, %swap3A_83] : memref<16x256xf32, #tpu.memory_space<vmem>>, vector<1x256xf32>
      tpu.vector_store %arg12[%swap3A_82, %swap3A_83], %max3A_81 {strides = array<i32>} : memref<16x256xf32, #tpu.memory_space<vmem>>, vector<1x256xf32>,
      %while3A_85 = arith.constant 0 : i32
      scf.yield %while3A_85 : i32
    }
    %while3A_62 = arith.constant 1 : i32
    %while3A_63 = scf.for %while3A_69 = %while3A_59 to %while3A_55 step %while3A_62 iter_args(%while3A_70 = %while3A_61) -> (i32)  : i32 {
      %eq3A_71 = vector.broadcast %while3A_69 : i32 to vector<512x1xi32>
      %eq3A_72 = arith.cmpi eq, %get3A_23, %eq3A_71 : vector<512x1xi32>
      %jit3A = arith.constant 0xFF800000 : f32
      %broadcast_in_dim3A_73 = vector.shape_cast %eq3A_72 : vector<512x1xi1> to vector<512x1xi1>
      %broadcast_in_dim3A_74 = vector.broadcast %broadcast_in_dim3A_73 : vector<512x1xi1> to vector<512x256xi1>
      %broadcast_in_dim3A_75 = vector.broadcast %jit3A : f32 to vector<512x256xf32>
      %select_n3A = arith.select %broadcast_in_dim3A_74, %max3A_20, %broadcast_in_dim3A_75 : vector<512x256xi1>, vector<512x256xf32>
      %reduce_max3A = arith.constant dense<0xFF800000> : vector<256xf32>
      %reduce_max3A_76 = vector.multi_reduction <maximumf>, %select_n3A, %reduce_max3A [0] : vector<512x256xf32> to vector<256xf32>
      %broadcast_in_dim3A_77 = vector.shape_cast %reduce_max3A_76 : vector<256xf32> to vector<1x256xf32>
      %get3A_78 = arith.index_cast %while3A_69 : i32 to index
      %get3A_79 = arith.constant 0 : index
      %get3A_80 = vector.load %arg12[%get3A_78, %get3A_79] : memref<16x256xf32, #tpu.memory_space<vmem>>, vector<1x256xf32>
      %max3A_81 = arith.maximumf %get3A_80, %broadcast_in_dim3A_77 : vector<1x256xf32>
      %swap3A_82 = arith.index_cast %while3A_69 : i32 to index
      %swap3A_83 = arith.constant 0 : index
      %swap3A_84 = vector.load %arg12[%swap3A_82, %swap3A_83] : memref<16x256xf32, #tpu.memory_space<vmem>>, vector<1x256xf32>
      tpu.vector_store %arg12[%swap3A_82, %swap3A_83], %max3A_81 {strides = array<i32>} : memref<16x256xf32, #tpu.memory_space<vmem>>, vector<1x256xf32>,
      %while3A_85 = arith.constant 0 : i32
      scf.yield %while3A_85 : i32
    }
    %eq3A_64 = arith.constant 19 : i32
    %eq3A_65 = arith.cmpi eq, %arg0, %eq3A_64 : i32
    %convert_element_type3A_66 = arith.extui %eq3A_65 : i1 to i32
    %cond3A_67 = arith.constant 0 : i32
    %cond3A_68 = arith.cmpi ne, %convert_element_type3A_66, %cond3A_67 : i32
    scf.if %cond3A_68 {
      %get3A_69 = arith.constant 0 : index
      %get3A_70 = arith.constant 0 : index
      %get3A_71 = vector.load %arg11[%get3A_69, %get3A_70] : memref<16x256xf32, #tpu.memory_space<vmem>>, vector<16x256xf32>
      %get3A_72 = arith.constant 0 : index
      %get3A_73 = arith.constant 0 : index
      %get3A_74 = vector.load %arg13[%get3A_72, %get3A_73] : memref<16x1xf32, #tpu.memory_space<vmem>>, vector<16x1xf32>
      %max3A_75 = arith.constant 1.000000e+00 : f32
      %max3A_76 = vector.broadcast %max3A_75 : f32 to vector<16x1xf32>
      %max3A_77 = arith.maximumf %get3A_74, %max3A_76 : vector<16x1xf32>
      %div3A = vector.broadcast %max3A_77 : vector<16x1xf32> to vector<16x256xf32>
      %div3A_78 = arith.divf %get3A_71, %div3A : vector<16x256xf32>
      %get3A_79 = arith.constant 0 : index
      %get3A_80 = arith.constant 0 : index
      %get3A_81 = vector.load %arg12[%get3A_79, %get3A_80] : memref<16x256xf32, #tpu.memory_space<vmem>>, vector<16x256xf32>
      %is_finite3A = tpu.weird %get3A_81 : vector<16x256xf32> -> vector<16x256xi1>
      %is_finite3A_82 = arith.constant dense<true> : vector<16x256xi1>
      %is_finite3A_83 = arith.xori %is_finite3A, %is_finite3A_82 : vector<16x256xi1>
      %jit3A = arith.constant 0.000000e+00 : f32
      %broadcast_in_dim3A_84 = vector.broadcast %jit3A : f32 to vector<16x256xf32>
      %select_n3A = arith.select %is_finite3A_83, %get3A_81, %broadcast_in_dim3A_84 : vector<16x256xi1>, vector<16x256xf32>
      %concatenate3A_85 = tpu.concatenate %div3A_78, %select_n3A in 1 : vector<16x256xf32>, vector<16x256xf32> -> vector<16x512xf32>
      %get3A_86 = arith.constant 0 : index
      %get3A_87 = arith.constant 0 : index
      %get3A_88 = vector.load %arg6[%get3A_86, %get3A_87] : memref<512x256xf32, #tpu.memory_space<vmem>>, vector<512x256xf32>
      %dot_general3A_89 = arith.constant dense<0.000000e+00> : vector<16x256xf32>
      %dot_general3A_90 = tpu.matmul %concatenate3A_85, %get3A_88, %dot_general3A_89 {dimension_numbers = #tpu.dot_dimension_numbers<[1], [0], [0], [1], [0, 0, 1, 1], [], []>, transpose_lhs_hint = false} : vector<16x512xf32>, vector<512x256xf32>, vector<16x256xf32> -> vector<16x256xf32>
      %get3A_91 = arith.constant 0 : index
      %get3A_92 = arith.constant 0 : index
      %get3A_93 = vector.load %arg7[%get3A_91, %get3A_92] : memref<1x256xf32, #tpu.memory_space<vmem>>, vector<1x256xf32>
      %add3A_94 = vector.broadcast %get3A_93 : vector<1x256xf32> to vector<16x256xf32>
      %add3A_95 = arith.addf %dot_general3A_90, %add3A_94 : vector<16x256xf32>
      %max3A_96 = arith.constant 0.000000e+00 : f32
      %max3A_97 = vector.broadcast %max3A_96 : f32 to vector<16x256xf32>
      %max3A_98 = arith.maximumf %add3A_95, %max3A_97 : vector<16x256xf32>
      %get3A_99 = arith.constant 0 : index
      %get3A_100 = arith.constant 0 : index
      %get3A_101 = vector.load %arg8[%get3A_99, %get3A_100] : memref<256x128xf32, #tpu.memory_space<vmem>>, vector<256x128xf32>
      %dot_general3A_102 = arith.constant dense<0.000000e+00> : vector<16x128xf32>
      %dot_general3A_103 = tpu.matmul %max3A_98, %get3A_101, %dot_general3A_102 {dimension_numbers = #tpu.dot_dimension_numbers<[1], [0], [0], [1], [0, 0, 1, 1], [], []>, transpose_lhs_hint = false} : vector<16x256xf32>, vector<256x128xf32>, vector<16x128xf32> -> vector<16x128xf32>
      %get3A_104 = arith.constant 0 : index
      %get3A_105 = arith.constant 0 : index
      %get3A_106 = vector.load %arg9[%get3A_104, %get3A_105] : memref<1x128xf32, #tpu.memory_space<vmem>>, vector<1x128xf32>
      %add3A_107 = vector.broadcast %get3A_106 : vector<1x128xf32> to vector<16x128xf32>
      %add3A_108 = arith.addf %dot_general3A_103, %add3A_107 : vector<16x128xf32>
      %swap3A_109 = arith.constant 0 : index
      %swap3A_110 = arith.constant 0 : index
      %swap3A_111 = vector.load %arg10[%swap3A_109, %swap3A_110] : memref<16x128xf32, #tpu.memory_space<vmem>>, vector<16x128xf32>
      tpu.vector_store %arg10[%swap3A_109, %swap3A_110], %add3A_108 {strides = array<i32>} : memref<16x128xf32, #tpu.memory_space<vmem>>, vector<16x128xf32>,
    } else {
    }
    return
  }
  func.func @transform_0(%arg0: i32) -> (i32, i32, i32) {
    %c0_i32 = arith.constant 0 : i32
    %c0_i32_0 = arith.constant 0 : i32
    %c0_i32_1 = arith.constant 0 : i32
    return %c0_i32, %arg0, %c0_i32_0 : i32, i32, i32
  }
  func.func @transform_1(%arg0: i32) -> (i32, i32) {
    %c0_i32 = arith.constant 0 : i32
    %c0_i32_0 = arith.constant 0 : i32
    return %arg0, %c0_i32 : i32, i32
  }
  func.func @transform_2(%arg0: i32) -> (i32, i32) {
    %c0_i32 = arith.constant 0 : i32
    %c0_i32_0 = arith.constant 0 : i32
    %c0_i32_1 = arith.constant 0 : i32
    return %c0_i32, %c0_i32_0 : i32, i32
  }
  func.func @transform_3(%arg0: i32) -> (i32, i32) {
    %c0_i32 = arith.constant 0 : i32
    %c0_i32_0 = arith.constant 0 : i32
    %c0_i32_1 = arith.constant 0 : i32
    return %c0_i32, %c0_i32_0 : i32, i32
  }
  func.func @transform_4(%arg0: i32) -> (i32, i32) {
    %c0_i32 = arith.constant 0 : i32
    %c0_i32_0 = arith.constant 0 : i32
    return %arg0, %c0_i32 : i32, i32
  }
  func.func @transform_5(%arg0: i32) -> (i32, i32) {
    %c0_i32 = arith.constant 0 : i32
    %c0_i32_0 = arith.constant 0 : i32
    %c0_i32_1 = arith.constant 0 : i32
    return %c0_i32, %c0_i32_0 : i32, i32
  }
  func.func @transform_6(%arg0: i32) -> (i32, i32) {
    %c0_i32 = arith.constant 0 : i32
    %c0_i32_0 = arith.constant 0 : i32
    %c0_i32_1 = arith.constant 0 : i32
    return %c0_i32, %c0_i32_0 : i32, i32
  }
  func.func @transform_7(%arg0: i32) -> (i32, i32) {
    %c0_i32 = arith.constant 0 : i32
    %c0_i32_0 = arith.constant 0 : i32
    %c0_i32_1 = arith.constant 0 : i32
    return %c0_i32, %c0_i32_0 : i32, i32
  }
  func.func @transform_8(%arg0: i32) -> (i32, i32) {
    %c0_i32 = arith.constant 0 : i32
    %c0_i32_0 = arith.constant 0 : i32
    %c0_i32_1 = arith.constant 0 : i32
    return %c0_i32, %c0_i32_0 : i32, i32
  }
  func.func @transform_9(%arg0: i32) -> (i32, i32) {
    %c0_i32 = arith.constant 0 : i32
    %c0_i32_0 = arith.constant 0 : i32
    %c0_i32_1 = arith.constant 0 : i32
    return %c0_i32, %c0_i32_0 : i32, i32
  }
}

</mosaic_0001>

<sc_bundles>
// kernel: kernel.10.cloned.1.call-start
scs
__scs_entry_jumppad:
0x0: {  	(pc) =	sbr.rel $0x88, $3  }
0x1: {  	(tag) =	ssettag $0x0;
	lr =	simm.s32 $0x1  }
0x2: {  	[smem:$0x3F94] =	sst lr;
	_ =	strace $0xD0000000  }
0x3: {  	_ = 	snop  }
0x4: {  	_ = 	snop  }
0x5: {  	_ = 	snop  }
0x6: {  	_ = 	snop  }
0x7: {  	_ = 	snop  }
__scs_overlays_trampoline_lowered:
0x8: {  	[smem:$0x3FA3] =	sst s0  }
0x9: {  	[smem:$0x3FA4] =	sst s1  }
0xa: {  	[smem:$0x3FA5] =	sst s2  }
0xb: {  	[smem:$0x3FA6] =	sst s3  }
0xc: {  	[smem:$0x3FA7] =	sst s4  }
0xd: {  	[smem:$0x3FA8] =	sst s5  }
0xe: {  	[smem:$0x3FA9] =	sst s6  }
0xf: {  	[smem:$0x3FAA] =	sst s7  }
0x10: {  	[smem:$0x3FAB] =	sst s8  }
0x11: {  	[smem:$0x3FAC] =	sst s9;
	s0 =	simm.s32 @!p0 $0x0  }
0x12: {  	s1 =	sld [smem:$0x3F92];
	s0 =	simm.s32 @p0 $0x1  }
0x13: {  	[smem:$0x3FAD] =	sst s0;
	s0 =	simm.s32 @!p1 $0x0  }
0x14: {  	s2 =	sld [smem:$0x3F91];
	s0 =	simm.s32 @p1 $0x1  }
0x15: {  	[smem:$0x3FAE] =	sst s0;
	s0 =	simm.s32 @!p2 $0x0  }
0x16: {  	s3 =	sld [smem:$0x3FDB];
	s0 =	simm.s32 @p2 $0x1  }
0x17: {  	s4 =	simm.s32 $0x1BF5;
	[smem:$0x3FB0] =	sst s0  }
0x18: {  	s0 =	sld [smem:$0x3F93];
	_ =	swait.ge [sflag:s4], $0x0  }
0x19: {  	s7 =	sld [smem:$0x3F94]  }
0x1a: {  	s8 =	sadd.s32 $0xFFFFE003, lr  }
0x1b: {  	s9 =	sadd.s32 $0xFFFFFEF7, lr;
	s5 =	simm.s32 $0xFFFFFFFF;
	p2 =	slt.u32 s8, $0xFFFFF086  }
0x1c: {  	p1 =	slt.u32 s9, $0xF7A;
	s5 =	simm.s32 @!p2 $0x0  }
0x1d: {  	s5 =	simm.s32 @p1 $0x1;
	p0 =	seq.s32 s7, s2  }
0x1e: {  	s7 =	smul.u32 @!p0 $0xF7A, s2;
	p2 =	seq.s32 @!p0 s5, $0x0  }
0x1f: {  	s9 =	smul.u32 $0xF7A, s1;
	s8 =	simm.s32 @!p0 $0x1BF5;
	p2 =	por !p2, p0  }
0x20: {  	[sflag:s8] =	ssyncset.s32 @!p0 $0xFFFFF086;
	s6 =	sadd.s32 @!p0 s3, s7;
	s7 =	simm.s32 @!p0 $0x108  }
0x21: {  	s3 =	sadd.s32 s3, s9;
	s6 =	sadd.s32 @!p0 $0x88, s6;
	s7 =	simm.s32 @p2 $0x1082  }
0x22: {  	[simem:s7], [sflag:s8] =	dma.local @!p0 [hbm:s6], $0xF7A  }
0x23: {  	s9 =	sor.u32 $0xD0000000, s2;
	s6 =	simm.s32 $0x108;
	_ =	swait.ge @!p0 [sflag:s8], $0x0  }
0x24: {  	s3 =	sadd.s32 $0x88, s3;
	s6 =	simm.s32 @!p1 $0x1082;
	[sflag:s4] =	ssyncset.s32 $0xFFFFF086  }
0x25: {  	[simem:s6], [sflag:s4] =	dma.local [hbm:s3], $0xF7A  }
0x26: {  	[smem:$0x3F94] =	sst s1;
	(tag) =	ssettag s2;
	_ =	strace s9  }
0x27: {  	s1 =	sld [smem:$0x3FA4]  }
0x28: {  	s2 =	sld [smem:$0x3FA5]  }
0x29: {  	s4 =	sld [smem:$0x3FA7]  }
0x2a: {  	p0 =	seq.s32 s5, $0x0;
	s5 =	sld [smem:$0x3FA8]  }
0x2b: {  	s6 =	sld [smem:$0x3FA9]  }
0x2c: {  	s7 =	sld [smem:$0x3FAA]  }
0x2d: {  	s3 =	simm.s32 $0x108;
	s8 =	sld [smem:$0x3FAB]  }
0x2e: {  	s3 =	simm.s32 @!p0 $0x1082;
	s9 =	sld [smem:$0x3FAC]  }
0x2f: {  	lr =	sadd.s32 s0, s3;
	s0 =	sld [smem:$0x3FA3]  }
0x30: {  	s3 =	sld [smem:$0x3FA6]  }
0x31: {  	[smem:$0x3FAF] =	sst s10  }
0x32: {  	s10 =	sld [smem:$0x3FAD];
	_ =	sdelay $0x3  }
0x33: {  	p0 =	seq.s32 s10, $0x1;
	s10 =	sld [smem:$0x3FAF];
	_ =	sdelay $0x3  }
0x34: {  	[smem:$0x3FAF] =	sst s10  }
0x35: {  	s10 =	sld [smem:$0x3FAE];
	_ =	sdelay $0x3  }
0x36: {  	p1 =	seq.s32 s10, $0x1;
	s10 =	sld [smem:$0x3FAF];
	_ =	sdelay $0x3  }
0x37: {  	[smem:$0x3FAF] =	sst s10  }
0x38: {  	s10 =	sld [smem:$0x3FB0]  }
0x39: {  	_ = 	snop;
	(pc) =	sbr.ind lr, $3  }
0x3a: {  	_ = 	snop  }
0x3b: {  	_ = 	snop  }
0x3c: {  	p2 =	seq.s32 s10, $0x1;
	s10 =	sld [smem:$0x3FAF]  }
0x3d: {  	_ =	shalt  }
0x3e: {  	_ =	shalt  }
0x3f: {  	_ =	shalt  }
0x40: {  	_ =	shalt  }
0x41: {  	_ =	shalt  }
0x42: {  	_ =	shalt  }
0x43: {  	_ =	shalt  }
0x44: {  	_ =	shalt  }
0x45: {  	_ =	shalt  }
0x46: {  	_ =	shalt  }
0x47: {  	_ =	shalt  }
0x48: {  	_ =	shalt  }
0x49: {  	_ =	shalt  }
0x4a: {  	_ =	shalt  }
0x4b: {  	_ =	shalt  }
0x4c: {  	_ =	shalt  }
0x4d: {  	_ =	shalt  }
0x4e: {  	_ =	shalt  }
0x4f: {  	_ =	shalt  }
0x50: {  	_ =	shalt  }
0x51: {  	_ =	shalt  }
0x52: {  	_ =	shalt  }
0x53: {  	_ =	shalt  }
0x54: {  	_ =	shalt  }
0x55: {  	_ =	shalt  }
0x56: {  	_ =	shalt  }
0x57: {  	_ =	shalt  }
0x58: {  	_ =	shalt  }
0x59: {  	_ =	shalt  }
0x5a: {  	_ =	shalt  }
0x5b: {  	_ =	shalt  }
0x5c: {  	_ =	shalt  }
0x5d: {  	_ =	shalt  }
0x5e: {  	_ =	shalt  }
0x5f: {  	_ =	shalt  }
0x60: {  	_ =	shalt  }
0x61: {  	_ =	shalt  }
0x62: {  	_ =	shalt  }
0x63: {  	_ =	shalt  }
0x64: {  	_ =	shalt  }
0x65: {  	_ =	shalt  }
0x66: {  	_ =	shalt  }
0x67: {  	_ =	shalt  }
0x68: {  	_ =	shalt  }
0x69: {  	_ =	shalt  }
0x6a: {  	_ =	shalt  }
0x6b: {  	_ =	shalt  }
0x6c: {  	_ =	shalt  }
0x6d: {  	_ =	shalt  }
0x6e: {  	_ =	shalt  }
0x6f: {  	_ =	shalt  }
0x70: {  	_ =	shalt  }
0x71: {  	_ =	shalt  }
0x72: {  	_ =	shalt  }
0x73: {  	_ =	shalt  }
0x74: {  	_ =	shalt  }
0x75: {  	_ =	shalt  }
0x76: {  	_ =	shalt  }
0x77: {  	_ =	shalt  }
0x78: {  	_ =	shalt  }
0x79: {  	_ =	shalt  }
0x7a: {  	_ =	shalt  }
0x7b: {  	_ =	shalt  }
0x7c: {  	_ =	shalt  }
0x7d: {  	_ =	shalt  }
0x7e: {  	_ =	shalt  }
0x7f: {  	_ =	shalt  }
0x80: {  	_ =	shalt  }
0x81: {  	_ =	shalt  }
0x82: {  	_ =	shalt  }
0x83: {  	_ =	shalt  }
0x84: {  	_ =	shalt  }
0x85: {  	_ =	shalt  }
0x86: {  	_ =	shalt  }
0x87: {  	_ =	shalt  }
.Lfunc_end0:
.L_simem_size_0:
called_computation_lowered:
.L_overlay_start_0:
0x88: {  	s2 =	sld [smem:$0x3FD9]  }
0x89: {  	s3 =	sld [smem:$0x3FFE];
	_ =	sdelay $0x1  }
0x8a: {  	s1 =	srdreg.scid  }
0x8b: {  	s0 =	sand.u32 $0x1, s1  }
0x8c: {  	s16 =	sshll.u32 s0, $0xA;
	s2 =	sadd.s32 s3, s2  }
0x8d: {  	s2 =	sadd.s32 s2, s16  }
0x8e: {  	[smem:$0x3FBB] =	sst s2  }
0x8f: {  	_ = 	snop  }
0x90: {  	(tm) =	ssettm $0x1  }
0x91: {  	s17 =	sld [smem:$0x3FFB];
	_ =	sdelay $0x3  }
0x92: {  	_ =	strace s17  }
0x93: {  	s2 =	sld [smem:$0x3FFC];
	_ =	sdelay $0x3  }
0x94: {  	_ =	strace s2  }
0x95: {  	s2 =	sld [smem:$0x3FFD];
	_ =	sdelay $0x3  }
0x96: {  	_ =	strace s2  }
0x97: {  	_ =	strace $0x8FFFFFFF  }
0x98: {  	s18 =	sld [smem:$0x3FDB];
	_ =	sdelay $0x1  }
0x99: {  	s19 =	simm.s32 $_scs_section_size  }
0x9a: {  	s4 =	simm.s32 $_size__tile_overlayer_lowered;
	s5 =	simm.s32 $_tile_overlayer_lowered  }
0x9b: {  	s22 =	simm.s32 $0x1BFF;
	s21 =	sshll.u32 s5, $0x1;
	s2 =	sadd.s32 s19, s18  }
0x9c: {  	s6 =	simm.s32 $0x0;
	s20 =	sshll.u32 s4, $0x1;
	s4 =	sadd.s32 s21, s2  }
0x9d: {  	[timem:s6], [sflag:s22] =	dma.local [hbm:s4], s20  }
0x9e: {  	_ =	swait.ge [sflag:s22], s20  }
0x9f: {  	s3 =	ssub.s32 $0x0, s20;
	[sflag:s22] =	ssyncset.done $0x0  }
0xa0: {  	[sflag:s22] =	ssyncadd.s32 s3;
	_ =	sdelay $0x1  }
0xa1: {  	s23 =	simm.s32 $0x1B8B  }
0xa2: {  	_ =	swait.ge [sflag:s23], $0x1  }
0xa3: {  	[sflag:s23] =	ssyncset.done $0x0  }
0xa4: {  	s25 =	simm.s32 $0x1B8E;
	s24 =	sld [smem:$0x3FFE];
	[sflag:s23] =	ssyncadd.s32 $0xFFFFFFFF  }
0xa5: {  	s26 =	simm.s32 $execute0_lowered;
	[smem:$0x3FD2] =	sst s25  }
0xa6: {  	s4 =	sshll.u32 s26, $0x1;
	_ =	strace $0x80000046;
	[dreg:$0x1] =	wrdreg $0xFFFFFFFF  }
0xa7: {  	s28 =	simm.s32 $_size_execute0_lowered;
	s2 =	sadd.s32 s2, s4;
	[dreg:$0x0] =	wrdreg $0x0  }
0xa8: {  	s4 =	sshll.u32 s28, $0x1;
	[dreg:$0x2] =	wrdreg s2  }
0xa9: {  	[dreg:$0x3] =	wrdreg s4  }
0xaa: {  	[dreg:$0x4] =	wrdreg $0xC0  }
0xab: {  	_ =	task [dreg:s6], $0x5FFFF  }
0xac: {  	[dreg:$0x1] =	wrdreg $0xFFFFFFFF  }
0xad: {  	[dreg:$0x0] =	wrdreg $0x60  }
0xae: {  	[dreg:$0x2] =	wrdreg s24  }
0xaf: {  	[dreg:$0x3] =	wrdreg $0x0  }
0xb0: {  	[dreg:$0x4] =	wrdreg $0x9  }
0xb1: {  	_ =	task.clear_ibuf [dreg:s6], $0x5FFFF;
	_ =	strace $0x90000046  }
0xb2: {  	s29 =	simm.s32 $0x9;
	_ =	strace $0x80000048  }
0xb3: {  	_ =	swait.ge [sflag:s29], $0x1  }
0xb4: {  	[sflag:s29] =	ssyncadd.s32 $0xFFFFFFFF  }
0xb5: {  	_ =	strace $0x90000048  }
0xb6: {  	_ =	sfence  }
0xb7: {  	s30 =	sld [smem:$0x0];
	_ =	sdelay $0x2  }
0xb8: {  	s31 =	sshll.u32 s1, $0xD;
	s1 =	sshrl.u32 s1, $0x2  }
0xb9: {  	s3 =	sand.u32 $0x4000, s31;
	s1 =	sadd.s32 s1, s30  }
0xba: {  	s0 =	sor.u32 s3, s0;
	s1 =	sshll.u32 s1, $0x11  }
0xbb: {  	s0 =	sor.u32 s1, s0  }
0xbc: {  	s0 =	sadd.s32 $0x8F2B, s0  }
0xbd: {  	[sflag:s0] =	ssyncadd.remote.s32 $0x1  }
0xbe: {  	_ =	sfence.sel $0xFFFF  }
0xbf: {  	[dreg:$0x0] =	wrdreg $0xFFFFFFFF;
	(pc) =	sbr.abs _section_cstart, $3  }
0xc0: {  	[dreg:$0x1] =	wrdreg $0xFFFFFFFF  }
0xc1: {  	_ =	task.clear_ibuf [dreg:s6], $0x2FFFF;
	_ =	strace $0x9FFFFFFF  }
0xc2: {  	(tm) =	ssettm $0x7FFFFFFF  }
0xc3: {  	_ =	shalt  }
tec
execute0_lowered:
.L_overlay_start_1:
0x0: {  	(tag) =	ssettag $0x1  }
0x1: {  	s5 =	rddreg [dreg:$0x0]  }
0x2: {  	s0 =	srdreg.scid;
	s2 =	rddreg [dreg:$0x1]  }
0x3: {  	s3 =	simm.s32 $0x0;
	s4 =	sand.u32 $0x1, s0;
	s0 =	stileid.u32  }
0x4: {  	[smem:$0x7FF] =	sst s3;
	s1 =	sshll.u32 s4, $0x4;
	s7 =	smul.u32 $0x5000, s4  }
0x5: {  	s4 =	ssub.s32 $0x2, s4;
	s10 =	smul.u32 $0x2800, s0;
	s6 =	sor.u32 s0, s1  }
0x6: {  	s1 =	rddreg [dreg:$0x2];
	_ =	strace $0x80000047;
	s31 =	sshrl.u32 s4, $0x1  }
0x7: {  	s6 =	smul.u32 $0x280, s6;
	s11 =	sadd.s32 s7, s5;
	s12 =	ssub.s32 s4, s31  }
0x8: {  	s4 =	sadd.s32 s10, s2;
	s13 =	sadd.s32 $0x800, s10;
	s14 =	sadd.s32 $0x1000, s10  }
0x9: {  	s15 =	sadd.s32 $0x1800, s10;
	s16 =	sadd.s32 $0x2000, s10;
	s17 =	sshrl.u32 s10, $0x3  }
0xa: {  	s7 =	sadd.s32 s15, s2;
	s8 =	sadd.s32 s16, s2;
	s21 =	sadd.s32 $0x7200, s11  }
0xb: {  	s18 =	sshrl.u32 s13, $0x3;
	s19 =	sshrl.u32 s14, $0x3;
	s20 =	sshrl.u32 s15, $0x3  }
0xc: {  	s22 =	sshrl.u32 s16, $0x3;
	s10 =	smax.u32 s12, $0x1;
	s11 =	simm.s32 $0x4400  }
0xd: {  	s12 =	simm.s32 $0x2;
	s15 =	simm.s32 $0x1;
	s16 =	simm.s32 $0x4C00  }
0xe: {  	s9 =	sadd.s32 s6, s5;
	s5 =	sadd.s32 s13, s2;
	s6 =	sadd.s32 s14, s2  }
0xf: {  	s13 =	simm.s32 $0x80;
	s14 =	simm.s32 $0x3C00;
	s17 =	sadd.s32 s17, s21  }
0x10: {  	s18 =	sadd.s32 s18, s21;
	s19 =	sadd.s32 s19, s21;
	s20 =	sadd.s32 s20, s21  }
0x11: {  	v0 =	vimm.f32 $1.000000000e+00;
	v1 =	vimm.f32 $0.0e+00;
	s21 =	sadd.s32 s22, s21;
	s22 =	simm.s32 $0x0;
	s9 =	sadd.s32 $0x2200, s9  }
.LBB2_1:
0x12: {  	s23 =	simm.s32 $0x0  }
.LBB2_2:
0x13: {  	p0 =	sne.s32 s23, $0x1FC0  }
.Ltmp0:
0x14: {  	_ = 	snop;
	(pc) =	sbr.rel @p0 .LBB2_2-.Ltmp0, $3  }
0x15: {  	_ =	sdelay $0x1  }
0x16: {  	s24 =	sshra.s32 s23, $0x2  }
0x17: {  	s23 =	sadd.s32 $0x40, s23;
	[tilespmem:s24+$0x3C00] =	vst v0  }
0x18: {  	s23 =	simm.s32 $0x40;
	s24 =	simm.s32 $0x0  }
.LBB2_4:
0x19: {  	p0 =	sne.s32 s23, $0x1FC0;
	[tilespmem:s24+$0x4400] =	vst v1;
	s24 =	smov.u32 s23;
	s23 =	sadd.s32 $0x40, s23  }
.Ltmp1:
0x1a: {  	(pc) =	sbr.rel @p0 .LBB2_4-.Ltmp1, $2  }
0x1b: {  	_ =	sdelay $0x2  }
0x1c: {  	s24 =	sshra.s32 s24, $0x2  }
0x1d: {  	[tilespmem:s24+$0x4400] =	vst v1  }
0x1e: {  	[spmem:s4] =	stream.linear.scatter [tilespmem:s11], [sflag:$0x2], $0x800, $0x38;
	[tilespmem:$0x5400] =	vst v63  }
0x1f: {  	_ =	swait.ge [sflag:s12], $0x800  }
0x20: {  	[sflag:s12] =	ssyncset.done $0x0  }
0x21: {  	[sflag:s12] =	ssyncadd.s32 $0xFFFFF800  }
0x22: {  	[spmem:s5] =	stream.linear.scatter [tilespmem:s11], [sflag:$0x2], $0x800, $0x38;
	[tilespmem:$0x5400] =	vst v63  }
0x23: {  	_ =	swait.ge [sflag:s12], $0x800  }
0x24: {  	[sflag:s12] =	ssyncset.done $0x0  }
0x25: {  	[sflag:s12] =	ssyncadd.s32 $0xFFFFF800  }
0x26: {  	[spmem:s6] =	stream.linear.scatter [tilespmem:s11], [sflag:$0x2], $0x800, $0x38;
	[tilespmem:$0x5400] =	vst v63  }
0x27: {  	_ =	swait.ge [sflag:s12], $0x800  }
0x28: {  	[sflag:s12] =	ssyncset.done $0x0  }
0x29: {  	[sflag:s12] =	ssyncadd.s32 $0xFFFFF800  }
0x2a: {  	[spmem:s7] =	stream.linear.scatter [tilespmem:s11], [sflag:$0x2], $0x800, $0x38;
	[tilespmem:$0x5400] =	vst v63  }
0x2b: {  	_ =	swait.ge [sflag:s12], $0x800  }
0x2c: {  	[sflag:s12] =	ssyncset.done $0x0  }
0x2d: {  	[sflag:s12] =	ssyncadd.s32 $0xFFFFF800  }
0x2e: {  	[spmem:s8] =	stream.linear.scatter [tilespmem:s11], [sflag:$0x2], $0x800, $0x38;
	[tilespmem:$0x5400] =	vst v63  }
0x2f: {  	_ =	swait.ge [sflag:s12], $0x800  }
0x30: {  	[sflag:s12] =	ssyncset.done $0x0  }
0x31: {  	[sflag:s12] =	ssyncadd.s32 $0xFFFFF800  }
0x32: {  	s31 =	simm.s32 $0x0;
	s23 =	simm.s32 $0x2800;
	[bflag:$0x0] =	sbarrier.arrive $0xFFFF  }
0x33: {  	[tilespmem:s23], [sflag:$0x2] =	stream.linear.gather [hbm4b:s9+s31], $0x1400, $0x38;
	[tilespmem:$0x5400] =	vst v63  }
0x34: {  	_ =	swait.ge [sflag:s12], $0x1400  }
0x35: {  	p0 =	por $0x1, $0x1;
	[sflag:s12] =	ssyncset.done $0x0  }
0x36: {  	s25 =	simm.s32 @!p0 $0x1;
	[sflag:s12] =	ssyncadd.s32 $0xFFFFEC00  }
0x37: {  	[spmem:s2] =	stream.indirect.scatter.add.f32 [tilespmem:s14], [sflag:$0x1], $0x10, s23, s13, $0xb8;
	[tilespmem:$0x5400] =	vst v63  }
0x38: {  	_ =	swait.ge @!p0 [sflag:s25], $0x800  }
0x39: {  	s24 =	simm.s32 $0x1;
	[sflag:s25] =	ssyncset.done @!p0 $0x0  }
.LBB2_6:
0x3a: {  	[sflag:s25] =	ssyncadd.s32 @!p0 $0xFFFFF800  }
0x3b: {  	s23 =	sadd.s32 $0x80, s23;
	s25 =	smov.u32 s24;
	s24 =	sadd.s32 $0x1, s24  }
0x3c: {  	p1 =	sne.s32 s24, $0x28  }
0x3d: {  	[spmem:s2] =	stream.indirect.scatter.add.f32 [tilespmem:s14], [sflag:$0x1], $0x10, s23, s13, $0xb8;
	[tilespmem:$0x5400] =	vst v63  }
.Ltmp2:
0x3e: {  	_ = 	snop;
	(pc) =	sbr.rel @p1 .LBB2_6-.Ltmp2, $4  }
0x3f: {  	p0 =	slt.u32 s25, $0x8  }
0x40: {  	s25 =	simm.s32 @!p0 $0x1  }
0x41: {  	_ =	swait.ge @!p0 [sflag:s25], $0x800  }
0x42: {  	[sflag:s25] =	ssyncset.done @!p0 $0x0  }
0x43: {  	[sflag:s25] =	ssyncadd.s32 @!p0 $0xFFFFF800  }
0x44: {  	_ =	swait.ge [sflag:s15], $0x800  }
0x45: {  	[sflag:s15] =	ssyncset.done $0x0  }
0x46: {  	[sflag:s15] =	ssyncadd.s32 $0xFFFFF800  }
0x47: {  	_ =	swait.ge [sflag:s15], $0x800  }
0x48: {  	[sflag:s15] =	ssyncset.done $0x0  }
0x49: {  	[sflag:s15] =	ssyncadd.s32 $0xFFFFF800  }
0x4a: {  	_ =	swait.ge [sflag:s15], $0x800  }
0x4b: {  	[sflag:s15] =	ssyncset.done $0x0  }
0x4c: {  	[sflag:s15] =	ssyncadd.s32 $0xFFFFF800  }
0x4d: {  	_ =	swait.ge [sflag:s15], $0x800  }
0x4e: {  	[sflag:s15] =	ssyncset.done $0x0  }
0x4f: {  	[sflag:s15] =	ssyncadd.s32 $0xFFFFF800  }
0x50: {  	_ =	swait.ge [sflag:s15], $0x800  }
0x51: {  	[sflag:s15] =	ssyncset.done $0x0  }
0x52: {  	[sflag:s15] =	ssyncadd.s32 $0xFFFFF800  }
0x53: {  	_ =	swait.ge [sflag:s15], $0x800  }
0x54: {  	[sflag:s15] =	ssyncset.done $0x0  }
0x55: {  	[sflag:s15] =	ssyncadd.s32 $0xFFFFF800  }
0x56: {  	_ =	swait.ge [sflag:s15], $0x800  }
0x57: {  	[sflag:s15] =	ssyncset.done $0x0  }
0x58: {  	[sflag:s15] =	ssyncadd.s32 $0xFFFFF800  }
0x59: {  	_ =	swait.ge [sflag:s15], $0x800  }
0x5a: {  	[sflag:s15] =	ssyncset.done $0x0  }
0x5b: {  	[sflag:s15] =	ssyncadd.s32 $0xFFFFF800  }
0x5c: {  	[bflag:$0x0] =	sbarrier.arrive $0xFFFF  }
0x5d: {  	[tilespmem:s16], [sflag:$0x2] =	stream.linear.gather [spmem:s4], $0x800, $0x38;
	[tilespmem:$0x5400] =	vst v63  }
0x5e: {  	_ =	swait.ge [sflag:s12], $0x800  }
0x5f: {  	[sflag:s12] =	ssyncset.done $0x0  }
0x60: {  	[sflag:s12] =	ssyncadd.s32 $0xFFFFF800  }
0x61: {  	[hbm4b:s17+s3] =	stream.linear.scatter [tilespmem:s16], [sflag:$0x2], $0x800, $0x38;
	[tilespmem:$0x5400] =	vst v63  }
0x62: {  	_ =	swait.ge [sflag:s12], $0x800  }
0x63: {  	[sflag:s12] =	ssyncset.done $0x0  }
0x64: {  	[sflag:s12] =	ssyncadd.s32 $0xFFFFF800  }
0x65: {  	[tilespmem:s16], [sflag:$0x2] =	stream.linear.gather [spmem:s5], $0x800, $0x38;
	[tilespmem:$0x5400] =	vst v63  }
0x66: {  	_ =	swait.ge [sflag:s12], $0x800  }
0x67: {  	[sflag:s12] =	ssyncset.done $0x0  }
0x68: {  	[sflag:s12] =	ssyncadd.s32 $0xFFFFF800  }
0x69: {  	[hbm4b:s18+s3] =	stream.linear.scatter [tilespmem:s16], [sflag:$0x2], $0x800, $0x38;
	[tilespmem:$0x5400] =	vst v63  }
0x6a: {  	_ =	swait.ge [sflag:s12], $0x800  }
0x6b: {  	[sflag:s12] =	ssyncset.done $0x0  }
0x6c: {  	[sflag:s12] =	ssyncadd.s32 $0xFFFFF800  }
0x6d: {  	[tilespmem:s16], [sflag:$0x2] =	stream.linear.gather [spmem:s6], $0x800, $0x38;
	[tilespmem:$0x5400] =	vst v63  }
0x6e: {  	_ =	swait.ge [sflag:s12], $0x800  }
0x6f: {  	[sflag:s12] =	ssyncset.done $0x0  }
0x70: {  	[sflag:s12] =	ssyncadd.s32 $0xFFFFF800  }
0x71: {  	[hbm4b:s19+s3] =	stream.linear.scatter [tilespmem:s16], [sflag:$0x2], $0x800, $0x38;
	[tilespmem:$0x5400] =	vst v63  }
0x72: {  	_ =	swait.ge [sflag:s12], $0x800  }
0x73: {  	[sflag:s12] =	ssyncset.done $0x0  }
0x74: {  	[sflag:s12] =	ssyncadd.s32 $0xFFFFF800  }
0x75: {  	[tilespmem:s16], [sflag:$0x2] =	stream.linear.gather [spmem:s7], $0x800, $0x38;
	[tilespmem:$0x5400] =	vst v63  }
0x76: {  	_ =	swait.ge [sflag:s12], $0x800  }
0x77: {  	[sflag:s12] =	ssyncset.done $0x0  }
0x78: {  	[sflag:s12] =	ssyncadd.s32 $0xFFFFF800  }
0x79: {  	[hbm4b:s20+s3] =	stream.linear.scatter [tilespmem:s16], [sflag:$0x2], $0x800, $0x38;
	[tilespmem:$0x5400] =	vst v63  }
0x7a: {  	_ =	swait.ge [sflag:s12], $0x800  }
0x7b: {  	[sflag:s12] =	ssyncset.done $0x0  }
0x7c: {  	[sflag:s12] =	ssyncadd.s32 $0xFFFFF800  }
0x7d: {  	[tilespmem:s16], [sflag:$0x2] =	stream.linear.gather [spmem:s8], $0x800, $0x38;
	[tilespmem:$0x5400] =	vst v63  }
0x7e: {  	s22 =	sadd.s32 $0x1, s22;
	_ =	swait.ge [sflag:s12], $0x800  }
0x7f: {  	p0 =	sne.s32 s22, s10;
	[sflag:s12] =	ssyncset.done $0x0  }
.Ltmp3:
0x80: {  	[sflag:s12] =	ssyncadd.s32 $0xFFFFF800;
	(pc) =	sbr.rel @p0 .LBB2_1-.Ltmp3, $4  }
0x81: {  	[hbm4b:s21+s3] =	stream.linear.scatter [tilespmem:s16], [sflag:$0x2], $0x800, $0x38;
	[tilespmem:$0x5400] =	vst v63  }
0x82: {  	_ =	swait.ge [sflag:s12], $0x800  }
0x83: {  	[sflag:s12] =	ssyncset.done $0x0  }
0x84: {  	[sflag:s12] =	ssyncadd.s32 $0xFFFFF800  }
0x85: {  	_ =	sfence.sel $0x180000  }
0x86: {  	[bflag:$0x0] =	sbarrier.arrive $0xFFFF  }
0x87: {  	p0 =	sne.s32 s0, $0x0;
	_ =	strace $0x90000047  }
0x88: {  	s0 =	sadd.s32 @!p0 $0x100000, s1;
	[bflag:$0x2] =	sbarrier.arrive $0xFFFF  }
0x89: {  	[sflag:s0] =	ssyncadd.tile.s32 @!p0 $0x1;
	_ =	shalt  }
.Lfunc_end2:
_tile_overlayer_lowered:
.L_overlay_start_2:
0x8a: {  	(tag) =	ssettag $0x2  }
0x8b: {  	s0 =	rddreg [dreg:$0x0];
	s2 =	stileid.u32  }
0x8c: {  	s1 =	rddreg [dreg:$0x1];
	p0 =	sne.s32 s2, $0x0  }
0x8d: {  	s3 =	rddreg [dreg:$0x2];
	[bflag:$0x3] =	sbarrier.arrive $0xFFFF;
	s2 =	simm.s32 @!p0 $0x1C02  }
0x8e: {  	[timem:s3], [sflag:s2] =	dma.local @!p0 [hbm:s0], s1  }
0x8f: {  	s0 =	simm.s32 @!p0 $0x2  }
0x90: {  	_ =	swait.ge @!p0 [sflag:s0], s1  }
0x91: {  	s1 =	ssub.s32 @!p0 $0x0, s1;
	[sflag:s0] =	ssyncset.done @!p0 $0x0  }
0x92: {  	[sflag:s0] =	ssyncadd.s32 @!p0 s1  }
0x93: {  	[bflag:$0x3] =	sbarrier.arrive $0xFFFF  }
0x94: {  	_ =	shalt  }

// kernel: kernel.13.cloned.1.call-start
scs
__scs_entry_jumppad:
0x0: {  	(pc) =	sbr.rel $0x88, $3  }
0x1: {  	(tag) =	ssettag $0x0;
	lr =	simm.s32 $0x1  }
0x2: {  	[smem:$0x3F94] =	sst lr;
	_ =	strace $0xD0000000  }
0x3: {  	_ = 	snop  }
0x4: {  	_ = 	snop  }
0x5: {  	_ = 	snop  }
0x6: {  	_ = 	snop  }
0x7: {  	_ = 	snop  }
__scs_overlays_trampoline_lowered:
0x8: {  	[smem:$0x3FA3] =	sst s0  }
0x9: {  	[smem:$0x3FA4] =	sst s1  }
0xa: {  	[smem:$0x3FA5] =	sst s2  }
0xb: {  	[smem:$0x3FA6] =	sst s3  }
0xc: {  	[smem:$0x3FA7] =	sst s4  }
0xd: {  	[smem:$0x3FA8] =	sst s5  }
0xe: {  	[smem:$0x3FA9] =	sst s6  }
0xf: {  	[smem:$0x3FAA] =	sst s7  }
0x10: {  	[smem:$0x3FAB] =	sst s8  }
0x11: {  	[smem:$0x3FAC] =	sst s9;
	s0 =	simm.s32 @!p0 $0x0  }
0x12: {  	s1 =	sld [smem:$0x3F92];
	s0 =	simm.s32 @p0 $0x1  }
0x13: {  	[smem:$0x3FAD] =	sst s0;
	s0 =	simm.s32 @!p1 $0x0  }
0x14: {  	s2 =	sld [smem:$0x3F91];
	s0 =	simm.s32 @p1 $0x1  }
0x15: {  	[smem:$0x3FAE] =	sst s0;
	s0 =	simm.s32 @!p2 $0x0  }
0x16: {  	s3 =	sld [smem:$0x3FDB];
	s0 =	simm.s32 @p2 $0x1  }
0x17: {  	s4 =	simm.s32 $0x1BF5;
	[smem:$0x3FB0] =	sst s0  }
0x18: {  	s0 =	sld [smem:$0x3F93];
	_ =	swait.ge [sflag:s4], $0x0  }
0x19: {  	s7 =	sld [smem:$0x3F94]  }
0x1a: {  	s8 =	sadd.s32 $0xFFFFE003, lr  }
0x1b: {  	s9 =	sadd.s32 $0xFFFFFEF7, lr;
	s5 =	simm.s32 $0xFFFFFFFF;
	p2 =	slt.u32 s8, $0xFFFFF086  }
0x1c: {  	p1 =	slt.u32 s9, $0xF7A;
	s5 =	simm.s32 @!p2 $0x0  }
0x1d: {  	s5 =	simm.s32 @p1 $0x1;
	p0 =	seq.s32 s7, s2  }
0x1e: {  	s7 =	smul.u32 @!p0 $0xF7A, s2;
	p2 =	seq.s32 @!p0 s5, $0x0  }
0x1f: {  	s9 =	smul.u32 $0xF7A, s1;
	s8 =	simm.s32 @!p0 $0x1BF5;
	p2 =	por !p2, p0  }
0x20: {  	[sflag:s8] =	ssyncset.s32 @!p0 $0xFFFFF086;
	s6 =	sadd.s32 @!p0 s3, s7;
	s7 =	simm.s32 @!p0 $0x108  }
0x21: {  	s3 =	sadd.s32 s3, s9;
	s6 =	sadd.s32 @!p0 $0x88, s6;
	s7 =	simm.s32 @p2 $0x1082  }
0x22: {  	[simem:s7], [sflag:s8] =	dma.local @!p0 [hbm:s6], $0xF7A  }
0x23: {  	s9 =	sor.u32 $0xD0000000, s2;
	s6 =	simm.s32 $0x108;
	_ =	swait.ge @!p0 [sflag:s8], $0x0  }
0x24: {  	s3 =	sadd.s32 $0x88, s3;
	s6 =	simm.s32 @!p1 $0x1082;
	[sflag:s4] =	ssyncset.s32 $0xFFFFF086  }
0x25: {  	[simem:s6], [sflag:s4] =	dma.local [hbm:s3], $0xF7A  }
0x26: {  	[smem:$0x3F94] =	sst s1;
	(tag) =	ssettag s2;
	_ =	strace s9  }
0x27: {  	s1 =	sld [smem:$0x3FA4]  }
0x28: {  	s2 =	sld [smem:$0x3FA5]  }
0x29: {  	s4 =	sld [smem:$0x3FA7]  }
0x2a: {  	p0 =	seq.s32 s5, $0x0;
	s5 =	sld [smem:$0x3FA8]  }
0x2b: {  	s6 =	sld [smem:$0x3FA9]  }
0x2c: {  	s7 =	sld [smem:$0x3FAA]  }
0x2d: {  	s3 =	simm.s32 $0x108;
	s8 =	sld [smem:$0x3FAB]  }
0x2e: {  	s3 =	simm.s32 @!p0 $0x1082;
	s9 =	sld [smem:$0x3FAC]  }
0x2f: {  	lr =	sadd.s32 s0, s3;
	s0 =	sld [smem:$0x3FA3]  }
0x30: {  	s3 =	sld [smem:$0x3FA6]  }
0x31: {  	[smem:$0x3FAF] =	sst s10  }
0x32: {  	s10 =	sld [smem:$0x3FAD];
	_ =	sdelay $0x3  }
0x33: {  	p0 =	seq.s32 s10, $0x1;
	s10 =	sld [smem:$0x3FAF];
	_ =	sdelay $0x3  }
0x34: {  	[smem:$0x3FAF] =	sst s10  }
0x35: {  	s10 =	sld [smem:$0x3FAE];
	_ =	sdelay $0x3  }
0x36: {  	p1 =	seq.s32 s10, $0x1;
	s10 =	sld [smem:$0x3FAF];
	_ =	sdelay $0x3  }
0x37: {  	[smem:$0x3FAF] =	sst s10  }
0x38: {  	s10 =	sld [smem:$0x3FB0]  }
0x39: {  	_ = 	snop;
	(pc) =	sbr.ind lr, $3  }
0x3a: {  	_ = 	snop  }
0x3b: {  	_ = 	snop  }
0x3c: {  	p2 =	seq.s32 s10, $0x1;
	s10 =	sld [smem:$0x3FAF]  }
0x3d: {  	_ =	shalt  }
0x3e: {  	_ =	shalt  }
0x3f: {  	_ =	shalt  }
0x40: {  	_ =	shalt  }
0x41: {  	_ =	shalt  }
0x42: {  	_ =	shalt  }
0x43: {  	_ =	shalt  }
0x44: {  	_ =	shalt  }
0x45: {  	_ =	shalt  }
0x46: {  	_ =	shalt  }
0x47: {  	_ =	shalt  }
0x48: {  	_ =	shalt  }
0x49: {  	_ =	shalt  }
0x4a: {  	_ =	shalt  }
0x4b: {  	_ =	shalt  }
0x4c: {  	_ =	shalt  }
0x4d: {  	_ =	shalt  }
0x4e: {  	_ =	shalt  }
0x4f: {  	_ =	shalt  }
0x50: {  	_ =	shalt  }
0x51: {  	_ =	shalt  }
0x52: {  	_ =	shalt  }
0x53: {  	_ =	shalt  }
0x54: {  	_ =	shalt  }
0x55: {  	_ =	shalt  }
0x56: {  	_ =	shalt  }
0x57: {  	_ =	shalt  }
0x58: {  	_ =	shalt  }
0x59: {  	_ =	shalt  }
0x5a: {  	_ =	shalt  }
0x5b: {  	_ =	shalt  }
0x5c: {  	_ =	shalt  }
0x5d: {  	_ =	shalt  }
0x5e: {  	_ =	shalt  }
0x5f: {  	_ =	shalt  }
0x60: {  	_ =	shalt  }
0x61: {  	_ =	shalt  }
0x62: {  	_ =	shalt  }
0x63: {  	_ =	shalt  }
0x64: {  	_ =	shalt  }
0x65: {  	_ =	shalt  }
0x66: {  	_ =	shalt  }
0x67: {  	_ =	shalt  }
0x68: {  	_ =	shalt  }
0x69: {  	_ =	shalt  }
0x6a: {  	_ =	shalt  }
0x6b: {  	_ =	shalt  }
0x6c: {  	_ =	shalt  }
0x6d: {  	_ =	shalt  }
0x6e: {  	_ =	shalt  }
0x6f: {  	_ =	shalt  }
0x70: {  	_ =	shalt  }
0x71: {  	_ =	shalt  }
0x72: {  	_ =	shalt  }
0x73: {  	_ =	shalt  }
0x74: {  	_ =	shalt  }
0x75: {  	_ =	shalt  }
0x76: {  	_ =	shalt  }
0x77: {  	_ =	shalt  }
0x78: {  	_ =	shalt  }
0x79: {  	_ =	shalt  }
0x7a: {  	_ =	shalt  }
0x7b: {  	_ =	shalt  }
0x7c: {  	_ =	shalt  }
0x7d: {  	_ =	shalt  }
0x7e: {  	_ =	shalt  }
0x7f: {  	_ =	shalt  }
0x80: {  	_ =	shalt  }
0x81: {  	_ =	shalt  }
0x82: {  	_ =	shalt  }
0x83: {  	_ =	shalt  }
0x84: {  	_ =	shalt  }
0x85: {  	_ =	shalt  }
0x86: {  	_ =	shalt  }
0x87: {  	_ =	shalt  }
.Lfunc_end0:
.L_simem_size_0:
called_computation.1_lowered:
.L_overlay_start_0:
0x88: {  	s2 =	sld [smem:$0x3FD9]  }
0x89: {  	s3 =	sld [smem:$0x3FFE];
	_ =	sdelay $0x1  }
0x8a: {  	s1 =	srdreg.scid  }
0x8b: {  	s0 =	sand.u32 $0x1, s1  }
0x8c: {  	s16 =	sshll.u32 s0, $0xA;
	s2 =	sadd.s32 s3, s2  }
0x8d: {  	s2 =	sadd.s32 s2, s16  }
0x8e: {  	[smem:$0x3FBB] =	sst s2  }
0x8f: {  	_ = 	snop  }
0x90: {  	(tm) =	ssettm $0x1  }
0x91: {  	s17 =	sld [smem:$0x3FFB];
	_ =	sdelay $0x3  }
0x92: {  	_ =	strace s17  }
0x93: {  	s2 =	sld [smem:$0x3FFC];
	_ =	sdelay $0x3  }
0x94: {  	_ =	strace s2  }
0x95: {  	s2 =	sld [smem:$0x3FFD];
	_ =	sdelay $0x3  }
0x96: {  	_ =	strace s2  }
0x97: {  	_ =	strace $0x8FFFFFFF  }
0x98: {  	s18 =	sld [smem:$0x3FDB];
	_ =	sdelay $0x1  }
0x99: {  	s19 =	simm.s32 $_scs_section_size  }
0x9a: {  	s4 =	simm.s32 $_size__tile_overlayer_lowered;
	s5 =	simm.s32 $_tile_overlayer_lowered  }
0x9b: {  	s22 =	simm.s32 $0x1BFF;
	s21 =	sshll.u32 s5, $0x1;
	s2 =	sadd.s32 s19, s18  }
0x9c: {  	s6 =	simm.s32 $0x0;
	s20 =	sshll.u32 s4, $0x1;
	s4 =	sadd.s32 s21, s2  }
0x9d: {  	[timem:s6], [sflag:s22] =	dma.local [hbm:s4], s20  }
0x9e: {  	_ =	swait.ge [sflag:s22], s20  }
0x9f: {  	s3 =	ssub.s32 $0x0, s20;
	[sflag:s22] =	ssyncset.done $0x0  }
0xa0: {  	[sflag:s22] =	ssyncadd.s32 s3;
	_ =	sdelay $0x1  }
0xa1: {  	s23 =	simm.s32 $0x1B8B  }
0xa2: {  	_ =	swait.ge [sflag:s23], $0x1  }
0xa3: {  	[sflag:s23] =	ssyncset.done $0x0  }
0xa4: {  	s25 =	simm.s32 $0x1B8E;
	s24 =	sld [smem:$0x3FFE];
	[sflag:s23] =	ssyncadd.s32 $0xFFFFFFFF  }
0xa5: {  	s26 =	simm.s32 $execute0_lowered;
	[smem:$0x3FD2] =	sst s25  }
0xa6: {  	s4 =	sshll.u32 s26, $0x1;
	_ =	strace $0x80000049;
	[dreg:$0x1] =	wrdreg $0xFFFFFFFF  }
0xa7: {  	s28 =	simm.s32 $_size_execute0_lowered;
	s2 =	sadd.s32 s2, s4;
	[dreg:$0x0] =	wrdreg $0x0  }
0xa8: {  	s4 =	sshll.u32 s28, $0x1;
	[dreg:$0x2] =	wrdreg s2  }
0xa9: {  	[dreg:$0x3] =	wrdreg s4  }
0xaa: {  	[dreg:$0x4] =	wrdreg $0xC0  }
0xab: {  	_ =	task [dreg:s6], $0x5FFFF  }
0xac: {  	[dreg:$0x1] =	wrdreg $0xFFFFFFFF  }
0xad: {  	[dreg:$0x0] =	wrdreg $0x60  }
0xae: {  	[dreg:$0x2] =	wrdreg s24  }
0xaf: {  	[dreg:$0x3] =	wrdreg $0x0  }
0xb0: {  	[dreg:$0x4] =	wrdreg $0x9  }
0xb1: {  	_ =	task.clear_ibuf [dreg:s6], $0x5FFFF;
	_ =	strace $0x90000049  }
0xb2: {  	s29 =	simm.s32 $0x9;
	_ =	strace $0x8000004B  }
0xb3: {  	_ =	swait.ge [sflag:s29], $0x1  }
0xb4: {  	[sflag:s29] =	ssyncadd.s32 $0xFFFFFFFF  }
0xb5: {  	_ =	strace $0x9000004B  }
0xb6: {  	_ =	sfence  }
0xb7: {  	s30 =	sld [smem:$0x0];
	_ =	sdelay $0x2  }
0xb8: {  	s31 =	sshll.u32 s1, $0xD;
	s1 =	sshrl.u32 s1, $0x2  }
0xb9: {  	s3 =	sand.u32 $0x4000, s31;
	s1 =	sadd.s32 s1, s30  }
0xba: {  	s0 =	sor.u32 s3, s0;
	s1 =	sshll.u32 s1, $0x11  }
0xbb: {  	s0 =	sor.u32 s1, s0  }
0xbc: {  	s0 =	sadd.s32 $0x8F2B, s0  }
0xbd: {  	[sflag:s0] =	ssyncadd.remote.s32 $0x1  }
0xbe: {  	_ =	sfence.sel $0xFFFF  }
0xbf: {  	[dreg:$0x0] =	wrdreg $0xFFFFFFFF;
	(pc) =	sbr.abs _section_cstart, $3  }
0xc0: {  	[dreg:$0x1] =	wrdreg $0xFFFFFFFF  }
0xc1: {  	_ =	task.clear_ibuf [dreg:s6], $0x2FFFF;
	_ =	strace $0x9FFFFFFF  }
0xc2: {  	(tm) =	ssettm $0x7FFFFFFF  }
0xc3: {  	_ =	shalt  }
tec
execute0_lowered:
.L_overlay_start_1:
0x0: {  	(tag) =	ssettag $0x1  }
0x1: {  	s0 =	srdreg.scid;
	s5 =	rddreg [dreg:$0x0]  }
0x2: {  	s2 =	rddreg [dreg:$0x1];
	s1 =	stileid.u32  }
0x3: {  	s3 =	simm.s32 $0x0;
	s16 =	simm.s32 $0x3340;
	s20 =	simm.s32 $0x78  }
0x4: {  	s28 =	simm.s32 $0x2;
	s29 =	simm.s32 $0x4;
	s30 =	simm.s32 $0x3  }
0x5: {  	s31 =	simm.s32 $0x5;
	s0 =	sand.u32 $0x1, s0;
	s9 =	smul.u32 $0xA000, s1  }
0x6: {  	[smem:$0x7FF] =	sst s3;
	s11 =	smul.u32 $0x2800, s1;
	s4 =	sshll.u32 s0, $0x4  }
0x7: {  	_ =	strace $0x8000004A;
	s7 =	smul.u32 $0x5000, s0;
	s8 =	ssub.s32 $0x2, s0  }
0x8: {  	p0 =	seq.s32 s0, $0x1;
	s0 =	simm.s32 $0x0;
	s4 =	sor.u32 s1, s4  }
0x9: {  	s17 =	sshrl.u32 s8, $0x1;
	s18 =	sshrl.u32 s9, $0x2;
	s19 =	sshrl.u32 s11, $0x3  }
0xa: {  	s6 =	smul.u32 $0x276, s4;
	s4 =	sadd.s32 $0x2200, s5;
	s7 =	sadd.s32 s7, s5  }
0xb: {  	s8 =	ssub.s32 s8, s17;
	s17 =	simm.s32 $0x7;
	s21 =	sadd.s32 s4, s19  }
0xc: {  	s7 =	sadd.s32 $0x7200, s7;
	s10 =	sadd.s32 s6, s5;
	s5 =	sadd.s32 s18, s2  }
0xd: {  	s15 =	smax.u32 s8, $0x1;
	[dreg:$0x3] =	wrdreg s21;
	s22 =	sadd.s32 $0x780, s5  }
0xe: {  	s6 =	sadd.s32 s11, s2;
	s23 =	sadd.s32 $0xF00, s5;
	[dreg:$0x4] =	wrdreg s22  }
0xf: {  	s18 =	simm.s32 $0x2800;
	s24 =	sadd.s32 $0x1680, s5;
	[dreg:$0x5] =	wrdreg s23  }
0x10: {  	s25 =	sadd.s32 $0x1E00, s5;
	s26 =	sadd.s32 $0x2580, s5;
	[dreg:$0x6] =	wrdreg s24  }
0x11: {  	s13 =	sadd.s32 $0x16200, s10;
	s14 =	sadd.s32 $0x11200, s10;
	[dreg:$0x7] =	wrdreg s25  }
0x12: {  	[dreg:$0x8] =	wrdreg s26;
	s22 =	simm.s32 $0x3AC0;
	s23 =	simm.s32 $0x6  }
0x13: {  	v0 =	vimm.f32 $0.0e+00;
	s24 =	sadd.s32 s19, s7;
	s25 =	simm.s32 $0x1;
	s26 =	simm.s32 $0x4240  }
.LBB2_1:
.Ltmp0:
0x14: {  	(pc) =	sbr.rel @!p0 .LBB2_2-.Ltmp0, $1  }
0x15: {  	_ =	sdelay $0x3  }
0x16: {  	s7 =	simm.s32 $0x40;
	s8 =	simm.s32 $0x0  }
.LBB2_4:
0x17: {  	p1 =	sne.s32 s7, $0x1DC0;
	[tilespmem:s8+$0x3340] =	vst v0;
	s8 =	smov.u32 s7;
	s7 =	sadd.s32 $0x40, s7  }
.Ltmp1:
0x18: {  	(pc) =	sbr.rel @p1 .LBB2_4-.Ltmp1, $2  }
0x19: {  	_ =	sdelay $0x2  }
0x1a: {  	s8 =	sshra.s32 s8, $0x2  }
0x1b: {  	[tilespmem:s8+$0x3340] =	vst v0  }
0x1c: {  	[spmem:s5] =	stream.linear.scatter [tilespmem:s16], [sflag:$0x7], $0x780, $0x38;
	[tilespmem:$0x49C0] =	vst v63  }
0x1d: {  	_ =	swait.ge [sflag:s17], $0x780  }
0x1e: {  	[sflag:s17] =	ssyncset.done $0x0  }
0x1f: {  	s7 =	rddreg [dreg:$0x4];
	[sflag:s17] =	ssyncadd.s32 $0xFFFFF880  }
0x20: {  	[spmem:s7] =	stream.linear.scatter [tilespmem:s16], [sflag:$0x7], $0x780, $0x38;
	[tilespmem:$0x49C0] =	vst v63  }
0x21: {  	_ =	swait.ge [sflag:s17], $0x780  }
0x22: {  	[sflag:s17] =	ssyncset.done $0x0  }
0x23: {  	s11 =	rddreg [dreg:$0x5];
	[sflag:s17] =	ssyncadd.s32 $0xFFFFF880  }
0x24: {  	[spmem:s11] =	stream.linear.scatter [tilespmem:s16], [sflag:$0x7], $0x780, $0x38;
	[tilespmem:$0x49C0] =	vst v63  }
0x25: {  	_ =	swait.ge [sflag:s17], $0x780  }
0x26: {  	[sflag:s17] =	ssyncset.done $0x0  }
0x27: {  	s12 =	rddreg [dreg:$0x6];
	[sflag:s17] =	ssyncadd.s32 $0xFFFFF880  }
0x28: {  	[spmem:s12] =	stream.linear.scatter [tilespmem:s16], [sflag:$0x7], $0x780, $0x38;
	[tilespmem:$0x49C0] =	vst v63  }
0x29: {  	_ =	swait.ge [sflag:s17], $0x780  }
0x2a: {  	[sflag:s17] =	ssyncset.done $0x0  }
0x2b: {  	s19 =	rddreg [dreg:$0x7];
	[sflag:s17] =	ssyncadd.s32 $0xFFFFF880  }
0x2c: {  	[spmem:s19] =	stream.linear.scatter [tilespmem:s16], [sflag:$0x7], $0x780, $0x38;
	[tilespmem:$0x49C0] =	vst v63  }
0x2d: {  	_ =	swait.ge [sflag:s17], $0x780  }
0x2e: {  	[sflag:s17] =	ssyncset.done $0x0  }
.Ltmp2:
0x2f: {  	s21 =	rddreg [dreg:$0x8];
	[sflag:s17] =	ssyncadd.s32 $0xFFFFF880;
	(pc) =	sbr.rel .LBB2_6-.Ltmp2, $4  }
0x30: {  	[spmem:s21] =	stream.linear.scatter [tilespmem:s16], [sflag:$0x7], $0x280, $0x38;
	[tilespmem:$0x49C0] =	vst v63  }
0x31: {  	_ =	swait.ge [sflag:s17], $0x280  }
0x32: {  	[sflag:s17] =	ssyncset.done $0x0  }
0x33: {  	[sflag:s17] =	ssyncadd.s32 $0xFFFFFD80  }
.LBB2_2:
0x34: {  	s7 =	sshll.u32 s1, $0x6  }
0x35: {  	s8 =	sshrl.u32 s6, $0x3;
	s9 =	rddreg [dreg:$0x3];
	s7 =	sor.u32 $0x1C07, s7  }
0x36: {  	[spmem:s8], [sflag:s7] =	dma.local [hbm:s9], $0x500  }
0x37: {  	_ =	swait.ge [sflag:s17], $0x500  }
0x38: {  	[sflag:s17] =	ssyncset.done $0x0  }
0x39: {  	[sflag:s17] =	ssyncadd.s32 $0xFFFFFB00  }
.LBB2_6:
0x3a: {  	[bflag:$0x0] =	sbarrier.arrive $0xFFFF;
	s9 =	simm.s32 $0x0  }
0x3b: {  	[tilespmem:s18], [sflag:$0x7] =	stream.linear.gather [hbm4b:s13+s9], $0x2D0, $0x38;
	[tilespmem:$0x49C0] =	vst v63  }
0x3c: {  	_ =	swait.ge [sflag:s17], $0x2D0  }
0x3d: {  	[sflag:s17] =	ssyncset.done $0x0  }
0x3e: {  	s7 =	simm.s32 $0x2DA0;
	[sflag:s17] =	ssyncadd.s32 $0xFFFFFD30  }
0x3f: {  	[tilespmem:s7], [sflag:$0x7] =	stream.linear.gather [hbm4b:s14+s9], $0x2D0, $0x38;
	[tilespmem:$0x49C0] =	vst v63  }
0x40: {  	_ =	swait.ge [sflag:s17], $0x2D0  }
0x41: {  	[sflag:s17] =	ssyncset.done $0x0  }
0x42: {  	[sflag:s17] =	ssyncadd.s32 $0xFFFFFD30  }
0x43: {  	[tilespmem:s16], [sflag:$0x1] =	stream.indirect.gather [hbm4b:s4+s20], $0x10, s18, s20, $0xb8;
	[tilespmem:$0x49C0] =	vst v63  }
0x44: {  	s21 =	simm.s32 $0x2878;
	s8 =	sadd.s32 $0x5A, s14;
	s7 =	sadd.s32 $0x5A, s13  }
0x45: {  	[tilespmem:s22], [sflag:$0x2] =	stream.indirect.gather [hbm4b:s4+s20], $0x10, s21, s20, $0xb8;
	[tilespmem:$0x49C0] =	vst v63  }
.LBB2_7:
0x46: {  	p1 =	seq.s32 s9, $0x0  }
0x47: {  	s12 =	simm.s32 @!p1 $0x6  }
0x48: {  	s11 =	sadd.s32 $0x1, s9;
	p2 =	seq.s32 @!p1 s9, $0x6;
	_ =	swait.ge @!p1 [sflag:s12], $0x780  }
0x49: {  	s10 =	sand.u32 $0x1, s11;
	p2 =	por p1, !p2;
	[sflag:s12] =	ssyncset.done @!p1 $0x0  }
0x4a: {  	[sflag:s12] =	ssyncadd.s32 @!p1 $0xFFFFF880;
	s12 =	smul.u32 @p2 $0x2D0, s10;
	_ =	sdelay $0x1  }
0x4b: {  	s19 =	sor.u32 @p2 $0x2800, s12  }
0x4c: {  	[tilespmem:s19], [sflag:$0x7] =	stream.linear.gather @p2 [hbm4b:s7+s3], $0x2D0, $0x38;
	[tilespmem:$0x49C0] =	vst v63  }
0x4d: {  	_ =	swait.ge @p2 [sflag:s17], $0x2D0  }
0x4e: {  	[sflag:s17] =	ssyncset.done @p2 $0x0  }
0x4f: {  	s12 =	sadd.s32 @p2 $0x2DA0, s12;
	[sflag:s17] =	ssyncadd.s32 @p2 $0xFFFFFD30  }
0x50: {  	[tilespmem:s12], [sflag:$0x7] =	stream.linear.gather @p2 [hbm4b:s8+s3], $0x2D0, $0x38;
	[tilespmem:$0x49C0] =	vst v63  }
0x51: {  	p1 =	por @!p1 $0x1, $0x1;
	_ =	swait.ge @p2 [sflag:s17], $0x2D0  }
0x52: {  	p1 =	por @p2 $0x0, $0x0;
	s12 =	sand.u32 $0x1, s9;
	[sflag:s17] =	ssyncset.done @p2 $0x0  }
0x53: {  	s9 =	simm.s32 $0x6;
	[sflag:s17] =	ssyncadd.s32 @p2 $0xFFFFFD30;
	p2 =	seq.s32 s12, $0x1  }
0x54: {  	s9 =	simm.s32 @!p2 $0x0  }
0x55: {  	s19 =	smul.u32 $0x1E0, s9  }
0x56: {  	_ =	swait.ge [sflag:s25], $0x780  }
0x57: {  	[sflag:s25] =	ssyncset.done $0x0;
	s12 =	sshrl.u32 s19, $0x2  }
0x58: {  	s9 =	smul.u32 $0x78, s9;
	[sflag:s25] =	ssyncadd.s32 $0xFFFFF880;
	s21 =	sadd.s32 $0x2DA0, s12  }
0x59: {  	[spmem:s2] =	stream.indirect.scatter.add.f32 [tilespmem:s16], [sflag:$0x4], $0x10, s21, s20, $0xb8;
	[tilespmem:$0x49C0] =	vst v63  }
0x5a: {  	s21 =	sadd.s32 $0x28F0, s9  }
0x5b: {  	[tilespmem:s26], [sflag:$0x3] =	stream.indirect.gather [hbm4b:s4+s20], $0x10, s21, s20, $0xb8;
	[tilespmem:$0x49C0] =	vst v63  }
0x5c: {  	_ =	swait.ge [sflag:s28], $0x780  }
0x5d: {  	[sflag:s28] =	ssyncset.done $0x0  }
0x5e: {  	s12 =	sadd.s32 $0x2E18, s12;
	[sflag:s28] =	ssyncadd.s32 $0xFFFFF880  }
0x5f: {  	[spmem:s2] =	stream.indirect.scatter.add.f32 [tilespmem:s22], [sflag:$0x5], $0x10, s12, s20, $0xb8;
	[tilespmem:$0x49C0] =	vst v63  }
0x60: {  	_ =	swait.ge [sflag:s29], $0x780  }
0x61: {  	[sflag:s29] =	ssyncset.done $0x0  }
0x62: {  	s19 =	sadd.s32 $0x2968, s9;
	[sflag:s29] =	ssyncadd.s32 $0xFFFFF880  }
0x63: {  	[tilespmem:s16], [sflag:$0x1] =	stream.indirect.gather [hbm4b:s4+s20], $0x10, s19, s20, $0xb8;
	[tilespmem:$0x49C0] =	vst v63  }
0x64: {  	_ =	swait.ge [sflag:s30], $0x780  }
0x65: {  	[sflag:s30] =	ssyncset.done $0x0  }
0x66: {  	s21 =	sadd.s32 $0x2E90, s9;
	[sflag:s30] =	ssyncadd.s32 $0xFFFFF880  }
0x67: {  	[spmem:s2] =	stream.indirect.scatter.add.f32 [tilespmem:s26], [sflag:$0x6], $0x10, s21, s20, $0xb8;
	[tilespmem:$0x49C0] =	vst v63  }
0x68: {  	_ =	swait.ge [sflag:s31], $0x780  }
0x69: {  	[sflag:s31] =	ssyncset.done $0x0  }
0x6a: {  	s19 =	sadd.s32 $0x29E0, s9;
	[sflag:s31] =	ssyncadd.s32 $0xFFFFF880  }
0x6b: {  	[tilespmem:s22], [sflag:$0x2] =	stream.indirect.gather [hbm4b:s4+s20], $0x10, s19, s20, $0xb8;
	[tilespmem:$0x49C0] =	vst v63  }
0x6c: {  	_ =	swait.ge [sflag:s25], $0x780  }
0x6d: {  	[sflag:s25] =	ssyncset.done $0x0  }
0x6e: {  	s21 =	sadd.s32 $0x2F08, s9;
	[sflag:s25] =	ssyncadd.s32 $0xFFFFF880  }
0x6f: {  	[spmem:s2] =	stream.indirect.scatter.add.f32 [tilespmem:s16], [sflag:$0x4], $0x10, s21, s20, $0xb8;
	[tilespmem:$0x49C0] =	vst v63  }
0x70: {  	_ =	swait.ge [sflag:s23], $0x780  }
0x71: {  	[sflag:s23] =	ssyncset.done $0x0  }
0x72: {  	s19 =	sadd.s32 $0x2A58, s9;
	[sflag:s23] =	ssyncadd.s32 $0xFFFFF880  }
0x73: {  	[tilespmem:s26], [sflag:$0x3] =	stream.indirect.gather [hbm4b:s4+s20], $0x10, s19, s20, $0xb8;
	[tilespmem:$0x49C0] =	vst v63  }
0x74: {  	_ =	swait.ge [sflag:s28], $0x780  }
0x75: {  	[sflag:s28] =	ssyncset.done $0x0  }
0x76: {  	s12 =	simm.s32 @p1 $0x3;
	s21 =	sadd.s32 $0x2F80, s9;
	[sflag:s28] =	ssyncadd.s32 $0xFFFFF880  }
0x77: {  	[spmem:s2] =	stream.indirect.scatter.add.f32 [tilespmem:s22], [sflag:$0x5], $0x10, s21, s20, $0xb8;
	[tilespmem:$0x49C0] =	vst v63  }
0x78: {  	_ =	swait.ge @p1 [sflag:s12], $0x780  }
0x79: {  	s9 =	sadd.s32 $0x258, s9;
	s19 =	simm.s32 @p1 $0x78;
	[sflag:s12] =	ssyncset.done @p1 $0x0  }
0x7a: {  	s21 =	simm.s32 @p1 $0x4240;
	[sflag:s12] =	ssyncadd.s32 @p1 $0xFFFFF880;
	s12 =	sadd.s32 @p1 $0x2DA0, s9  }
0x7b: {  	[spmem:s2] =	stream.indirect.scatter.add.f32 @p1 [tilespmem:s21], [sflag:$0x6], $0x10, s12, s19, $0xb8;
	[tilespmem:$0x49C0] =	vst v63  }
0x7c: {  	s10 =	smul.u32 @!p1 $0xB40, s10;
	s12 =	simm.s32 @!p1 $0x4  }
0x7d: {  	_ =	swait.ge @!p1 [sflag:s12], $0x780  }
0x7e: {  	s10 =	sshrl.u32 @!p1 s10, $0x2;
	s19 =	simm.s32 @!p1 $0x78;
	[sflag:s12] =	ssyncset.done @!p1 $0x0  }
0x7f: {  	s21 =	simm.s32 @!p1 $0x3340;
	[sflag:s12] =	ssyncadd.s32 @!p1 $0xFFFFF880;
	s12 =	sor.u32 @!p1 $0x2800, s10  }
0x80: {  	[tilespmem:s21], [sflag:$0x1] =	stream.indirect.gather @!p1 [hbm4b:s4+s19], $0x10, s12, s19, $0xb8;
	[tilespmem:$0x49C0] =	vst v63  }
0x81: {  	s12 =	simm.s32 @!p1 $0x3  }
0x82: {  	_ =	swait.ge @!p1 [sflag:s12], $0x780  }
0x83: {  	[sflag:s12] =	ssyncset.done @!p1 $0x0  }
0x84: {  	s9 =	sadd.s32 @!p1 $0x2DA0, s9;
	[sflag:s12] =	ssyncadd.s32 @!p1 $0xFFFFF880;
	s12 =	simm.s32 @!p1 $0x4240  }
0x85: {  	[spmem:s2] =	stream.indirect.scatter.add.f32 @!p1 [tilespmem:s12], [sflag:$0x6], $0x10, s9, s19, $0xb8;
	[tilespmem:$0x49C0] =	vst v63  }
0x86: {  	s9 =	simm.s32 @!p1 $0x5  }
0x87: {  	_ =	swait.ge @!p1 [sflag:s9], $0x780  }
0x88: {  	[sflag:s9] =	ssyncset.done @!p1 $0x0  }
0x89: {  	[sflag:s9] =	ssyncadd.s32 @!p1 $0xFFFFF880;
	s9 =	sadd.s32 @!p1 $0x2878, s10;
	s10 =	simm.s32 @!p1 $0x3AC0  }
0x8a: {  	[tilespmem:s10], [sflag:$0x2] =	stream.indirect.gather @!p1 [hbm4b:s4+s19], $0x10, s9, s19, $0xb8;
	[tilespmem:$0x49C0] =	vst v63  }
0x8b: {  	p1 =	sne.s32 s11, $0x7  }
.Ltmp3:
0x8c: {  	_ = 	snop;
	(pc) =	sbr.rel @p1 .LBB2_7-.Ltmp3, $2  }
0x8d: {  	_ =	sdelay $0x2  }
0x8e: {  	s7 =	sadd.s32 $0x5A, s7;
	s8 =	sadd.s32 $0x5A, s8;
	s9 =	smov.u32 s11  }
0x8f: {  	_ =	swait.ge [sflag:s29], $0x780  }
0x90: {  	[sflag:s29] =	ssyncset.done $0x0  }
0x91: {  	[sflag:s29] =	ssyncadd.s32 $0xFFFFF880  }
0x92: {  	_ =	swait.ge [sflag:s31], $0x780  }
0x93: {  	[sflag:s31] =	ssyncset.done $0x0  }
0x94: {  	[sflag:s31] =	ssyncadd.s32 $0xFFFFF880  }
0x95: {  	_ =	swait.ge [sflag:s23], $0x780  }
0x96: {  	s7 =	sshll.u32 s1, $0x6;
	s0 =	sadd.s32 $0x1, s0;
	[sflag:s23] =	ssyncset.done $0x0  }
0x97: {  	s8 =	sshrl.u32 s6, $0x3;
	p1 =	sne.s32 s0, s15;
	[sflag:s23] =	ssyncadd.s32 $0xFFFFF880  }
.Ltmp4:
0x98: {  	s7 =	sor.u32 $0x1C07, s7;
	[bflag:$0x0] =	sbarrier.arrive $0xFFFF;
	(pc) =	sbr.rel @p1 .LBB2_1-.Ltmp4, $4  }
0x99: {  	[hbm:s24], [sflag:s7] =	dma.local [spmem:s8], $0x500  }
0x9a: {  	_ =	swait.ge [sflag:s17], $0x500  }
0x9b: {  	[sflag:s17] =	ssyncset.done $0x0  }
0x9c: {  	[sflag:s17] =	ssyncadd.s32 $0xFFFFFB00  }
0x9d: {  	_ =	sfence.sel $0x180000  }
0x9e: {  	[bflag:$0x0] =	sbarrier.arrive $0xFFFF  }
0x9f: {  	_ =	strace $0x9000004A  }
0xa0: {  	[bflag:$0x2] =	sbarrier.arrive $0xFFFF  }
0xa1: {  	p0 =	sne.s32 s1, $0x0;
	s0 =	rddreg [dreg:$0x2]  }
0xa2: {  	s0 =	sadd.s32 @!p0 $0x100000, s0  }
0xa3: {  	[sflag:s0] =	ssyncadd.tile.s32 @!p0 $0x1;
	_ =	shalt  }
.Lfunc_end2:
_tile_overlayer_lowered:
.L_overlay_start_2:
0xa4: {  	(tag) =	ssettag $0x2  }
0xa5: {  	s0 =	rddreg [dreg:$0x0];
	s2 =	stileid.u32  }
0xa6: {  	s1 =	rddreg [dreg:$0x1];
	p0 =	sne.s32 s2, $0x0  }
0xa7: {  	s3 =	rddreg [dreg:$0x2];
	[bflag:$0x3] =	sbarrier.arrive $0xFFFF;
	s2 =	simm.s32 @!p0 $0x1C07  }
0xa8: {  	[timem:s3], [sflag:s2] =	dma.local @!p0 [hbm:s0], s1  }
0xa9: {  	s0 =	simm.s32 @!p0 $0x7  }
0xaa: {  	_ =	swait.ge @!p0 [sflag:s0], s1  }
0xab: {  	s1 =	ssub.s32 @!p0 $0x0, s1;
	[sflag:s0] =	ssyncset.done @!p0 $0x0  }
0xac: {  	[sflag:s0] =	ssyncadd.s32 @!p0 s1  }
0xad: {  	[bflag:$0x3] =	sbarrier.arrive $0xFFFF  }
0xae: {  	_ =	shalt  }

// kernel: kernel.16.cloned.1.call-start
scs
__scs_entry_jumppad:
0x0: {  	(pc) =	sbr.rel $0x88, $3  }
0x1: {  	(tag) =	ssettag $0x0;
	lr =	simm.s32 $0x1  }
0x2: {  	[smem:$0x3F94] =	sst lr;
	_ =	strace $0xD0000000  }
0x3: {  	_ = 	snop  }
0x4: {  	_ = 	snop  }
0x5: {  	_ = 	snop  }
0x6: {  	_ = 	snop  }
0x7: {  	_ = 	snop  }
__scs_overlays_trampoline_lowered:
0x8: {  	[smem:$0x3FA3] =	sst s0  }
0x9: {  	[smem:$0x3FA4] =	sst s1  }
0xa: {  	[smem:$0x3FA5] =	sst s2  }
0xb: {  	[smem:$0x3FA6] =	sst s3  }
0xc: {  	[smem:$0x3FA7] =	sst s4  }
0xd: {  	[smem:$0x3FA8] =	sst s5  }
0xe: {  	[smem:$0x3FA9] =	sst s6  }
0xf: {  	[smem:$0x3FAA] =	sst s7  }
0x10: {  	[smem:$0x3FAB] =	sst s8  }
0x11: {  	[smem:$0x3FAC] =	sst s9;
	s0 =	simm.s32 @!p0 $0x0  }
0x12: {  	s1 =	sld [smem:$0x3F92];
	s0 =	simm.s32 @p0 $0x1  }
0x13: {  	[smem:$0x3FAD] =	sst s0;
	s0 =	simm.s32 @!p1 $0x0  }
0x14: {  	s2 =	sld [smem:$0x3F91];
	s0 =	simm.s32 @p1 $0x1  }
0x15: {  	[smem:$0x3FAE] =	sst s0;
	s0 =	simm.s32 @!p2 $0x0  }
0x16: {  	s3 =	sld [smem:$0x3FDB];
	s0 =	simm.s32 @p2 $0x1  }
0x17: {  	s4 =	simm.s32 $0x1BF5;
	[smem:$0x3FB0] =	sst s0  }
0x18: {  	s0 =	sld [smem:$0x3F93];
	_ =	swait.ge [sflag:s4], $0x0  }
0x19: {  	s7 =	sld [smem:$0x3F94]  }
0x1a: {  	s8 =	sadd.s32 $0xFFFFE003, lr  }
0x1b: {  	s9 =	sadd.s32 $0xFFFFFEF7, lr;
	s5 =	simm.s32 $0xFFFFFFFF;
	p2 =	slt.u32 s8, $0xFFFFF086  }
0x1c: {  	p1 =	slt.u32 s9, $0xF7A;
	s5 =	simm.s32 @!p2 $0x0  }
0x1d: {  	s5 =	simm.s32 @p1 $0x1;
	p0 =	seq.s32 s7, s2  }
0x1e: {  	s7 =	smul.u32 @!p0 $0xF7A, s2;
	p2 =	seq.s32 @!p0 s5, $0x0  }
0x1f: {  	s9 =	smul.u32 $0xF7A, s1;
	s8 =	simm.s32 @!p0 $0x1BF5;
	p2 =	por !p2, p0  }
0x20: {  	[sflag:s8] =	ssyncset.s32 @!p0 $0xFFFFF086;
	s6 =	sadd.s32 @!p0 s3, s7;
	s7 =	simm.s32 @!p0 $0x108  }
0x21: {  	s3 =	sadd.s32 s3, s9;
	s6 =	sadd.s32 @!p0 $0x88, s6;
	s7 =	simm.s32 @p2 $0x1082  }
0x22: {  	[simem:s7], [sflag:s8] =	dma.local @!p0 [hbm:s6], $0xF7A  }
0x23: {  	s9 =	sor.u32 $0xD0000000, s2;
	s6 =	simm.s32 $0x108;
	_ =	swait.ge @!p0 [sflag:s8], $0x0  }
0x24: {  	s3 =	sadd.s32 $0x88, s3;
	s6 =	simm.s32 @!p1 $0x1082;
	[sflag:s4] =	ssyncset.s32 $0xFFFFF086  }
0x25: {  	[simem:s6], [sflag:s4] =	dma.local [hbm:s3], $0xF7A  }
0x26: {  	[smem:$0x3F94] =	sst s1;
	(tag) =	ssettag s2;
	_ =	strace s9  }
0x27: {  	s1 =	sld [smem:$0x3FA4]  }
0x28: {  	s2 =	sld [smem:$0x3FA5]  }
0x29: {  	s4 =	sld [smem:$0x3FA7]  }
0x2a: {  	p0 =	seq.s32 s5, $0x0;
	s5 =	sld [smem:$0x3FA8]  }
0x2b: {  	s6 =	sld [smem:$0x3FA9]  }
0x2c: {  	s7 =	sld [smem:$0x3FAA]  }
0x2d: {  	s3 =	simm.s32 $0x108;
	s8 =	sld [smem:$0x3FAB]  }
0x2e: {  	s3 =	simm.s32 @!p0 $0x1082;
	s9 =	sld [smem:$0x3FAC]  }
0x2f: {  	lr =	sadd.s32 s0, s3;
	s0 =	sld [smem:$0x3FA3]  }
0x30: {  	s3 =	sld [smem:$0x3FA6]  }
0x31: {  	[smem:$0x3FAF] =	sst s10  }
0x32: {  	s10 =	sld [smem:$0x3FAD];
	_ =	sdelay $0x3  }
0x33: {  	p0 =	seq.s32 s10, $0x1;
	s10 =	sld [smem:$0x3FAF];
	_ =	sdelay $0x3  }
0x34: {  	[smem:$0x3FAF] =	sst s10  }
0x35: {  	s10 =	sld [smem:$0x3FAE];
	_ =	sdelay $0x3  }
0x36: {  	p1 =	seq.s32 s10, $0x1;
	s10 =	sld [smem:$0x3FAF];
	_ =	sdelay $0x3  }
0x37: {  	[smem:$0x3FAF] =	sst s10  }
0x38: {  	s10 =	sld [smem:$0x3FB0]  }
0x39: {  	_ = 	snop;
	(pc) =	sbr.ind lr, $3  }
0x3a: {  	_ = 	snop  }
0x3b: {  	_ = 	snop  }
0x3c: {  	p2 =	seq.s32 s10, $0x1;
	s10 =	sld [smem:$0x3FAF]  }
0x3d: {  	_ =	shalt  }
0x3e: {  	_ =	shalt  }
0x3f: {  	_ =	shalt  }
0x40: {  	_ =	shalt  }
0x41: {  	_ =	shalt  }
0x42: {  	_ =	shalt  }
0x43: {  	_ =	shalt  }
0x44: {  	_ =	shalt  }
0x45: {  	_ =	shalt  }
0x46: {  	_ =	shalt  }
0x47: {  	_ =	shalt  }
0x48: {  	_ =	shalt  }
0x49: {  	_ =	shalt  }
0x4a: {  	_ =	shalt  }
0x4b: {  	_ =	shalt  }
0x4c: {  	_ =	shalt  }
0x4d: {  	_ =	shalt  }
0x4e: {  	_ =	shalt  }
0x4f: {  	_ =	shalt  }
0x50: {  	_ =	shalt  }
0x51: {  	_ =	shalt  }
0x52: {  	_ =	shalt  }
0x53: {  	_ =	shalt  }
0x54: {  	_ =	shalt  }
0x55: {  	_ =	shalt  }
0x56: {  	_ =	shalt  }
0x57: {  	_ =	shalt  }
0x58: {  	_ =	shalt  }
0x59: {  	_ =	shalt  }
0x5a: {  	_ =	shalt  }
0x5b: {  	_ =	shalt  }
0x5c: {  	_ =	shalt  }
0x5d: {  	_ =	shalt  }
0x5e: {  	_ =	shalt  }
0x5f: {  	_ =	shalt  }
0x60: {  	_ =	shalt  }
0x61: {  	_ =	shalt  }
0x62: {  	_ =	shalt  }
0x63: {  	_ =	shalt  }
0x64: {  	_ =	shalt  }
0x65: {  	_ =	shalt  }
0x66: {  	_ =	shalt  }
0x67: {  	_ =	shalt  }
0x68: {  	_ =	shalt  }
0x69: {  	_ =	shalt  }
0x6a: {  	_ =	shalt  }
0x6b: {  	_ =	shalt  }
0x6c: {  	_ =	shalt  }
0x6d: {  	_ =	shalt  }
0x6e: {  	_ =	shalt  }
0x6f: {  	_ =	shalt  }
0x70: {  	_ =	shalt  }
0x71: {  	_ =	shalt  }
0x72: {  	_ =	shalt  }
0x73: {  	_ =	shalt  }
0x74: {  	_ =	shalt  }
0x75: {  	_ =	shalt  }
0x76: {  	_ =	shalt  }
0x77: {  	_ =	shalt  }
0x78: {  	_ =	shalt  }
0x79: {  	_ =	shalt  }
0x7a: {  	_ =	shalt  }
0x7b: {  	_ =	shalt  }
0x7c: {  	_ =	shalt  }
0x7d: {  	_ =	shalt  }
0x7e: {  	_ =	shalt  }
0x7f: {  	_ =	shalt  }
0x80: {  	_ =	shalt  }
0x81: {  	_ =	shalt  }
0x82: {  	_ =	shalt  }
0x83: {  	_ =	shalt  }
0x84: {  	_ =	shalt  }
0x85: {  	_ =	shalt  }
0x86: {  	_ =	shalt  }
0x87: {  	_ =	shalt  }
.Lfunc_end0:
.L_simem_size_0:
called_computation.2_lowered:
.L_overlay_start_0:
0x88: {  	s2 =	sld [smem:$0x3FD9]  }
0x89: {  	s3 =	sld [smem:$0x3FFE];
	_ =	sdelay $0x1  }
0x8a: {  	s1 =	srdreg.scid  }
0x8b: {  	s0 =	sand.u32 $0x1, s1  }
0x8c: {  	s16 =	sshll.u32 s0, $0xA;
	s2 =	sadd.s32 s3, s2  }
0x8d: {  	s2 =	sadd.s32 s2, s16  }
0x8e: {  	[smem:$0x3FBB] =	sst s2  }
0x8f: {  	_ = 	snop  }
0x90: {  	(tm) =	ssettm $0x1  }
0x91: {  	s17 =	sld [smem:$0x3FFB];
	_ =	sdelay $0x3  }
0x92: {  	_ =	strace s17  }
0x93: {  	s2 =	sld [smem:$0x3FFC];
	_ =	sdelay $0x3  }
0x94: {  	_ =	strace s2  }
0x95: {  	s2 =	sld [smem:$0x3FFD];
	_ =	sdelay $0x3  }
0x96: {  	_ =	strace s2  }
0x97: {  	_ =	strace $0x8FFFFFFF  }
0x98: {  	s18 =	sld [smem:$0x3FDB];
	_ =	sdelay $0x1  }
0x99: {  	s19 =	simm.s32 $_scs_section_size  }
0x9a: {  	s4 =	simm.s32 $_size__tile_overlayer_lowered;
	s5 =	simm.s32 $_tile_overlayer_lowered  }
0x9b: {  	s22 =	simm.s32 $0x1BFF;
	s21 =	sshll.u32 s5, $0x1;
	s2 =	sadd.s32 s19, s18  }
0x9c: {  	s6 =	simm.s32 $0x0;
	s20 =	sshll.u32 s4, $0x1;
	s4 =	sadd.s32 s21, s2  }
0x9d: {  	[timem:s6], [sflag:s22] =	dma.local [hbm:s4], s20  }
0x9e: {  	_ =	swait.ge [sflag:s22], s20  }
0x9f: {  	s3 =	ssub.s32 $0x0, s20;
	[sflag:s22] =	ssyncset.done $0x0  }
0xa0: {  	[sflag:s22] =	ssyncadd.s32 s3;
	_ =	sdelay $0x1  }
0xa1: {  	s23 =	simm.s32 $0x1B8B  }
0xa2: {  	_ =	swait.ge [sflag:s23], $0x1  }
0xa3: {  	[sflag:s23] =	ssyncset.done $0x0  }
0xa4: {  	s25 =	simm.s32 $0x1B8E;
	s24 =	sld [smem:$0x3FFE];
	[sflag:s23] =	ssyncadd.s32 $0xFFFFFFFF  }
0xa5: {  	s26 =	simm.s32 $execute0_lowered;
	[smem:$0x3FD2] =	sst s25  }
0xa6: {  	s4 =	sshll.u32 s26, $0x1;
	_ =	strace $0x8000004C;
	[dreg:$0x1] =	wrdreg $0xFFFFFFFF  }
0xa7: {  	s28 =	simm.s32 $_size_execute0_lowered;
	s2 =	sadd.s32 s2, s4;
	[dreg:$0x0] =	wrdreg $0x0  }
0xa8: {  	s4 =	sshll.u32 s28, $0x1;
	[dreg:$0x2] =	wrdreg s2  }
0xa9: {  	[dreg:$0x3] =	wrdreg s4  }
0xaa: {  	[dreg:$0x4] =	wrdreg $0xC0  }
0xab: {  	_ =	task [dreg:s6], $0x5FFFF  }
0xac: {  	[dreg:$0x1] =	wrdreg $0xFFFFFFFF  }
0xad: {  	[dreg:$0x0] =	wrdreg $0x60  }
0xae: {  	[dreg:$0x2] =	wrdreg s24  }
0xaf: {  	[dreg:$0x3] =	wrdreg $0x0  }
0xb0: {  	[dreg:$0x4] =	wrdreg $0x9  }
0xb1: {  	_ =	task.clear_ibuf [dreg:s6], $0x5FFFF;
	_ =	strace $0x9000004C  }
0xb2: {  	s29 =	simm.s32 $0x9;
	_ =	strace $0x8000004E  }
0xb3: {  	_ =	swait.ge [sflag:s29], $0x1  }
0xb4: {  	[sflag:s29] =	ssyncadd.s32 $0xFFFFFFFF  }
0xb5: {  	_ =	strace $0x9000004E  }
0xb6: {  	_ =	sfence  }
0xb7: {  	s30 =	sld [smem:$0x0];
	_ =	sdelay $0x2  }
0xb8: {  	s31 =	sshll.u32 s1, $0xD;
	s1 =	sshrl.u32 s1, $0x2  }
0xb9: {  	s3 =	sand.u32 $0x4000, s31;
	s1 =	sadd.s32 s1, s30  }
0xba: {  	s0 =	sor.u32 s3, s0;
	s1 =	sshll.u32 s1, $0x11  }
0xbb: {  	s0 =	sor.u32 s1, s0  }
0xbc: {  	s0 =	sadd.s32 $0x8F2B, s0  }
0xbd: {  	[sflag:s0] =	ssyncadd.remote.s32 $0x1  }
0xbe: {  	_ =	sfence.sel $0xFFFF  }
0xbf: {  	[dreg:$0x0] =	wrdreg $0xFFFFFFFF;
	(pc) =	sbr.abs _section_cstart, $3  }
0xc0: {  	[dreg:$0x1] =	wrdreg $0xFFFFFFFF  }
0xc1: {  	_ =	task.clear_ibuf [dreg:s6], $0x2FFFF;
	_ =	strace $0x9FFFFFFF  }
0xc2: {  	(tm) =	ssettm $0x7FFFFFFF  }
0xc3: {  	_ =	shalt  }
tec
execute0_lowered:
.L_overlay_start_1:
0x0: {  	(tag) =	ssettag $0x1  }
0x1: {  	s0 =	rddreg [dreg:$0x0]  }
0x2: {  	s2 =	rddreg [dreg:$0x1];
	s7 =	stileid.u32  }
0x3: {  	s1 =	srdreg.scid;
	s3 =	simm.s32 $0x0;
	s11 =	simm.s32 $0x7  }
0x4: {  	s12 =	simm.s32 $0x14000;
	s14 =	simm.s32 $0x78;
	s15 =	simm.s32 $0x14B40  }
0x5: {  	s17 =	simm.s32 $0x18740;
	s20 =	simm.s32 $0x6;
	s21 =	simm.s32 $0x1  }
0x6: {  	s22 =	simm.s32 $0x1C340;
	s23 =	simm.s32 $0x2;
	s25 =	simm.s32 $0x4  }
0x7: {  	s28 =	simm.s32 $0x5;
	s29 =	simm.s32 $0x0;
	s4 =	smul.u32 $0x4EC, s7  }
0x8: {  	s1 =	sand.u32 $0x1, s1;
	[smem:$0x7FF] =	sst s3;
	s6 =	smul.u32 $0x14000, s7  }
0x9: {  	s31 =	sshll.u32 s7, $0x6;
	s5 =	smul.u32 $0x28000, s1;
	s1 =	ssub.s32 $0x2, s1  }
0xa: {  	_ =	strace $0x8000004D;
	s8 =	sadd.s32 s4, s0;
	s26 =	sshrl.u32 s1, $0x1  }
0xb: {  	s13 =	sshrl.u32 s6, $0x3;
	s10 =	sadd.s32 s6, s2;
	s6 =	sor.u32 $0x1C07, s31  }
0xc: {  	s0 =	sadd.s32 s5, s0;
	s1 =	ssub.s32 s1, s26;
	s7 =	sadd.s32 $0x16200, s8  }
0xd: {  	s8 =	sadd.s32 $0x11200, s8;
	s10 =	sshrl.u32 s10, $0x3;
	s26 =	simm.s32 $0x3  }
0xe: {  	s4 =	sadd.s32 $0x1B200, s0;
	s0 =	sadd.s32 $0x6B200, s0;
	s1 =	smax.u32 s1, $0x1  }
0xf: {  	s18 =	sadd.s32 $0x5A, s7;
	s30 =	sadd.s32 s13, s4;
	[dreg:$0x4] =	wrdreg s1  }
0x10: {  	s19 =	sadd.s32 $0x5A, s8;
	s24 =	sadd.s32 s13, s0;
	[dreg:$0x3] =	wrdreg s30  }
.LBB2_1:
0x11: {  	s0 =	rddreg [dreg:$0x3]  }
0x12: {  	[spmem:s10], [sflag:s6] =	dma.local [hbm:s0], $0x2800  }
0x13: {  	_ =	swait.ge [sflag:s11], $0x2800  }
0x14: {  	[sflag:s11] =	ssyncset.done $0x0  }
0x15: {  	[sflag:s11] =	ssyncadd.s32 $0xFFFFD800  }
0x16: {  	[bflag:$0x0] =	sbarrier.arrive $0xFFFF  }
0x17: {  	[tilespmem:s12], [sflag:$0x7] =	stream.linear.gather [hbm4b:s7+s3], $0x2D0, $0x38;
	[tilespmem:$0x1FF40] =	vst v63  }
0x18: {  	_ =	swait.ge [sflag:s11], $0x2D0  }
0x19: {  	[sflag:s11] =	ssyncset.done $0x0  }
0x1a: {  	s13 =	simm.s32 $0x145A0;
	[sflag:s11] =	ssyncadd.s32 $0xFFFFFD30  }
0x1b: {  	[tilespmem:s13], [sflag:$0x7] =	stream.linear.gather [hbm4b:s8+s3], $0x2D0, $0x38;
	[tilespmem:$0x1FF40] =	vst v63  }
0x1c: {  	_ =	swait.ge [sflag:s11], $0x2D0  }
0x1d: {  	[sflag:s11] =	ssyncset.done $0x0  }
0x1e: {  	s16 =	simm.s32 $0x14078;
	[sflag:s11] =	ssyncadd.s32 $0xFFFFFD30  }
0x1f: {  	[tilespmem:s15], [sflag:$0x1] =	stream.indirect.gather [hbm4b:s4+s14], $0x80, s12, s14, $0xb8;
	[tilespmem:$0x1FF40] =	vst v63  }
0x20: {  	s30 =	smov.u32 s19;
	s31 =	smov.u32 s18;
	s0 =	simm.s32 $0x0  }
0x21: {  	[tilespmem:s17], [sflag:$0x2] =	stream.indirect.gather [hbm4b:s4+s14], $0x80, s16, s14, $0xb8;
	[tilespmem:$0x1FF40] =	vst v63  }
.LBB2_2:
0x22: {  	p0 =	seq.s32 s0, $0x0  }
0x23: {  	s16 =	simm.s32 @!p0 $0x6  }
0x24: {  	s13 =	sadd.s32 $0x1, s0;
	p1 =	seq.s32 @!p0 s0, $0xD;
	_ =	swait.ge @!p0 [sflag:s16], $0x3C00  }
0x25: {  	s1 =	sand.u32 $0x1, s13;
	p1 =	por p0, !p1;
	[sflag:s16] =	ssyncset.done @!p0 $0x0  }
0x26: {  	[sflag:s16] =	ssyncadd.s32 @!p0 $0xFFFFC400;
	s16 =	smul.u32 @p1 $0x2D0, s1;
	_ =	sdelay $0x1  }
0x27: {  	s5 =	sor.u32 @p1 $0x14000, s16  }
0x28: {  	[tilespmem:s5], [sflag:$0x7] =	stream.linear.gather @p1 [hbm4b:s31+s3], $0x2D0, $0x38;
	[tilespmem:$0x1FF40] =	vst v63  }
0x29: {  	_ =	swait.ge @p1 [sflag:s11], $0x2D0  }
0x2a: {  	[sflag:s11] =	ssyncset.done @p1 $0x0  }
0x2b: {  	s5 =	sadd.s32 @p1 $0x145A0, s16;
	[sflag:s11] =	ssyncadd.s32 @p1 $0xFFFFFD30  }
0x2c: {  	[tilespmem:s5], [sflag:$0x7] =	stream.linear.gather @p1 [hbm4b:s30+s3], $0x2D0, $0x38;
	[tilespmem:$0x1FF40] =	vst v63  }
0x2d: {  	s9 =	sand.u32 $0x1, s0;
	_ =	swait.ge @p1 [sflag:s11], $0x2D0  }
0x2e: {  	s0 =	simm.s32 $0x6;
	p0 =	por @!p0 $0x1, $0x1;
	[sflag:s11] =	ssyncset.done @p1 $0x0  }
0x2f: {  	p0 =	por @p1 $0x0, $0x0;
	[sflag:s11] =	ssyncadd.s32 @p1 $0xFFFFFD30;
	p1 =	seq.s32 s9, $0x1  }
0x30: {  	s0 =	simm.s32 @!p1 $0x0  }
0x31: {  	s16 =	smul.u32 $0x1E0, s0  }
0x32: {  	_ =	swait.ge [sflag:s21], $0x3C00  }
0x33: {  	[sflag:s21] =	ssyncset.done $0x0;
	s5 =	sshrl.u32 s16, $0x2  }
0x34: {  	s0 =	smul.u32 $0x78, s0;
	[sflag:s21] =	ssyncadd.s32 $0xFFFFC400;
	s9 =	sadd.s32 $0x145A0, s5  }
0x35: {  	[spmem:s2] =	stream.indirect.scatter.add.f32 [tilespmem:s15], [sflag:$0x4], $0x80, s9, s14, $0xb8;
	[tilespmem:$0x1FF40] =	vst v63  }
0x36: {  	s9 =	sadd.s32 $0x140F0, s0  }
0x37: {  	[tilespmem:s22], [sflag:$0x3] =	stream.indirect.gather [hbm4b:s4+s14], $0x80, s9, s14, $0xb8;
	[tilespmem:$0x1FF40] =	vst v63  }
0x38: {  	_ =	swait.ge [sflag:s23], $0x3C00  }
0x39: {  	[sflag:s23] =	ssyncset.done $0x0  }
0x3a: {  	s5 =	sadd.s32 $0x14618, s5;
	[sflag:s23] =	ssyncadd.s32 $0xFFFFC400  }
0x3b: {  	[spmem:s2] =	stream.indirect.scatter.add.f32 [tilespmem:s17], [sflag:$0x5], $0x80, s5, s14, $0xb8;
	[tilespmem:$0x1FF40] =	vst v63  }
0x3c: {  	_ =	swait.ge [sflag:s25], $0x3C00  }
0x3d: {  	[sflag:s25] =	ssyncset.done $0x0  }
0x3e: {  	s9 =	sadd.s32 $0x14168, s0;
	[sflag:s25] =	ssyncadd.s32 $0xFFFFC400  }
0x3f: {  	[tilespmem:s15], [sflag:$0x1] =	stream.indirect.gather [hbm4b:s4+s14], $0x80, s9, s14, $0xb8;
	[tilespmem:$0x1FF40] =	vst v63  }
0x40: {  	_ =	swait.ge [sflag:s26], $0x3C00  }
0x41: {  	[sflag:s26] =	ssyncset.done $0x0  }
0x42: {  	s16 =	sadd.s32 $0x14690, s0;
	[sflag:s26] =	ssyncadd.s32 $0xFFFFC400  }
0x43: {  	[spmem:s2] =	stream.indirect.scatter.add.f32 [tilespmem:s22], [sflag:$0x6], $0x80, s16, s14, $0xb8;
	[tilespmem:$0x1FF40] =	vst v63  }
0x44: {  	_ =	swait.ge [sflag:s28], $0x3C00  }
0x45: {  	[sflag:s28] =	ssyncset.done $0x0  }
0x46: {  	s9 =	sadd.s32 $0x141E0, s0;
	[sflag:s28] =	ssyncadd.s32 $0xFFFFC400  }
0x47: {  	[tilespmem:s17], [sflag:$0x2] =	stream.indirect.gather [hbm4b:s4+s14], $0x80, s9, s14, $0xb8;
	[tilespmem:$0x1FF40] =	vst v63  }
0x48: {  	_ =	swait.ge [sflag:s21], $0x3C00  }
0x49: {  	[sflag:s21] =	ssyncset.done $0x0  }
0x4a: {  	s16 =	sadd.s32 $0x14708, s0;
	[sflag:s21] =	ssyncadd.s32 $0xFFFFC400  }
0x4b: {  	[spmem:s2] =	stream.indirect.scatter.add.f32 [tilespmem:s15], [sflag:$0x4], $0x80, s16, s14, $0xb8;
	[tilespmem:$0x1FF40] =	vst v63  }
0x4c: {  	_ =	swait.ge [sflag:s20], $0x3C00  }
0x4d: {  	[sflag:s20] =	ssyncset.done $0x0  }
0x4e: {  	s9 =	sadd.s32 $0x14258, s0;
	[sflag:s20] =	ssyncadd.s32 $0xFFFFC400  }
0x4f: {  	[tilespmem:s22], [sflag:$0x3] =	stream.indirect.gather [hbm4b:s4+s14], $0x80, s9, s14, $0xb8;
	[tilespmem:$0x1FF40] =	vst v63  }
0x50: {  	_ =	swait.ge [sflag:s23], $0x3C00  }
0x51: {  	[sflag:s23] =	ssyncset.done $0x0  }
0x52: {  	s5 =	simm.s32 @p0 $0x3;
	s16 =	sadd.s32 $0x14780, s0;
	[sflag:s23] =	ssyncadd.s32 $0xFFFFC400  }
0x53: {  	[spmem:s2] =	stream.indirect.scatter.add.f32 [tilespmem:s17], [sflag:$0x5], $0x80, s16, s14, $0xb8;
	[tilespmem:$0x1FF40] =	vst v63  }
0x54: {  	_ =	swait.ge @p0 [sflag:s5], $0x3C00  }
0x55: {  	s0 =	sadd.s32 $0x258, s0;
	s9 =	simm.s32 @p0 $0x1C340;
	[sflag:s5] =	ssyncset.done @p0 $0x0  }
0x56: {  	s16 =	simm.s32 @p0 $0x78;
	[sflag:s5] =	ssyncadd.s32 @p0 $0xFFFFC400;
	s5 =	sadd.s32 @p0 $0x145A0, s0  }
0x57: {  	[spmem:s2] =	stream.indirect.scatter.add.f32 @p0 [tilespmem:s9], [sflag:$0x6], $0x80, s5, s16, $0xb8;
	[tilespmem:$0x1FF40] =	vst v63  }
0x58: {  	s1 =	smul.u32 @!p0 $0xB40, s1;
	s5 =	simm.s32 @!p0 $0x4  }
0x59: {  	_ =	swait.ge @!p0 [sflag:s5], $0x3C00  }
0x5a: {  	s1 =	sshrl.u32 @!p0 s1, $0x2;
	s9 =	simm.s32 @!p0 $0x78;
	[sflag:s5] =	ssyncset.done @!p0 $0x0  }
0x5b: {  	s16 =	simm.s32 @!p0 $0x14B40;
	[sflag:s5] =	ssyncadd.s32 @!p0 $0xFFFFC400;
	s5 =	sor.u32 @!p0 $0x14000, s1  }
0x5c: {  	[tilespmem:s16], [sflag:$0x1] =	stream.indirect.gather @!p0 [hbm4b:s4+s9], $0x80, s5, s9, $0xb8;
	[tilespmem:$0x1FF40] =	vst v63  }
0x5d: {  	s5 =	simm.s32 @!p0 $0x3  }
0x5e: {  	_ =	swait.ge @!p0 [sflag:s5], $0x3C00  }
0x5f: {  	[sflag:s5] =	ssyncset.done @!p0 $0x0  }
0x60: {  	s0 =	sadd.s32 @!p0 $0x145A0, s0;
	[sflag:s5] =	ssyncadd.s32 @!p0 $0xFFFFC400;
	s5 =	simm.s32 @!p0 $0x1C340  }
0x61: {  	[spmem:s2] =	stream.indirect.scatter.add.f32 @!p0 [tilespmem:s5], [sflag:$0x6], $0x80, s0, s9, $0xb8;
	[tilespmem:$0x1FF40] =	vst v63  }
0x62: {  	s0 =	simm.s32 @!p0 $0x5  }
0x63: {  	_ =	swait.ge @!p0 [sflag:s0], $0x3C00  }
0x64: {  	[sflag:s0] =	ssyncset.done @!p0 $0x0  }
0x65: {  	[sflag:s0] =	ssyncadd.s32 @!p0 $0xFFFFC400;
	s0 =	sadd.s32 @!p0 $0x14078, s1;
	s1 =	simm.s32 @!p0 $0x18740  }
0x66: {  	[tilespmem:s1], [sflag:$0x2] =	stream.indirect.gather @!p0 [hbm4b:s4+s9], $0x80, s0, s9, $0xb8;
	[tilespmem:$0x1FF40] =	vst v63  }
0x67: {  	p0 =	sne.s32 s13, $0xE  }
.Ltmp0:
0x68: {  	_ = 	snop;
	(pc) =	sbr.rel @p0 .LBB2_2-.Ltmp0, $2  }
0x69: {  	_ =	sdelay $0x2  }
0x6a: {  	s31 =	sadd.s32 $0x5A, s31;
	s30 =	sadd.s32 $0x5A, s30;
	s0 =	smov.u32 s13  }
0x6b: {  	_ =	swait.ge [sflag:s25], $0x3C00  }
0x6c: {  	[sflag:s25] =	ssyncset.done $0x0  }
0x6d: {  	[sflag:s25] =	ssyncadd.s32 $0xFFFFC400  }
0x6e: {  	_ =	swait.ge [sflag:s28], $0x3C00  }
0x6f: {  	[sflag:s28] =	ssyncset.done $0x0  }
0x70: {  	[sflag:s28] =	ssyncadd.s32 $0xFFFFC400  }
0x71: {  	_ =	swait.ge [sflag:s20], $0x3C00  }
0x72: {  	[sflag:s20] =	ssyncset.done $0x0  }
0x73: {  	[sflag:s20] =	ssyncadd.s32 $0xFFFFC400  }
0x74: {  	[bflag:$0x0] =	sbarrier.arrive $0xFFFF  }
0x75: {  	[hbm:s24], [sflag:s6] =	dma.local [spmem:s10], $0x2800  }
0x76: {  	_ =	swait.ge [sflag:s11], $0x2800  }
0x77: {  	s29 =	sadd.s32 $0x1, s29;
	s0 =	rddreg [dreg:$0x4]  }
0x78: {  	p0 =	sne.s32 s29, s0  }
.Ltmp1:
0x79: {  	_ = 	snop;
	(pc) =	sbr.rel @p0 .LBB2_1-.Ltmp1, $3  }
0x7a: {  	_ =	sdelay $0x1  }
0x7b: {  	[sflag:s11] =	ssyncset.done $0x0  }
0x7c: {  	[sflag:s11] =	ssyncadd.s32 $0xFFFFD800  }
0x7d: {  	_ =	sfence.sel $0x180000  }
0x7e: {  	[bflag:$0x0] =	sbarrier.arrive $0xFFFF  }
0x7f: {  	_ =	strace $0x9000004D  }
0x80: {  	s0 =	stileid.u32;
	[bflag:$0x2] =	sbarrier.arrive $0xFFFF  }
0x81: {  	p0 =	sne.s32 s0, $0x0;
	s0 =	rddreg [dreg:$0x2]  }
0x82: {  	s0 =	sadd.s32 @!p0 $0x100000, s0  }
0x83: {  	[sflag:s0] =	ssyncadd.tile.s32 @!p0 $0x1;
	_ =	shalt  }
.Lfunc_end2:
_tile_overlayer_lowered:
.L_overlay_start_2:
0x84: {  	(tag) =	ssettag $0x2  }
0x85: {  	s0 =	rddreg [dreg:$0x0];
	s2 =	stileid.u32  }
0x86: {  	s1 =	rddreg [dreg:$0x1];
	p0 =	sne.s32 s2, $0x0  }
0x87: {  	s3 =	rddreg [dreg:$0x2];
	[bflag:$0x3] =	sbarrier.arrive $0xFFFF;
	s2 =	simm.s32 @!p0 $0x1C07  }
0x88: {  	[timem:s3], [sflag:s2] =	dma.local @!p0 [hbm:s0], s1  }
0x89: {  	s0 =	simm.s32 @!p0 $0x7  }
0x8a: {  	_ =	swait.ge @!p0 [sflag:s0], s1  }
0x8b: {  	s1 =	ssub.s32 @!p0 $0x0, s1;
	[sflag:s0] =	ssyncset.done @!p0 $0x0  }
0x8c: {  	[sflag:s0] =	ssyncadd.s32 @!p0 s1  }
0x8d: {  	[bflag:$0x3] =	sbarrier.arrive $0xFFFF  }
0x8e: {  	_ =	shalt  }

// kernel: kernel.19.cloned.1.call-start
scs
__scs_entry_jumppad:
0x0: {  	(pc) =	sbr.rel $0x88, $3  }
0x1: {  	(tag) =	ssettag $0x0;
	lr =	simm.s32 $0x1  }
0x2: {  	[smem:$0x3F94] =	sst lr;
	_ =	strace $0xD0000000  }
0x3: {  	_ = 	snop  }
0x4: {  	_ = 	snop  }
0x5: {  	_ = 	snop  }
0x6: {  	_ = 	snop  }
0x7: {  	_ = 	snop  }
__scs_overlays_trampoline_lowered:
0x8: {  	[smem:$0x3FA3] =	sst s0  }
0x9: {  	[smem:$0x3FA4] =	sst s1  }
0xa: {  	[smem:$0x3FA5] =	sst s2  }
0xb: {  	[smem:$0x3FA6] =	sst s3  }
0xc: {  	[smem:$0x3FA7] =	sst s4  }
0xd: {  	[smem:$0x3FA8] =	sst s5  }
0xe: {  	[smem:$0x3FA9] =	sst s6  }
0xf: {  	[smem:$0x3FAA] =	sst s7  }
0x10: {  	[smem:$0x3FAB] =	sst s8  }
0x11: {  	[smem:$0x3FAC] =	sst s9;
	s0 =	simm.s32 @!p0 $0x0  }
0x12: {  	s1 =	sld [smem:$0x3F92];
	s0 =	simm.s32 @p0 $0x1  }
0x13: {  	[smem:$0x3FAD] =	sst s0;
	s0 =	simm.s32 @!p1 $0x0  }
0x14: {  	s2 =	sld [smem:$0x3F91];
	s0 =	simm.s32 @p1 $0x1  }
0x15: {  	[smem:$0x3FAE] =	sst s0;
	s0 =	simm.s32 @!p2 $0x0  }
0x16: {  	s3 =	sld [smem:$0x3FDB];
	s0 =	simm.s32 @p2 $0x1  }
0x17: {  	s4 =	simm.s32 $0x1BF5;
	[smem:$0x3FB0] =	sst s0  }
0x18: {  	s0 =	sld [smem:$0x3F93];
	_ =	swait.ge [sflag:s4], $0x0  }
0x19: {  	s7 =	sld [smem:$0x3F94]  }
0x1a: {  	s8 =	sadd.s32 $0xFFFFE003, lr  }
0x1b: {  	s9 =	sadd.s32 $0xFFFFFEF7, lr;
	s5 =	simm.s32 $0xFFFFFFFF;
	p2 =	slt.u32 s8, $0xFFFFF086  }
0x1c: {  	p1 =	slt.u32 s9, $0xF7A;
	s5 =	simm.s32 @!p2 $0x0  }
0x1d: {  	s5 =	simm.s32 @p1 $0x1;
	p0 =	seq.s32 s7, s2  }
0x1e: {  	s7 =	smul.u32 @!p0 $0xF7A, s2;
	p2 =	seq.s32 @!p0 s5, $0x0  }
0x1f: {  	s9 =	smul.u32 $0xF7A, s1;
	s8 =	simm.s32 @!p0 $0x1BF5;
	p2 =	por !p2, p0  }
0x20: {  	[sflag:s8] =	ssyncset.s32 @!p0 $0xFFFFF086;
	s6 =	sadd.s32 @!p0 s3, s7;
	s7 =	simm.s32 @!p0 $0x108  }
0x21: {  	s3 =	sadd.s32 s3, s9;
	s6 =	sadd.s32 @!p0 $0x88, s6;
	s7 =	simm.s32 @p2 $0x1082  }
0x22: {  	[simem:s7], [sflag:s8] =	dma.local @!p0 [hbm:s6], $0xF7A  }
0x23: {  	s9 =	sor.u32 $0xD0000000, s2;
	s6 =	simm.s32 $0x108;
	_ =	swait.ge @!p0 [sflag:s8], $0x0  }
0x24: {  	s3 =	sadd.s32 $0x88, s3;
	s6 =	simm.s32 @!p1 $0x1082;
	[sflag:s4] =	ssyncset.s32 $0xFFFFF086  }
0x25: {  	[simem:s6], [sflag:s4] =	dma.local [hbm:s3], $0xF7A  }
0x26: {  	[smem:$0x3F94] =	sst s1;
	(tag) =	ssettag s2;
	_ =	strace s9  }
0x27: {  	s1 =	sld [smem:$0x3FA4]  }
0x28: {  	s2 =	sld [smem:$0x3FA5]  }
0x29: {  	s4 =	sld [smem:$0x3FA7]  }
0x2a: {  	p0 =	seq.s32 s5, $0x0;
	s5 =	sld [smem:$0x3FA8]  }
0x2b: {  	s6 =	sld [smem:$0x3FA9]  }
0x2c: {  	s7 =	sld [smem:$0x3FAA]  }
0x2d: {  	s3 =	simm.s32 $0x108;
	s8 =	sld [smem:$0x3FAB]  }
0x2e: {  	s3 =	simm.s32 @!p0 $0x1082;
	s9 =	sld [smem:$0x3FAC]  }
0x2f: {  	lr =	sadd.s32 s0, s3;
	s0 =	sld [smem:$0x3FA3]  }
0x30: {  	s3 =	sld [smem:$0x3FA6]  }
0x31: {  	[smem:$0x3FAF] =	sst s10  }
0x32: {  	s10 =	sld [smem:$0x3FAD];
	_ =	sdelay $0x3  }
0x33: {  	p0 =	seq.s32 s10, $0x1;
	s10 =	sld [smem:$0x3FAF];
	_ =	sdelay $0x3  }
0x34: {  	[smem:$0x3FAF] =	sst s10  }
0x35: {  	s10 =	sld [smem:$0x3FAE];
	_ =	sdelay $0x3  }
0x36: {  	p1 =	seq.s32 s10, $0x1;
	s10 =	sld [smem:$0x3FAF];
	_ =	sdelay $0x3  }
0x37: {  	[smem:$0x3FAF] =	sst s10  }
0x38: {  	s10 =	sld [smem:$0x3FB0]  }
0x39: {  	_ = 	snop;
	(pc) =	sbr.ind lr, $3  }
0x3a: {  	_ = 	snop  }
0x3b: {  	_ = 	snop  }
0x3c: {  	p2 =	seq.s32 s10, $0x1;
	s10 =	sld [smem:$0x3FAF]  }
0x3d: {  	_ =	shalt  }
0x3e: {  	_ =	shalt  }
0x3f: {  	_ =	shalt  }
0x40: {  	_ =	shalt  }
0x41: {  	_ =	shalt  }
0x42: {  	_ =	shalt  }
0x43: {  	_ =	shalt  }
0x44: {  	_ =	shalt  }
0x45: {  	_ =	shalt  }
0x46: {  	_ =	shalt  }
0x47: {  	_ =	shalt  }
0x48: {  	_ =	shalt  }
0x49: {  	_ =	shalt  }
0x4a: {  	_ =	shalt  }
0x4b: {  	_ =	shalt  }
0x4c: {  	_ =	shalt  }
0x4d: {  	_ =	shalt  }
0x4e: {  	_ =	shalt  }
0x4f: {  	_ =	shalt  }
0x50: {  	_ =	shalt  }
0x51: {  	_ =	shalt  }
0x52: {  	_ =	shalt  }
0x53: {  	_ =	shalt  }
0x54: {  	_ =	shalt  }
0x55: {  	_ =	shalt  }
0x56: {  	_ =	shalt  }
0x57: {  	_ =	shalt  }
0x58: {  	_ =	shalt  }
0x59: {  	_ =	shalt  }
0x5a: {  	_ =	shalt  }
0x5b: {  	_ =	shalt  }
0x5c: {  	_ =	shalt  }
0x5d: {  	_ =	shalt  }
0x5e: {  	_ =	shalt  }
0x5f: {  	_ =	shalt  }
0x60: {  	_ =	shalt  }
0x61: {  	_ =	shalt  }
0x62: {  	_ =	shalt  }
0x63: {  	_ =	shalt  }
0x64: {  	_ =	shalt  }
0x65: {  	_ =	shalt  }
0x66: {  	_ =	shalt  }
0x67: {  	_ =	shalt  }
0x68: {  	_ =	shalt  }
0x69: {  	_ =	shalt  }
0x6a: {  	_ =	shalt  }
0x6b: {  	_ =	shalt  }
0x6c: {  	_ =	shalt  }
0x6d: {  	_ =	shalt  }
0x6e: {  	_ =	shalt  }
0x6f: {  	_ =	shalt  }
0x70: {  	_ =	shalt  }
0x71: {  	_ =	shalt  }
0x72: {  	_ =	shalt  }
0x73: {  	_ =	shalt  }
0x74: {  	_ =	shalt  }
0x75: {  	_ =	shalt  }
0x76: {  	_ =	shalt  }
0x77: {  	_ =	shalt  }
0x78: {  	_ =	shalt  }
0x79: {  	_ =	shalt  }
0x7a: {  	_ =	shalt  }
0x7b: {  	_ =	shalt  }
0x7c: {  	_ =	shalt  }
0x7d: {  	_ =	shalt  }
0x7e: {  	_ =	shalt  }
0x7f: {  	_ =	shalt  }
0x80: {  	_ =	shalt  }
0x81: {  	_ =	shalt  }
0x82: {  	_ =	shalt  }
0x83: {  	_ =	shalt  }
0x84: {  	_ =	shalt  }
0x85: {  	_ =	shalt  }
0x86: {  	_ =	shalt  }
0x87: {  	_ =	shalt  }
.Lfunc_end0:
.L_simem_size_0:
called_computation.3_lowered:
.L_overlay_start_0:
0x88: {  	s2 =	sld [smem:$0x3FD9]  }
0x89: {  	s3 =	sld [smem:$0x3FFE];
	_ =	sdelay $0x1  }
0x8a: {  	s1 =	srdreg.scid  }
0x8b: {  	s0 =	sand.u32 $0x1, s1  }
0x8c: {  	s16 =	sshll.u32 s0, $0xA;
	s2 =	sadd.s32 s3, s2  }
0x8d: {  	s2 =	sadd.s32 s2, s16  }
0x8e: {  	[smem:$0x3FBB] =	sst s2  }
0x8f: {  	_ = 	snop  }
0x90: {  	(tm) =	ssettm $0x1  }
0x91: {  	s17 =	sld [smem:$0x3FFB];
	_ =	sdelay $0x3  }
0x92: {  	_ =	strace s17  }
0x93: {  	s2 =	sld [smem:$0x3FFC];
	_ =	sdelay $0x3  }
0x94: {  	_ =	strace s2  }
0x95: {  	s2 =	sld [smem:$0x3FFD];
	_ =	sdelay $0x3  }
0x96: {  	_ =	strace s2  }
0x97: {  	_ =	strace $0x8FFFFFFF  }
0x98: {  	s18 =	sld [smem:$0x3FDB];
	_ =	sdelay $0x1  }
0x99: {  	s19 =	simm.s32 $_scs_section_size  }
0x9a: {  	s4 =	simm.s32 $_size__tile_overlayer_lowered;
	s5 =	simm.s32 $_tile_overlayer_lowered  }
0x9b: {  	s22 =	simm.s32 $0x1BFF;
	s21 =	sshll.u32 s5, $0x1;
	s2 =	sadd.s32 s19, s18  }
0x9c: {  	s6 =	simm.s32 $0x0;
	s20 =	sshll.u32 s4, $0x1;
	s4 =	sadd.s32 s21, s2  }
0x9d: {  	[timem:s6], [sflag:s22] =	dma.local [hbm:s4], s20  }
0x9e: {  	_ =	swait.ge [sflag:s22], s20  }
0x9f: {  	s3 =	ssub.s32 $0x0, s20;
	[sflag:s22] =	ssyncset.done $0x0  }
0xa0: {  	[sflag:s22] =	ssyncadd.s32 s3;
	_ =	sdelay $0x1  }
0xa1: {  	s23 =	simm.s32 $0x1B8B  }
0xa2: {  	_ =	swait.ge [sflag:s23], $0x1  }
0xa3: {  	[sflag:s23] =	ssyncset.done $0x0  }
0xa4: {  	s25 =	simm.s32 $0x1B8E;
	s24 =	sld [smem:$0x3FFE];
	[sflag:s23] =	ssyncadd.s32 $0xFFFFFFFF  }
0xa5: {  	s26 =	simm.s32 $execute0_lowered;
	[smem:$0x3FD2] =	sst s25  }
0xa6: {  	s4 =	sshll.u32 s26, $0x1;
	_ =	strace $0x8000004F;
	[dreg:$0x1] =	wrdreg $0xFFFFFFFF  }
0xa7: {  	s28 =	simm.s32 $_size_execute0_lowered;
	s2 =	sadd.s32 s2, s4;
	[dreg:$0x0] =	wrdreg $0x0  }
0xa8: {  	s4 =	sshll.u32 s28, $0x1;
	[dreg:$0x2] =	wrdreg s2  }
0xa9: {  	[dreg:$0x3] =	wrdreg s4  }
0xaa: {  	[dreg:$0x4] =	wrdreg $0xC0  }
0xab: {  	_ =	task [dreg:s6], $0x5FFFF  }
0xac: {  	[dreg:$0x1] =	wrdreg $0xFFFFFFFF  }
0xad: {  	[dreg:$0x0] =	wrdreg $0x60  }
0xae: {  	[dreg:$0x2] =	wrdreg s24  }
0xaf: {  	[dreg:$0x3] =	wrdreg $0x0  }
0xb0: {  	[dreg:$0x4] =	wrdreg $0x9  }
0xb1: {  	_ =	task.clear_ibuf [dreg:s6], $0x5FFFF;
	_ =	strace $0x9000004F  }
0xb2: {  	s29 =	simm.s32 $0x9;
	_ =	strace $0x80000051  }
0xb3: {  	_ =	swait.ge [sflag:s29], $0x1  }
0xb4: {  	[sflag:s29] =	ssyncadd.s32 $0xFFFFFFFF  }
0xb5: {  	_ =	strace $0x90000051  }
0xb6: {  	_ =	sfence  }
0xb7: {  	s30 =	sld [smem:$0x0];
	_ =	sdelay $0x2  }
0xb8: {  	s31 =	sshll.u32 s1, $0xD;
	s1 =	sshrl.u32 s1, $0x2  }
0xb9: {  	s3 =	sand.u32 $0x4000, s31;
	s1 =	sadd.s32 s1, s30  }
0xba: {  	s0 =	sor.u32 s3, s0;
	s1 =	sshll.u32 s1, $0x11  }
0xbb: {  	s0 =	sor.u32 s1, s0  }
0xbc: {  	s0 =	sadd.s32 $0x8F2B, s0  }
0xbd: {  	[sflag:s0] =	ssyncadd.remote.s32 $0x1  }
0xbe: {  	_ =	sfence.sel $0xFFFF  }
0xbf: {  	[dreg:$0x0] =	wrdreg $0xFFFFFFFF;
	(pc) =	sbr.abs _section_cstart, $3  }
0xc0: {  	[dreg:$0x1] =	wrdreg $0xFFFFFFFF  }
0xc1: {  	_ =	task.clear_ibuf [dreg:s6], $0x2FFFF;
	_ =	strace $0x9FFFFFFF  }
0xc2: {  	(tm) =	ssettm $0x7FFFFFFF  }
0xc3: {  	_ =	shalt  }
tec
execute0_lowered:
.L_overlay_start_1:
0x0: {  	(tag) =	ssettag $0x1  }
0x1: {  	s0 =	rddreg [dreg:$0x0]  }
0x2: {  	s2 =	rddreg [dreg:$0x1];
	s7 =	stileid.u32  }
0x3: {  	s1 =	srdreg.scid;
	s3 =	simm.s32 $0x0;
	s11 =	simm.s32 $0x7  }
0x4: {  	s12 =	simm.s32 $0x14000;
	s14 =	simm.s32 $0x78;
	s15 =	simm.s32 $0x14B40  }
0x5: {  	s17 =	simm.s32 $0x18740;
	s20 =	simm.s32 $0x6;
	s21 =	simm.s32 $0x1  }
0x6: {  	s22 =	simm.s32 $0x1C340;
	s23 =	simm.s32 $0x2;
	s25 =	simm.s32 $0x4  }
0x7: {  	s28 =	simm.s32 $0x5;
	s29 =	simm.s32 $0x0;
	s4 =	smul.u32 $0x4EC, s7  }
0x8: {  	s1 =	sand.u32 $0x1, s1;
	[smem:$0x7FF] =	sst s3;
	s6 =	smul.u32 $0x14000, s7  }
0x9: {  	s31 =	sshll.u32 s7, $0x6;
	s5 =	smul.u32 $0x28000, s1;
	s1 =	ssub.s32 $0x2, s1  }
0xa: {  	_ =	strace $0x80000050;
	s8 =	sadd.s32 s4, s0;
	s26 =	sshrl.u32 s1, $0x1  }
0xb: {  	s13 =	sshrl.u32 s6, $0x3;
	s10 =	sadd.s32 s6, s2;
	s6 =	sor.u32 $0x1C07, s31  }
0xc: {  	s0 =	sadd.s32 s5, s0;
	s1 =	ssub.s32 s1, s26;
	s7 =	sadd.s32 $0x16200, s8  }
0xd: {  	s8 =	sadd.s32 $0x11200, s8;
	s10 =	sshrl.u32 s10, $0x3;
	s26 =	simm.s32 $0x3  }
0xe: {  	s4 =	sadd.s32 $0x1B200, s0;
	s0 =	sadd.s32 $0x6B200, s0;
	s1 =	smax.u32 s1, $0x1  }
0xf: {  	s18 =	sadd.s32 $0x5A, s7;
	s30 =	sadd.s32 s13, s4;
	[dreg:$0x4] =	wrdreg s1  }
0x10: {  	s19 =	sadd.s32 $0x5A, s8;
	s24 =	sadd.s32 s13, s0;
	[dreg:$0x3] =	wrdreg s30  }
.LBB2_1:
0x11: {  	s0 =	rddreg [dreg:$0x3]  }
0x12: {  	[spmem:s10], [sflag:s6] =	dma.local [hbm:s0], $0x2800  }
0x13: {  	_ =	swait.ge [sflag:s11], $0x2800  }
0x14: {  	[sflag:s11] =	ssyncset.done $0x0  }
0x15: {  	[sflag:s11] =	ssyncadd.s32 $0xFFFFD800  }
0x16: {  	[bflag:$0x0] =	sbarrier.arrive $0xFFFF  }
0x17: {  	[tilespmem:s12], [sflag:$0x7] =	stream.linear.gather [hbm4b:s7+s3], $0x2D0, $0x38;
	[tilespmem:$0x1FF40] =	vst v63  }
0x18: {  	_ =	swait.ge [sflag:s11], $0x2D0  }
0x19: {  	[sflag:s11] =	ssyncset.done $0x0  }
0x1a: {  	s13 =	simm.s32 $0x145A0;
	[sflag:s11] =	ssyncadd.s32 $0xFFFFFD30  }
0x1b: {  	[tilespmem:s13], [sflag:$0x7] =	stream.linear.gather [hbm4b:s8+s3], $0x2D0, $0x38;
	[tilespmem:$0x1FF40] =	vst v63  }
0x1c: {  	_ =	swait.ge [sflag:s11], $0x2D0  }
0x1d: {  	[sflag:s11] =	ssyncset.done $0x0  }
0x1e: {  	s16 =	simm.s32 $0x14078;
	[sflag:s11] =	ssyncadd.s32 $0xFFFFFD30  }
0x1f: {  	[tilespmem:s15], [sflag:$0x1] =	stream.indirect.gather [hbm4b:s4+s14], $0x80, s12, s14, $0xb8;
	[tilespmem:$0x1FF40] =	vst v63  }
0x20: {  	s30 =	smov.u32 s19;
	s31 =	smov.u32 s18;
	s0 =	simm.s32 $0x0  }
0x21: {  	[tilespmem:s17], [sflag:$0x2] =	stream.indirect.gather [hbm4b:s4+s14], $0x80, s16, s14, $0xb8;
	[tilespmem:$0x1FF40] =	vst v63  }
.LBB2_2:
0x22: {  	p0 =	seq.s32 s0, $0x0  }
0x23: {  	s16 =	simm.s32 @!p0 $0x6  }
0x24: {  	s13 =	sadd.s32 $0x1, s0;
	p1 =	seq.s32 @!p0 s0, $0xD;
	_ =	swait.ge @!p0 [sflag:s16], $0x3C00  }
0x25: {  	s1 =	sand.u32 $0x1, s13;
	p1 =	por p0, !p1;
	[sflag:s16] =	ssyncset.done @!p0 $0x0  }
0x26: {  	[sflag:s16] =	ssyncadd.s32 @!p0 $0xFFFFC400;
	s16 =	smul.u32 @p1 $0x2D0, s1;
	_ =	sdelay $0x1  }
0x27: {  	s5 =	sor.u32 @p1 $0x14000, s16  }
0x28: {  	[tilespmem:s5], [sflag:$0x7] =	stream.linear.gather @p1 [hbm4b:s31+s3], $0x2D0, $0x38;
	[tilespmem:$0x1FF40] =	vst v63  }
0x29: {  	_ =	swait.ge @p1 [sflag:s11], $0x2D0  }
0x2a: {  	[sflag:s11] =	ssyncset.done @p1 $0x0  }
0x2b: {  	s5 =	sadd.s32 @p1 $0x145A0, s16;
	[sflag:s11] =	ssyncadd.s32 @p1 $0xFFFFFD30  }
0x2c: {  	[tilespmem:s5], [sflag:$0x7] =	stream.linear.gather @p1 [hbm4b:s30+s3], $0x2D0, $0x38;
	[tilespmem:$0x1FF40] =	vst v63  }
0x2d: {  	s9 =	sand.u32 $0x1, s0;
	_ =	swait.ge @p1 [sflag:s11], $0x2D0  }
0x2e: {  	s0 =	simm.s32 $0x6;
	p0 =	por @!p0 $0x1, $0x1;
	[sflag:s11] =	ssyncset.done @p1 $0x0  }
0x2f: {  	p0 =	por @p1 $0x0, $0x0;
	[sflag:s11] =	ssyncadd.s32 @p1 $0xFFFFFD30;
	p1 =	seq.s32 s9, $0x1  }
0x30: {  	s0 =	simm.s32 @!p1 $0x0  }
0x31: {  	s16 =	smul.u32 $0x1E0, s0  }
0x32: {  	_ =	swait.ge [sflag:s21], $0x3C00  }
0x33: {  	[sflag:s21] =	ssyncset.done $0x0;
	s5 =	sshrl.u32 s16, $0x2  }
0x34: {  	s0 =	smul.u32 $0x78, s0;
	[sflag:s21] =	ssyncadd.s32 $0xFFFFC400;
	s9 =	sadd.s32 $0x145A0, s5  }
0x35: {  	[spmem:s2] =	stream.indirect.scatter.add.f32 [tilespmem:s15], [sflag:$0x4], $0x80, s9, s14, $0xb8;
	[tilespmem:$0x1FF40] =	vst v63  }
0x36: {  	s9 =	sadd.s32 $0x140F0, s0  }
0x37: {  	[tilespmem:s22], [sflag:$0x3] =	stream.indirect.gather [hbm4b:s4+s14], $0x80, s9, s14, $0xb8;
	[tilespmem:$0x1FF40] =	vst v63  }
0x38: {  	_ =	swait.ge [sflag:s23], $0x3C00  }
0x39: {  	[sflag:s23] =	ssyncset.done $0x0  }
0x3a: {  	s5 =	sadd.s32 $0x14618, s5;
	[sflag:s23] =	ssyncadd.s32 $0xFFFFC400  }
0x3b: {  	[spmem:s2] =	stream.indirect.scatter.add.f32 [tilespmem:s17], [sflag:$0x5], $0x80, s5, s14, $0xb8;
	[tilespmem:$0x1FF40] =	vst v63  }
0x3c: {  	_ =	swait.ge [sflag:s25], $0x3C00  }
0x3d: {  	[sflag:s25] =	ssyncset.done $0x0  }
0x3e: {  	s9 =	sadd.s32 $0x14168, s0;
	[sflag:s25] =	ssyncadd.s32 $0xFFFFC400  }
0x3f: {  	[tilespmem:s15], [sflag:$0x1] =	stream.indirect.gather [hbm4b:s4+s14], $0x80, s9, s14, $0xb8;
	[tilespmem:$0x1FF40] =	vst v63  }
0x40: {  	_ =	swait.ge [sflag:s26], $0x3C00  }
0x41: {  	[sflag:s26] =	ssyncset.done $0x0  }
0x42: {  	s16 =	sadd.s32 $0x14690, s0;
	[sflag:s26] =	ssyncadd.s32 $0xFFFFC400  }
0x43: {  	[spmem:s2] =	stream.indirect.scatter.add.f32 [tilespmem:s22], [sflag:$0x6], $0x80, s16, s14, $0xb8;
	[tilespmem:$0x1FF40] =	vst v63  }
0x44: {  	_ =	swait.ge [sflag:s28], $0x3C00  }
0x45: {  	[sflag:s28] =	ssyncset.done $0x0  }
0x46: {  	s9 =	sadd.s32 $0x141E0, s0;
	[sflag:s28] =	ssyncadd.s32 $0xFFFFC400  }
0x47: {  	[tilespmem:s17], [sflag:$0x2] =	stream.indirect.gather [hbm4b:s4+s14], $0x80, s9, s14, $0xb8;
	[tilespmem:$0x1FF40] =	vst v63  }
0x48: {  	_ =	swait.ge [sflag:s21], $0x3C00  }
0x49: {  	[sflag:s21] =	ssyncset.done $0x0  }
0x4a: {  	s16 =	sadd.s32 $0x14708, s0;
	[sflag:s21] =	ssyncadd.s32 $0xFFFFC400  }
0x4b: {  	[spmem:s2] =	stream.indirect.scatter.add.f32 [tilespmem:s15], [sflag:$0x4], $0x80, s16, s14, $0xb8;
	[tilespmem:$0x1FF40] =	vst v63  }
0x4c: {  	_ =	swait.ge [sflag:s20], $0x3C00  }
0x4d: {  	[sflag:s20] =	ssyncset.done $0x0  }
0x4e: {  	s9 =	sadd.s32 $0x14258, s0;
	[sflag:s20] =	ssyncadd.s32 $0xFFFFC400  }
0x4f: {  	[tilespmem:s22], [sflag:$0x3] =	stream.indirect.gather [hbm4b:s4+s14], $0x80, s9, s14, $0xb8;
	[tilespmem:$0x1FF40] =	vst v63  }
0x50: {  	_ =	swait.ge [sflag:s23], $0x3C00  }
0x51: {  	[sflag:s23] =	ssyncset.done $0x0  }
0x52: {  	s5 =	simm.s32 @p0 $0x3;
	s16 =	sadd.s32 $0x14780, s0;
	[sflag:s23] =	ssyncadd.s32 $0xFFFFC400  }
0x53: {  	[spmem:s2] =	stream.indirect.scatter.add.f32 [tilespmem:s17], [sflag:$0x5], $0x80, s16, s14, $0xb8;
	[tilespmem:$0x1FF40] =	vst v63  }
0x54: {  	_ =	swait.ge @p0 [sflag:s5], $0x3C00  }
0x55: {  	s0 =	sadd.s32 $0x258, s0;
	s9 =	simm.s32 @p0 $0x1C340;
	[sflag:s5] =	ssyncset.done @p0 $0x0  }
0x56: {  	s16 =	simm.s32 @p0 $0x78;
	[sflag:s5] =	ssyncadd.s32 @p0 $0xFFFFC400;
	s5 =	sadd.s32 @p0 $0x145A0, s0  }
0x57: {  	[spmem:s2] =	stream.indirect.scatter.add.f32 @p0 [tilespmem:s9], [sflag:$0x6], $0x80, s5, s16, $0xb8;
	[tilespmem:$0x1FF40] =	vst v63  }
0x58: {  	s1 =	smul.u32 @!p0 $0xB40, s1;
	s5 =	simm.s32 @!p0 $0x4  }
0x59: {  	_ =	swait.ge @!p0 [sflag:s5], $0x3C00  }
0x5a: {  	s1 =	sshrl.u32 @!p0 s1, $0x2;
	s9 =	simm.s32 @!p0 $0x78;
	[sflag:s5] =	ssyncset.done @!p0 $0x0  }
0x5b: {  	s16 =	simm.s32 @!p0 $0x14B40;
	[sflag:s5] =	ssyncadd.s32 @!p0 $0xFFFFC400;
	s5 =	sor.u32 @!p0 $0x14000, s1  }
0x5c: {  	[tilespmem:s16], [sflag:$0x1] =	stream.indirect.gather @!p0 [hbm4b:s4+s9], $0x80, s5, s9, $0xb8;
	[tilespmem:$0x1FF40] =	vst v63  }
0x5d: {  	s5 =	simm.s32 @!p0 $0x3  }
0x5e: {  	_ =	swait.ge @!p0 [sflag:s5], $0x3C00  }
0x5f: {  	[sflag:s5] =	ssyncset.done @!p0 $0x0  }
0x60: {  	s0 =	sadd.s32 @!p0 $0x145A0, s0;
	[sflag:s5] =	ssyncadd.s32 @!p0 $0xFFFFC400;
	s5 =	simm.s32 @!p0 $0x1C340  }
0x61: {  	[spmem:s2] =	stream.indirect.scatter.add.f32 @!p0 [tilespmem:s5], [sflag:$0x6], $0x80, s0, s9, $0xb8;
	[tilespmem:$0x1FF40] =	vst v63  }
0x62: {  	s0 =	simm.s32 @!p0 $0x5  }
0x63: {  	_ =	swait.ge @!p0 [sflag:s0], $0x3C00  }
0x64: {  	[sflag:s0] =	ssyncset.done @!p0 $0x0  }
0x65: {  	[sflag:s0] =	ssyncadd.s32 @!p0 $0xFFFFC400;
	s0 =	sadd.s32 @!p0 $0x14078, s1;
	s1 =	simm.s32 @!p0 $0x18740  }
0x66: {  	[tilespmem:s1], [sflag:$0x2] =	stream.indirect.gather @!p0 [hbm4b:s4+s9], $0x80, s0, s9, $0xb8;
	[tilespmem:$0x1FF40] =	vst v63  }
0x67: {  	p0 =	sne.s32 s13, $0xE  }
.Ltmp0:
0x68: {  	_ = 	snop;
	(pc) =	sbr.rel @p0 .LBB2_2-.Ltmp0, $2  }
0x69: {  	_ =	sdelay $0x2  }
0x6a: {  	s31 =	sadd.s32 $0x5A, s31;
	s30 =	sadd.s32 $0x5A, s30;
	s0 =	smov.u32 s13  }
0x6b: {  	_ =	swait.ge [sflag:s25], $0x3C00  }
0x6c: {  	[sflag:s25] =	ssyncset.done $0x0  }
0x6d: {  	[sflag:s25] =	ssyncadd.s32 $0xFFFFC400  }
0x6e: {  	_ =	swait.ge [sflag:s28], $0x3C00  }
0x6f: {  	[sflag:s28] =	ssyncset.done $0x0  }
0x70: {  	[sflag:s28] =	ssyncadd.s32 $0xFFFFC400  }
0x71: {  	_ =	swait.ge [sflag:s20], $0x3C00  }
0x72: {  	[sflag:s20] =	ssyncset.done $0x0  }
0x73: {  	[sflag:s20] =	ssyncadd.s32 $0xFFFFC400  }
0x74: {  	[bflag:$0x0] =	sbarrier.arrive $0xFFFF  }
0x75: {  	[hbm:s24], [sflag:s6] =	dma.local [spmem:s10], $0x2800  }
0x76: {  	_ =	swait.ge [sflag:s11], $0x2800  }
0x77: {  	s29 =	sadd.s32 $0x1, s29;
	s0 =	rddreg [dreg:$0x4]  }
0x78: {  	p0 =	sne.s32 s29, s0  }
.Ltmp1:
0x79: {  	_ = 	snop;
	(pc) =	sbr.rel @p0 .LBB2_1-.Ltmp1, $3  }
0x7a: {  	_ =	sdelay $0x1  }
0x7b: {  	[sflag:s11] =	ssyncset.done $0x0  }
0x7c: {  	[sflag:s11] =	ssyncadd.s32 $0xFFFFD800  }
0x7d: {  	_ =	sfence.sel $0x180000  }
0x7e: {  	[bflag:$0x0] =	sbarrier.arrive $0xFFFF  }
0x7f: {  	_ =	strace $0x90000050  }
0x80: {  	s0 =	stileid.u32;
	[bflag:$0x2] =	sbarrier.arrive $0xFFFF  }
0x81: {  	p0 =	sne.s32 s0, $0x0;
	s0 =	rddreg [dreg:$0x2]  }
0x82: {  	s0 =	sadd.s32 @!p0 $0x100000, s0  }
0x83: {  	[sflag:s0] =	ssyncadd.tile.s32 @!p0 $0x1;
	_ =	shalt  }
.Lfunc_end2:
_tile_overlayer_lowered:
.L_overlay_start_2:
0x84: {  	(tag) =	ssettag $0x2  }
0x85: {  	s0 =	rddreg [dreg:$0x0];
	s2 =	stileid.u32  }
0x86: {  	s1 =	rddreg [dreg:$0x1];
	p0 =	sne.s32 s2, $0x0  }
0x87: {  	s3 =	rddreg [dreg:$0x2];
	[bflag:$0x3] =	sbarrier.arrive $0xFFFF;
	s2 =	simm.s32 @!p0 $0x1C07  }
0x88: {  	[timem:s3], [sflag:s2] =	dma.local @!p0 [hbm:s0], s1  }
0x89: {  	s0 =	simm.s32 @!p0 $0x7  }
0x8a: {  	_ =	swait.ge @!p0 [sflag:s0], s1  }
0x8b: {  	s1 =	ssub.s32 @!p0 $0x0, s1;
	[sflag:s0] =	ssyncset.done @!p0 $0x0  }
0x8c: {  	[sflag:s0] =	ssyncadd.s32 @!p0 s1  }
0x8d: {  	[bflag:$0x3] =	sbarrier.arrive $0xFFFF  }
0x8e: {  	_ =	shalt  }

</sc_bundles>
